<compile_context>
chip_gen: v7x
topology: tpu7x:2x2x1
jax: 0.10.2.dev20260603
libtpu: 0.0.44.dev20260713+nightly
codegen_flags: <defaults>
</compile_context>

<pallas_src>
import functools

import jax
import jax.numpy as jnp
from jax import lax
from jax.experimental import pallas as pl
from jax.experimental.pallas import tpu as pltpu
from jax.experimental.pallas import tpu_sc as plsc

N = 10000
D = 128
E = 320000

NC = 2
NS = 16
NW = NC * NS
EPW = E // NW
CH = 80
NCHUNK = EPW // CH
NB = 4
CHD = 80
NCHD = EPW // CHD
RSTG = 200
NSTG = N // RSTG

RB = 5000
GRID = N // RB


def _sc_degree(col):
    mesh = plsc.VectorSubcoreMesh(core_axis_name="c", subcore_axis_name="s")

    @functools.partial(
        pl.kernel,
        out_type=jax.ShapeDtypeStruct((NC * N,), jnp.float32),
        mesh=mesh,
        scratch_types=[
            pltpu.VMEM((2000,), jnp.float32),
            pltpu.VMEM((128,), jnp.float32),
            pltpu.VMEM((4, CHD), jnp.int32),
            pltpu.SemaphoreType.DMA,
            pltpu.VMEM((N,), jnp.float32),
            pltpu.VMEM_SHARED((N,), jnp.float32),
        ],
    )
    def deg_kernel(col_hbm, out_hbm, zbuf, ones_v, cbuf, csem, stage, acc):
        c = lax.axis_index("c")
        s = lax.axis_index("s")
        w = c * NS + s

        for i in range(8):
            ones_v[pl.ds(i * 16, 16)] = jnp.ones((16,), jnp.float32)

        @pl.when(s == 0)
        def _zero():
            def zb(i, carry):
                zbuf[pl.ds(i * 16, 16)] = jnp.zeros((16,), jnp.float32)
                return carry
            lax.fori_loop(0, 2000 // 16, zb, None)
            for j in range(N // 2000):
                pltpu.sync_copy(zbuf, acc.at[pl.ds(j * 2000, 2000)])

        plsc.subcore_barrier()

        for u in range(4):
            pltpu.async_copy(col_hbm.at[pl.ds(w * EPW + u * CHD, CHD)],
                             cbuf.at[u], csem)

        def body(i, carry):
            for u in range(4):
                k = 4 * i + u
                pltpu.make_async_copy(col_hbm.at[pl.ds(0, CHD)], cbuf.at[u],
                                      csem).wait()
                pltpu.sync_copy(ones_v.at[pl.ds(0, CHD)],
                                acc.at[cbuf.at[u]], add=True)

                @pl.when(k + 4 < NCHD)
                def _ld():
                    pltpu.async_copy(
                        col_hbm.at[pl.ds(w * EPW + (k + 4) * CHD, CHD)],
                        cbuf.at[u], csem)
            return carry
        lax.fori_loop(0, NCHD // 4, body, None)
        for u in range(NCHD % 4):
            pltpu.make_async_copy(col_hbm.at[pl.ds(0, CHD)], cbuf.at[u],
                                  csem).wait()
            pltpu.sync_copy(ones_v.at[pl.ds(0, CHD)], acc.at[cbuf.at[u]],
                            add=True)

        plsc.subcore_barrier()

        @pl.when(s == 0)
        def _writeback():
            pltpu.sync_copy(acc, stage)
            pltpu.sync_copy(stage, out_hbm.at[pl.ds(c * N, N)])

    return deg_kernel(col)


def _sc_scatter(h, row, col):
    mesh = plsc.VectorSubcoreMesh(core_axis_name="c", subcore_axis_name="s")

    @functools.partial(
        pl.kernel,
        out_type=jax.ShapeDtypeStruct((NC, N, D), jnp.float32),
        mesh=mesh,
        scratch_types=[
            pltpu.VMEM((NB * CH, D), jnp.float32),
            pltpu.VMEM((NB, CH), jnp.int32),
            pltpu.VMEM((NB, CH), jnp.int32),
            [pltpu.SemaphoreType.DMA] * NB,
            [pltpu.SemaphoreType.DMA] * NB,
            pltpu.SemaphoreType.DMA,
            pltpu.VMEM_SHARED((N, D), jnp.float32),
        ],
    )
    def scat_kernel(h_hbm, row_hbm, col_hbm, out_hbm,
                    gbuf, rbuf, cbuf, gsems, ssems, isem, acc):
        c = lax.axis_index("c")
        s = lax.axis_index("s")
        w = c * NS + s

        def zb(i, carry):
            for cc in range(D // 16):
                gbuf[i, pl.ds(cc * 16, 16)] = jnp.zeros((16,), jnp.float32)
            return carry
        lax.fori_loop(0, RSTG, zb, None)
        for k in range(NSTG // NS + 1):
            j = s + NS * k

            @pl.when(j < NSTG)
            def _zc():
                pltpu.sync_copy(gbuf.at[pl.ds(0, RSTG)],
                                acc.at[pl.ds(j * RSTG, RSTG)])

        plsc.subcore_barrier()

        def load_idx(it, slot):
            base = w * EPW + it * CH
            pltpu.async_copy(row_hbm.at[pl.ds(base, CH)], rbuf.at[slot],
                             isem)
            pltpu.async_copy(col_hbm.at[pl.ds(base, CH)], cbuf.at[slot],
                             isem)

        def wait_idx(slot):
            pltpu.make_async_copy(row_hbm.at[pl.ds(0, CH)], rbuf.at[slot],
                                  isem).wait()
            pltpu.make_async_copy(col_hbm.at[pl.ds(0, CH)], cbuf.at[slot],
                                  isem).wait()

        def start_gather(slot):
            pltpu.async_copy(h_hbm.at[rbuf.at[slot]],
                             gbuf.at[pl.ds(slot * CH, CH)], gsems[slot])

        def wait_gather(slot):
            pltpu.make_async_copy(h_hbm.at[rbuf.at[slot]],
                                  gbuf.at[pl.ds(slot * CH, CH)],
                                  gsems[slot]).wait()

        def start_scatter(slot):
            pltpu.async_copy(gbuf.at[pl.ds(slot * CH, CH)],
                             acc.at[cbuf.at[slot]], ssems[slot], add=True)

        def wait_scatter(slot):
            pltpu.make_async_copy(gbuf.at[pl.ds(slot * CH, CH)],
                                  acc.at[cbuf.at[slot]], ssems[slot]).wait()

        for u in range(NB):
            load_idx(u, u)
            wait_idx(u)
            start_gather(u)

        def ring(i, carry):
            for u in range(NB):
                k = NB * i + u
                wait_gather(u)
                start_scatter(u)
                up = (u + NB - 1) % NB
                r = k + NB - 1

                @pl.when(jnp.logical_and(r >= NB, r < NCHUNK))
                def _refill():
                    wait_scatter(up)
                    load_idx(r, up)
                    wait_idx(up)
                    start_gather(up)
            return carry
        lax.fori_loop(0, NCHUNK // NB, ring, None)

        for u in range(NCHUNK % NB):
            wait_gather(u)
            start_scatter(u)
        for u in range(NB):
            wait_scatter(u)

        plsc.subcore_barrier()

        for k in range(NSTG // NS + 1):
            j = s + NS * k

            @pl.when(j < NSTG)
            def _wb():
                pltpu.sync_copy(acc.at[pl.ds(j * RSTG, RSTG)],
                                out_hbm.at[c, pl.ds(j * RSTG, RSTG)])

    return scat_kernel(h, row, col)


def _tc_layer1(x, W0, W1, b2, degp):
    def body(x_ref, W0_ref, W1_ref, b_ref, deg_ref, out0_ref, h_ref,
             dinv_ref):
        deg = deg_ref[0] + deg_ref[1]
        dinv = jnp.where(deg > 0, lax.rsqrt(jnp.maximum(deg, 1e-12)), 0.0)
        xb = x_ref[...]
        out0_ref[...] = (
            jnp.dot(xb, W0_ref[...], preferred_element_type=jnp.float32)
            + b_ref[...]
        )
        h_ref[...] = dinv * jnp.dot(
            xb, W1_ref[...], preferred_element_type=jnp.float32)
        dinv_ref[...] = dinv

    return pl.pallas_call(
        body,
        grid=(GRID,),
        in_specs=[
            pl.BlockSpec((RB, D), lambda i: (i, 0)),
            pl.BlockSpec((D, D), lambda i: (0, 0)),
            pl.BlockSpec((D, D), lambda i: (0, 0)),
            pl.BlockSpec((1, D), lambda i: (0, 0)),
            pl.BlockSpec((NC, RB, 1), lambda i: (0, i, 0)),
        ],
        out_specs=[
            pl.BlockSpec((RB, D), lambda i: (i, 0)),
            pl.BlockSpec((RB, D), lambda i: (i, 0)),
            pl.BlockSpec((RB, 1), lambda i: (i, 0)),
        ],
        out_shape=[
            jax.ShapeDtypeStruct((N, D), jnp.float32),
            jax.ShapeDtypeStruct((N, D), jnp.float32),
            jax.ShapeDtypeStruct((N, 1), jnp.float32),
        ],
    )(x, W0, W1, b2, degp)


def _tc_layer2(out0, sp, dinv, W0, W1):
    def body(out0_ref, sp_ref, dinv_ref, W0_ref, W1_ref, out02_ref, h_ref):
        dinv = dinv_ref[...]
        t = out0_ref[...] + dinv * (sp_ref[0] + sp_ref[1])
        y = jnp.maximum(t, 0.01 * t)
        out02_ref[...] = jnp.dot(
            y, W0_ref[...], preferred_element_type=jnp.float32)
        h_ref[...] = dinv * jnp.dot(
            y, W1_ref[...], preferred_element_type=jnp.float32)

    return pl.pallas_call(
        body,
        grid=(GRID,),
        in_specs=[
            pl.BlockSpec((RB, D), lambda i: (i, 0)),
            pl.BlockSpec((NC, RB, D), lambda i: (0, i, 0)),
            pl.BlockSpec((RB, 1), lambda i: (i, 0)),
            pl.BlockSpec((D, D), lambda i: (0, 0)),
            pl.BlockSpec((D, D), lambda i: (0, 0)),
        ],
        out_specs=[
            pl.BlockSpec((RB, D), lambda i: (i, 0)),
            pl.BlockSpec((RB, D), lambda i: (i, 0)),
        ],
        out_shape=[
            jax.ShapeDtypeStruct((N, D), jnp.float32),
            jax.ShapeDtypeStruct((N, D), jnp.float32),
        ],
    )(out0, sp, dinv, W0, W1)


def _tc_final(out02, sp, dinv):
    def body(o_ref, sp_ref, dinv_ref, out_ref):
        t = o_ref[...] + dinv_ref[...] * (sp_ref[0] + sp_ref[1])
        out_ref[...] = jnp.maximum(t, 0.01 * t)

    return pl.pallas_call(
        body,
        grid=(GRID,),
        in_specs=[
            pl.BlockSpec((RB, D), lambda i: (i, 0)),
            pl.BlockSpec((NC, RB, D), lambda i: (0, i, 0)),
            pl.BlockSpec((RB, 1), lambda i: (i, 0)),
        ],
        out_specs=pl.BlockSpec((RB, D), lambda i: (i, 0)),
        out_shape=jax.ShapeDtypeStruct((N, D), jnp.float32),
    )(out02, sp, dinv)


def kernel(x, edge_index, W0_0, W1_0, b0, W0_1, W1_1):
    row = edge_index[0]
    col = edge_index[1]
    degp = _sc_degree(col).reshape(NC, N, 1)
    out0, h1, dinv = _tc_layer1(x, W0_0, W1_0, b0.reshape(1, D), degp)
    s1 = _sc_scatter(h1, row, col)
    out02, h2 = _tc_layer2(out0, s1, dinv, W0_1, W1_1)
    s2 = _sc_scatter(h2, row, col)
    return _tc_final(out02, s2, dinv)

# --- scband reference (transcript-rebuilt; emitter-appended) ---
"""Pipeline reference for scband-gnn-architecture-1-6322191859752 (READ-ONLY COPY).

The authoritative reference and input builder live on the scoring server;
editing this copy changes nothing except your own understanding.
"""

import jax, jax.numpy as jnp
import numpy as np

N = 10000
E = 320000
D = 128


def setup_inputs(seed: int = 0) -> dict:
    key = jax.random.key(seed)
    ks = jax.random.split(key, 8)
    x = jax.random.normal(ks[0], (N, D), dtype=jnp.float32)
    edge_index = jax.random.randint(ks[1], (2, E), 0, N, dtype=jnp.int32)
    # TAGConv layer 1 (K=1, bias=True): lins[0], lins[1] weights + bias
    W0_0 = 0.1 * jax.random.normal(ks[2], (D, D), dtype=jnp.float32)
    W1_0 = 0.1 * jax.random.normal(ks[3], (D, D), dtype=jnp.float32)
    b0 = jnp.full((D,), 0.1, dtype=jnp.float32)
    # TAGConv layer 2 (K=1, bias=False)
    W0_1 = 0.1 * jax.random.normal(ks[4], (D, D), dtype=jnp.float32)
    W1_1 = 0.1 * jax.random.normal(ks[5], (D, D), dtype=jnp.float32)
    return {"x": x, "edge_index": edge_index, "W0_0": W0_0, "W1_0": W1_0,
            "b0": b0, "W0_1": W0_1, "W1_1": W1_1}


def _tag_conv(x, edge_index, W0, W1, b):
    # TAGConv with K=1, normalize=True (gcn_norm, add_self_loops=False):
    # out = x @ W0 + (A_hat x) @ W1 (+ b)
    n = x.shape[0]
    row = edge_index[0]
    col = edge_index[1]
    w = jnp.ones(row.shape[0], dtype=x.dtype)
    deg = jax.ops.segment_sum(w, col, num_segments=n)
    dinv = jnp.where(deg > 0, jax.lax.rsqrt(jnp.maximum(deg, 1e-12)), 0.0)
    ew = dinv[row] * dinv[col]
    out = x @ W0
    msg = x[row] * ew[:, None]
    agg = jax.ops.segment_sum(msg, col, num_segments=n)
    out = out + agg @ W1
    if b is not None:
        out = out + b
    return out


def reference(x, edge_index, W0_0, W1_0, b0, W0_1, W1_1):
    y = _tag_conv(x, edge_index, W0_0, W1_0, b0)
    y = jax.nn.leaky_relu(y, negative_slope=0.01)
    y = _tag_conv(y, edge_index, W0_1, W1_1, None)
    y = jax.nn.leaky_relu(y, negative_slope=0.01)
    return y

if __name__ == "__main__":
    import jax
    _d = setup_inputs()
    print(jax.jit(kernel)(*tuple(_d.values())))

</pallas_src>

<mosaic_0001>
#map = affine_map<(d0, d1) -> (0)>
module attributes {stable_mosaic.version = 14 : i64} {
  func.func @deg_kernel(%arg0: i32, %arg1: i32, %arg2: memref<320000xi32, #tpu.memory_space<hbm>>, %arg3: memref<20000xf32, #tpu.memory_space<hbm>>, %arg4: memref<2000xf32, #tpu.memory_space<vmem>>, %arg5: memref<128xf32, #tpu.memory_space<vmem>>, %arg6: memref<4x80xi32, #tpu.memory_space<vmem>>, %arg7: memref<!tpu.dma_semaphore, #tpu.memory_space<semaphore_mem>>, %arg8: memref<10000xf32, #tpu.memory_space<vmem>>, %arg9: memref<10000xf32, #tpu.memory_space<vmem_shared>>) attributes {dimension_semantics = [#tpu.dimension_semantics<core_parallel>, #tpu.dimension_semantics<subcore_parallel>], iteration_bounds = array<i64: 2, 16>, scalar_prefetch = 0 : i64, scratch_operands = 6 : i64, tpu.core_type = #tpu.core_type<sc_vector_subcore>, window_params = [{transform_indices = #map}, {transform_indices = #map}]} {
    %mul3A = arith.constant 16 : i32
    %mul3A_0 = arith.muli %arg0, %mul3A : i32
    %add3A = arith.addi %mul3A_0, %arg1 : i32
    %broadcast_in_dim3A = arith.constant 1.000000e+00 : f32
    %broadcast_in_dim3A_1 = vector.broadcast %broadcast_in_dim3A : f32 to vector<16xf32>
    %swap3A = arith.constant 0 : index
    %swap3A_2 = tpu.vector_load %arg5[%swap3A] {strides = array<i32>} : memref<128xf32, #tpu.memory_space<vmem>>, vector<16xf32>,
    %swap3A_3 = vector.shape_cast %swap3A_2 : vector<16xf32> to vector<16xf32>
    %swap3A_4 = vector.shape_cast %broadcast_in_dim3A_1 : vector<16xf32> to vector<16xf32>
    tpu.vector_store %arg5[%swap3A], %swap3A_4 {strides = array<i32>} : memref<128xf32, #tpu.memory_space<vmem>>, vector<16xf32>,
    %broadcast_in_dim3A_5 = arith.constant 1.000000e+00 : f32
    %broadcast_in_dim3A_6 = vector.broadcast %broadcast_in_dim3A_5 : f32 to vector<16xf32>
    %swap3A_7 = arith.constant 16 : index
    %swap3A_8 = tpu.vector_load %arg5[%swap3A_7] {strides = array<i32>} : memref<128xf32, #tpu.memory_space<vmem>>, vector<16xf32>,
    %swap3A_9 = vector.shape_cast %swap3A_8 : vector<16xf32> to vector<16xf32>
    %swap3A_10 = vector.shape_cast %broadcast_in_dim3A_6 : vector<16xf32> to vector<16xf32>
    tpu.vector_store %arg5[%swap3A_7], %swap3A_10 {strides = array<i32>} : memref<128xf32, #tpu.memory_space<vmem>>, vector<16xf32>,
    %broadcast_in_dim3A_11 = arith.constant 1.000000e+00 : f32
    %broadcast_in_dim3A_12 = vector.broadcast %broadcast_in_dim3A_11 : f32 to vector<16xf32>
    %swap3A_13 = arith.constant 32 : index
    %swap3A_14 = tpu.vector_load %arg5[%swap3A_13] {strides = array<i32>} : memref<128xf32, #tpu.memory_space<vmem>>, vector<16xf32>,
    %swap3A_15 = vector.shape_cast %swap3A_14 : vector<16xf32> to vector<16xf32>
    %swap3A_16 = vector.shape_cast %broadcast_in_dim3A_12 : vector<16xf32> to vector<16xf32>
    tpu.vector_store %arg5[%swap3A_13], %swap3A_16 {strides = array<i32>} : memref<128xf32, #tpu.memory_space<vmem>>, vector<16xf32>,
    %broadcast_in_dim3A_17 = arith.constant 1.000000e+00 : f32
    %broadcast_in_dim3A_18 = vector.broadcast %broadcast_in_dim3A_17 : f32 to vector<16xf32>
    %swap3A_19 = arith.constant 48 : index
    %swap3A_20 = tpu.vector_load %arg5[%swap3A_19] {strides = array<i32>} : memref<128xf32, #tpu.memory_space<vmem>>, vector<16xf32>,
    %swap3A_21 = vector.shape_cast %swap3A_20 : vector<16xf32> to vector<16xf32>
    %swap3A_22 = vector.shape_cast %broadcast_in_dim3A_18 : vector<16xf32> to vector<16xf32>
    tpu.vector_store %arg5[%swap3A_19], %swap3A_22 {strides = array<i32>} : memref<128xf32, #tpu.memory_space<vmem>>, vector<16xf32>,
    %broadcast_in_dim3A_23 = arith.constant 1.000000e+00 : f32
    %broadcast_in_dim3A_24 = vector.broadcast %broadcast_in_dim3A_23 : f32 to vector<16xf32>
    %swap3A_25 = arith.constant 64 : index
    %swap3A_26 = tpu.vector_load %arg5[%swap3A_25] {strides = array<i32>} : memref<128xf32, #tpu.memory_space<vmem>>, vector<16xf32>,
    %swap3A_27 = vector.shape_cast %swap3A_26 : vector<16xf32> to vector<16xf32>
    %swap3A_28 = vector.shape_cast %broadcast_in_dim3A_24 : vector<16xf32> to vector<16xf32>
    tpu.vector_store %arg5[%swap3A_25], %swap3A_28 {strides = array<i32>} : memref<128xf32, #tpu.memory_space<vmem>>, vector<16xf32>,
    %broadcast_in_dim3A_29 = arith.constant 1.000000e+00 : f32
    %broadcast_in_dim3A_30 = vector.broadcast %broadcast_in_dim3A_29 : f32 to vector<16xf32>
    %swap3A_31 = arith.constant 80 : index
    %swap3A_32 = tpu.vector_load %arg5[%swap3A_31] {strides = array<i32>} : memref<128xf32, #tpu.memory_space<vmem>>, vector<16xf32>,
    %swap3A_33 = vector.shape_cast %swap3A_32 : vector<16xf32> to vector<16xf32>
    %swap3A_34 = vector.shape_cast %broadcast_in_dim3A_30 : vector<16xf32> to vector<16xf32>
    tpu.vector_store %arg5[%swap3A_31], %swap3A_34 {strides = array<i32>} : memref<128xf32, #tpu.memory_space<vmem>>, vector<16xf32>,
    %broadcast_in_dim3A_35 = arith.constant 1.000000e+00 : f32
    %broadcast_in_dim3A_36 = vector.broadcast %broadcast_in_dim3A_35 : f32 to vector<16xf32>
    %swap3A_37 = arith.constant 96 : index
    %swap3A_38 = tpu.vector_load %arg5[%swap3A_37] {strides = array<i32>} : memref<128xf32, #tpu.memory_space<vmem>>, vector<16xf32>,
    %swap3A_39 = vector.shape_cast %swap3A_38 : vector<16xf32> to vector<16xf32>
    %swap3A_40 = vector.shape_cast %broadcast_in_dim3A_36 : vector<16xf32> to vector<16xf32>
    tpu.vector_store %arg5[%swap3A_37], %swap3A_40 {strides = array<i32>} : memref<128xf32, #tpu.memory_space<vmem>>, vector<16xf32>,
    %broadcast_in_dim3A_41 = arith.constant 1.000000e+00 : f32
    %broadcast_in_dim3A_42 = vector.broadcast %broadcast_in_dim3A_41 : f32 to vector<16xf32>
    %swap3A_43 = arith.constant 112 : index
    %swap3A_44 = tpu.vector_load %arg5[%swap3A_43] {strides = array<i32>} : memref<128xf32, #tpu.memory_space<vmem>>, vector<16xf32>,
    %swap3A_45 = vector.shape_cast %swap3A_44 : vector<16xf32> to vector<16xf32>
    %swap3A_46 = vector.shape_cast %broadcast_in_dim3A_42 : vector<16xf32> to vector<16xf32>
    tpu.vector_store %arg5[%swap3A_43], %swap3A_46 {strides = array<i32>} : memref<128xf32, #tpu.memory_space<vmem>>, vector<16xf32>,
    %eq3A = arith.constant 0 : i32
    %eq3A_47 = arith.cmpi eq, %arg1, %eq3A : i32
    %convert_element_type3A = arith.extui %eq3A_47 : i1 to i32
    %cond3A = arith.constant 0 : i32
    %cond3A_48 = arith.cmpi ne, %convert_element_type3A, %cond3A : i32
    scf.if %cond3A_48 {
      %scan3A_120 = arith.constant 0 : i32
      %scan3A_121 = arith.constant 125 : i32
      %scan3A_122 = arith.addi %scan3A_120, %scan3A_121 : i32
      %scan3A_123 = arith.constant 1 : i32
      scf.for %scan3A_125 = %scan3A_120 to %scan3A_122 step %scan3A_123  : i32 {
        %broadcast_in_dim3A_126 = arith.constant 0.000000e+00 : f32
        %broadcast_in_dim3A_127 = vector.broadcast %broadcast_in_dim3A_126 : f32 to vector<16xf32>
        %mul3A_128 = arith.constant 16 : i32
        %mul3A_129 = arith.muli %scan3A_125, %mul3A_128 : i32
        %swap3A_130 = arith.index_cast %mul3A_129 : i32 to index
        %swap3A_131 = tpu.vector_load %arg4[%swap3A_130] {strides = array<i32>} : memref<2000xf32, #tpu.memory_space<vmem>>, vector<16xf32>,
        %swap3A_132 = vector.shape_cast %swap3A_131 : vector<16xf32> to vector<16xf32>
        %swap3A_133 = vector.shape_cast %broadcast_in_dim3A_127 : vector<16xf32> to vector<16xf32>
        tpu.vector_store %arg4[%swap3A_130], %swap3A_133 {strides = array<i32>} : memref<2000xf32, #tpu.memory_space<vmem>>, vector<16xf32>,
      }
      %scan3A_124 = arith.constant 125 : i32
      "tpu.region"() ({
        %run_scoped3A_125 = tpu.sem_alloc : memref<!tpu.dma_semaphore, #tpu.memory_space<semaphore_mem>>
        %dma_start3A_126 = arith.constant 0 : i32
        %dma_start3A_127 = tpu.memref_slice %arg9[%dma_start3A_126] : memref<10000xf32, #tpu.memory_space<vmem_shared>> -> memref<2000xf32, #tpu.memory_space<vmem_shared>>
        %dma_start3A_128 = arith.constant 0 : i32
        %dma_start3A_129 = tpu.memref_slice %arg9[%dma_start3A_128] : memref<10000xf32, #tpu.memory_space<vmem_shared>> -> memref<2000xf32, #tpu.memory_space<vmem_shared>>
        tpu.enqueue_dma source(%arg4 : memref<2000xf32, #tpu.memory_space<vmem>>) target(%dma_start3A_129 : memref<2000xf32, #tpu.memory_space<vmem_shared>>) target_semaphore(%run_scoped3A_125 : memref<!tpu.dma_semaphore, #tpu.memory_space<semaphore_mem>>)
        %dma_wait3A_130 = arith.constant 0 : i32
        %dma_wait3A_131 = tpu.memref_slice %arg9[%dma_wait3A_130] : memref<10000xf32, #tpu.memory_space<vmem_shared>> -> memref<2000xf32, #tpu.memory_space<vmem_shared>>
        %dma_wait3A_132 = arith.constant 0 : i32
        %dma_wait3A_133 = tpu.memref_slice %arg9[%dma_wait3A_132] : memref<10000xf32, #tpu.memory_space<vmem_shared>> -> memref<2000xf32, #tpu.memory_space<vmem_shared>>
        tpu.wait_dma2 semaphore(%run_scoped3A_125 : memref<!tpu.dma_semaphore, #tpu.memory_space<semaphore_mem>>) src(%arg4 : memref<2000xf32, #tpu.memory_space<vmem>>) dst(%dma_wait3A_133 : memref<2000xf32, #tpu.memory_space<vmem_shared>>)
        tpu.yield
      }) : () -> ()
      "tpu.region"() ({
        %run_scoped3A_125 = tpu.sem_alloc : memref<!tpu.dma_semaphore, #tpu.memory_space<semaphore_mem>>
        %dma_start3A_126 = arith.constant 2000 : i32
        %dma_start3A_127 = tpu.memref_slice %arg9[%dma_start3A_126] : memref<10000xf32, #tpu.memory_space<vmem_shared>> -> memref<2000xf32, #tpu.memory_space<vmem_shared>>
        %dma_start3A_128 = arith.constant 2000 : i32
        %dma_start3A_129 = tpu.memref_slice %arg9[%dma_start3A_128] : memref<10000xf32, #tpu.memory_space<vmem_shared>> -> memref<2000xf32, #tpu.memory_space<vmem_shared>>
        tpu.enqueue_dma source(%arg4 : memref<2000xf32, #tpu.memory_space<vmem>>) target(%dma_start3A_129 : memref<2000xf32, #tpu.memory_space<vmem_shared>>) target_semaphore(%run_scoped3A_125 : memref<!tpu.dma_semaphore, #tpu.memory_space<semaphore_mem>>)
        %dma_wait3A_130 = arith.constant 2000 : i32
        %dma_wait3A_131 = tpu.memref_slice %arg9[%dma_wait3A_130] : memref<10000xf32, #tpu.memory_space<vmem_shared>> -> memref<2000xf32, #tpu.memory_space<vmem_shared>>
        %dma_wait3A_132 = arith.constant 2000 : i32
        %dma_wait3A_133 = tpu.memref_slice %arg9[%dma_wait3A_132] : memref<10000xf32, #tpu.memory_space<vmem_shared>> -> memref<2000xf32, #tpu.memory_space<vmem_shared>>
        tpu.wait_dma2 semaphore(%run_scoped3A_125 : memref<!tpu.dma_semaphore, #tpu.memory_space<semaphore_mem>>) src(%arg4 : memref<2000xf32, #tpu.memory_space<vmem>>) dst(%dma_wait3A_133 : memref<2000xf32, #tpu.memory_space<vmem_shared>>)
        tpu.yield
      }) : () -> ()
      "tpu.region"() ({
        %run_scoped3A_125 = tpu.sem_alloc : memref<!tpu.dma_semaphore, #tpu.memory_space<semaphore_mem>>
        %dma_start3A_126 = arith.constant 4000 : i32
        %dma_start3A_127 = tpu.memref_slice %arg9[%dma_start3A_126] : memref<10000xf32, #tpu.memory_space<vmem_shared>> -> memref<2000xf32, #tpu.memory_space<vmem_shared>>
        %dma_start3A_128 = arith.constant 4000 : i32
        %dma_start3A_129 = tpu.memref_slice %arg9[%dma_start3A_128] : memref<10000xf32, #tpu.memory_space<vmem_shared>> -> memref<2000xf32, #tpu.memory_space<vmem_shared>>
        tpu.enqueue_dma source(%arg4 : memref<2000xf32, #tpu.memory_space<vmem>>) target(%dma_start3A_129 : memref<2000xf32, #tpu.memory_space<vmem_shared>>) target_semaphore(%run_scoped3A_125 : memref<!tpu.dma_semaphore, #tpu.memory_space<semaphore_mem>>)
        %dma_wait3A_130 = arith.constant 4000 : i32
        %dma_wait3A_131 = tpu.memref_slice %arg9[%dma_wait3A_130] : memref<10000xf32, #tpu.memory_space<vmem_shared>> -> memref<2000xf32, #tpu.memory_space<vmem_shared>>
        %dma_wait3A_132 = arith.constant 4000 : i32
        %dma_wait3A_133 = tpu.memref_slice %arg9[%dma_wait3A_132] : memref<10000xf32, #tpu.memory_space<vmem_shared>> -> memref<2000xf32, #tpu.memory_space<vmem_shared>>
        tpu.wait_dma2 semaphore(%run_scoped3A_125 : memref<!tpu.dma_semaphore, #tpu.memory_space<semaphore_mem>>) src(%arg4 : memref<2000xf32, #tpu.memory_space<vmem>>) dst(%dma_wait3A_133 : memref<2000xf32, #tpu.memory_space<vmem_shared>>)
        tpu.yield
      }) : () -> ()
      "tpu.region"() ({
        %run_scoped3A_125 = tpu.sem_alloc : memref<!tpu.dma_semaphore, #tpu.memory_space<semaphore_mem>>
        %dma_start3A_126 = arith.constant 6000 : i32
        %dma_start3A_127 = tpu.memref_slice %arg9[%dma_start3A_126] : memref<10000xf32, #tpu.memory_space<vmem_shared>> -> memref<2000xf32, #tpu.memory_space<vmem_shared>>
        %dma_start3A_128 = arith.constant 6000 : i32
        %dma_start3A_129 = tpu.memref_slice %arg9[%dma_start3A_128] : memref<10000xf32, #tpu.memory_space<vmem_shared>> -> memref<2000xf32, #tpu.memory_space<vmem_shared>>
        tpu.enqueue_dma source(%arg4 : memref<2000xf32, #tpu.memory_space<vmem>>) target(%dma_start3A_129 : memref<2000xf32, #tpu.memory_space<vmem_shared>>) target_semaphore(%run_scoped3A_125 : memref<!tpu.dma_semaphore, #tpu.memory_space<semaphore_mem>>)
        %dma_wait3A_130 = arith.constant 6000 : i32
        %dma_wait3A_131 = tpu.memref_slice %arg9[%dma_wait3A_130] : memref<10000xf32, #tpu.memory_space<vmem_shared>> -> memref<2000xf32, #tpu.memory_space<vmem_shared>>
        %dma_wait3A_132 = arith.constant 6000 : i32
        %dma_wait3A_133 = tpu.memref_slice %arg9[%dma_wait3A_132] : memref<10000xf32, #tpu.memory_space<vmem_shared>> -> memref<2000xf32, #tpu.memory_space<vmem_shared>>
        tpu.wait_dma2 semaphore(%run_scoped3A_125 : memref<!tpu.dma_semaphore, #tpu.memory_space<semaphore_mem>>) src(%arg4 : memref<2000xf32, #tpu.memory_space<vmem>>) dst(%dma_wait3A_133 : memref<2000xf32, #tpu.memory_space<vmem_shared>>)
        tpu.yield
      }) : () -> ()
      "tpu.region"() ({
        %run_scoped3A_125 = tpu.sem_alloc : memref<!tpu.dma_semaphore, #tpu.memory_space<semaphore_mem>>
        %dma_start3A_126 = arith.constant 8000 : i32
        %dma_start3A_127 = tpu.memref_slice %arg9[%dma_start3A_126] : memref<10000xf32, #tpu.memory_space<vmem_shared>> -> memref<2000xf32, #tpu.memory_space<vmem_shared>>
        %dma_start3A_128 = arith.constant 8000 : i32
        %dma_start3A_129 = tpu.memref_slice %arg9[%dma_start3A_128] : memref<10000xf32, #tpu.memory_space<vmem_shared>> -> memref<2000xf32, #tpu.memory_space<vmem_shared>>
        tpu.enqueue_dma source(%arg4 : memref<2000xf32, #tpu.memory_space<vmem>>) target(%dma_start3A_129 : memref<2000xf32, #tpu.memory_space<vmem_shared>>) target_semaphore(%run_scoped3A_125 : memref<!tpu.dma_semaphore, #tpu.memory_space<semaphore_mem>>)
        %dma_wait3A_130 = arith.constant 8000 : i32
        %dma_wait3A_131 = tpu.memref_slice %arg9[%dma_wait3A_130] : memref<10000xf32, #tpu.memory_space<vmem_shared>> -> memref<2000xf32, #tpu.memory_space<vmem_shared>>
        %dma_wait3A_132 = arith.constant 8000 : i32
        %dma_wait3A_133 = tpu.memref_slice %arg9[%dma_wait3A_132] : memref<10000xf32, #tpu.memory_space<vmem_shared>> -> memref<2000xf32, #tpu.memory_space<vmem_shared>>
        tpu.wait_dma2 semaphore(%run_scoped3A_125 : memref<!tpu.dma_semaphore, #tpu.memory_space<semaphore_mem>>) src(%arg4 : memref<2000xf32, #tpu.memory_space<vmem>>) dst(%dma_wait3A_133 : memref<2000xf32, #tpu.memory_space<vmem_shared>>)
        tpu.yield
      }) : () -> ()
    } else {
    }
    %barrier3A = arith.constant 0 : index
    tpu.barrier barrier_id(%barrier3A)
    %mul3A_49 = arith.constant 10000 : i32
    %mul3A_50 = arith.muli %add3A, %mul3A_49 : i32
    %add3A_51 = arith.constant 0 : i32
    %add3A_52 = arith.addi %mul3A_50, %add3A_51 : i32
    %dma_start3A = arith.constant 0 : i32
    %dma_start3A_53 = arith.constant 0 : i32
    %dma_start3A_54 = tpu.memref_slice %arg6[%dma_start3A, %dma_start3A_53] : memref<4x80xi32, #tpu.memory_space<vmem>> -> memref<1x80xi32, #tpu.memory_space<vmem>>
    %dma_start3A_55 = tpu.memref_squeeze %dma_start3A_54 : memref<1x80xi32, #tpu.memory_space<vmem>> -> memref<80xi32, #tpu.memory_space<vmem>>
    %dma_start3A_56 = tpu.memref_slice %arg2[%add3A_52] : memref<320000xi32, #tpu.memory_space<hbm>> -> memref<80xi32, #tpu.memory_space<hbm>>
    %dma_start3A_57 = arith.constant 0 : i32
    %dma_start3A_58 = tpu.memref_slice %arg6[%dma_start3A, %dma_start3A_57] : memref<4x80xi32, #tpu.memory_space<vmem>> -> memref<1x80xi32, #tpu.memory_space<vmem>>
    %dma_start3A_59 = tpu.memref_squeeze %dma_start3A_58 : memref<1x80xi32, #tpu.memory_space<vmem>> -> memref<80xi32, #tpu.memory_space<vmem>>
    %dma_start3A_60 = tpu.memref_slice %arg2[%add3A_52] : memref<320000xi32, #tpu.memory_space<hbm>> -> memref<80xi32, #tpu.memory_space<hbm>>
    tpu.enqueue_dma source(%dma_start3A_60 : memref<80xi32, #tpu.memory_space<hbm>>) target(%dma_start3A_59 : memref<80xi32, #tpu.memory_space<vmem>>) target_semaphore(%arg7 : memref<!tpu.dma_semaphore, #tpu.memory_space<semaphore_mem>>)
    %mul3A_61 = arith.constant 10000 : i32
    %mul3A_62 = arith.muli %add3A, %mul3A_61 : i32
    %add3A_63 = arith.constant 80 : i32
    %add3A_64 = arith.addi %mul3A_62, %add3A_63 : i32
    %dma_start3A_65 = arith.constant 1 : i32
    %dma_start3A_66 = arith.constant 0 : i32
    %dma_start3A_67 = tpu.memref_slice %arg6[%dma_start3A_65, %dma_start3A_66] : memref<4x80xi32, #tpu.memory_space<vmem>> -> memref<1x80xi32, #tpu.memory_space<vmem>>
    %dma_start3A_68 = tpu.memref_squeeze %dma_start3A_67 : memref<1x80xi32, #tpu.memory_space<vmem>> -> memref<80xi32, #tpu.memory_space<vmem>>
    %dma_start3A_69 = tpu.memref_slice %arg2[%add3A_64] : memref<320000xi32, #tpu.memory_space<hbm>> -> memref<80xi32, #tpu.memory_space<hbm>>
    %dma_start3A_70 = arith.constant 0 : i32
    %dma_start3A_71 = tpu.memref_slice %arg6[%dma_start3A_65, %dma_start3A_70] : memref<4x80xi32, #tpu.memory_space<vmem>> -> memref<1x80xi32, #tpu.memory_space<vmem>>
    %dma_start3A_72 = tpu.memref_squeeze %dma_start3A_71 : memref<1x80xi32, #tpu.memory_space<vmem>> -> memref<80xi32, #tpu.memory_space<vmem>>
    %dma_start3A_73 = tpu.memref_slice %arg2[%add3A_64] : memref<320000xi32, #tpu.memory_space<hbm>> -> memref<80xi32, #tpu.memory_space<hbm>>
    tpu.enqueue_dma source(%dma_start3A_73 : memref<80xi32, #tpu.memory_space<hbm>>) target(%dma_start3A_72 : memref<80xi32, #tpu.memory_space<vmem>>) target_semaphore(%arg7 : memref<!tpu.dma_semaphore, #tpu.memory_space<semaphore_mem>>)
    %mul3A_74 = arith.constant 10000 : i32
    %mul3A_75 = arith.muli %add3A, %mul3A_74 : i32
    %add3A_76 = arith.constant 160 : i32
    %add3A_77 = arith.addi %mul3A_75, %add3A_76 : i32
    %dma_start3A_78 = arith.constant 2 : i32
    %dma_start3A_79 = arith.constant 0 : i32
    %dma_start3A_80 = tpu.memref_slice %arg6[%dma_start3A_78, %dma_start3A_79] : memref<4x80xi32, #tpu.memory_space<vmem>> -> memref<1x80xi32, #tpu.memory_space<vmem>>
    %dma_start3A_81 = tpu.memref_squeeze %dma_start3A_80 : memref<1x80xi32, #tpu.memory_space<vmem>> -> memref<80xi32, #tpu.memory_space<vmem>>
    %dma_start3A_82 = tpu.memref_slice %arg2[%add3A_77] : memref<320000xi32, #tpu.memory_space<hbm>> -> memref<80xi32, #tpu.memory_space<hbm>>
    %dma_start3A_83 = arith.constant 0 : i32
    %dma_start3A_84 = tpu.memref_slice %arg6[%dma_start3A_78, %dma_start3A_83] : memref<4x80xi32, #tpu.memory_space<vmem>> -> memref<1x80xi32, #tpu.memory_space<vmem>>
    %dma_start3A_85 = tpu.memref_squeeze %dma_start3A_84 : memref<1x80xi32, #tpu.memory_space<vmem>> -> memref<80xi32, #tpu.memory_space<vmem>>
    %dma_start3A_86 = tpu.memref_slice %arg2[%add3A_77] : memref<320000xi32, #tpu.memory_space<hbm>> -> memref<80xi32, #tpu.memory_space<hbm>>
    tpu.enqueue_dma source(%dma_start3A_86 : memref<80xi32, #tpu.memory_space<hbm>>) target(%dma_start3A_85 : memref<80xi32, #tpu.memory_space<vmem>>) target_semaphore(%arg7 : memref<!tpu.dma_semaphore, #tpu.memory_space<semaphore_mem>>)
    %mul3A_87 = arith.constant 10000 : i32
    %mul3A_88 = arith.muli %add3A, %mul3A_87 : i32
    %add3A_89 = arith.constant 240 : i32
    %add3A_90 = arith.addi %mul3A_88, %add3A_89 : i32
    %dma_start3A_91 = arith.constant 3 : i32
    %dma_start3A_92 = arith.constant 0 : i32
    %dma_start3A_93 = tpu.memref_slice %arg6[%dma_start3A_91, %dma_start3A_92] : memref<4x80xi32, #tpu.memory_space<vmem>> -> memref<1x80xi32, #tpu.memory_space<vmem>>
    %dma_start3A_94 = tpu.memref_squeeze %dma_start3A_93 : memref<1x80xi32, #tpu.memory_space<vmem>> -> memref<80xi32, #tpu.memory_space<vmem>>
    %dma_start3A_95 = tpu.memref_slice %arg2[%add3A_90] : memref<320000xi32, #tpu.memory_space<hbm>> -> memref<80xi32, #tpu.memory_space<hbm>>
    %dma_start3A_96 = arith.constant 0 : i32
    %dma_start3A_97 = tpu.memref_slice %arg6[%dma_start3A_91, %dma_start3A_96] : memref<4x80xi32, #tpu.memory_space<vmem>> -> memref<1x80xi32, #tpu.memory_space<vmem>>
    %dma_start3A_98 = tpu.memref_squeeze %dma_start3A_97 : memref<1x80xi32, #tpu.memory_space<vmem>> -> memref<80xi32, #tpu.memory_space<vmem>>
    %dma_start3A_99 = tpu.memref_slice %arg2[%add3A_90] : memref<320000xi32, #tpu.memory_space<hbm>> -> memref<80xi32, #tpu.memory_space<hbm>>
    tpu.enqueue_dma source(%dma_start3A_99 : memref<80xi32, #tpu.memory_space<hbm>>) target(%dma_start3A_98 : memref<80xi32, #tpu.memory_space<vmem>>) target_semaphore(%arg7 : memref<!tpu.dma_semaphore, #tpu.memory_space<semaphore_mem>>)
    %scan3A = arith.constant 0 : i32
    %scan3A_100 = arith.constant 31 : i32
    %scan3A_101 = arith.addi %scan3A, %scan3A_100 : i32
    %scan3A_102 = arith.constant 1 : i32
    scf.for %scan3A_120 = %scan3A to %scan3A_101 step %scan3A_102  : i32 {
      %mul3A_121 = arith.constant 4 : i32
      %mul3A_122 = arith.muli %mul3A_121, %scan3A_120 : i32
      %add3A_123 = arith.constant 0 : i32
      %add3A_124 = arith.addi %mul3A_122, %add3A_123 : i32
      %dma_wait3A_125 = arith.constant 0 : i32
      %dma_wait3A_126 = arith.constant 0 : i32
      %dma_wait3A_127 = tpu.memref_slice %arg6[%dma_wait3A_125, %dma_wait3A_126] : memref<4x80xi32, #tpu.memory_space<vmem>> -> memref<1x80xi32, #tpu.memory_space<vmem>>
      %dma_wait3A_128 = tpu.memref_squeeze %dma_wait3A_127 : memref<1x80xi32, #tpu.memory_space<vmem>> -> memref<80xi32, #tpu.memory_space<vmem>>
      %dma_wait3A_129 = arith.constant 0 : i32
      %dma_wait3A_130 = tpu.memref_slice %arg2[%dma_wait3A_129] : memref<320000xi32, #tpu.memory_space<hbm>> -> memref<80xi32, #tpu.memory_space<hbm>>
      %dma_wait3A_131 = arith.constant 0 : i32
      %dma_wait3A_132 = tpu.memref_slice %arg6[%dma_wait3A_125, %dma_wait3A_131] : memref<4x80xi32, #tpu.memory_space<vmem>> -> memref<1x80xi32, #tpu.memory_space<vmem>>
      %dma_wait3A_133 = tpu.memref_squeeze %dma_wait3A_132 : memref<1x80xi32, #tpu.memory_space<vmem>> -> memref<80xi32, #tpu.memory_space<vmem>>
      %dma_wait3A_134 = arith.constant 0 : i32
      %dma_wait3A_135 = tpu.memref_slice %arg2[%dma_wait3A_134] : memref<320000xi32, #tpu.memory_space<hbm>> -> memref<80xi32, #tpu.memory_space<hbm>>
      tpu.wait_dma2 semaphore(%arg7 : memref<!tpu.dma_semaphore, #tpu.memory_space<semaphore_mem>>) src(%dma_wait3A_135 : memref<80xi32, #tpu.memory_space<hbm>>) dst(%dma_wait3A_133 : memref<80xi32, #tpu.memory_space<vmem>>)
      %run_scoped3A_136 = arith.constant 0 : i32
      "tpu.region"() ({
        %run_scoped3A_212 = tpu.sem_alloc : memref<!tpu.dma_semaphore, #tpu.memory_space<semaphore_mem>>
        %dma_start3A_213 = arith.constant 0 : i32
        %dma_start3A_214 = tpu.memref_slice %arg5[%dma_start3A_213] : memref<128xf32, #tpu.memory_space<vmem>> -> memref<80xf32, #tpu.memory_space<vmem>>
        %dma_start3A_215 = arith.constant 0 : i32
        %dma_start3A_216 = tpu.memref_slice %arg6[%run_scoped3A_136, %dma_start3A_215] : memref<4x80xi32, #tpu.memory_space<vmem>> -> memref<1x80xi32, #tpu.memory_space<vmem>>
        %dma_start3A_217 = tpu.memref_squeeze %dma_start3A_216 : memref<1x80xi32, #tpu.memory_space<vmem>> -> memref<80xi32, #tpu.memory_space<vmem>>
        %dma_start3A_218 = arith.constant 0 : i32
        %dma_start3A_219 = tpu.memref_slice %arg9[%dma_start3A_218] : memref<10000xf32, #tpu.memory_space<vmem_shared>> -> memref<10000xf32, #tpu.memory_space<vmem_shared>>
        tpu.enqueue_indirect_dma source(%dma_start3A_214 : memref<80xf32, #tpu.memory_space<vmem>>) target(%dma_start3A_219 : memref<10000xf32, #tpu.memory_space<vmem_shared>>) offsets(%dma_start3A_217 : memref<80xi32, #tpu.memory_space<vmem>>) semaphore(%run_scoped3A_212 : memref<!tpu.dma_semaphore, #tpu.memory_space<semaphore_mem>>) {add = true}
        %dma_wait3A_220 = arith.constant 0 : i32
        %dma_wait3A_221 = tpu.memref_slice %arg5[%dma_wait3A_220] : memref<128xf32, #tpu.memory_space<vmem>> -> memref<80xf32, #tpu.memory_space<vmem>>
        %dma_wait3A_222 = arith.constant 0 : i32
        %dma_wait3A_223 = tpu.memref_slice %arg6[%run_scoped3A_136, %dma_wait3A_222] : memref<4x80xi32, #tpu.memory_space<vmem>> -> memref<1x80xi32, #tpu.memory_space<vmem>>
        %dma_wait3A_224 = tpu.memref_squeeze %dma_wait3A_223 : memref<1x80xi32, #tpu.memory_space<vmem>> -> memref<80xi32, #tpu.memory_space<vmem>>
        %dma_wait3A_225 = arith.constant 0 : i32
        %dma_wait3A_226 = tpu.memref_slice %arg9[%dma_wait3A_225] : memref<10000xf32, #tpu.memory_space<vmem_shared>> -> memref<10000xf32, #tpu.memory_space<vmem_shared>>
        tpu.wait_indirect_dma semaphore(%run_scoped3A_212 : memref<!tpu.dma_semaphore, #tpu.memory_space<semaphore_mem>>) src(%dma_wait3A_221 : memref<80xf32, #tpu.memory_space<vmem>>) dst(%dma_wait3A_226 : memref<10000xf32, #tpu.memory_space<vmem_shared>>)
        tpu.yield
      }) : () -> ()
      %add3A_137 = arith.constant 4 : i32
      %add3A_138 = arith.addi %add3A_124, %add3A_137 : i32
      %lt3A = arith.constant 125 : i32
      %lt3A_139 = arith.cmpi slt, %add3A_138, %lt3A : i32
      %convert_element_type3A_140 = arith.extui %lt3A_139 : i1 to i32
      %cond3A_141 = arith.constant 0 : i32
      %cond3A_142 = arith.cmpi ne, %convert_element_type3A_140, %cond3A_141 : i32
      scf.if %cond3A_142 {
        %mul3A_212 = arith.constant 10000 : i32
        %mul3A_213 = arith.muli %add3A, %mul3A_212 : i32
        %add3A_214 = arith.constant 4 : i32
        %add3A_215 = arith.addi %add3A_124, %add3A_214 : i32
        %mul3A_216 = arith.constant 80 : i32
        %mul3A_217 = arith.muli %add3A_215, %mul3A_216 : i32
        %add3A_218 = arith.addi %mul3A_213, %mul3A_217 : i32
        %dma_start3A_219 = arith.constant 0 : i32
        %dma_start3A_220 = arith.constant 0 : i32
        %dma_start3A_221 = tpu.memref_slice %arg6[%dma_start3A_219, %dma_start3A_220] : memref<4x80xi32, #tpu.memory_space<vmem>> -> memref<1x80xi32, #tpu.memory_space<vmem>>
        %dma_start3A_222 = tpu.memref_squeeze %dma_start3A_221 : memref<1x80xi32, #tpu.memory_space<vmem>> -> memref<80xi32, #tpu.memory_space<vmem>>
        %dma_start3A_223 = tpu.memref_slice %arg2[%add3A_218] : memref<320000xi32, #tpu.memory_space<hbm>> -> memref<80xi32, #tpu.memory_space<hbm>>
        %dma_start3A_224 = arith.constant 0 : i32
        %dma_start3A_225 = tpu.memref_slice %arg6[%dma_start3A_219, %dma_start3A_224] : memref<4x80xi32, #tpu.memory_space<vmem>> -> memref<1x80xi32, #tpu.memory_space<vmem>>
        %dma_start3A_226 = tpu.memref_squeeze %dma_start3A_225 : memref<1x80xi32, #tpu.memory_space<vmem>> -> memref<80xi32, #tpu.memory_space<vmem>>
        %dma_start3A_227 = tpu.memref_slice %arg2[%add3A_218] : memref<320000xi32, #tpu.memory_space<hbm>> -> memref<80xi32, #tpu.memory_space<hbm>>
        tpu.enqueue_dma source(%dma_start3A_227 : memref<80xi32, #tpu.memory_space<hbm>>) target(%dma_start3A_226 : memref<80xi32, #tpu.memory_space<vmem>>) target_semaphore(%arg7 : memref<!tpu.dma_semaphore, #tpu.memory_space<semaphore_mem>>)
      } else {
      }
      %mul3A_143 = arith.constant 4 : i32
      %mul3A_144 = arith.muli %mul3A_143, %scan3A_120 : i32
      %add3A_145 = arith.constant 1 : i32
      %add3A_146 = arith.addi %mul3A_144, %add3A_145 : i32
      %dma_wait3A_147 = arith.constant 1 : i32
      %dma_wait3A_148 = arith.constant 0 : i32
      %dma_wait3A_149 = tpu.memref_slice %arg6[%dma_wait3A_147, %dma_wait3A_148] : memref<4x80xi32, #tpu.memory_space<vmem>> -> memref<1x80xi32, #tpu.memory_space<vmem>>
      %dma_wait3A_150 = tpu.memref_squeeze %dma_wait3A_149 : memref<1x80xi32, #tpu.memory_space<vmem>> -> memref<80xi32, #tpu.memory_space<vmem>>
      %dma_wait3A_151 = arith.constant 0 : i32
      %dma_wait3A_152 = tpu.memref_slice %arg2[%dma_wait3A_151] : memref<320000xi32, #tpu.memory_space<hbm>> -> memref<80xi32, #tpu.memory_space<hbm>>
      %dma_wait3A_153 = arith.constant 0 : i32
      %dma_wait3A_154 = tpu.memref_slice %arg6[%dma_wait3A_147, %dma_wait3A_153] : memref<4x80xi32, #tpu.memory_space<vmem>> -> memref<1x80xi32, #tpu.memory_space<vmem>>
      %dma_wait3A_155 = tpu.memref_squeeze %dma_wait3A_154 : memref<1x80xi32, #tpu.memory_space<vmem>> -> memref<80xi32, #tpu.memory_space<vmem>>
      %dma_wait3A_156 = arith.constant 0 : i32
      %dma_wait3A_157 = tpu.memref_slice %arg2[%dma_wait3A_156] : memref<320000xi32, #tpu.memory_space<hbm>> -> memref<80xi32, #tpu.memory_space<hbm>>
      tpu.wait_dma2 semaphore(%arg7 : memref<!tpu.dma_semaphore, #tpu.memory_space<semaphore_mem>>) src(%dma_wait3A_157 : memref<80xi32, #tpu.memory_space<hbm>>) dst(%dma_wait3A_155 : memref<80xi32, #tpu.memory_space<vmem>>)
      %run_scoped3A_158 = arith.constant 1 : i32
      "tpu.region"() ({
        %run_scoped3A_212 = tpu.sem_alloc : memref<!tpu.dma_semaphore, #tpu.memory_space<semaphore_mem>>
        %dma_start3A_213 = arith.constant 0 : i32
        %dma_start3A_214 = tpu.memref_slice %arg5[%dma_start3A_213] : memref<128xf32, #tpu.memory_space<vmem>> -> memref<80xf32, #tpu.memory_space<vmem>>
        %dma_start3A_215 = arith.constant 0 : i32
        %dma_start3A_216 = tpu.memref_slice %arg6[%run_scoped3A_158, %dma_start3A_215] : memref<4x80xi32, #tpu.memory_space<vmem>> -> memref<1x80xi32, #tpu.memory_space<vmem>>
        %dma_start3A_217 = tpu.memref_squeeze %dma_start3A_216 : memref<1x80xi32, #tpu.memory_space<vmem>> -> memref<80xi32, #tpu.memory_space<vmem>>
        %dma_start3A_218 = arith.constant 0 : i32
        %dma_start3A_219 = tpu.memref_slice %arg9[%dma_start3A_218] : memref<10000xf32, #tpu.memory_space<vmem_shared>> -> memref<10000xf32, #tpu.memory_space<vmem_shared>>
        tpu.enqueue_indirect_dma source(%dma_start3A_214 : memref<80xf32, #tpu.memory_space<vmem>>) target(%dma_start3A_219 : memref<10000xf32, #tpu.memory_space<vmem_shared>>) offsets(%dma_start3A_217 : memref<80xi32, #tpu.memory_space<vmem>>) semaphore(%run_scoped3A_212 : memref<!tpu.dma_semaphore, #tpu.memory_space<semaphore_mem>>) {add = true}
        %dma_wait3A_220 = arith.constant 0 : i32
        %dma_wait3A_221 = tpu.memref_slice %arg5[%dma_wait3A_220] : memref<128xf32, #tpu.memory_space<vmem>> -> memref<80xf32, #tpu.memory_space<vmem>>
        %dma_wait3A_222 = arith.constant 0 : i32
        %dma_wait3A_223 = tpu.memref_slice %arg6[%run_scoped3A_158, %dma_wait3A_222] : memref<4x80xi32, #tpu.memory_space<vmem>> -> memref<1x80xi32, #tpu.memory_space<vmem>>
        %dma_wait3A_224 = tpu.memref_squeeze %dma_wait3A_223 : memref<1x80xi32, #tpu.memory_space<vmem>> -> memref<80xi32, #tpu.memory_space<vmem>>
        %dma_wait3A_225 = arith.constant 0 : i32
        %dma_wait3A_226 = tpu.memref_slice %arg9[%dma_wait3A_225] : memref<10000xf32, #tpu.memory_space<vmem_shared>> -> memref<10000xf32, #tpu.memory_space<vmem_shared>>
        tpu.wait_indirect_dma semaphore(%run_scoped3A_212 : memref<!tpu.dma_semaphore, #tpu.memory_space<semaphore_mem>>) src(%dma_wait3A_221 : memref<80xf32, #tpu.memory_space<vmem>>) dst(%dma_wait3A_226 : memref<10000xf32, #tpu.memory_space<vmem_shared>>)
        tpu.yield
      }) : () -> ()
      %add3A_159 = arith.constant 4 : i32
      %add3A_160 = arith.addi %add3A_146, %add3A_159 : i32
      %lt3A_161 = arith.constant 125 : i32
      %lt3A_162 = arith.cmpi slt, %add3A_160, %lt3A_161 : i32
      %convert_element_type3A_163 = arith.extui %lt3A_162 : i1 to i32
      %cond3A_164 = arith.constant 0 : i32
      %cond3A_165 = arith.cmpi ne, %convert_element_type3A_163, %cond3A_164 : i32
      scf.if %cond3A_165 {
        %mul3A_212 = arith.constant 10000 : i32
        %mul3A_213 = arith.muli %add3A, %mul3A_212 : i32
        %add3A_214 = arith.constant 4 : i32
        %add3A_215 = arith.addi %add3A_146, %add3A_214 : i32
        %mul3A_216 = arith.constant 80 : i32
        %mul3A_217 = arith.muli %add3A_215, %mul3A_216 : i32
        %add3A_218 = arith.addi %mul3A_213, %mul3A_217 : i32
        %dma_start3A_219 = arith.constant 1 : i32
        %dma_start3A_220 = arith.constant 0 : i32
        %dma_start3A_221 = tpu.memref_slice %arg6[%dma_start3A_219, %dma_start3A_220] : memref<4x80xi32, #tpu.memory_space<vmem>> -> memref<1x80xi32, #tpu.memory_space<vmem>>
        %dma_start3A_222 = tpu.memref_squeeze %dma_start3A_221 : memref<1x80xi32, #tpu.memory_space<vmem>> -> memref<80xi32, #tpu.memory_space<vmem>>
        %dma_start3A_223 = tpu.memref_slice %arg2[%add3A_218] : memref<320000xi32, #tpu.memory_space<hbm>> -> memref<80xi32, #tpu.memory_space<hbm>>
        %dma_start3A_224 = arith.constant 0 : i32
        %dma_start3A_225 = tpu.memref_slice %arg6[%dma_start3A_219, %dma_start3A_224] : memref<4x80xi32, #tpu.memory_space<vmem>> -> memref<1x80xi32, #tpu.memory_space<vmem>>
        %dma_start3A_226 = tpu.memref_squeeze %dma_start3A_225 : memref<1x80xi32, #tpu.memory_space<vmem>> -> memref<80xi32, #tpu.memory_space<vmem>>
        %dma_start3A_227 = tpu.memref_slice %arg2[%add3A_218] : memref<320000xi32, #tpu.memory_space<hbm>> -> memref<80xi32, #tpu.memory_space<hbm>>
        tpu.enqueue_dma source(%dma_start3A_227 : memref<80xi32, #tpu.memory_space<hbm>>) target(%dma_start3A_226 : memref<80xi32, #tpu.memory_space<vmem>>) target_semaphore(%arg7 : memref<!tpu.dma_semaphore, #tpu.memory_space<semaphore_mem>>)
      } else {
      }
      %mul3A_166 = arith.constant 4 : i32
      %mul3A_167 = arith.muli %mul3A_166, %scan3A_120 : i32
      %add3A_168 = arith.constant 2 : i32
      %add3A_169 = arith.addi %mul3A_167, %add3A_168 : i32
      %dma_wait3A_170 = arith.constant 2 : i32
      %dma_wait3A_171 = arith.constant 0 : i32
      %dma_wait3A_172 = tpu.memref_slice %arg6[%dma_wait3A_170, %dma_wait3A_171] : memref<4x80xi32, #tpu.memory_space<vmem>> -> memref<1x80xi32, #tpu.memory_space<vmem>>
      %dma_wait3A_173 = tpu.memref_squeeze %dma_wait3A_172 : memref<1x80xi32, #tpu.memory_space<vmem>> -> memref<80xi32, #tpu.memory_space<vmem>>
      %dma_wait3A_174 = arith.constant 0 : i32
      %dma_wait3A_175 = tpu.memref_slice %arg2[%dma_wait3A_174] : memref<320000xi32, #tpu.memory_space<hbm>> -> memref<80xi32, #tpu.memory_space<hbm>>
      %dma_wait3A_176 = arith.constant 0 : i32
      %dma_wait3A_177 = tpu.memref_slice %arg6[%dma_wait3A_170, %dma_wait3A_176] : memref<4x80xi32, #tpu.memory_space<vmem>> -> memref<1x80xi32, #tpu.memory_space<vmem>>
      %dma_wait3A_178 = tpu.memref_squeeze %dma_wait3A_177 : memref<1x80xi32, #tpu.memory_space<vmem>> -> memref<80xi32, #tpu.memory_space<vmem>>
      %dma_wait3A_179 = arith.constant 0 : i32
      %dma_wait3A_180 = tpu.memref_slice %arg2[%dma_wait3A_179] : memref<320000xi32, #tpu.memory_space<hbm>> -> memref<80xi32, #tpu.memory_space<hbm>>
      tpu.wait_dma2 semaphore(%arg7 : memref<!tpu.dma_semaphore, #tpu.memory_space<semaphore_mem>>) src(%dma_wait3A_180 : memref<80xi32, #tpu.memory_space<hbm>>) dst(%dma_wait3A_178 : memref<80xi32, #tpu.memory_space<vmem>>)
      %run_scoped3A_181 = arith.constant 2 : i32
      "tpu.region"() ({
        %run_scoped3A_212 = tpu.sem_alloc : memref<!tpu.dma_semaphore, #tpu.memory_space<semaphore_mem>>
        %dma_start3A_213 = arith.constant 0 : i32
        %dma_start3A_214 = tpu.memref_slice %arg5[%dma_start3A_213] : memref<128xf32, #tpu.memory_space<vmem>> -> memref<80xf32, #tpu.memory_space<vmem>>
        %dma_start3A_215 = arith.constant 0 : i32
        %dma_start3A_216 = tpu.memref_slice %arg6[%run_scoped3A_181, %dma_start3A_215] : memref<4x80xi32, #tpu.memory_space<vmem>> -> memref<1x80xi32, #tpu.memory_space<vmem>>
        %dma_start3A_217 = tpu.memref_squeeze %dma_start3A_216 : memref<1x80xi32, #tpu.memory_space<vmem>> -> memref<80xi32, #tpu.memory_space<vmem>>
        %dma_start3A_218 = arith.constant 0 : i32
        %dma_start3A_219 = tpu.memref_slice %arg9[%dma_start3A_218] : memref<10000xf32, #tpu.memory_space<vmem_shared>> -> memref<10000xf32, #tpu.memory_space<vmem_shared>>
        tpu.enqueue_indirect_dma source(%dma_start3A_214 : memref<80xf32, #tpu.memory_space<vmem>>) target(%dma_start3A_219 : memref<10000xf32, #tpu.memory_space<vmem_shared>>) offsets(%dma_start3A_217 : memref<80xi32, #tpu.memory_space<vmem>>) semaphore(%run_scoped3A_212 : memref<!tpu.dma_semaphore, #tpu.memory_space<semaphore_mem>>) {add = true}
        %dma_wait3A_220 = arith.constant 0 : i32
        %dma_wait3A_221 = tpu.memref_slice %arg5[%dma_wait3A_220] : memref<128xf32, #tpu.memory_space<vmem>> -> memref<80xf32, #tpu.memory_space<vmem>>
        %dma_wait3A_222 = arith.constant 0 : i32
        %dma_wait3A_223 = tpu.memref_slice %arg6[%run_scoped3A_181, %dma_wait3A_222] : memref<4x80xi32, #tpu.memory_space<vmem>> -> memref<1x80xi32, #tpu.memory_space<vmem>>
        %dma_wait3A_224 = tpu.memref_squeeze %dma_wait3A_223 : memref<1x80xi32, #tpu.memory_space<vmem>> -> memref<80xi32, #tpu.memory_space<vmem>>
        %dma_wait3A_225 = arith.constant 0 : i32
        %dma_wait3A_226 = tpu.memref_slice %arg9[%dma_wait3A_225] : memref<10000xf32, #tpu.memory_space<vmem_shared>> -> memref<10000xf32, #tpu.memory_space<vmem_shared>>
        tpu.wait_indirect_dma semaphore(%run_scoped3A_212 : memref<!tpu.dma_semaphore, #tpu.memory_space<semaphore_mem>>) src(%dma_wait3A_221 : memref<80xf32, #tpu.memory_space<vmem>>) dst(%dma_wait3A_226 : memref<10000xf32, #tpu.memory_space<vmem_shared>>)
        tpu.yield
      }) : () -> ()
      %add3A_182 = arith.constant 4 : i32
      %add3A_183 = arith.addi %add3A_169, %add3A_182 : i32
      %lt3A_184 = arith.constant 125 : i32
      %lt3A_185 = arith.cmpi slt, %add3A_183, %lt3A_184 : i32
      %convert_element_type3A_186 = arith.extui %lt3A_185 : i1 to i32
      %cond3A_187 = arith.constant 0 : i32
      %cond3A_188 = arith.cmpi ne, %convert_element_type3A_186, %cond3A_187 : i32
      scf.if %cond3A_188 {
        %mul3A_212 = arith.constant 10000 : i32
        %mul3A_213 = arith.muli %add3A, %mul3A_212 : i32
        %add3A_214 = arith.constant 4 : i32
        %add3A_215 = arith.addi %add3A_169, %add3A_214 : i32
        %mul3A_216 = arith.constant 80 : i32
        %mul3A_217 = arith.muli %add3A_215, %mul3A_216 : i32
        %add3A_218 = arith.addi %mul3A_213, %mul3A_217 : i32
        %dma_start3A_219 = arith.constant 2 : i32
        %dma_start3A_220 = arith.constant 0 : i32
        %dma_start3A_221 = tpu.memref_slice %arg6[%dma_start3A_219, %dma_start3A_220] : memref<4x80xi32, #tpu.memory_space<vmem>> -> memref<1x80xi32, #tpu.memory_space<vmem>>
        %dma_start3A_222 = tpu.memref_squeeze %dma_start3A_221 : memref<1x80xi32, #tpu.memory_space<vmem>> -> memref<80xi32, #tpu.memory_space<vmem>>
        %dma_start3A_223 = tpu.memref_slice %arg2[%add3A_218] : memref<320000xi32, #tpu.memory_space<hbm>> -> memref<80xi32, #tpu.memory_space<hbm>>
        %dma_start3A_224 = arith.constant 0 : i32
        %dma_start3A_225 = tpu.memref_slice %arg6[%dma_start3A_219, %dma_start3A_224] : memref<4x80xi32, #tpu.memory_space<vmem>> -> memref<1x80xi32, #tpu.memory_space<vmem>>
        %dma_start3A_226 = tpu.memref_squeeze %dma_start3A_225 : memref<1x80xi32, #tpu.memory_space<vmem>> -> memref<80xi32, #tpu.memory_space<vmem>>
        %dma_start3A_227 = tpu.memref_slice %arg2[%add3A_218] : memref<320000xi32, #tpu.memory_space<hbm>> -> memref<80xi32, #tpu.memory_space<hbm>>
        tpu.enqueue_dma source(%dma_start3A_227 : memref<80xi32, #tpu.memory_space<hbm>>) target(%dma_start3A_226 : memref<80xi32, #tpu.memory_space<vmem>>) target_semaphore(%arg7 : memref<!tpu.dma_semaphore, #tpu.memory_space<semaphore_mem>>)
      } else {
      }
      %mul3A_189 = arith.constant 4 : i32
      %mul3A_190 = arith.muli %mul3A_189, %scan3A_120 : i32
      %add3A_191 = arith.constant 3 : i32
      %add3A_192 = arith.addi %mul3A_190, %add3A_191 : i32
      %dma_wait3A_193 = arith.constant 3 : i32
      %dma_wait3A_194 = arith.constant 0 : i32
      %dma_wait3A_195 = tpu.memref_slice %arg6[%dma_wait3A_193, %dma_wait3A_194] : memref<4x80xi32, #tpu.memory_space<vmem>> -> memref<1x80xi32, #tpu.memory_space<vmem>>
      %dma_wait3A_196 = tpu.memref_squeeze %dma_wait3A_195 : memref<1x80xi32, #tpu.memory_space<vmem>> -> memref<80xi32, #tpu.memory_space<vmem>>
      %dma_wait3A_197 = arith.constant 0 : i32
      %dma_wait3A_198 = tpu.memref_slice %arg2[%dma_wait3A_197] : memref<320000xi32, #tpu.memory_space<hbm>> -> memref<80xi32, #tpu.memory_space<hbm>>
      %dma_wait3A_199 = arith.constant 0 : i32
      %dma_wait3A_200 = tpu.memref_slice %arg6[%dma_wait3A_193, %dma_wait3A_199] : memref<4x80xi32, #tpu.memory_space<vmem>> -> memref<1x80xi32, #tpu.memory_space<vmem>>
      %dma_wait3A_201 = tpu.memref_squeeze %dma_wait3A_200 : memref<1x80xi32, #tpu.memory_space<vmem>> -> memref<80xi32, #tpu.memory_space<vmem>>
      %dma_wait3A_202 = arith.constant 0 : i32
      %dma_wait3A_203 = tpu.memref_slice %arg2[%dma_wait3A_202] : memref<320000xi32, #tpu.memory_space<hbm>> -> memref<80xi32, #tpu.memory_space<hbm>>
      tpu.wait_dma2 semaphore(%arg7 : memref<!tpu.dma_semaphore, #tpu.memory_space<semaphore_mem>>) src(%dma_wait3A_203 : memref<80xi32, #tpu.memory_space<hbm>>) dst(%dma_wait3A_201 : memref<80xi32, #tpu.memory_space<vmem>>)
      %run_scoped3A_204 = arith.constant 3 : i32
      "tpu.region"() ({
        %run_scoped3A_212 = tpu.sem_alloc : memref<!tpu.dma_semaphore, #tpu.memory_space<semaphore_mem>>
        %dma_start3A_213 = arith.constant 0 : i32
        %dma_start3A_214 = tpu.memref_slice %arg5[%dma_start3A_213] : memref<128xf32, #tpu.memory_space<vmem>> -> memref<80xf32, #tpu.memory_space<vmem>>
        %dma_start3A_215 = arith.constant 0 : i32
        %dma_start3A_216 = tpu.memref_slice %arg6[%run_scoped3A_204, %dma_start3A_215] : memref<4x80xi32, #tpu.memory_space<vmem>> -> memref<1x80xi32, #tpu.memory_space<vmem>>
        %dma_start3A_217 = tpu.memref_squeeze %dma_start3A_216 : memref<1x80xi32, #tpu.memory_space<vmem>> -> memref<80xi32, #tpu.memory_space<vmem>>
        %dma_start3A_218 = arith.constant 0 : i32
        %dma_start3A_219 = tpu.memref_slice %arg9[%dma_start3A_218] : memref<10000xf32, #tpu.memory_space<vmem_shared>> -> memref<10000xf32, #tpu.memory_space<vmem_shared>>
        tpu.enqueue_indirect_dma source(%dma_start3A_214 : memref<80xf32, #tpu.memory_space<vmem>>) target(%dma_start3A_219 : memref<10000xf32, #tpu.memory_space<vmem_shared>>) offsets(%dma_start3A_217 : memref<80xi32, #tpu.memory_space<vmem>>) semaphore(%run_scoped3A_212 : memref<!tpu.dma_semaphore, #tpu.memory_space<semaphore_mem>>) {add = true}
        %dma_wait3A_220 = arith.constant 0 : i32
        %dma_wait3A_221 = tpu.memref_slice %arg5[%dma_wait3A_220] : memref<128xf32, #tpu.memory_space<vmem>> -> memref<80xf32, #tpu.memory_space<vmem>>
        %dma_wait3A_222 = arith.constant 0 : i32
        %dma_wait3A_223 = tpu.memref_slice %arg6[%run_scoped3A_204, %dma_wait3A_222] : memref<4x80xi32, #tpu.memory_space<vmem>> -> memref<1x80xi32, #tpu.memory_space<vmem>>
        %dma_wait3A_224 = tpu.memref_squeeze %dma_wait3A_223 : memref<1x80xi32, #tpu.memory_space<vmem>> -> memref<80xi32, #tpu.memory_space<vmem>>
        %dma_wait3A_225 = arith.constant 0 : i32
        %dma_wait3A_226 = tpu.memref_slice %arg9[%dma_wait3A_225] : memref<10000xf32, #tpu.memory_space<vmem_shared>> -> memref<10000xf32, #tpu.memory_space<vmem_shared>>
        tpu.wait_indirect_dma semaphore(%run_scoped3A_212 : memref<!tpu.dma_semaphore, #tpu.memory_space<semaphore_mem>>) src(%dma_wait3A_221 : memref<80xf32, #tpu.memory_space<vmem>>) dst(%dma_wait3A_226 : memref<10000xf32, #tpu.memory_space<vmem_shared>>)
        tpu.yield
      }) : () -> ()
      %add3A_205 = arith.constant 4 : i32
      %add3A_206 = arith.addi %add3A_192, %add3A_205 : i32
      %lt3A_207 = arith.constant 125 : i32
      %lt3A_208 = arith.cmpi slt, %add3A_206, %lt3A_207 : i32
      %convert_element_type3A_209 = arith.extui %lt3A_208 : i1 to i32
      %cond3A_210 = arith.constant 0 : i32
      %cond3A_211 = arith.cmpi ne, %convert_element_type3A_209, %cond3A_210 : i32
      scf.if %cond3A_211 {
        %mul3A_212 = arith.constant 10000 : i32
        %mul3A_213 = arith.muli %add3A, %mul3A_212 : i32
        %add3A_214 = arith.constant 4 : i32
        %add3A_215 = arith.addi %add3A_192, %add3A_214 : i32
        %mul3A_216 = arith.constant 80 : i32
        %mul3A_217 = arith.muli %add3A_215, %mul3A_216 : i32
        %add3A_218 = arith.addi %mul3A_213, %mul3A_217 : i32
        %dma_start3A_219 = arith.constant 3 : i32
        %dma_start3A_220 = arith.constant 0 : i32
        %dma_start3A_221 = tpu.memref_slice %arg6[%dma_start3A_219, %dma_start3A_220] : memref<4x80xi32, #tpu.memory_space<vmem>> -> memref<1x80xi32, #tpu.memory_space<vmem>>
        %dma_start3A_222 = tpu.memref_squeeze %dma_start3A_221 : memref<1x80xi32, #tpu.memory_space<vmem>> -> memref<80xi32, #tpu.memory_space<vmem>>
        %dma_start3A_223 = tpu.memref_slice %arg2[%add3A_218] : memref<320000xi32, #tpu.memory_space<hbm>> -> memref<80xi32, #tpu.memory_space<hbm>>
        %dma_start3A_224 = arith.constant 0 : i32
        %dma_start3A_225 = tpu.memref_slice %arg6[%dma_start3A_219, %dma_start3A_224] : memref<4x80xi32, #tpu.memory_space<vmem>> -> memref<1x80xi32, #tpu.memory_space<vmem>>
        %dma_start3A_226 = tpu.memref_squeeze %dma_start3A_225 : memref<1x80xi32, #tpu.memory_space<vmem>> -> memref<80xi32, #tpu.memory_space<vmem>>
        %dma_start3A_227 = tpu.memref_slice %arg2[%add3A_218] : memref<320000xi32, #tpu.memory_space<hbm>> -> memref<80xi32, #tpu.memory_space<hbm>>
        tpu.enqueue_dma source(%dma_start3A_227 : memref<80xi32, #tpu.memory_space<hbm>>) target(%dma_start3A_226 : memref<80xi32, #tpu.memory_space<vmem>>) target_semaphore(%arg7 : memref<!tpu.dma_semaphore, #tpu.memory_space<semaphore_mem>>)
      } else {
      }
    }
    %scan3A_103 = arith.constant 31 : i32
    %dma_wait3A = arith.constant 0 : i32
    %dma_wait3A_104 = arith.constant 0 : i32
    %dma_wait3A_105 = tpu.memref_slice %arg6[%dma_wait3A, %dma_wait3A_104] : memref<4x80xi32, #tpu.memory_space<vmem>> -> memref<1x80xi32, #tpu.memory_space<vmem>>
    %dma_wait3A_106 = tpu.memref_squeeze %dma_wait3A_105 : memref<1x80xi32, #tpu.memory_space<vmem>> -> memref<80xi32, #tpu.memory_space<vmem>>
    %dma_wait3A_107 = arith.constant 0 : i32
    %dma_wait3A_108 = tpu.memref_slice %arg2[%dma_wait3A_107] : memref<320000xi32, #tpu.memory_space<hbm>> -> memref<80xi32, #tpu.memory_space<hbm>>
    %dma_wait3A_109 = arith.constant 0 : i32
    %dma_wait3A_110 = tpu.memref_slice %arg6[%dma_wait3A, %dma_wait3A_109] : memref<4x80xi32, #tpu.memory_space<vmem>> -> memref<1x80xi32, #tpu.memory_space<vmem>>
    %dma_wait3A_111 = tpu.memref_squeeze %dma_wait3A_110 : memref<1x80xi32, #tpu.memory_space<vmem>> -> memref<80xi32, #tpu.memory_space<vmem>>
    %dma_wait3A_112 = arith.constant 0 : i32
    %dma_wait3A_113 = tpu.memref_slice %arg2[%dma_wait3A_112] : memref<320000xi32, #tpu.memory_space<hbm>> -> memref<80xi32, #tpu.memory_space<hbm>>
    tpu.wait_dma2 semaphore(%arg7 : memref<!tpu.dma_semaphore, #tpu.memory_space<semaphore_mem>>) src(%dma_wait3A_113 : memref<80xi32, #tpu.memory_space<hbm>>) dst(%dma_wait3A_111 : memref<80xi32, #tpu.memory_space<vmem>>)
    %run_scoped3A = arith.constant 0 : i32
    "tpu.region"() ({
      %run_scoped3A_120 = tpu.sem_alloc : memref<!tpu.dma_semaphore, #tpu.memory_space<semaphore_mem>>
      %dma_start3A_121 = arith.constant 0 : i32
      %dma_start3A_122 = tpu.memref_slice %arg5[%dma_start3A_121] : memref<128xf32, #tpu.memory_space<vmem>> -> memref<80xf32, #tpu.memory_space<vmem>>
      %dma_start3A_123 = arith.constant 0 : i32
      %dma_start3A_124 = tpu.memref_slice %arg6[%run_scoped3A, %dma_start3A_123] : memref<4x80xi32, #tpu.memory_space<vmem>> -> memref<1x80xi32, #tpu.memory_space<vmem>>
      %dma_start3A_125 = tpu.memref_squeeze %dma_start3A_124 : memref<1x80xi32, #tpu.memory_space<vmem>> -> memref<80xi32, #tpu.memory_space<vmem>>
      %dma_start3A_126 = arith.constant 0 : i32
      %dma_start3A_127 = tpu.memref_slice %arg9[%dma_start3A_126] : memref<10000xf32, #tpu.memory_space<vmem_shared>> -> memref<10000xf32, #tpu.memory_space<vmem_shared>>
      tpu.enqueue_indirect_dma source(%dma_start3A_122 : memref<80xf32, #tpu.memory_space<vmem>>) target(%dma_start3A_127 : memref<10000xf32, #tpu.memory_space<vmem_shared>>) offsets(%dma_start3A_125 : memref<80xi32, #tpu.memory_space<vmem>>) semaphore(%run_scoped3A_120 : memref<!tpu.dma_semaphore, #tpu.memory_space<semaphore_mem>>) {add = true}
      %dma_wait3A_128 = arith.constant 0 : i32
      %dma_wait3A_129 = tpu.memref_slice %arg5[%dma_wait3A_128] : memref<128xf32, #tpu.memory_space<vmem>> -> memref<80xf32, #tpu.memory_space<vmem>>
      %dma_wait3A_130 = arith.constant 0 : i32
      %dma_wait3A_131 = tpu.memref_slice %arg6[%run_scoped3A, %dma_wait3A_130] : memref<4x80xi32, #tpu.memory_space<vmem>> -> memref<1x80xi32, #tpu.memory_space<vmem>>
      %dma_wait3A_132 = tpu.memref_squeeze %dma_wait3A_131 : memref<1x80xi32, #tpu.memory_space<vmem>> -> memref<80xi32, #tpu.memory_space<vmem>>
      %dma_wait3A_133 = arith.constant 0 : i32
      %dma_wait3A_134 = tpu.memref_slice %arg9[%dma_wait3A_133] : memref<10000xf32, #tpu.memory_space<vmem_shared>> -> memref<10000xf32, #tpu.memory_space<vmem_shared>>
      tpu.wait_indirect_dma semaphore(%run_scoped3A_120 : memref<!tpu.dma_semaphore, #tpu.memory_space<semaphore_mem>>) src(%dma_wait3A_129 : memref<80xf32, #tpu.memory_space<vmem>>) dst(%dma_wait3A_134 : memref<10000xf32, #tpu.memory_space<vmem_shared>>)
      tpu.yield
    }) : () -> ()
    %barrier3A_114 = arith.constant 0 : index
    tpu.barrier barrier_id(%barrier3A_114)
    %eq3A_115 = arith.constant 0 : i32
    %eq3A_116 = arith.cmpi eq, %arg1, %eq3A_115 : i32
    %convert_element_type3A_117 = arith.extui %eq3A_116 : i1 to i32
    %cond3A_118 = arith.constant 0 : i32
    %cond3A_119 = arith.cmpi ne, %convert_element_type3A_117, %cond3A_118 : i32
    scf.if %cond3A_119 {
      "tpu.region"() ({
        %run_scoped3A_122 = tpu.sem_alloc : memref<!tpu.dma_semaphore, #tpu.memory_space<semaphore_mem>>
        tpu.enqueue_dma source(%arg9 : memref<10000xf32, #tpu.memory_space<vmem_shared>>) target(%arg8 : memref<10000xf32, #tpu.memory_space<vmem>>) target_semaphore(%run_scoped3A_122 : memref<!tpu.dma_semaphore, #tpu.memory_space<semaphore_mem>>)
        tpu.wait_dma2 semaphore(%run_scoped3A_122 : memref<!tpu.dma_semaphore, #tpu.memory_space<semaphore_mem>>) src(%arg9 : memref<10000xf32, #tpu.memory_space<vmem_shared>>) dst(%arg8 : memref<10000xf32, #tpu.memory_space<vmem>>)
        tpu.yield
      }) : () -> ()
      %mul3A_120 = arith.constant 10000 : i32
      %mul3A_121 = arith.muli %arg0, %mul3A_120 : i32
      "tpu.region"() ({
        %run_scoped3A_122 = tpu.sem_alloc : memref<!tpu.dma_semaphore, #tpu.memory_space<semaphore_mem>>
        %dma_start3A_123 = tpu.memref_slice %arg3[%mul3A_121] : memref<20000xf32, #tpu.memory_space<hbm>> -> memref<10000xf32, #tpu.memory_space<hbm>>
        %dma_start3A_124 = tpu.memref_slice %arg3[%mul3A_121] : memref<20000xf32, #tpu.memory_space<hbm>> -> memref<10000xf32, #tpu.memory_space<hbm>>
        tpu.enqueue_dma source(%arg8 : memref<10000xf32, #tpu.memory_space<vmem>>) target(%dma_start3A_124 : memref<10000xf32, #tpu.memory_space<hbm>>) target_semaphore(%run_scoped3A_122 : memref<!tpu.dma_semaphore, #tpu.memory_space<semaphore_mem>>)
        %dma_wait3A_125 = tpu.memref_slice %arg3[%mul3A_121] : memref<20000xf32, #tpu.memory_space<hbm>> -> memref<10000xf32, #tpu.memory_space<hbm>>
        %dma_wait3A_126 = tpu.memref_slice %arg3[%mul3A_121] : memref<20000xf32, #tpu.memory_space<hbm>> -> memref<10000xf32, #tpu.memory_space<hbm>>
        tpu.wait_dma2 semaphore(%run_scoped3A_122 : memref<!tpu.dma_semaphore, #tpu.memory_space<semaphore_mem>>) src(%arg8 : memref<10000xf32, #tpu.memory_space<vmem>>) dst(%dma_wait3A_126 : memref<10000xf32, #tpu.memory_space<hbm>>)
        tpu.yield
      }) : () -> ()
    } else {
    }
    return
  }
}

#map = affine_map<(d0, d1) -> (0, 0)>
#map1 = affine_map<(d0, d1) -> (0)>
#map2 = affine_map<(d0, d1) -> (0, 0, 0)>
module attributes {stable_mosaic.version = 14 : i64} {
  func.func @scat_kernel(%arg0: i32, %arg1: i32, %arg2: memref<10000x128xf32, #tpu.memory_space<hbm>>, %arg3: memref<320000xi32, #tpu.memory_space<hbm>>, %arg4: memref<320000xi32, #tpu.memory_space<hbm>>, %arg5: memref<2x10000x128xf32, #tpu.memory_space<hbm>>, %arg6: memref<320x128xf32, #tpu.memory_space<vmem>>, %arg7: memref<4x80xi32, #tpu.memory_space<vmem>>, %arg8: memref<4x80xi32, #tpu.memory_space<vmem>>, %arg9: memref<!tpu.dma_semaphore, #tpu.memory_space<semaphore_mem>>, %arg10: memref<!tpu.dma_semaphore, #tpu.memory_space<semaphore_mem>>, %arg11: memref<!tpu.dma_semaphore, #tpu.memory_space<semaphore_mem>>, %arg12: memref<!tpu.dma_semaphore, #tpu.memory_space<semaphore_mem>>, %arg13: memref<!tpu.dma_semaphore, #tpu.memory_space<semaphore_mem>>, %arg14: memref<!tpu.dma_semaphore, #tpu.memory_space<semaphore_mem>>, %arg15: memref<!tpu.dma_semaphore, #tpu.memory_space<semaphore_mem>>, %arg16: memref<!tpu.dma_semaphore, #tpu.memory_space<semaphore_mem>>, %arg17: memref<!tpu.dma_semaphore, #tpu.memory_space<semaphore_mem>>, %arg18: memref<10000x128xf32, #tpu.memory_space<vmem_shared>>) attributes {dimension_semantics = [#tpu.dimension_semantics<core_parallel>, #tpu.dimension_semantics<subcore_parallel>], iteration_bounds = array<i64: 2, 16>, scalar_prefetch = 0 : i64, scratch_operands = 13 : i64, tpu.core_type = #tpu.core_type<sc_vector_subcore>, window_params = [{transform_indices = #map}, {transform_indices = #map1}, {transform_indices = #map1}, {transform_indices = #map2}]} {
    %mul3A = arith.constant 16 : i32
    %mul3A_0 = arith.muli %arg0, %mul3A : i32
    %add3A = arith.addi %mul3A_0, %arg1 : i32
    %scan3A = arith.constant 0 : i32
    %scan3A_1 = arith.constant 200 : i32
    %scan3A_2 = arith.addi %scan3A, %scan3A_1 : i32
    %scan3A_3 = arith.constant 1 : i32
    scf.for %scan3A_338 = %scan3A to %scan3A_2 step %scan3A_3  : i32 {
      %broadcast_in_dim3A = arith.constant 0.000000e+00 : f32
      %broadcast_in_dim3A_339 = vector.broadcast %broadcast_in_dim3A : f32 to vector<16xf32>
      %swap3A = arith.index_cast %scan3A_338 : i32 to index
      %swap3A_340 = arith.constant 0 : index
      %swap3A_341 = tpu.vector_load %arg6[%swap3A, %swap3A_340] {strides = array<i32>} : memref<320x128xf32, #tpu.memory_space<vmem>>, vector<1x16xf32>,
      %swap3A_342 = vector.shape_cast %swap3A_341 : vector<1x16xf32> to vector<16xf32>
      %swap3A_343 = vector.shape_cast %broadcast_in_dim3A_339 : vector<16xf32> to vector<1x16xf32>
      tpu.vector_store %arg6[%swap3A, %swap3A_340], %swap3A_343 {strides = array<i32>} : memref<320x128xf32, #tpu.memory_space<vmem>>, vector<1x16xf32>,
      %broadcast_in_dim3A_344 = arith.constant 0.000000e+00 : f32
      %broadcast_in_dim3A_345 = vector.broadcast %broadcast_in_dim3A_344 : f32 to vector<16xf32>
      %swap3A_346 = arith.index_cast %scan3A_338 : i32 to index
      %swap3A_347 = arith.constant 16 : index
      %swap3A_348 = tpu.vector_load %arg6[%swap3A_346, %swap3A_347] {strides = array<i32>} : memref<320x128xf32, #tpu.memory_space<vmem>>, vector<1x16xf32>,
      %swap3A_349 = vector.shape_cast %swap3A_348 : vector<1x16xf32> to vector<16xf32>
      %swap3A_350 = vector.shape_cast %broadcast_in_dim3A_345 : vector<16xf32> to vector<1x16xf32>
      tpu.vector_store %arg6[%swap3A_346, %swap3A_347], %swap3A_350 {strides = array<i32>} : memref<320x128xf32, #tpu.memory_space<vmem>>, vector<1x16xf32>,
      %broadcast_in_dim3A_351 = arith.constant 0.000000e+00 : f32
      %broadcast_in_dim3A_352 = vector.broadcast %broadcast_in_dim3A_351 : f32 to vector<16xf32>
      %swap3A_353 = arith.index_cast %scan3A_338 : i32 to index
      %swap3A_354 = arith.constant 32 : index
      %swap3A_355 = tpu.vector_load %arg6[%swap3A_353, %swap3A_354] {strides = array<i32>} : memref<320x128xf32, #tpu.memory_space<vmem>>, vector<1x16xf32>,
      %swap3A_356 = vector.shape_cast %swap3A_355 : vector<1x16xf32> to vector<16xf32>
      %swap3A_357 = vector.shape_cast %broadcast_in_dim3A_352 : vector<16xf32> to vector<1x16xf32>
      tpu.vector_store %arg6[%swap3A_353, %swap3A_354], %swap3A_357 {strides = array<i32>} : memref<320x128xf32, #tpu.memory_space<vmem>>, vector<1x16xf32>,
      %broadcast_in_dim3A_358 = arith.constant 0.000000e+00 : f32
      %broadcast_in_dim3A_359 = vector.broadcast %broadcast_in_dim3A_358 : f32 to vector<16xf32>
      %swap3A_360 = arith.index_cast %scan3A_338 : i32 to index
      %swap3A_361 = arith.constant 48 : index
      %swap3A_362 = tpu.vector_load %arg6[%swap3A_360, %swap3A_361] {strides = array<i32>} : memref<320x128xf32, #tpu.memory_space<vmem>>, vector<1x16xf32>,
      %swap3A_363 = vector.shape_cast %swap3A_362 : vector<1x16xf32> to vector<16xf32>
      %swap3A_364 = vector.shape_cast %broadcast_in_dim3A_359 : vector<16xf32> to vector<1x16xf32>
      tpu.vector_store %arg6[%swap3A_360, %swap3A_361], %swap3A_364 {strides = array<i32>} : memref<320x128xf32, #tpu.memory_space<vmem>>, vector<1x16xf32>,
      %broadcast_in_dim3A_365 = arith.constant 0.000000e+00 : f32
      %broadcast_in_dim3A_366 = vector.broadcast %broadcast_in_dim3A_365 : f32 to vector<16xf32>
      %swap3A_367 = arith.index_cast %scan3A_338 : i32 to index
      %swap3A_368 = arith.constant 64 : index
      %swap3A_369 = tpu.vector_load %arg6[%swap3A_367, %swap3A_368] {strides = array<i32>} : memref<320x128xf32, #tpu.memory_space<vmem>>, vector<1x16xf32>,
      %swap3A_370 = vector.shape_cast %swap3A_369 : vector<1x16xf32> to vector<16xf32>
      %swap3A_371 = vector.shape_cast %broadcast_in_dim3A_366 : vector<16xf32> to vector<1x16xf32>
      tpu.vector_store %arg6[%swap3A_367, %swap3A_368], %swap3A_371 {strides = array<i32>} : memref<320x128xf32, #tpu.memory_space<vmem>>, vector<1x16xf32>,
      %broadcast_in_dim3A_372 = arith.constant 0.000000e+00 : f32
      %broadcast_in_dim3A_373 = vector.broadcast %broadcast_in_dim3A_372 : f32 to vector<16xf32>
      %swap3A_374 = arith.index_cast %scan3A_338 : i32 to index
      %swap3A_375 = arith.constant 80 : index
      %swap3A_376 = tpu.vector_load %arg6[%swap3A_374, %swap3A_375] {strides = array<i32>} : memref<320x128xf32, #tpu.memory_space<vmem>>, vector<1x16xf32>,
      %swap3A_377 = vector.shape_cast %swap3A_376 : vector<1x16xf32> to vector<16xf32>
      %swap3A_378 = vector.shape_cast %broadcast_in_dim3A_373 : vector<16xf32> to vector<1x16xf32>
      tpu.vector_store %arg6[%swap3A_374, %swap3A_375], %swap3A_378 {strides = array<i32>} : memref<320x128xf32, #tpu.memory_space<vmem>>, vector<1x16xf32>,
      %broadcast_in_dim3A_379 = arith.constant 0.000000e+00 : f32
      %broadcast_in_dim3A_380 = vector.broadcast %broadcast_in_dim3A_379 : f32 to vector<16xf32>
      %swap3A_381 = arith.index_cast %scan3A_338 : i32 to index
      %swap3A_382 = arith.constant 96 : index
      %swap3A_383 = tpu.vector_load %arg6[%swap3A_381, %swap3A_382] {strides = array<i32>} : memref<320x128xf32, #tpu.memory_space<vmem>>, vector<1x16xf32>,
      %swap3A_384 = vector.shape_cast %swap3A_383 : vector<1x16xf32> to vector<16xf32>
      %swap3A_385 = vector.shape_cast %broadcast_in_dim3A_380 : vector<16xf32> to vector<1x16xf32>
      tpu.vector_store %arg6[%swap3A_381, %swap3A_382], %swap3A_385 {strides = array<i32>} : memref<320x128xf32, #tpu.memory_space<vmem>>, vector<1x16xf32>,
      %broadcast_in_dim3A_386 = arith.constant 0.000000e+00 : f32
      %broadcast_in_dim3A_387 = vector.broadcast %broadcast_in_dim3A_386 : f32 to vector<16xf32>
      %swap3A_388 = arith.index_cast %scan3A_338 : i32 to index
      %swap3A_389 = arith.constant 112 : index
      %swap3A_390 = tpu.vector_load %arg6[%swap3A_388, %swap3A_389] {strides = array<i32>} : memref<320x128xf32, #tpu.memory_space<vmem>>, vector<1x16xf32>,
      %swap3A_391 = vector.shape_cast %swap3A_390 : vector<1x16xf32> to vector<16xf32>
      %swap3A_392 = vector.shape_cast %broadcast_in_dim3A_387 : vector<16xf32> to vector<1x16xf32>
      tpu.vector_store %arg6[%swap3A_388, %swap3A_389], %swap3A_392 {strides = array<i32>} : memref<320x128xf32, #tpu.memory_space<vmem>>, vector<1x16xf32>,
    }
    %scan3A_4 = arith.constant 200 : i32
    %add3A_5 = arith.constant 0 : i32
    %add3A_6 = arith.addi %arg1, %add3A_5 : i32
    %lt3A = arith.constant 50 : i32
    %lt3A_7 = arith.cmpi slt, %add3A_6, %lt3A : i32
    %convert_element_type3A = arith.extui %lt3A_7 : i1 to i32
    %cond3A = arith.constant 0 : i32
    %cond3A_8 = arith.cmpi ne, %convert_element_type3A, %cond3A : i32
    scf.if %cond3A_8 {
      %mul3A_338 = arith.constant 200 : i32
      %mul3A_339 = arith.muli %add3A_6, %mul3A_338 : i32
      "tpu.region"() ({
        %run_scoped3A = tpu.sem_alloc : memref<!tpu.dma_semaphore, #tpu.memory_space<semaphore_mem>>
        %dma_start3A_340 = arith.constant 0 : i32
        %dma_start3A_341 = arith.constant 0 : i32
        %dma_start3A_342 = tpu.memref_slice %arg6[%dma_start3A_340, %dma_start3A_341] : memref<320x128xf32, #tpu.memory_space<vmem>> -> memref<200x128xf32, #tpu.memory_space<vmem>>
        %dma_start3A_343 = arith.constant 0 : i32
        %dma_start3A_344 = tpu.memref_slice %arg18[%mul3A_339, %dma_start3A_343] : memref<10000x128xf32, #tpu.memory_space<vmem_shared>> -> memref<200x128xf32, #tpu.memory_space<vmem_shared>>
        %dma_start3A_345 = arith.constant 0 : i32
        %dma_start3A_346 = tpu.memref_slice %arg18[%mul3A_339, %dma_start3A_345] : memref<10000x128xf32, #tpu.memory_space<vmem_shared>> -> memref<200x128xf32, #tpu.memory_space<vmem_shared>>
        %dma_start3A_347 = arith.constant 0 : i32
        %dma_start3A_348 = arith.constant 0 : i32
        %dma_start3A_349 = tpu.memref_slice %arg6[%dma_start3A_347, %dma_start3A_348] : memref<320x128xf32, #tpu.memory_space<vmem>> -> memref<200x128xf32, #tpu.memory_space<vmem>>
        tpu.enqueue_dma source(%dma_start3A_349 : memref<200x128xf32, #tpu.memory_space<vmem>>) target(%dma_start3A_346 : memref<200x128xf32, #tpu.memory_space<vmem_shared>>) target_semaphore(%run_scoped3A : memref<!tpu.dma_semaphore, #tpu.memory_space<semaphore_mem>>)
        %dma_wait3A_350 = arith.constant 0 : i32
        %dma_wait3A_351 = arith.constant 0 : i32
        %dma_wait3A_352 = tpu.memref_slice %arg6[%dma_wait3A_350, %dma_wait3A_351] : memref<320x128xf32, #tpu.memory_space<vmem>> -> memref<200x128xf32, #tpu.memory_space<vmem>>
        %dma_wait3A_353 = arith.constant 0 : i32
        %dma_wait3A_354 = tpu.memref_slice %arg18[%mul3A_339, %dma_wait3A_353] : memref<10000x128xf32, #tpu.memory_space<vmem_shared>> -> memref<200x128xf32, #tpu.memory_space<vmem_shared>>
        %dma_wait3A_355 = arith.constant 0 : i32
        %dma_wait3A_356 = tpu.memref_slice %arg18[%mul3A_339, %dma_wait3A_355] : memref<10000x128xf32, #tpu.memory_space<vmem_shared>> -> memref<200x128xf32, #tpu.memory_space<vmem_shared>>
        %dma_wait3A_357 = arith.constant 0 : i32
        %dma_wait3A_358 = arith.constant 0 : i32
        %dma_wait3A_359 = tpu.memref_slice %arg6[%dma_wait3A_357, %dma_wait3A_358] : memref<320x128xf32, #tpu.memory_space<vmem>> -> memref<200x128xf32, #tpu.memory_space<vmem>>
        tpu.wait_dma2 semaphore(%run_scoped3A : memref<!tpu.dma_semaphore, #tpu.memory_space<semaphore_mem>>) src(%dma_wait3A_359 : memref<200x128xf32, #tpu.memory_space<vmem>>) dst(%dma_wait3A_356 : memref<200x128xf32, #tpu.memory_space<vmem_shared>>)
        tpu.yield
      }) : () -> ()
    } else {
    }
    %add3A_9 = arith.constant 16 : i32
    %add3A_10 = arith.addi %arg1, %add3A_9 : i32
    %lt3A_11 = arith.constant 50 : i32
    %lt3A_12 = arith.cmpi slt, %add3A_10, %lt3A_11 : i32
    %convert_element_type3A_13 = arith.extui %lt3A_12 : i1 to i32
    %cond3A_14 = arith.constant 0 : i32
    %cond3A_15 = arith.cmpi ne, %convert_element_type3A_13, %cond3A_14 : i32
    scf.if %cond3A_15 {
      %mul3A_338 = arith.constant 200 : i32
      %mul3A_339 = arith.muli %add3A_10, %mul3A_338 : i32
      "tpu.region"() ({
        %run_scoped3A = tpu.sem_alloc : memref<!tpu.dma_semaphore, #tpu.memory_space<semaphore_mem>>
        %dma_start3A_340 = arith.constant 0 : i32
        %dma_start3A_341 = arith.constant 0 : i32
        %dma_start3A_342 = tpu.memref_slice %arg6[%dma_start3A_340, %dma_start3A_341] : memref<320x128xf32, #tpu.memory_space<vmem>> -> memref<200x128xf32, #tpu.memory_space<vmem>>
        %dma_start3A_343 = arith.constant 0 : i32
        %dma_start3A_344 = tpu.memref_slice %arg18[%mul3A_339, %dma_start3A_343] : memref<10000x128xf32, #tpu.memory_space<vmem_shared>> -> memref<200x128xf32, #tpu.memory_space<vmem_shared>>
        %dma_start3A_345 = arith.constant 0 : i32
        %dma_start3A_346 = tpu.memref_slice %arg18[%mul3A_339, %dma_start3A_345] : memref<10000x128xf32, #tpu.memory_space<vmem_shared>> -> memref<200x128xf32, #tpu.memory_space<vmem_shared>>
        %dma_start3A_347 = arith.constant 0 : i32
        %dma_start3A_348 = arith.constant 0 : i32
        %dma_start3A_349 = tpu.memref_slice %arg6[%dma_start3A_347, %dma_start3A_348] : memref<320x128xf32, #tpu.memory_space<vmem>> -> memref<200x128xf32, #tpu.memory_space<vmem>>
        tpu.enqueue_dma source(%dma_start3A_349 : memref<200x128xf32, #tpu.memory_space<vmem>>) target(%dma_start3A_346 : memref<200x128xf32, #tpu.memory_space<vmem_shared>>) target_semaphore(%run_scoped3A : memref<!tpu.dma_semaphore, #tpu.memory_space<semaphore_mem>>)
        %dma_wait3A_350 = arith.constant 0 : i32
        %dma_wait3A_351 = arith.constant 0 : i32
        %dma_wait3A_352 = tpu.memref_slice %arg6[%dma_wait3A_350, %dma_wait3A_351] : memref<320x128xf32, #tpu.memory_space<vmem>> -> memref<200x128xf32, #tpu.memory_space<vmem>>
        %dma_wait3A_353 = arith.constant 0 : i32
        %dma_wait3A_354 = tpu.memref_slice %arg18[%mul3A_339, %dma_wait3A_353] : memref<10000x128xf32, #tpu.memory_space<vmem_shared>> -> memref<200x128xf32, #tpu.memory_space<vmem_shared>>
        %dma_wait3A_355 = arith.constant 0 : i32
        %dma_wait3A_356 = tpu.memref_slice %arg18[%mul3A_339, %dma_wait3A_355] : memref<10000x128xf32, #tpu.memory_space<vmem_shared>> -> memref<200x128xf32, #tpu.memory_space<vmem_shared>>
        %dma_wait3A_357 = arith.constant 0 : i32
        %dma_wait3A_358 = arith.constant 0 : i32
        %dma_wait3A_359 = tpu.memref_slice %arg6[%dma_wait3A_357, %dma_wait3A_358] : memref<320x128xf32, #tpu.memory_space<vmem>> -> memref<200x128xf32, #tpu.memory_space<vmem>>
        tpu.wait_dma2 semaphore(%run_scoped3A : memref<!tpu.dma_semaphore, #tpu.memory_space<semaphore_mem>>) src(%dma_wait3A_359 : memref<200x128xf32, #tpu.memory_space<vmem>>) dst(%dma_wait3A_356 : memref<200x128xf32, #tpu.memory_space<vmem_shared>>)
        tpu.yield
      }) : () -> ()
    } else {
    }
    %add3A_16 = arith.constant 32 : i32
    %add3A_17 = arith.addi %arg1, %add3A_16 : i32
    %lt3A_18 = arith.constant 50 : i32
    %lt3A_19 = arith.cmpi slt, %add3A_17, %lt3A_18 : i32
    %convert_element_type3A_20 = arith.extui %lt3A_19 : i1 to i32
    %cond3A_21 = arith.constant 0 : i32
    %cond3A_22 = arith.cmpi ne, %convert_element_type3A_20, %cond3A_21 : i32
    scf.if %cond3A_22 {
      %mul3A_338 = arith.constant 200 : i32
      %mul3A_339 = arith.muli %add3A_17, %mul3A_338 : i32
      "tpu.region"() ({
        %run_scoped3A = tpu.sem_alloc : memref<!tpu.dma_semaphore, #tpu.memory_space<semaphore_mem>>
        %dma_start3A_340 = arith.constant 0 : i32
        %dma_start3A_341 = arith.constant 0 : i32
        %dma_start3A_342 = tpu.memref_slice %arg6[%dma_start3A_340, %dma_start3A_341] : memref<320x128xf32, #tpu.memory_space<vmem>> -> memref<200x128xf32, #tpu.memory_space<vmem>>
        %dma_start3A_343 = arith.constant 0 : i32
        %dma_start3A_344 = tpu.memref_slice %arg18[%mul3A_339, %dma_start3A_343] : memref<10000x128xf32, #tpu.memory_space<vmem_shared>> -> memref<200x128xf32, #tpu.memory_space<vmem_shared>>
        %dma_start3A_345 = arith.constant 0 : i32
        %dma_start3A_346 = tpu.memref_slice %arg18[%mul3A_339, %dma_start3A_345] : memref<10000x128xf32, #tpu.memory_space<vmem_shared>> -> memref<200x128xf32, #tpu.memory_space<vmem_shared>>
        %dma_start3A_347 = arith.constant 0 : i32
        %dma_start3A_348 = arith.constant 0 : i32
        %dma_start3A_349 = tpu.memref_slice %arg6[%dma_start3A_347, %dma_start3A_348] : memref<320x128xf32, #tpu.memory_space<vmem>> -> memref<200x128xf32, #tpu.memory_space<vmem>>
        tpu.enqueue_dma source(%dma_start3A_349 : memref<200x128xf32, #tpu.memory_space<vmem>>) target(%dma_start3A_346 : memref<200x128xf32, #tpu.memory_space<vmem_shared>>) target_semaphore(%run_scoped3A : memref<!tpu.dma_semaphore, #tpu.memory_space<semaphore_mem>>)
        %dma_wait3A_350 = arith.constant 0 : i32
        %dma_wait3A_351 = arith.constant 0 : i32
        %dma_wait3A_352 = tpu.memref_slice %arg6[%dma_wait3A_350, %dma_wait3A_351] : memref<320x128xf32, #tpu.memory_space<vmem>> -> memref<200x128xf32, #tpu.memory_space<vmem>>
        %dma_wait3A_353 = arith.constant 0 : i32
        %dma_wait3A_354 = tpu.memref_slice %arg18[%mul3A_339, %dma_wait3A_353] : memref<10000x128xf32, #tpu.memory_space<vmem_shared>> -> memref<200x128xf32, #tpu.memory_space<vmem_shared>>
        %dma_wait3A_355 = arith.constant 0 : i32
        %dma_wait3A_356 = tpu.memref_slice %arg18[%mul3A_339, %dma_wait3A_355] : memref<10000x128xf32, #tpu.memory_space<vmem_shared>> -> memref<200x128xf32, #tpu.memory_space<vmem_shared>>
        %dma_wait3A_357 = arith.constant 0 : i32
        %dma_wait3A_358 = arith.constant 0 : i32
        %dma_wait3A_359 = tpu.memref_slice %arg6[%dma_wait3A_357, %dma_wait3A_358] : memref<320x128xf32, #tpu.memory_space<vmem>> -> memref<200x128xf32, #tpu.memory_space<vmem>>
        tpu.wait_dma2 semaphore(%run_scoped3A : memref<!tpu.dma_semaphore, #tpu.memory_space<semaphore_mem>>) src(%dma_wait3A_359 : memref<200x128xf32, #tpu.memory_space<vmem>>) dst(%dma_wait3A_356 : memref<200x128xf32, #tpu.memory_space<vmem_shared>>)
        tpu.yield
      }) : () -> ()
    } else {
    }
    %add3A_23 = arith.constant 48 : i32
    %add3A_24 = arith.addi %arg1, %add3A_23 : i32
    %lt3A_25 = arith.constant 50 : i32
    %lt3A_26 = arith.cmpi slt, %add3A_24, %lt3A_25 : i32
    %convert_element_type3A_27 = arith.extui %lt3A_26 : i1 to i32
    %cond3A_28 = arith.constant 0 : i32
    %cond3A_29 = arith.cmpi ne, %convert_element_type3A_27, %cond3A_28 : i32
    scf.if %cond3A_29 {
      %mul3A_338 = arith.constant 200 : i32
      %mul3A_339 = arith.muli %add3A_24, %mul3A_338 : i32
      "tpu.region"() ({
        %run_scoped3A = tpu.sem_alloc : memref<!tpu.dma_semaphore, #tpu.memory_space<semaphore_mem>>
        %dma_start3A_340 = arith.constant 0 : i32
        %dma_start3A_341 = arith.constant 0 : i32
        %dma_start3A_342 = tpu.memref_slice %arg6[%dma_start3A_340, %dma_start3A_341] : memref<320x128xf32, #tpu.memory_space<vmem>> -> memref<200x128xf32, #tpu.memory_space<vmem>>
        %dma_start3A_343 = arith.constant 0 : i32
        %dma_start3A_344 = tpu.memref_slice %arg18[%mul3A_339, %dma_start3A_343] : memref<10000x128xf32, #tpu.memory_space<vmem_shared>> -> memref<200x128xf32, #tpu.memory_space<vmem_shared>>
        %dma_start3A_345 = arith.constant 0 : i32
        %dma_start3A_346 = tpu.memref_slice %arg18[%mul3A_339, %dma_start3A_345] : memref<10000x128xf32, #tpu.memory_space<vmem_shared>> -> memref<200x128xf32, #tpu.memory_space<vmem_shared>>
        %dma_start3A_347 = arith.constant 0 : i32
        %dma_start3A_348 = arith.constant 0 : i32
        %dma_start3A_349 = tpu.memref_slice %arg6[%dma_start3A_347, %dma_start3A_348] : memref<320x128xf32, #tpu.memory_space<vmem>> -> memref<200x128xf32, #tpu.memory_space<vmem>>
        tpu.enqueue_dma source(%dma_start3A_349 : memref<200x128xf32, #tpu.memory_space<vmem>>) target(%dma_start3A_346 : memref<200x128xf32, #tpu.memory_space<vmem_shared>>) target_semaphore(%run_scoped3A : memref<!tpu.dma_semaphore, #tpu.memory_space<semaphore_mem>>)
        %dma_wait3A_350 = arith.constant 0 : i32
        %dma_wait3A_351 = arith.constant 0 : i32
        %dma_wait3A_352 = tpu.memref_slice %arg6[%dma_wait3A_350, %dma_wait3A_351] : memref<320x128xf32, #tpu.memory_space<vmem>> -> memref<200x128xf32, #tpu.memory_space<vmem>>
        %dma_wait3A_353 = arith.constant 0 : i32
        %dma_wait3A_354 = tpu.memref_slice %arg18[%mul3A_339, %dma_wait3A_353] : memref<10000x128xf32, #tpu.memory_space<vmem_shared>> -> memref<200x128xf32, #tpu.memory_space<vmem_shared>>
        %dma_wait3A_355 = arith.constant 0 : i32
        %dma_wait3A_356 = tpu.memref_slice %arg18[%mul3A_339, %dma_wait3A_355] : memref<10000x128xf32, #tpu.memory_space<vmem_shared>> -> memref<200x128xf32, #tpu.memory_space<vmem_shared>>
        %dma_wait3A_357 = arith.constant 0 : i32
        %dma_wait3A_358 = arith.constant 0 : i32
        %dma_wait3A_359 = tpu.memref_slice %arg6[%dma_wait3A_357, %dma_wait3A_358] : memref<320x128xf32, #tpu.memory_space<vmem>> -> memref<200x128xf32, #tpu.memory_space<vmem>>
        tpu.wait_dma2 semaphore(%run_scoped3A : memref<!tpu.dma_semaphore, #tpu.memory_space<semaphore_mem>>) src(%dma_wait3A_359 : memref<200x128xf32, #tpu.memory_space<vmem>>) dst(%dma_wait3A_356 : memref<200x128xf32, #tpu.memory_space<vmem_shared>>)
        tpu.yield
      }) : () -> ()
    } else {
    }
    %barrier3A = arith.constant 0 : index
    tpu.barrier barrier_id(%barrier3A)
    %mul3A_30 = arith.constant 10000 : i32
    %mul3A_31 = arith.muli %add3A, %mul3A_30 : i32
    %add3A_32 = arith.constant 0 : i32
    %add3A_33 = arith.addi %mul3A_31, %add3A_32 : i32
    %dma_start3A = arith.constant 0 : i32
    %dma_start3A_34 = arith.constant 0 : i32
    %dma_start3A_35 = tpu.memref_slice %arg7[%dma_start3A, %dma_start3A_34] : memref<4x80xi32, #tpu.memory_space<vmem>> -> memref<1x80xi32, #tpu.memory_space<vmem>>
    %dma_start3A_36 = tpu.memref_squeeze %dma_start3A_35 : memref<1x80xi32, #tpu.memory_space<vmem>> -> memref<80xi32, #tpu.memory_space<vmem>>
    %dma_start3A_37 = tpu.memref_slice %arg3[%add3A_33] : memref<320000xi32, #tpu.memory_space<hbm>> -> memref<80xi32, #tpu.memory_space<hbm>>
    %dma_start3A_38 = arith.constant 0 : i32
    %dma_start3A_39 = tpu.memref_slice %arg7[%dma_start3A, %dma_start3A_38] : memref<4x80xi32, #tpu.memory_space<vmem>> -> memref<1x80xi32, #tpu.memory_space<vmem>>
    %dma_start3A_40 = tpu.memref_squeeze %dma_start3A_39 : memref<1x80xi32, #tpu.memory_space<vmem>> -> memref<80xi32, #tpu.memory_space<vmem>>
    %dma_start3A_41 = tpu.memref_slice %arg3[%add3A_33] : memref<320000xi32, #tpu.memory_space<hbm>> -> memref<80xi32, #tpu.memory_space<hbm>>
    tpu.enqueue_dma source(%dma_start3A_41 : memref<80xi32, #tpu.memory_space<hbm>>) target(%dma_start3A_40 : memref<80xi32, #tpu.memory_space<vmem>>) target_semaphore(%arg17 : memref<!tpu.dma_semaphore, #tpu.memory_space<semaphore_mem>>)
    %dma_start3A_42 = arith.constant 0 : i32
    %dma_start3A_43 = arith.constant 0 : i32
    %dma_start3A_44 = tpu.memref_slice %arg8[%dma_start3A_42, %dma_start3A_43] : memref<4x80xi32, #tpu.memory_space<vmem>> -> memref<1x80xi32, #tpu.memory_space<vmem>>
    %dma_start3A_45 = tpu.memref_squeeze %dma_start3A_44 : memref<1x80xi32, #tpu.memory_space<vmem>> -> memref<80xi32, #tpu.memory_space<vmem>>
    %dma_start3A_46 = tpu.memref_slice %arg4[%add3A_33] : memref<320000xi32, #tpu.memory_space<hbm>> -> memref<80xi32, #tpu.memory_space<hbm>>
    %dma_start3A_47 = arith.constant 0 : i32
    %dma_start3A_48 = tpu.memref_slice %arg8[%dma_start3A_42, %dma_start3A_47] : memref<4x80xi32, #tpu.memory_space<vmem>> -> memref<1x80xi32, #tpu.memory_space<vmem>>
    %dma_start3A_49 = tpu.memref_squeeze %dma_start3A_48 : memref<1x80xi32, #tpu.memory_space<vmem>> -> memref<80xi32, #tpu.memory_space<vmem>>
    %dma_start3A_50 = tpu.memref_slice %arg4[%add3A_33] : memref<320000xi32, #tpu.memory_space<hbm>> -> memref<80xi32, #tpu.memory_space<hbm>>
    tpu.enqueue_dma source(%dma_start3A_50 : memref<80xi32, #tpu.memory_space<hbm>>) target(%dma_start3A_49 : memref<80xi32, #tpu.memory_space<vmem>>) target_semaphore(%arg17 : memref<!tpu.dma_semaphore, #tpu.memory_space<semaphore_mem>>)
    %dma_wait3A = arith.constant 0 : i32
    %dma_wait3A_51 = arith.constant 0 : i32
    %dma_wait3A_52 = tpu.memref_slice %arg7[%dma_wait3A, %dma_wait3A_51] : memref<4x80xi32, #tpu.memory_space<vmem>> -> memref<1x80xi32, #tpu.memory_space<vmem>>
    %dma_wait3A_53 = tpu.memref_squeeze %dma_wait3A_52 : memref<1x80xi32, #tpu.memory_space<vmem>> -> memref<80xi32, #tpu.memory_space<vmem>>
    %dma_wait3A_54 = arith.constant 0 : i32
    %dma_wait3A_55 = tpu.memref_slice %arg3[%dma_wait3A_54] : memref<320000xi32, #tpu.memory_space<hbm>> -> memref<80xi32, #tpu.memory_space<hbm>>
    %dma_wait3A_56 = arith.constant 0 : i32
    %dma_wait3A_57 = tpu.memref_slice %arg7[%dma_wait3A, %dma_wait3A_56] : memref<4x80xi32, #tpu.memory_space<vmem>> -> memref<1x80xi32, #tpu.memory_space<vmem>>
    %dma_wait3A_58 = tpu.memref_squeeze %dma_wait3A_57 : memref<1x80xi32, #tpu.memory_space<vmem>> -> memref<80xi32, #tpu.memory_space<vmem>>
    %dma_wait3A_59 = arith.constant 0 : i32
    %dma_wait3A_60 = tpu.memref_slice %arg3[%dma_wait3A_59] : memref<320000xi32, #tpu.memory_space<hbm>> -> memref<80xi32, #tpu.memory_space<hbm>>
    tpu.wait_dma2 semaphore(%arg17 : memref<!tpu.dma_semaphore, #tpu.memory_space<semaphore_mem>>) src(%dma_wait3A_60 : memref<80xi32, #tpu.memory_space<hbm>>) dst(%dma_wait3A_58 : memref<80xi32, #tpu.memory_space<vmem>>)
    %dma_wait3A_61 = arith.constant 0 : i32
    %dma_wait3A_62 = arith.constant 0 : i32
    %dma_wait3A_63 = tpu.memref_slice %arg8[%dma_wait3A_61, %dma_wait3A_62] : memref<4x80xi32, #tpu.memory_space<vmem>> -> memref<1x80xi32, #tpu.memory_space<vmem>>
    %dma_wait3A_64 = tpu.memref_squeeze %dma_wait3A_63 : memref<1x80xi32, #tpu.memory_space<vmem>> -> memref<80xi32, #tpu.memory_space<vmem>>
    %dma_wait3A_65 = arith.constant 0 : i32
    %dma_wait3A_66 = tpu.memref_slice %arg4[%dma_wait3A_65] : memref<320000xi32, #tpu.memory_space<hbm>> -> memref<80xi32, #tpu.memory_space<hbm>>
    %dma_wait3A_67 = arith.constant 0 : i32
    %dma_wait3A_68 = tpu.memref_slice %arg8[%dma_wait3A_61, %dma_wait3A_67] : memref<4x80xi32, #tpu.memory_space<vmem>> -> memref<1x80xi32, #tpu.memory_space<vmem>>
    %dma_wait3A_69 = tpu.memref_squeeze %dma_wait3A_68 : memref<1x80xi32, #tpu.memory_space<vmem>> -> memref<80xi32, #tpu.memory_space<vmem>>
    %dma_wait3A_70 = arith.constant 0 : i32
    %dma_wait3A_71 = tpu.memref_slice %arg4[%dma_wait3A_70] : memref<320000xi32, #tpu.memory_space<hbm>> -> memref<80xi32, #tpu.memory_space<hbm>>
    tpu.wait_dma2 semaphore(%arg17 : memref<!tpu.dma_semaphore, #tpu.memory_space<semaphore_mem>>) src(%dma_wait3A_71 : memref<80xi32, #tpu.memory_space<hbm>>) dst(%dma_wait3A_69 : memref<80xi32, #tpu.memory_space<vmem>>)
    %dma_start3A_72 = arith.constant 0 : i32
    %dma_start3A_73 = arith.constant 0 : i32
    %dma_start3A_74 = arith.constant 0 : i32
    %dma_start3A_75 = tpu.memref_slice %arg6[%dma_start3A_73, %dma_start3A_74] : memref<320x128xf32, #tpu.memory_space<vmem>> -> memref<80x128xf32, #tpu.memory_space<vmem>>
    %dma_start3A_76 = arith.constant 0 : i32
    %dma_start3A_77 = tpu.memref_slice %arg7[%dma_start3A_72, %dma_start3A_76] : memref<4x80xi32, #tpu.memory_space<vmem>> -> memref<1x80xi32, #tpu.memory_space<vmem>>
    %dma_start3A_78 = tpu.memref_squeeze %dma_start3A_77 : memref<1x80xi32, #tpu.memory_space<vmem>> -> memref<80xi32, #tpu.memory_space<vmem>>
    %dma_start3A_79 = arith.constant 0 : i32
    %dma_start3A_80 = arith.constant 0 : i32
    %dma_start3A_81 = tpu.memref_slice %arg2[%dma_start3A_79, %dma_start3A_80] : memref<10000x128xf32, #tpu.memory_space<hbm>> -> memref<10000x128xf32, #tpu.memory_space<hbm>>
    tpu.enqueue_indirect_dma source(%dma_start3A_81 : memref<10000x128xf32, #tpu.memory_space<hbm>>) target(%dma_start3A_75 : memref<80x128xf32, #tpu.memory_space<vmem>>) offsets(%dma_start3A_78 : memref<80xi32, #tpu.memory_space<vmem>>) semaphore(%arg9 : memref<!tpu.dma_semaphore, #tpu.memory_space<semaphore_mem>>)
    %mul3A_82 = arith.constant 10000 : i32
    %mul3A_83 = arith.muli %add3A, %mul3A_82 : i32
    %add3A_84 = arith.constant 80 : i32
    %add3A_85 = arith.addi %mul3A_83, %add3A_84 : i32
    %dma_start3A_86 = arith.constant 1 : i32
    %dma_start3A_87 = arith.constant 0 : i32
    %dma_start3A_88 = tpu.memref_slice %arg7[%dma_start3A_86, %dma_start3A_87] : memref<4x80xi32, #tpu.memory_space<vmem>> -> memref<1x80xi32, #tpu.memory_space<vmem>>
    %dma_start3A_89 = tpu.memref_squeeze %dma_start3A_88 : memref<1x80xi32, #tpu.memory_space<vmem>> -> memref<80xi32, #tpu.memory_space<vmem>>
    %dma_start3A_90 = tpu.memref_slice %arg3[%add3A_85] : memref<320000xi32, #tpu.memory_space<hbm>> -> memref<80xi32, #tpu.memory_space<hbm>>
    %dma_start3A_91 = arith.constant 0 : i32
    %dma_start3A_92 = tpu.memref_slice %arg7[%dma_start3A_86, %dma_start3A_91] : memref<4x80xi32, #tpu.memory_space<vmem>> -> memref<1x80xi32, #tpu.memory_space<vmem>>
    %dma_start3A_93 = tpu.memref_squeeze %dma_start3A_92 : memref<1x80xi32, #tpu.memory_space<vmem>> -> memref<80xi32, #tpu.memory_space<vmem>>
    %dma_start3A_94 = tpu.memref_slice %arg3[%add3A_85] : memref<320000xi32, #tpu.memory_space<hbm>> -> memref<80xi32, #tpu.memory_space<hbm>>
    tpu.enqueue_dma source(%dma_start3A_94 : memref<80xi32, #tpu.memory_space<hbm>>) target(%dma_start3A_93 : memref<80xi32, #tpu.memory_space<vmem>>) target_semaphore(%arg17 : memref<!tpu.dma_semaphore, #tpu.memory_space<semaphore_mem>>)
    %dma_start3A_95 = arith.constant 1 : i32
    %dma_start3A_96 = arith.constant 0 : i32
    %dma_start3A_97 = tpu.memref_slice %arg8[%dma_start3A_95, %dma_start3A_96] : memref<4x80xi32, #tpu.memory_space<vmem>> -> memref<1x80xi32, #tpu.memory_space<vmem>>
    %dma_start3A_98 = tpu.memref_squeeze %dma_start3A_97 : memref<1x80xi32, #tpu.memory_space<vmem>> -> memref<80xi32, #tpu.memory_space<vmem>>
    %dma_start3A_99 = tpu.memref_slice %arg4[%add3A_85] : memref<320000xi32, #tpu.memory_space<hbm>> -> memref<80xi32, #tpu.memory_space<hbm>>
    %dma_start3A_100 = arith.constant 0 : i32
    %dma_start3A_101 = tpu.memref_slice %arg8[%dma_start3A_95, %dma_start3A_100] : memref<4x80xi32, #tpu.memory_space<vmem>> -> memref<1x80xi32, #tpu.memory_space<vmem>>
    %dma_start3A_102 = tpu.memref_squeeze %dma_start3A_101 : memref<1x80xi32, #tpu.memory_space<vmem>> -> memref<80xi32, #tpu.memory_space<vmem>>
    %dma_start3A_103 = tpu.memref_slice %arg4[%add3A_85] : memref<320000xi32, #tpu.memory_space<hbm>> -> memref<80xi32, #tpu.memory_space<hbm>>
    tpu.enqueue_dma source(%dma_start3A_103 : memref<80xi32, #tpu.memory_space<hbm>>) target(%dma_start3A_102 : memref<80xi32, #tpu.memory_space<vmem>>) target_semaphore(%arg17 : memref<!tpu.dma_semaphore, #tpu.memory_space<semaphore_mem>>)
    %dma_wait3A_104 = arith.constant 1 : i32
    %dma_wait3A_105 = arith.constant 0 : i32
    %dma_wait3A_106 = tpu.memref_slice %arg7[%dma_wait3A_104, %dma_wait3A_105] : memref<4x80xi32, #tpu.memory_space<vmem>> -> memref<1x80xi32, #tpu.memory_space<vmem>>
    %dma_wait3A_107 = tpu.memref_squeeze %dma_wait3A_106 : memref<1x80xi32, #tpu.memory_space<vmem>> -> memref<80xi32, #tpu.memory_space<vmem>>
    %dma_wait3A_108 = arith.constant 0 : i32
    %dma_wait3A_109 = tpu.memref_slice %arg3[%dma_wait3A_108] : memref<320000xi32, #tpu.memory_space<hbm>> -> memref<80xi32, #tpu.memory_space<hbm>>
    %dma_wait3A_110 = arith.constant 0 : i32
    %dma_wait3A_111 = tpu.memref_slice %arg7[%dma_wait3A_104, %dma_wait3A_110] : memref<4x80xi32, #tpu.memory_space<vmem>> -> memref<1x80xi32, #tpu.memory_space<vmem>>
    %dma_wait3A_112 = tpu.memref_squeeze %dma_wait3A_111 : memref<1x80xi32, #tpu.memory_space<vmem>> -> memref<80xi32, #tpu.memory_space<vmem>>
    %dma_wait3A_113 = arith.constant 0 : i32
    %dma_wait3A_114 = tpu.memref_slice %arg3[%dma_wait3A_113] : memref<320000xi32, #tpu.memory_space<hbm>> -> memref<80xi32, #tpu.memory_space<hbm>>
    tpu.wait_dma2 semaphore(%arg17 : memref<!tpu.dma_semaphore, #tpu.memory_space<semaphore_mem>>) src(%dma_wait3A_114 : memref<80xi32, #tpu.memory_space<hbm>>) dst(%dma_wait3A_112 : memref<80xi32, #tpu.memory_space<vmem>>)
    %dma_wait3A_115 = arith.constant 1 : i32
    %dma_wait3A_116 = arith.constant 0 : i32
    %dma_wait3A_117 = tpu.memref_slice %arg8[%dma_wait3A_115, %dma_wait3A_116] : memref<4x80xi32, #tpu.memory_space<vmem>> -> memref<1x80xi32, #tpu.memory_space<vmem>>
    %dma_wait3A_118 = tpu.memref_squeeze %dma_wait3A_117 : memref<1x80xi32, #tpu.memory_space<vmem>> -> memref<80xi32, #tpu.memory_space<vmem>>
    %dma_wait3A_119 = arith.constant 0 : i32
    %dma_wait3A_120 = tpu.memref_slice %arg4[%dma_wait3A_119] : memref<320000xi32, #tpu.memory_space<hbm>> -> memref<80xi32, #tpu.memory_space<hbm>>
    %dma_wait3A_121 = arith.constant 0 : i32
    %dma_wait3A_122 = tpu.memref_slice %arg8[%dma_wait3A_115, %dma_wait3A_121] : memref<4x80xi32, #tpu.memory_space<vmem>> -> memref<1x80xi32, #tpu.memory_space<vmem>>
    %dma_wait3A_123 = tpu.memref_squeeze %dma_wait3A_122 : memref<1x80xi32, #tpu.memory_space<vmem>> -> memref<80xi32, #tpu.memory_space<vmem>>
    %dma_wait3A_124 = arith.constant 0 : i32
    %dma_wait3A_125 = tpu.memref_slice %arg4[%dma_wait3A_124] : memref<320000xi32, #tpu.memory_space<hbm>> -> memref<80xi32, #tpu.memory_space<hbm>>
    tpu.wait_dma2 semaphore(%arg17 : memref<!tpu.dma_semaphore, #tpu.memory_space<semaphore_mem>>) src(%dma_wait3A_125 : memref<80xi32, #tpu.memory_space<hbm>>) dst(%dma_wait3A_123 : memref<80xi32, #tpu.memory_space<vmem>>)
    %dma_start3A_126 = arith.constant 1 : i32
    %dma_start3A_127 = arith.constant 80 : i32
    %dma_start3A_128 = arith.constant 0 : i32
    %dma_start3A_129 = tpu.memref_slice %arg6[%dma_start3A_127, %dma_start3A_128] : memref<320x128xf32, #tpu.memory_space<vmem>> -> memref<80x128xf32, #tpu.memory_space<vmem>>
    %dma_start3A_130 = arith.constant 0 : i32
    %dma_start3A_131 = tpu.memref_slice %arg7[%dma_start3A_126, %dma_start3A_130] : memref<4x80xi32, #tpu.memory_space<vmem>> -> memref<1x80xi32, #tpu.memory_space<vmem>>
    %dma_start3A_132 = tpu.memref_squeeze %dma_start3A_131 : memref<1x80xi32, #tpu.memory_space<vmem>> -> memref<80xi32, #tpu.memory_space<vmem>>
    %dma_start3A_133 = arith.constant 0 : i32
    %dma_start3A_134 = arith.constant 0 : i32
    %dma_start3A_135 = tpu.memref_slice %arg2[%dma_start3A_133, %dma_start3A_134] : memref<10000x128xf32, #tpu.memory_space<hbm>> -> memref<10000x128xf32, #tpu.memory_space<hbm>>
    tpu.enqueue_indirect_dma source(%dma_start3A_135 : memref<10000x128xf32, #tpu.memory_space<hbm>>) target(%dma_start3A_129 : memref<80x128xf32, #tpu.memory_space<vmem>>) offsets(%dma_start3A_132 : memref<80xi32, #tpu.memory_space<vmem>>) semaphore(%arg10 : memref<!tpu.dma_semaphore, #tpu.memory_space<semaphore_mem>>)
    %mul3A_136 = arith.constant 10000 : i32
    %mul3A_137 = arith.muli %add3A, %mul3A_136 : i32
    %add3A_138 = arith.constant 160 : i32
    %add3A_139 = arith.addi %mul3A_137, %add3A_138 : i32
    %dma_start3A_140 = arith.constant 2 : i32
    %dma_start3A_141 = arith.constant 0 : i32
    %dma_start3A_142 = tpu.memref_slice %arg7[%dma_start3A_140, %dma_start3A_141] : memref<4x80xi32, #tpu.memory_space<vmem>> -> memref<1x80xi32, #tpu.memory_space<vmem>>
    %dma_start3A_143 = tpu.memref_squeeze %dma_start3A_142 : memref<1x80xi32, #tpu.memory_space<vmem>> -> memref<80xi32, #tpu.memory_space<vmem>>
    %dma_start3A_144 = tpu.memref_slice %arg3[%add3A_139] : memref<320000xi32, #tpu.memory_space<hbm>> -> memref<80xi32, #tpu.memory_space<hbm>>
    %dma_start3A_145 = arith.constant 0 : i32
    %dma_start3A_146 = tpu.memref_slice %arg7[%dma_start3A_140, %dma_start3A_145] : memref<4x80xi32, #tpu.memory_space<vmem>> -> memref<1x80xi32, #tpu.memory_space<vmem>>
    %dma_start3A_147 = tpu.memref_squeeze %dma_start3A_146 : memref<1x80xi32, #tpu.memory_space<vmem>> -> memref<80xi32, #tpu.memory_space<vmem>>
    %dma_start3A_148 = tpu.memref_slice %arg3[%add3A_139] : memref<320000xi32, #tpu.memory_space<hbm>> -> memref<80xi32, #tpu.memory_space<hbm>>
    tpu.enqueue_dma source(%dma_start3A_148 : memref<80xi32, #tpu.memory_space<hbm>>) target(%dma_start3A_147 : memref<80xi32, #tpu.memory_space<vmem>>) target_semaphore(%arg17 : memref<!tpu.dma_semaphore, #tpu.memory_space<semaphore_mem>>)
    %dma_start3A_149 = arith.constant 2 : i32
    %dma_start3A_150 = arith.constant 0 : i32
    %dma_start3A_151 = tpu.memref_slice %arg8[%dma_start3A_149, %dma_start3A_150] : memref<4x80xi32, #tpu.memory_space<vmem>> -> memref<1x80xi32, #tpu.memory_space<vmem>>
    %dma_start3A_152 = tpu.memref_squeeze %dma_start3A_151 : memref<1x80xi32, #tpu.memory_space<vmem>> -> memref<80xi32, #tpu.memory_space<vmem>>
    %dma_start3A_153 = tpu.memref_slice %arg4[%add3A_139] : memref<320000xi32, #tpu.memory_space<hbm>> -> memref<80xi32, #tpu.memory_space<hbm>>
    %dma_start3A_154 = arith.constant 0 : i32
    %dma_start3A_155 = tpu.memref_slice %arg8[%dma_start3A_149, %dma_start3A_154] : memref<4x80xi32, #tpu.memory_space<vmem>> -> memref<1x80xi32, #tpu.memory_space<vmem>>
    %dma_start3A_156 = tpu.memref_squeeze %dma_start3A_155 : memref<1x80xi32, #tpu.memory_space<vmem>> -> memref<80xi32, #tpu.memory_space<vmem>>
    %dma_start3A_157 = tpu.memref_slice %arg4[%add3A_139] : memref<320000xi32, #tpu.memory_space<hbm>> -> memref<80xi32, #tpu.memory_space<hbm>>
    tpu.enqueue_dma source(%dma_start3A_157 : memref<80xi32, #tpu.memory_space<hbm>>) target(%dma_start3A_156 : memref<80xi32, #tpu.memory_space<vmem>>) target_semaphore(%arg17 : memref<!tpu.dma_semaphore, #tpu.memory_space<semaphore_mem>>)
    %dma_wait3A_158 = arith.constant 2 : i32
    %dma_wait3A_159 = arith.constant 0 : i32
    %dma_wait3A_160 = tpu.memref_slice %arg7[%dma_wait3A_158, %dma_wait3A_159] : memref<4x80xi32, #tpu.memory_space<vmem>> -> memref<1x80xi32, #tpu.memory_space<vmem>>
    %dma_wait3A_161 = tpu.memref_squeeze %dma_wait3A_160 : memref<1x80xi32, #tpu.memory_space<vmem>> -> memref<80xi32, #tpu.memory_space<vmem>>
    %dma_wait3A_162 = arith.constant 0 : i32
    %dma_wait3A_163 = tpu.memref_slice %arg3[%dma_wait3A_162] : memref<320000xi32, #tpu.memory_space<hbm>> -> memref<80xi32, #tpu.memory_space<hbm>>
    %dma_wait3A_164 = arith.constant 0 : i32
    %dma_wait3A_165 = tpu.memref_slice %arg7[%dma_wait3A_158, %dma_wait3A_164] : memref<4x80xi32, #tpu.memory_space<vmem>> -> memref<1x80xi32, #tpu.memory_space<vmem>>
    %dma_wait3A_166 = tpu.memref_squeeze %dma_wait3A_165 : memref<1x80xi32, #tpu.memory_space<vmem>> -> memref<80xi32, #tpu.memory_space<vmem>>
    %dma_wait3A_167 = arith.constant 0 : i32
    %dma_wait3A_168 = tpu.memref_slice %arg3[%dma_wait3A_167] : memref<320000xi32, #tpu.memory_space<hbm>> -> memref<80xi32, #tpu.memory_space<hbm>>
    tpu.wait_dma2 semaphore(%arg17 : memref<!tpu.dma_semaphore, #tpu.memory_space<semaphore_mem>>) src(%dma_wait3A_168 : memref<80xi32, #tpu.memory_space<hbm>>) dst(%dma_wait3A_166 : memref<80xi32, #tpu.memory_space<vmem>>)
    %dma_wait3A_169 = arith.constant 2 : i32
    %dma_wait3A_170 = arith.constant 0 : i32
    %dma_wait3A_171 = tpu.memref_slice %arg8[%dma_wait3A_169, %dma_wait3A_170] : memref<4x80xi32, #tpu.memory_space<vmem>> -> memref<1x80xi32, #tpu.memory_space<vmem>>
    %dma_wait3A_172 = tpu.memref_squeeze %dma_wait3A_171 : memref<1x80xi32, #tpu.memory_space<vmem>> -> memref<80xi32, #tpu.memory_space<vmem>>
    %dma_wait3A_173 = arith.constant 0 : i32
    %dma_wait3A_174 = tpu.memref_slice %arg4[%dma_wait3A_173] : memref<320000xi32, #tpu.memory_space<hbm>> -> memref<80xi32, #tpu.memory_space<hbm>>
    %dma_wait3A_175 = arith.constant 0 : i32
    %dma_wait3A_176 = tpu.memref_slice %arg8[%dma_wait3A_169, %dma_wait3A_175] : memref<4x80xi32, #tpu.memory_space<vmem>> -> memref<1x80xi32, #tpu.memory_space<vmem>>
    %dma_wait3A_177 = tpu.memref_squeeze %dma_wait3A_176 : memref<1x80xi32, #tpu.memory_space<vmem>> -> memref<80xi32, #tpu.memory_space<vmem>>
    %dma_wait3A_178 = arith.constant 0 : i32
    %dma_wait3A_179 = tpu.memref_slice %arg4[%dma_wait3A_178] : memref<320000xi32, #tpu.memory_space<hbm>> -> memref<80xi32, #tpu.memory_space<hbm>>
    tpu.wait_dma2 semaphore(%arg17 : memref<!tpu.dma_semaphore, #tpu.memory_space<semaphore_mem>>) src(%dma_wait3A_179 : memref<80xi32, #tpu.memory_space<hbm>>) dst(%dma_wait3A_177 : memref<80xi32, #tpu.memory_space<vmem>>)
    %dma_start3A_180 = arith.constant 2 : i32
    %dma_start3A_181 = arith.constant 160 : i32
    %dma_start3A_182 = arith.constant 0 : i32
    %dma_start3A_183 = tpu.memref_slice %arg6[%dma_start3A_181, %dma_start3A_182] : memref<320x128xf32, #tpu.memory_space<vmem>> -> memref<80x128xf32, #tpu.memory_space<vmem>>
    %dma_start3A_184 = arith.constant 0 : i32
    %dma_start3A_185 = tpu.memref_slice %arg7[%dma_start3A_180, %dma_start3A_184] : memref<4x80xi32, #tpu.memory_space<vmem>> -> memref<1x80xi32, #tpu.memory_space<vmem>>
    %dma_start3A_186 = tpu.memref_squeeze %dma_start3A_185 : memref<1x80xi32, #tpu.memory_space<vmem>> -> memref<80xi32, #tpu.memory_space<vmem>>
    %dma_start3A_187 = arith.constant 0 : i32
    %dma_start3A_188 = arith.constant 0 : i32
    %dma_start3A_189 = tpu.memref_slice %arg2[%dma_start3A_187, %dma_start3A_188] : memref<10000x128xf32, #tpu.memory_space<hbm>> -> memref<10000x128xf32, #tpu.memory_space<hbm>>
    tpu.enqueue_indirect_dma source(%dma_start3A_189 : memref<10000x128xf32, #tpu.memory_space<hbm>>) target(%dma_start3A_183 : memref<80x128xf32, #tpu.memory_space<vmem>>) offsets(%dma_start3A_186 : memref<80xi32, #tpu.memory_space<vmem>>) semaphore(%arg11 : memref<!tpu.dma_semaphore, #tpu.memory_space<semaphore_mem>>)
    %mul3A_190 = arith.constant 10000 : i32
    %mul3A_191 = arith.muli %add3A, %mul3A_190 : i32
    %add3A_192 = arith.constant 240 : i32
    %add3A_193 = arith.addi %mul3A_191, %add3A_192 : i32
    %dma_start3A_194 = arith.constant 3 : i32
    %dma_start3A_195 = arith.constant 0 : i32
    %dma_start3A_196 = tpu.memref_slice %arg7[%dma_start3A_194, %dma_start3A_195] : memref<4x80xi32, #tpu.memory_space<vmem>> -> memref<1x80xi32, #tpu.memory_space<vmem>>
    %dma_start3A_197 = tpu.memref_squeeze %dma_start3A_196 : memref<1x80xi32, #tpu.memory_space<vmem>> -> memref<80xi32, #tpu.memory_space<vmem>>
    %dma_start3A_198 = tpu.memref_slice %arg3[%add3A_193] : memref<320000xi32, #tpu.memory_space<hbm>> -> memref<80xi32, #tpu.memory_space<hbm>>
    %dma_start3A_199 = arith.constant 0 : i32
    %dma_start3A_200 = tpu.memref_slice %arg7[%dma_start3A_194, %dma_start3A_199] : memref<4x80xi32, #tpu.memory_space<vmem>> -> memref<1x80xi32, #tpu.memory_space<vmem>>
    %dma_start3A_201 = tpu.memref_squeeze %dma_start3A_200 : memref<1x80xi32, #tpu.memory_space<vmem>> -> memref<80xi32, #tpu.memory_space<vmem>>
    %dma_start3A_202 = tpu.memref_slice %arg3[%add3A_193] : memref<320000xi32, #tpu.memory_space<hbm>> -> memref<80xi32, #tpu.memory_space<hbm>>
    tpu.enqueue_dma source(%dma_start3A_202 : memref<80xi32, #tpu.memory_space<hbm>>) target(%dma_start3A_201 : memref<80xi32, #tpu.memory_space<vmem>>) target_semaphore(%arg17 : memref<!tpu.dma_semaphore, #tpu.memory_space<semaphore_mem>>)
    %dma_start3A_203 = arith.constant 3 : i32
    %dma_start3A_204 = arith.constant 0 : i32
    %dma_start3A_205 = tpu.memref_slice %arg8[%dma_start3A_203, %dma_start3A_204] : memref<4x80xi32, #tpu.memory_space<vmem>> -> memref<1x80xi32, #tpu.memory_space<vmem>>
    %dma_start3A_206 = tpu.memref_squeeze %dma_start3A_205 : memref<1x80xi32, #tpu.memory_space<vmem>> -> memref<80xi32, #tpu.memory_space<vmem>>
    %dma_start3A_207 = tpu.memref_slice %arg4[%add3A_193] : memref<320000xi32, #tpu.memory_space<hbm>> -> memref<80xi32, #tpu.memory_space<hbm>>
    %dma_start3A_208 = arith.constant 0 : i32
    %dma_start3A_209 = tpu.memref_slice %arg8[%dma_start3A_203, %dma_start3A_208] : memref<4x80xi32, #tpu.memory_space<vmem>> -> memref<1x80xi32, #tpu.memory_space<vmem>>
    %dma_start3A_210 = tpu.memref_squeeze %dma_start3A_209 : memref<1x80xi32, #tpu.memory_space<vmem>> -> memref<80xi32, #tpu.memory_space<vmem>>
    %dma_start3A_211 = tpu.memref_slice %arg4[%add3A_193] : memref<320000xi32, #tpu.memory_space<hbm>> -> memref<80xi32, #tpu.memory_space<hbm>>
    tpu.enqueue_dma source(%dma_start3A_211 : memref<80xi32, #tpu.memory_space<hbm>>) target(%dma_start3A_210 : memref<80xi32, #tpu.memory_space<vmem>>) target_semaphore(%arg17 : memref<!tpu.dma_semaphore, #tpu.memory_space<semaphore_mem>>)
    %dma_wait3A_212 = arith.constant 3 : i32
    %dma_wait3A_213 = arith.constant 0 : i32
    %dma_wait3A_214 = tpu.memref_slice %arg7[%dma_wait3A_212, %dma_wait3A_213] : memref<4x80xi32, #tpu.memory_space<vmem>> -> memref<1x80xi32, #tpu.memory_space<vmem>>
    %dma_wait3A_215 = tpu.memref_squeeze %dma_wait3A_214 : memref<1x80xi32, #tpu.memory_space<vmem>> -> memref<80xi32, #tpu.memory_space<vmem>>
    %dma_wait3A_216 = arith.constant 0 : i32
    %dma_wait3A_217 = tpu.memref_slice %arg3[%dma_wait3A_216] : memref<320000xi32, #tpu.memory_space<hbm>> -> memref<80xi32, #tpu.memory_space<hbm>>
    %dma_wait3A_218 = arith.constant 0 : i32
    %dma_wait3A_219 = tpu.memref_slice %arg7[%dma_wait3A_212, %dma_wait3A_218] : memref<4x80xi32, #tpu.memory_space<vmem>> -> memref<1x80xi32, #tpu.memory_space<vmem>>
    %dma_wait3A_220 = tpu.memref_squeeze %dma_wait3A_219 : memref<1x80xi32, #tpu.memory_space<vmem>> -> memref<80xi32, #tpu.memory_space<vmem>>
    %dma_wait3A_221 = arith.constant 0 : i32
    %dma_wait3A_222 = tpu.memref_slice %arg3[%dma_wait3A_221] : memref<320000xi32, #tpu.memory_space<hbm>> -> memref<80xi32, #tpu.memory_space<hbm>>
    tpu.wait_dma2 semaphore(%arg17 : memref<!tpu.dma_semaphore, #tpu.memory_space<semaphore_mem>>) src(%dma_wait3A_222 : memref<80xi32, #tpu.memory_space<hbm>>) dst(%dma_wait3A_220 : memref<80xi32, #tpu.memory_space<vmem>>)
    %dma_wait3A_223 = arith.constant 3 : i32
    %dma_wait3A_224 = arith.constant 0 : i32
    %dma_wait3A_225 = tpu.memref_slice %arg8[%dma_wait3A_223, %dma_wait3A_224] : memref<4x80xi32, #tpu.memory_space<vmem>> -> memref<1x80xi32, #tpu.memory_space<vmem>>
    %dma_wait3A_226 = tpu.memref_squeeze %dma_wait3A_225 : memref<1x80xi32, #tpu.memory_space<vmem>> -> memref<80xi32, #tpu.memory_space<vmem>>
    %dma_wait3A_227 = arith.constant 0 : i32
    %dma_wait3A_228 = tpu.memref_slice %arg4[%dma_wait3A_227] : memref<320000xi32, #tpu.memory_space<hbm>> -> memref<80xi32, #tpu.memory_space<hbm>>
    %dma_wait3A_229 = arith.constant 0 : i32
    %dma_wait3A_230 = tpu.memref_slice %arg8[%dma_wait3A_223, %dma_wait3A_229] : memref<4x80xi32, #tpu.memory_space<vmem>> -> memref<1x80xi32, #tpu.memory_space<vmem>>
    %dma_wait3A_231 = tpu.memref_squeeze %dma_wait3A_230 : memref<1x80xi32, #tpu.memory_space<vmem>> -> memref<80xi32, #tpu.memory_space<vmem>>
    %dma_wait3A_232 = arith.constant 0 : i32
    %dma_wait3A_233 = tpu.memref_slice %arg4[%dma_wait3A_232] : memref<320000xi32, #tpu.memory_space<hbm>> -> memref<80xi32, #tpu.memory_space<hbm>>
    tpu.wait_dma2 semaphore(%arg17 : memref<!tpu.dma_semaphore, #tpu.memory_space<semaphore_mem>>) src(%dma_wait3A_233 : memref<80xi32, #tpu.memory_space<hbm>>) dst(%dma_wait3A_231 : memref<80xi32, #tpu.memory_space<vmem>>)
    %dma_start3A_234 = arith.constant 3 : i32
    %dma_start3A_235 = arith.constant 240 : i32
    %dma_start3A_236 = arith.constant 0 : i32
    %dma_start3A_237 = tpu.memref_slice %arg6[%dma_start3A_235, %dma_start3A_236] : memref<320x128xf32, #tpu.memory_space<vmem>> -> memref<80x128xf32, #tpu.memory_space<vmem>>
    %dma_start3A_238 = arith.constant 0 : i32
    %dma_start3A_239 = tpu.memref_slice %arg7[%dma_start3A_234, %dma_start3A_238] : memref<4x80xi32, #tpu.memory_space<vmem>> -> memref<1x80xi32, #tpu.memory_space<vmem>>
    %dma_start3A_240 = tpu.memref_squeeze %dma_start3A_239 : memref<1x80xi32, #tpu.memory_space<vmem>> -> memref<80xi32, #tpu.memory_space<vmem>>
    %dma_start3A_241 = arith.constant 0 : i32
    %dma_start3A_242 = arith.constant 0 : i32
    %dma_start3A_243 = tpu.memref_slice %arg2[%dma_start3A_241, %dma_start3A_242] : memref<10000x128xf32, #tpu.memory_space<hbm>> -> memref<10000x128xf32, #tpu.memory_space<hbm>>
    tpu.enqueue_indirect_dma source(%dma_start3A_243 : memref<10000x128xf32, #tpu.memory_space<hbm>>) target(%dma_start3A_237 : memref<80x128xf32, #tpu.memory_space<vmem>>) offsets(%dma_start3A_240 : memref<80xi32, #tpu.memory_space<vmem>>) semaphore(%arg12 : memref<!tpu.dma_semaphore, #tpu.memory_space<semaphore_mem>>)
    %scan3A_244 = arith.constant 0 : i32
    %scan3A_245 = arith.constant 31 : i32
    %scan3A_246 = arith.addi %scan3A_244, %scan3A_245 : i32
    %scan3A_247 = arith.constant 1 : i32
    scf.for %scan3A_338 = %scan3A_244 to %scan3A_246 step %scan3A_247  : i32 {
      %mul3A_339 = arith.constant 4 : i32
      %mul3A_340 = arith.muli %mul3A_339, %scan3A_338 : i32
      %add3A_341 = arith.constant 0 : i32
      %add3A_342 = arith.addi %mul3A_340, %add3A_341 : i32
      %dma_wait3A_343 = arith.constant 0 : i32
      %dma_wait3A_344 = arith.constant 0 : i32
      %dma_wait3A_345 = arith.constant 0 : i32
      %dma_wait3A_346 = tpu.memref_slice %arg6[%dma_wait3A_344, %dma_wait3A_345] : memref<320x128xf32, #tpu.memory_space<vmem>> -> memref<80x128xf32, #tpu.memory_space<vmem>>
      %dma_wait3A_347 = arith.constant 0 : i32
      %dma_wait3A_348 = tpu.memref_slice %arg7[%dma_wait3A_343, %dma_wait3A_347] : memref<4x80xi32, #tpu.memory_space<vmem>> -> memref<1x80xi32, #tpu.memory_space<vmem>>
      %dma_wait3A_349 = tpu.memref_squeeze %dma_wait3A_348 : memref<1x80xi32, #tpu.memory_space<vmem>> -> memref<80xi32, #tpu.memory_space<vmem>>
      %dma_wait3A_350 = arith.constant 0 : i32
      %dma_wait3A_351 = arith.constant 0 : i32
      %dma_wait3A_352 = tpu.memref_slice %arg2[%dma_wait3A_350, %dma_wait3A_351] : memref<10000x128xf32, #tpu.memory_space<hbm>> -> memref<10000x128xf32, #tpu.memory_space<hbm>>
      tpu.wait_indirect_dma semaphore(%arg9 : memref<!tpu.dma_semaphore, #tpu.memory_space<semaphore_mem>>) src(%dma_wait3A_352 : memref<10000x128xf32, #tpu.memory_space<hbm>>) dst(%dma_wait3A_346 : memref<80x128xf32, #tpu.memory_space<vmem>>)
      %dma_start3A_353 = arith.constant 0 : i32
      %dma_start3A_354 = arith.constant 0 : i32
      %dma_start3A_355 = arith.constant 0 : i32
      %dma_start3A_356 = tpu.memref_slice %arg6[%dma_start3A_354, %dma_start3A_355] : memref<320x128xf32, #tpu.memory_space<vmem>> -> memref<80x128xf32, #tpu.memory_space<vmem>>
      %dma_start3A_357 = arith.constant 0 : i32
      %dma_start3A_358 = tpu.memref_slice %arg8[%dma_start3A_353, %dma_start3A_357] : memref<4x80xi32, #tpu.memory_space<vmem>> -> memref<1x80xi32, #tpu.memory_space<vmem>>
      %dma_start3A_359 = tpu.memref_squeeze %dma_start3A_358 : memref<1x80xi32, #tpu.memory_space<vmem>> -> memref<80xi32, #tpu.memory_space<vmem>>
      %dma_start3A_360 = arith.constant 0 : i32
      %dma_start3A_361 = arith.constant 0 : i32
      %dma_start3A_362 = tpu.memref_slice %arg18[%dma_start3A_360, %dma_start3A_361] : memref<10000x128xf32, #tpu.memory_space<vmem_shared>> -> memref<10000x128xf32, #tpu.memory_space<vmem_shared>>
      tpu.enqueue_indirect_dma source(%dma_start3A_356 : memref<80x128xf32, #tpu.memory_space<vmem>>) target(%dma_start3A_362 : memref<10000x128xf32, #tpu.memory_space<vmem_shared>>) offsets(%dma_start3A_359 : memref<80xi32, #tpu.memory_space<vmem>>) semaphore(%arg13 : memref<!tpu.dma_semaphore, #tpu.memory_space<semaphore_mem>>) {add = true}
      %add3A_363 = arith.constant 4 : i32
      %add3A_364 = arith.addi %add3A_342, %add3A_363 : i32
      %sub3A = arith.constant 1 : i32
      %sub3A_365 = arith.subi %add3A_364, %sub3A : i32
      %ge3A = arith.constant 4 : i32
      %ge3A_366 = arith.cmpi sge, %sub3A_365, %ge3A : i32
      %lt3A_367 = arith.constant 125 : i32
      %lt3A_368 = arith.cmpi slt, %sub3A_365, %lt3A_367 : i32
      %and3A = arith.andi %ge3A_366, %lt3A_368 : i1
      %convert_element_type3A_369 = arith.extui %and3A : i1 to i32
      %cond3A_370 = arith.constant 0 : i32
      %cond3A_371 = arith.cmpi ne, %convert_element_type3A_369, %cond3A_370 : i32
      scf.if %cond3A_371 {
        %dma_wait3A_480 = arith.constant 3 : i32
        %dma_wait3A_481 = arith.constant 240 : i32
        %dma_wait3A_482 = arith.constant 0 : i32
        %dma_wait3A_483 = tpu.memref_slice %arg6[%dma_wait3A_481, %dma_wait3A_482] : memref<320x128xf32, #tpu.memory_space<vmem>> -> memref<80x128xf32, #tpu.memory_space<vmem>>
        %dma_wait3A_484 = arith.constant 0 : i32
        %dma_wait3A_485 = tpu.memref_slice %arg8[%dma_wait3A_480, %dma_wait3A_484] : memref<4x80xi32, #tpu.memory_space<vmem>> -> memref<1x80xi32, #tpu.memory_space<vmem>>
        %dma_wait3A_486 = tpu.memref_squeeze %dma_wait3A_485 : memref<1x80xi32, #tpu.memory_space<vmem>> -> memref<80xi32, #tpu.memory_space<vmem>>
        %dma_wait3A_487 = arith.constant 0 : i32
        %dma_wait3A_488 = arith.constant 0 : i32
        %dma_wait3A_489 = tpu.memref_slice %arg18[%dma_wait3A_487, %dma_wait3A_488] : memref<10000x128xf32, #tpu.memory_space<vmem_shared>> -> memref<10000x128xf32, #tpu.memory_space<vmem_shared>>
        tpu.wait_indirect_dma semaphore(%arg16 : memref<!tpu.dma_semaphore, #tpu.memory_space<semaphore_mem>>) src(%dma_wait3A_483 : memref<80x128xf32, #tpu.memory_space<vmem>>) dst(%dma_wait3A_489 : memref<10000x128xf32, #tpu.memory_space<vmem_shared>>)
        %mul3A_490 = arith.constant 10000 : i32
        %mul3A_491 = arith.muli %add3A, %mul3A_490 : i32
        %mul3A_492 = arith.constant 80 : i32
        %mul3A_493 = arith.muli %sub3A_365, %mul3A_492 : i32
        %add3A_494 = arith.addi %mul3A_491, %mul3A_493 : i32
        %dma_start3A_495 = arith.constant 3 : i32
        %dma_start3A_496 = arith.constant 0 : i32
        %dma_start3A_497 = tpu.memref_slice %arg7[%dma_start3A_495, %dma_start3A_496] : memref<4x80xi32, #tpu.memory_space<vmem>> -> memref<1x80xi32, #tpu.memory_space<vmem>>
        %dma_start3A_498 = tpu.memref_squeeze %dma_start3A_497 : memref<1x80xi32, #tpu.memory_space<vmem>> -> memref<80xi32, #tpu.memory_space<vmem>>
        %dma_start3A_499 = tpu.memref_slice %arg3[%add3A_494] : memref<320000xi32, #tpu.memory_space<hbm>> -> memref<80xi32, #tpu.memory_space<hbm>>
        %dma_start3A_500 = arith.constant 0 : i32
        %dma_start3A_501 = tpu.memref_slice %arg7[%dma_start3A_495, %dma_start3A_500] : memref<4x80xi32, #tpu.memory_space<vmem>> -> memref<1x80xi32, #tpu.memory_space<vmem>>
        %dma_start3A_502 = tpu.memref_squeeze %dma_start3A_501 : memref<1x80xi32, #tpu.memory_space<vmem>> -> memref<80xi32, #tpu.memory_space<vmem>>
        %dma_start3A_503 = tpu.memref_slice %arg3[%add3A_494] : memref<320000xi32, #tpu.memory_space<hbm>> -> memref<80xi32, #tpu.memory_space<hbm>>
        tpu.enqueue_dma source(%dma_start3A_503 : memref<80xi32, #tpu.memory_space<hbm>>) target(%dma_start3A_502 : memref<80xi32, #tpu.memory_space<vmem>>) target_semaphore(%arg17 : memref<!tpu.dma_semaphore, #tpu.memory_space<semaphore_mem>>)
        %dma_start3A_504 = arith.constant 3 : i32
        %dma_start3A_505 = arith.constant 0 : i32
        %dma_start3A_506 = tpu.memref_slice %arg8[%dma_start3A_504, %dma_start3A_505] : memref<4x80xi32, #tpu.memory_space<vmem>> -> memref<1x80xi32, #tpu.memory_space<vmem>>
        %dma_start3A_507 = tpu.memref_squeeze %dma_start3A_506 : memref<1x80xi32, #tpu.memory_space<vmem>> -> memref<80xi32, #tpu.memory_space<vmem>>
        %dma_start3A_508 = tpu.memref_slice %arg4[%add3A_494] : memref<320000xi32, #tpu.memory_space<hbm>> -> memref<80xi32, #tpu.memory_space<hbm>>
        %dma_start3A_509 = arith.constant 0 : i32
        %dma_start3A_510 = tpu.memref_slice %arg8[%dma_start3A_504, %dma_start3A_509] : memref<4x80xi32, #tpu.memory_space<vmem>> -> memref<1x80xi32, #tpu.memory_space<vmem>>
        %dma_start3A_511 = tpu.memref_squeeze %dma_start3A_510 : memref<1x80xi32, #tpu.memory_space<vmem>> -> memref<80xi32, #tpu.memory_space<vmem>>
        %dma_start3A_512 = tpu.memref_slice %arg4[%add3A_494] : memref<320000xi32, #tpu.memory_space<hbm>> -> memref<80xi32, #tpu.memory_space<hbm>>
        tpu.enqueue_dma source(%dma_start3A_512 : memref<80xi32, #tpu.memory_space<hbm>>) target(%dma_start3A_511 : memref<80xi32, #tpu.memory_space<vmem>>) target_semaphore(%arg17 : memref<!tpu.dma_semaphore, #tpu.memory_space<semaphore_mem>>)
        %dma_wait3A_513 = arith.constant 3 : i32
        %dma_wait3A_514 = arith.constant 0 : i32
        %dma_wait3A_515 = tpu.memref_slice %arg7[%dma_wait3A_513, %dma_wait3A_514] : memref<4x80xi32, #tpu.memory_space<vmem>> -> memref<1x80xi32, #tpu.memory_space<vmem>>
        %dma_wait3A_516 = tpu.memref_squeeze %dma_wait3A_515 : memref<1x80xi32, #tpu.memory_space<vmem>> -> memref<80xi32, #tpu.memory_space<vmem>>
        %dma_wait3A_517 = arith.constant 0 : i32
        %dma_wait3A_518 = tpu.memref_slice %arg3[%dma_wait3A_517] : memref<320000xi32, #tpu.memory_space<hbm>> -> memref<80xi32, #tpu.memory_space<hbm>>
        %dma_wait3A_519 = arith.constant 0 : i32
        %dma_wait3A_520 = tpu.memref_slice %arg7[%dma_wait3A_513, %dma_wait3A_519] : memref<4x80xi32, #tpu.memory_space<vmem>> -> memref<1x80xi32, #tpu.memory_space<vmem>>
        %dma_wait3A_521 = tpu.memref_squeeze %dma_wait3A_520 : memref<1x80xi32, #tpu.memory_space<vmem>> -> memref<80xi32, #tpu.memory_space<vmem>>
        %dma_wait3A_522 = arith.constant 0 : i32
        %dma_wait3A_523 = tpu.memref_slice %arg3[%dma_wait3A_522] : memref<320000xi32, #tpu.memory_space<hbm>> -> memref<80xi32, #tpu.memory_space<hbm>>
        tpu.wait_dma2 semaphore(%arg17 : memref<!tpu.dma_semaphore, #tpu.memory_space<semaphore_mem>>) src(%dma_wait3A_523 : memref<80xi32, #tpu.memory_space<hbm>>) dst(%dma_wait3A_521 : memref<80xi32, #tpu.memory_space<vmem>>)
        %dma_wait3A_524 = arith.constant 3 : i32
        %dma_wait3A_525 = arith.constant 0 : i32
        %dma_wait3A_526 = tpu.memref_slice %arg8[%dma_wait3A_524, %dma_wait3A_525] : memref<4x80xi32, #tpu.memory_space<vmem>> -> memref<1x80xi32, #tpu.memory_space<vmem>>
        %dma_wait3A_527 = tpu.memref_squeeze %dma_wait3A_526 : memref<1x80xi32, #tpu.memory_space<vmem>> -> memref<80xi32, #tpu.memory_space<vmem>>
        %dma_wait3A_528 = arith.constant 0 : i32
        %dma_wait3A_529 = tpu.memref_slice %arg4[%dma_wait3A_528] : memref<320000xi32, #tpu.memory_space<hbm>> -> memref<80xi32, #tpu.memory_space<hbm>>
        %dma_wait3A_530 = arith.constant 0 : i32
        %dma_wait3A_531 = tpu.memref_slice %arg8[%dma_wait3A_524, %dma_wait3A_530] : memref<4x80xi32, #tpu.memory_space<vmem>> -> memref<1x80xi32, #tpu.memory_space<vmem>>
        %dma_wait3A_532 = tpu.memref_squeeze %dma_wait3A_531 : memref<1x80xi32, #tpu.memory_space<vmem>> -> memref<80xi32, #tpu.memory_space<vmem>>
        %dma_wait3A_533 = arith.constant 0 : i32
        %dma_wait3A_534 = tpu.memref_slice %arg4[%dma_wait3A_533] : memref<320000xi32, #tpu.memory_space<hbm>> -> memref<80xi32, #tpu.memory_space<hbm>>
        tpu.wait_dma2 semaphore(%arg17 : memref<!tpu.dma_semaphore, #tpu.memory_space<semaphore_mem>>) src(%dma_wait3A_534 : memref<80xi32, #tpu.memory_space<hbm>>) dst(%dma_wait3A_532 : memref<80xi32, #tpu.memory_space<vmem>>)
        %dma_start3A_535 = arith.constant 3 : i32
        %dma_start3A_536 = arith.constant 240 : i32
        %dma_start3A_537 = arith.constant 0 : i32
        %dma_start3A_538 = tpu.memref_slice %arg6[%dma_start3A_536, %dma_start3A_537] : memref<320x128xf32, #tpu.memory_space<vmem>> -> memref<80x128xf32, #tpu.memory_space<vmem>>
        %dma_start3A_539 = arith.constant 0 : i32
        %dma_start3A_540 = tpu.memref_slice %arg7[%dma_start3A_535, %dma_start3A_539] : memref<4x80xi32, #tpu.memory_space<vmem>> -> memref<1x80xi32, #tpu.memory_space<vmem>>
        %dma_start3A_541 = tpu.memref_squeeze %dma_start3A_540 : memref<1x80xi32, #tpu.memory_space<vmem>> -> memref<80xi32, #tpu.memory_space<vmem>>
        %dma_start3A_542 = arith.constant 0 : i32
        %dma_start3A_543 = arith.constant 0 : i32
        %dma_start3A_544 = tpu.memref_slice %arg2[%dma_start3A_542, %dma_start3A_543] : memref<10000x128xf32, #tpu.memory_space<hbm>> -> memref<10000x128xf32, #tpu.memory_space<hbm>>
        tpu.enqueue_indirect_dma source(%dma_start3A_544 : memref<10000x128xf32, #tpu.memory_space<hbm>>) target(%dma_start3A_538 : memref<80x128xf32, #tpu.memory_space<vmem>>) offsets(%dma_start3A_541 : memref<80xi32, #tpu.memory_space<vmem>>) semaphore(%arg12 : memref<!tpu.dma_semaphore, #tpu.memory_space<semaphore_mem>>)
      } else {
      }
      %mul3A_372 = arith.constant 4 : i32
      %mul3A_373 = arith.muli %mul3A_372, %scan3A_338 : i32
      %add3A_374 = arith.constant 1 : i32
      %add3A_375 = arith.addi %mul3A_373, %add3A_374 : i32
      %dma_wait3A_376 = arith.constant 1 : i32
      %dma_wait3A_377 = arith.constant 80 : i32
      %dma_wait3A_378 = arith.constant 0 : i32
      %dma_wait3A_379 = tpu.memref_slice %arg6[%dma_wait3A_377, %dma_wait3A_378] : memref<320x128xf32, #tpu.memory_space<vmem>> -> memref<80x128xf32, #tpu.memory_space<vmem>>
      %dma_wait3A_380 = arith.constant 0 : i32
      %dma_wait3A_381 = tpu.memref_slice %arg7[%dma_wait3A_376, %dma_wait3A_380] : memref<4x80xi32, #tpu.memory_space<vmem>> -> memref<1x80xi32, #tpu.memory_space<vmem>>
      %dma_wait3A_382 = tpu.memref_squeeze %dma_wait3A_381 : memref<1x80xi32, #tpu.memory_space<vmem>> -> memref<80xi32, #tpu.memory_space<vmem>>
      %dma_wait3A_383 = arith.constant 0 : i32
      %dma_wait3A_384 = arith.constant 0 : i32
      %dma_wait3A_385 = tpu.memref_slice %arg2[%dma_wait3A_383, %dma_wait3A_384] : memref<10000x128xf32, #tpu.memory_space<hbm>> -> memref<10000x128xf32, #tpu.memory_space<hbm>>
      tpu.wait_indirect_dma semaphore(%arg10 : memref<!tpu.dma_semaphore, #tpu.memory_space<semaphore_mem>>) src(%dma_wait3A_385 : memref<10000x128xf32, #tpu.memory_space<hbm>>) dst(%dma_wait3A_379 : memref<80x128xf32, #tpu.memory_space<vmem>>)
      %dma_start3A_386 = arith.constant 1 : i32
      %dma_start3A_387 = arith.constant 80 : i32
      %dma_start3A_388 = arith.constant 0 : i32
      %dma_start3A_389 = tpu.memref_slice %arg6[%dma_start3A_387, %dma_start3A_388] : memref<320x128xf32, #tpu.memory_space<vmem>> -> memref<80x128xf32, #tpu.memory_space<vmem>>
      %dma_start3A_390 = arith.constant 0 : i32
      %dma_start3A_391 = tpu.memref_slice %arg8[%dma_start3A_386, %dma_start3A_390] : memref<4x80xi32, #tpu.memory_space<vmem>> -> memref<1x80xi32, #tpu.memory_space<vmem>>
      %dma_start3A_392 = tpu.memref_squeeze %dma_start3A_391 : memref<1x80xi32, #tpu.memory_space<vmem>> -> memref<80xi32, #tpu.memory_space<vmem>>
      %dma_start3A_393 = arith.constant 0 : i32
      %dma_start3A_394 = arith.constant 0 : i32
      %dma_start3A_395 = tpu.memref_slice %arg18[%dma_start3A_393, %dma_start3A_394] : memref<10000x128xf32, #tpu.memory_space<vmem_shared>> -> memref<10000x128xf32, #tpu.memory_space<vmem_shared>>
      tpu.enqueue_indirect_dma source(%dma_start3A_389 : memref<80x128xf32, #tpu.memory_space<vmem>>) target(%dma_start3A_395 : memref<10000x128xf32, #tpu.memory_space<vmem_shared>>) offsets(%dma_start3A_392 : memref<80xi32, #tpu.memory_space<vmem>>) semaphore(%arg14 : memref<!tpu.dma_semaphore, #tpu.memory_space<semaphore_mem>>) {add = true}
      %add3A_396 = arith.constant 4 : i32
      %add3A_397 = arith.addi %add3A_375, %add3A_396 : i32
      %sub3A_398 = arith.constant 1 : i32
      %sub3A_399 = arith.subi %add3A_397, %sub3A_398 : i32
      %ge3A_400 = arith.constant 4 : i32
      %ge3A_401 = arith.cmpi sge, %sub3A_399, %ge3A_400 : i32
      %lt3A_402 = arith.constant 125 : i32
      %lt3A_403 = arith.cmpi slt, %sub3A_399, %lt3A_402 : i32
      %and3A_404 = arith.andi %ge3A_401, %lt3A_403 : i1
      %convert_element_type3A_405 = arith.extui %and3A_404 : i1 to i32
      %cond3A_406 = arith.constant 0 : i32
      %cond3A_407 = arith.cmpi ne, %convert_element_type3A_405, %cond3A_406 : i32
      scf.if %cond3A_407 {
        %dma_wait3A_480 = arith.constant 0 : i32
        %dma_wait3A_481 = arith.constant 0 : i32
        %dma_wait3A_482 = arith.constant 0 : i32
        %dma_wait3A_483 = tpu.memref_slice %arg6[%dma_wait3A_481, %dma_wait3A_482] : memref<320x128xf32, #tpu.memory_space<vmem>> -> memref<80x128xf32, #tpu.memory_space<vmem>>
        %dma_wait3A_484 = arith.constant 0 : i32
        %dma_wait3A_485 = tpu.memref_slice %arg8[%dma_wait3A_480, %dma_wait3A_484] : memref<4x80xi32, #tpu.memory_space<vmem>> -> memref<1x80xi32, #tpu.memory_space<vmem>>
        %dma_wait3A_486 = tpu.memref_squeeze %dma_wait3A_485 : memref<1x80xi32, #tpu.memory_space<vmem>> -> memref<80xi32, #tpu.memory_space<vmem>>
        %dma_wait3A_487 = arith.constant 0 : i32
        %dma_wait3A_488 = arith.constant 0 : i32
        %dma_wait3A_489 = tpu.memref_slice %arg18[%dma_wait3A_487, %dma_wait3A_488] : memref<10000x128xf32, #tpu.memory_space<vmem_shared>> -> memref<10000x128xf32, #tpu.memory_space<vmem_shared>>
        tpu.wait_indirect_dma semaphore(%arg13 : memref<!tpu.dma_semaphore, #tpu.memory_space<semaphore_mem>>) src(%dma_wait3A_483 : memref<80x128xf32, #tpu.memory_space<vmem>>) dst(%dma_wait3A_489 : memref<10000x128xf32, #tpu.memory_space<vmem_shared>>)
        %mul3A_490 = arith.constant 10000 : i32
        %mul3A_491 = arith.muli %add3A, %mul3A_490 : i32
        %mul3A_492 = arith.constant 80 : i32
        %mul3A_493 = arith.muli %sub3A_399, %mul3A_492 : i32
        %add3A_494 = arith.addi %mul3A_491, %mul3A_493 : i32
        %dma_start3A_495 = arith.constant 0 : i32
        %dma_start3A_496 = arith.constant 0 : i32
        %dma_start3A_497 = tpu.memref_slice %arg7[%dma_start3A_495, %dma_start3A_496] : memref<4x80xi32, #tpu.memory_space<vmem>> -> memref<1x80xi32, #tpu.memory_space<vmem>>
        %dma_start3A_498 = tpu.memref_squeeze %dma_start3A_497 : memref<1x80xi32, #tpu.memory_space<vmem>> -> memref<80xi32, #tpu.memory_space<vmem>>
        %dma_start3A_499 = tpu.memref_slice %arg3[%add3A_494] : memref<320000xi32, #tpu.memory_space<hbm>> -> memref<80xi32, #tpu.memory_space<hbm>>
        %dma_start3A_500 = arith.constant 0 : i32
        %dma_start3A_501 = tpu.memref_slice %arg7[%dma_start3A_495, %dma_start3A_500] : memref<4x80xi32, #tpu.memory_space<vmem>> -> memref<1x80xi32, #tpu.memory_space<vmem>>
        %dma_start3A_502 = tpu.memref_squeeze %dma_start3A_501 : memref<1x80xi32, #tpu.memory_space<vmem>> -> memref<80xi32, #tpu.memory_space<vmem>>
        %dma_start3A_503 = tpu.memref_slice %arg3[%add3A_494] : memref<320000xi32, #tpu.memory_space<hbm>> -> memref<80xi32, #tpu.memory_space<hbm>>
        tpu.enqueue_dma source(%dma_start3A_503 : memref<80xi32, #tpu.memory_space<hbm>>) target(%dma_start3A_502 : memref<80xi32, #tpu.memory_space<vmem>>) target_semaphore(%arg17 : memref<!tpu.dma_semaphore, #tpu.memory_space<semaphore_mem>>)
        %dma_start3A_504 = arith.constant 0 : i32
        %dma_start3A_505 = arith.constant 0 : i32
        %dma_start3A_506 = tpu.memref_slice %arg8[%dma_start3A_504, %dma_start3A_505] : memref<4x80xi32, #tpu.memory_space<vmem>> -> memref<1x80xi32, #tpu.memory_space<vmem>>
        %dma_start3A_507 = tpu.memref_squeeze %dma_start3A_506 : memref<1x80xi32, #tpu.memory_space<vmem>> -> memref<80xi32, #tpu.memory_space<vmem>>
        %dma_start3A_508 = tpu.memref_slice %arg4[%add3A_494] : memref<320000xi32, #tpu.memory_space<hbm>> -> memref<80xi32, #tpu.memory_space<hbm>>
        %dma_start3A_509 = arith.constant 0 : i32
        %dma_start3A_510 = tpu.memref_slice %arg8[%dma_start3A_504, %dma_start3A_509] : memref<4x80xi32, #tpu.memory_space<vmem>> -> memref<1x80xi32, #tpu.memory_space<vmem>>
        %dma_start3A_511 = tpu.memref_squeeze %dma_start3A_510 : memref<1x80xi32, #tpu.memory_space<vmem>> -> memref<80xi32, #tpu.memory_space<vmem>>
        %dma_start3A_512 = tpu.memref_slice %arg4[%add3A_494] : memref<320000xi32, #tpu.memory_space<hbm>> -> memref<80xi32, #tpu.memory_space<hbm>>
        tpu.enqueue_dma source(%dma_start3A_512 : memref<80xi32, #tpu.memory_space<hbm>>) target(%dma_start3A_511 : memref<80xi32, #tpu.memory_space<vmem>>) target_semaphore(%arg17 : memref<!tpu.dma_semaphore, #tpu.memory_space<semaphore_mem>>)
        %dma_wait3A_513 = arith.constant 0 : i32
        %dma_wait3A_514 = arith.constant 0 : i32
        %dma_wait3A_515 = tpu.memref_slice %arg7[%dma_wait3A_513, %dma_wait3A_514] : memref<4x80xi32, #tpu.memory_space<vmem>> -> memref<1x80xi32, #tpu.memory_space<vmem>>
        %dma_wait3A_516 = tpu.memref_squeeze %dma_wait3A_515 : memref<1x80xi32, #tpu.memory_space<vmem>> -> memref<80xi32, #tpu.memory_space<vmem>>
        %dma_wait3A_517 = arith.constant 0 : i32
        %dma_wait3A_518 = tpu.memref_slice %arg3[%dma_wait3A_517] : memref<320000xi32, #tpu.memory_space<hbm>> -> memref<80xi32, #tpu.memory_space<hbm>>
        %dma_wait3A_519 = arith.constant 0 : i32
        %dma_wait3A_520 = tpu.memref_slice %arg7[%dma_wait3A_513, %dma_wait3A_519] : memref<4x80xi32, #tpu.memory_space<vmem>> -> memref<1x80xi32, #tpu.memory_space<vmem>>
        %dma_wait3A_521 = tpu.memref_squeeze %dma_wait3A_520 : memref<1x80xi32, #tpu.memory_space<vmem>> -> memref<80xi32, #tpu.memory_space<vmem>>
        %dma_wait3A_522 = arith.constant 0 : i32
        %dma_wait3A_523 = tpu.memref_slice %arg3[%dma_wait3A_522] : memref<320000xi32, #tpu.memory_space<hbm>> -> memref<80xi32, #tpu.memory_space<hbm>>
        tpu.wait_dma2 semaphore(%arg17 : memref<!tpu.dma_semaphore, #tpu.memory_space<semaphore_mem>>) src(%dma_wait3A_523 : memref<80xi32, #tpu.memory_space<hbm>>) dst(%dma_wait3A_521 : memref<80xi32, #tpu.memory_space<vmem>>)
        %dma_wait3A_524 = arith.constant 0 : i32
        %dma_wait3A_525 = arith.constant 0 : i32
        %dma_wait3A_526 = tpu.memref_slice %arg8[%dma_wait3A_524, %dma_wait3A_525] : memref<4x80xi32, #tpu.memory_space<vmem>> -> memref<1x80xi32, #tpu.memory_space<vmem>>
        %dma_wait3A_527 = tpu.memref_squeeze %dma_wait3A_526 : memref<1x80xi32, #tpu.memory_space<vmem>> -> memref<80xi32, #tpu.memory_space<vmem>>
        %dma_wait3A_528 = arith.constant 0 : i32
        %dma_wait3A_529 = tpu.memref_slice %arg4[%dma_wait3A_528] : memref<320000xi32, #tpu.memory_space<hbm>> -> memref<80xi32, #tpu.memory_space<hbm>>
        %dma_wait3A_530 = arith.constant 0 : i32
        %dma_wait3A_531 = tpu.memref_slice %arg8[%dma_wait3A_524, %dma_wait3A_530] : memref<4x80xi32, #tpu.memory_space<vmem>> -> memref<1x80xi32, #tpu.memory_space<vmem>>
        %dma_wait3A_532 = tpu.memref_squeeze %dma_wait3A_531 : memref<1x80xi32, #tpu.memory_space<vmem>> -> memref<80xi32, #tpu.memory_space<vmem>>
        %dma_wait3A_533 = arith.constant 0 : i32
        %dma_wait3A_534 = tpu.memref_slice %arg4[%dma_wait3A_533] : memref<320000xi32, #tpu.memory_space<hbm>> -> memref<80xi32, #tpu.memory_space<hbm>>
        tpu.wait_dma2 semaphore(%arg17 : memref<!tpu.dma_semaphore, #tpu.memory_space<semaphore_mem>>) src(%dma_wait3A_534 : memref<80xi32, #tpu.memory_space<hbm>>) dst(%dma_wait3A_532 : memref<80xi32, #tpu.memory_space<vmem>>)
        %dma_start3A_535 = arith.constant 0 : i32
        %dma_start3A_536 = arith.constant 0 : i32
        %dma_start3A_537 = arith.constant 0 : i32
        %dma_start3A_538 = tpu.memref_slice %arg6[%dma_start3A_536, %dma_start3A_537] : memref<320x128xf32, #tpu.memory_space<vmem>> -> memref<80x128xf32, #tpu.memory_space<vmem>>
        %dma_start3A_539 = arith.constant 0 : i32
        %dma_start3A_540 = tpu.memref_slice %arg7[%dma_start3A_535, %dma_start3A_539] : memref<4x80xi32, #tpu.memory_space<vmem>> -> memref<1x80xi32, #tpu.memory_space<vmem>>
        %dma_start3A_541 = tpu.memref_squeeze %dma_start3A_540 : memref<1x80xi32, #tpu.memory_space<vmem>> -> memref<80xi32, #tpu.memory_space<vmem>>
        %dma_start3A_542 = arith.constant 0 : i32
        %dma_start3A_543 = arith.constant 0 : i32
        %dma_start3A_544 = tpu.memref_slice %arg2[%dma_start3A_542, %dma_start3A_543] : memref<10000x128xf32, #tpu.memory_space<hbm>> -> memref<10000x128xf32, #tpu.memory_space<hbm>>
        tpu.enqueue_indirect_dma source(%dma_start3A_544 : memref<10000x128xf32, #tpu.memory_space<hbm>>) target(%dma_start3A_538 : memref<80x128xf32, #tpu.memory_space<vmem>>) offsets(%dma_start3A_541 : memref<80xi32, #tpu.memory_space<vmem>>) semaphore(%arg9 : memref<!tpu.dma_semaphore, #tpu.memory_space<semaphore_mem>>)
      } else {
      }
      %mul3A_408 = arith.constant 4 : i32
      %mul3A_409 = arith.muli %mul3A_408, %scan3A_338 : i32
      %add3A_410 = arith.constant 2 : i32
      %add3A_411 = arith.addi %mul3A_409, %add3A_410 : i32
      %dma_wait3A_412 = arith.constant 2 : i32
      %dma_wait3A_413 = arith.constant 160 : i32
      %dma_wait3A_414 = arith.constant 0 : i32
      %dma_wait3A_415 = tpu.memref_slice %arg6[%dma_wait3A_413, %dma_wait3A_414] : memref<320x128xf32, #tpu.memory_space<vmem>> -> memref<80x128xf32, #tpu.memory_space<vmem>>
      %dma_wait3A_416 = arith.constant 0 : i32
      %dma_wait3A_417 = tpu.memref_slice %arg7[%dma_wait3A_412, %dma_wait3A_416] : memref<4x80xi32, #tpu.memory_space<vmem>> -> memref<1x80xi32, #tpu.memory_space<vmem>>
      %dma_wait3A_418 = tpu.memref_squeeze %dma_wait3A_417 : memref<1x80xi32, #tpu.memory_space<vmem>> -> memref<80xi32, #tpu.memory_space<vmem>>
      %dma_wait3A_419 = arith.constant 0 : i32
      %dma_wait3A_420 = arith.constant 0 : i32
      %dma_wait3A_421 = tpu.memref_slice %arg2[%dma_wait3A_419, %dma_wait3A_420] : memref<10000x128xf32, #tpu.memory_space<hbm>> -> memref<10000x128xf32, #tpu.memory_space<hbm>>
      tpu.wait_indirect_dma semaphore(%arg11 : memref<!tpu.dma_semaphore, #tpu.memory_space<semaphore_mem>>) src(%dma_wait3A_421 : memref<10000x128xf32, #tpu.memory_space<hbm>>) dst(%dma_wait3A_415 : memref<80x128xf32, #tpu.memory_space<vmem>>)
      %dma_start3A_422 = arith.constant 2 : i32
      %dma_start3A_423 = arith.constant 160 : i32
      %dma_start3A_424 = arith.constant 0 : i32
      %dma_start3A_425 = tpu.memref_slice %arg6[%dma_start3A_423, %dma_start3A_424] : memref<320x128xf32, #tpu.memory_space<vmem>> -> memref<80x128xf32, #tpu.memory_space<vmem>>
      %dma_start3A_426 = arith.constant 0 : i32
      %dma_start3A_427 = tpu.memref_slice %arg8[%dma_start3A_422, %dma_start3A_426] : memref<4x80xi32, #tpu.memory_space<vmem>> -> memref<1x80xi32, #tpu.memory_space<vmem>>
      %dma_start3A_428 = tpu.memref_squeeze %dma_start3A_427 : memref<1x80xi32, #tpu.memory_space<vmem>> -> memref<80xi32, #tpu.memory_space<vmem>>
      %dma_start3A_429 = arith.constant 0 : i32
      %dma_start3A_430 = arith.constant 0 : i32
      %dma_start3A_431 = tpu.memref_slice %arg18[%dma_start3A_429, %dma_start3A_430] : memref<10000x128xf32, #tpu.memory_space<vmem_shared>> -> memref<10000x128xf32, #tpu.memory_space<vmem_shared>>
      tpu.enqueue_indirect_dma source(%dma_start3A_425 : memref<80x128xf32, #tpu.memory_space<vmem>>) target(%dma_start3A_431 : memref<10000x128xf32, #tpu.memory_space<vmem_shared>>) offsets(%dma_start3A_428 : memref<80xi32, #tpu.memory_space<vmem>>) semaphore(%arg15 : memref<!tpu.dma_semaphore, #tpu.memory_space<semaphore_mem>>) {add = true}
      %add3A_432 = arith.constant 4 : i32
      %add3A_433 = arith.addi %add3A_411, %add3A_432 : i32
      %sub3A_434 = arith.constant 1 : i32
      %sub3A_435 = arith.subi %add3A_433, %sub3A_434 : i32
      %ge3A_436 = arith.constant 4 : i32
      %ge3A_437 = arith.cmpi sge, %sub3A_435, %ge3A_436 : i32
      %lt3A_438 = arith.constant 125 : i32
      %lt3A_439 = arith.cmpi slt, %sub3A_435, %lt3A_438 : i32
      %and3A_440 = arith.andi %ge3A_437, %lt3A_439 : i1
      %convert_element_type3A_441 = arith.extui %and3A_440 : i1 to i32
      %cond3A_442 = arith.constant 0 : i32
      %cond3A_443 = arith.cmpi ne, %convert_element_type3A_441, %cond3A_442 : i32
      scf.if %cond3A_443 {
        %dma_wait3A_480 = arith.constant 1 : i32
        %dma_wait3A_481 = arith.constant 80 : i32
        %dma_wait3A_482 = arith.constant 0 : i32
        %dma_wait3A_483 = tpu.memref_slice %arg6[%dma_wait3A_481, %dma_wait3A_482] : memref<320x128xf32, #tpu.memory_space<vmem>> -> memref<80x128xf32, #tpu.memory_space<vmem>>
        %dma_wait3A_484 = arith.constant 0 : i32
        %dma_wait3A_485 = tpu.memref_slice %arg8[%dma_wait3A_480, %dma_wait3A_484] : memref<4x80xi32, #tpu.memory_space<vmem>> -> memref<1x80xi32, #tpu.memory_space<vmem>>
        %dma_wait3A_486 = tpu.memref_squeeze %dma_wait3A_485 : memref<1x80xi32, #tpu.memory_space<vmem>> -> memref<80xi32, #tpu.memory_space<vmem>>
        %dma_wait3A_487 = arith.constant 0 : i32
        %dma_wait3A_488 = arith.constant 0 : i32
        %dma_wait3A_489 = tpu.memref_slice %arg18[%dma_wait3A_487, %dma_wait3A_488] : memref<10000x128xf32, #tpu.memory_space<vmem_shared>> -> memref<10000x128xf32, #tpu.memory_space<vmem_shared>>
        tpu.wait_indirect_dma semaphore(%arg14 : memref<!tpu.dma_semaphore, #tpu.memory_space<semaphore_mem>>) src(%dma_wait3A_483 : memref<80x128xf32, #tpu.memory_space<vmem>>) dst(%dma_wait3A_489 : memref<10000x128xf32, #tpu.memory_space<vmem_shared>>)
        %mul3A_490 = arith.constant 10000 : i32
        %mul3A_491 = arith.muli %add3A, %mul3A_490 : i32
        %mul3A_492 = arith.constant 80 : i32
        %mul3A_493 = arith.muli %sub3A_435, %mul3A_492 : i32
        %add3A_494 = arith.addi %mul3A_491, %mul3A_493 : i32
        %dma_start3A_495 = arith.constant 1 : i32
        %dma_start3A_496 = arith.constant 0 : i32
        %dma_start3A_497 = tpu.memref_slice %arg7[%dma_start3A_495, %dma_start3A_496] : memref<4x80xi32, #tpu.memory_space<vmem>> -> memref<1x80xi32, #tpu.memory_space<vmem>>
        %dma_start3A_498 = tpu.memref_squeeze %dma_start3A_497 : memref<1x80xi32, #tpu.memory_space<vmem>> -> memref<80xi32, #tpu.memory_space<vmem>>
        %dma_start3A_499 = tpu.memref_slice %arg3[%add3A_494] : memref<320000xi32, #tpu.memory_space<hbm>> -> memref<80xi32, #tpu.memory_space<hbm>>
        %dma_start3A_500 = arith.constant 0 : i32
        %dma_start3A_501 = tpu.memref_slice %arg7[%dma_start3A_495, %dma_start3A_500] : memref<4x80xi32, #tpu.memory_space<vmem>> -> memref<1x80xi32, #tpu.memory_space<vmem>>
        %dma_start3A_502 = tpu.memref_squeeze %dma_start3A_501 : memref<1x80xi32, #tpu.memory_space<vmem>> -> memref<80xi32, #tpu.memory_space<vmem>>
        %dma_start3A_503 = tpu.memref_slice %arg3[%add3A_494] : memref<320000xi32, #tpu.memory_space<hbm>> -> memref<80xi32, #tpu.memory_space<hbm>>
        tpu.enqueue_dma source(%dma_start3A_503 : memref<80xi32, #tpu.memory_space<hbm>>) target(%dma_start3A_502 : memref<80xi32, #tpu.memory_space<vmem>>) target_semaphore(%arg17 : memref<!tpu.dma_semaphore, #tpu.memory_space<semaphore_mem>>)
        %dma_start3A_504 = arith.constant 1 : i32
        %dma_start3A_505 = arith.constant 0 : i32
        %dma_start3A_506 = tpu.memref_slice %arg8[%dma_start3A_504, %dma_start3A_505] : memref<4x80xi32, #tpu.memory_space<vmem>> -> memref<1x80xi32, #tpu.memory_space<vmem>>
        %dma_start3A_507 = tpu.memref_squeeze %dma_start3A_506 : memref<1x80xi32, #tpu.memory_space<vmem>> -> memref<80xi32, #tpu.memory_space<vmem>>
        %dma_start3A_508 = tpu.memref_slice %arg4[%add3A_494] : memref<320000xi32, #tpu.memory_space<hbm>> -> memref<80xi32, #tpu.memory_space<hbm>>
        %dma_start3A_509 = arith.constant 0 : i32
        %dma_start3A_510 = tpu.memref_slice %arg8[%dma_start3A_504, %dma_start3A_509] : memref<4x80xi32, #tpu.memory_space<vmem>> -> memref<1x80xi32, #tpu.memory_space<vmem>>
        %dma_start3A_511 = tpu.memref_squeeze %dma_start3A_510 : memref<1x80xi32, #tpu.memory_space<vmem>> -> memref<80xi32, #tpu.memory_space<vmem>>
        %dma_start3A_512 = tpu.memref_slice %arg4[%add3A_494] : memref<320000xi32, #tpu.memory_space<hbm>> -> memref<80xi32, #tpu.memory_space<hbm>>
        tpu.enqueue_dma source(%dma_start3A_512 : memref<80xi32, #tpu.memory_space<hbm>>) target(%dma_start3A_511 : memref<80xi32, #tpu.memory_space<vmem>>) target_semaphore(%arg17 : memref<!tpu.dma_semaphore, #tpu.memory_space<semaphore_mem>>)
        %dma_wait3A_513 = arith.constant 1 : i32
        %dma_wait3A_514 = arith.constant 0 : i32
        %dma_wait3A_515 = tpu.memref_slice %arg7[%dma_wait3A_513, %dma_wait3A_514] : memref<4x80xi32, #tpu.memory_space<vmem>> -> memref<1x80xi32, #tpu.memory_space<vmem>>
        %dma_wait3A_516 = tpu.memref_squeeze %dma_wait3A_515 : memref<1x80xi32, #tpu.memory_space<vmem>> -> memref<80xi32, #tpu.memory_space<vmem>>
        %dma_wait3A_517 = arith.constant 0 : i32
        %dma_wait3A_518 = tpu.memref_slice %arg3[%dma_wait3A_517] : memref<320000xi32, #tpu.memory_space<hbm>> -> memref<80xi32, #tpu.memory_space<hbm>>
        %dma_wait3A_519 = arith.constant 0 : i32
        %dma_wait3A_520 = tpu.memref_slice %arg7[%dma_wait3A_513, %dma_wait3A_519] : memref<4x80xi32, #tpu.memory_space<vmem>> -> memref<1x80xi32, #tpu.memory_space<vmem>>
        %dma_wait3A_521 = tpu.memref_squeeze %dma_wait3A_520 : memref<1x80xi32, #tpu.memory_space<vmem>> -> memref<80xi32, #tpu.memory_space<vmem>>
        %dma_wait3A_522 = arith.constant 0 : i32
        %dma_wait3A_523 = tpu.memref_slice %arg3[%dma_wait3A_522] : memref<320000xi32, #tpu.memory_space<hbm>> -> memref<80xi32, #tpu.memory_space<hbm>>
        tpu.wait_dma2 semaphore(%arg17 : memref<!tpu.dma_semaphore, #tpu.memory_space<semaphore_mem>>) src(%dma_wait3A_523 : memref<80xi32, #tpu.memory_space<hbm>>) dst(%dma_wait3A_521 : memref<80xi32, #tpu.memory_space<vmem>>)
        %dma_wait3A_524 = arith.constant 1 : i32
        %dma_wait3A_525 = arith.constant 0 : i32
        %dma_wait3A_526 = tpu.memref_slice %arg8[%dma_wait3A_524, %dma_wait3A_525] : memref<4x80xi32, #tpu.memory_space<vmem>> -> memref<1x80xi32, #tpu.memory_space<vmem>>
        %dma_wait3A_527 = tpu.memref_squeeze %dma_wait3A_526 : memref<1x80xi32, #tpu.memory_space<vmem>> -> memref<80xi32, #tpu.memory_space<vmem>>
        %dma_wait3A_528 = arith.constant 0 : i32
        %dma_wait3A_529 = tpu.memref_slice %arg4[%dma_wait3A_528] : memref<320000xi32, #tpu.memory_space<hbm>> -> memref<80xi32, #tpu.memory_space<hbm>>
        %dma_wait3A_530 = arith.constant 0 : i32
        %dma_wait3A_531 = tpu.memref_slice %arg8[%dma_wait3A_524, %dma_wait3A_530] : memref<4x80xi32, #tpu.memory_space<vmem>> -> memref<1x80xi32, #tpu.memory_space<vmem>>
        %dma_wait3A_532 = tpu.memref_squeeze %dma_wait3A_531 : memref<1x80xi32, #tpu.memory_space<vmem>> -> memref<80xi32, #tpu.memory_space<vmem>>
        %dma_wait3A_533 = arith.constant 0 : i32
        %dma_wait3A_534 = tpu.memref_slice %arg4[%dma_wait3A_533] : memref<320000xi32, #tpu.memory_space<hbm>> -> memref<80xi32, #tpu.memory_space<hbm>>
        tpu.wait_dma2 semaphore(%arg17 : memref<!tpu.dma_semaphore, #tpu.memory_space<semaphore_mem>>) src(%dma_wait3A_534 : memref<80xi32, #tpu.memory_space<hbm>>) dst(%dma_wait3A_532 : memref<80xi32, #tpu.memory_space<vmem>>)
        %dma_start3A_535 = arith.constant 1 : i32
        %dma_start3A_536 = arith.constant 80 : i32
        %dma_start3A_537 = arith.constant 0 : i32
        %dma_start3A_538 = tpu.memref_slice %arg6[%dma_start3A_536, %dma_start3A_537] : memref<320x128xf32, #tpu.memory_space<vmem>> -> memref<80x128xf32, #tpu.memory_space<vmem>>
        %dma_start3A_539 = arith.constant 0 : i32
        %dma_start3A_540 = tpu.memref_slice %arg7[%dma_start3A_535, %dma_start3A_539] : memref<4x80xi32, #tpu.memory_space<vmem>> -> memref<1x80xi32, #tpu.memory_space<vmem>>
        %dma_start3A_541 = tpu.memref_squeeze %dma_start3A_540 : memref<1x80xi32, #tpu.memory_space<vmem>> -> memref<80xi32, #tpu.memory_space<vmem>>
        %dma_start3A_542 = arith.constant 0 : i32
        %dma_start3A_543 = arith.constant 0 : i32
        %dma_start3A_544 = tpu.memref_slice %arg2[%dma_start3A_542, %dma_start3A_543] : memref<10000x128xf32, #tpu.memory_space<hbm>> -> memref<10000x128xf32, #tpu.memory_space<hbm>>
        tpu.enqueue_indirect_dma source(%dma_start3A_544 : memref<10000x128xf32, #tpu.memory_space<hbm>>) target(%dma_start3A_538 : memref<80x128xf32, #tpu.memory_space<vmem>>) offsets(%dma_start3A_541 : memref<80xi32, #tpu.memory_space<vmem>>) semaphore(%arg10 : memref<!tpu.dma_semaphore, #tpu.memory_space<semaphore_mem>>)
      } else {
      }
      %mul3A_444 = arith.constant 4 : i32
      %mul3A_445 = arith.muli %mul3A_444, %scan3A_338 : i32
      %add3A_446 = arith.constant 3 : i32
      %add3A_447 = arith.addi %mul3A_445, %add3A_446 : i32
      %dma_wait3A_448 = arith.constant 3 : i32
      %dma_wait3A_449 = arith.constant 240 : i32
      %dma_wait3A_450 = arith.constant 0 : i32
      %dma_wait3A_451 = tpu.memref_slice %arg6[%dma_wait3A_449, %dma_wait3A_450] : memref<320x128xf32, #tpu.memory_space<vmem>> -> memref<80x128xf32, #tpu.memory_space<vmem>>
      %dma_wait3A_452 = arith.constant 0 : i32
      %dma_wait3A_453 = tpu.memref_slice %arg7[%dma_wait3A_448, %dma_wait3A_452] : memref<4x80xi32, #tpu.memory_space<vmem>> -> memref<1x80xi32, #tpu.memory_space<vmem>>
      %dma_wait3A_454 = tpu.memref_squeeze %dma_wait3A_453 : memref<1x80xi32, #tpu.memory_space<vmem>> -> memref<80xi32, #tpu.memory_space<vmem>>
      %dma_wait3A_455 = arith.constant 0 : i32
      %dma_wait3A_456 = arith.constant 0 : i32
      %dma_wait3A_457 = tpu.memref_slice %arg2[%dma_wait3A_455, %dma_wait3A_456] : memref<10000x128xf32, #tpu.memory_space<hbm>> -> memref<10000x128xf32, #tpu.memory_space<hbm>>
      tpu.wait_indirect_dma semaphore(%arg12 : memref<!tpu.dma_semaphore, #tpu.memory_space<semaphore_mem>>) src(%dma_wait3A_457 : memref<10000x128xf32, #tpu.memory_space<hbm>>) dst(%dma_wait3A_451 : memref<80x128xf32, #tpu.memory_space<vmem>>)
      %dma_start3A_458 = arith.constant 3 : i32
      %dma_start3A_459 = arith.constant 240 : i32
      %dma_start3A_460 = arith.constant 0 : i32
      %dma_start3A_461 = tpu.memref_slice %arg6[%dma_start3A_459, %dma_start3A_460] : memref<320x128xf32, #tpu.memory_space<vmem>> -> memref<80x128xf32, #tpu.memory_space<vmem>>
      %dma_start3A_462 = arith.constant 0 : i32
      %dma_start3A_463 = tpu.memref_slice %arg8[%dma_start3A_458, %dma_start3A_462] : memref<4x80xi32, #tpu.memory_space<vmem>> -> memref<1x80xi32, #tpu.memory_space<vmem>>
      %dma_start3A_464 = tpu.memref_squeeze %dma_start3A_463 : memref<1x80xi32, #tpu.memory_space<vmem>> -> memref<80xi32, #tpu.memory_space<vmem>>
      %dma_start3A_465 = arith.constant 0 : i32
      %dma_start3A_466 = arith.constant 0 : i32
      %dma_start3A_467 = tpu.memref_slice %arg18[%dma_start3A_465, %dma_start3A_466] : memref<10000x128xf32, #tpu.memory_space<vmem_shared>> -> memref<10000x128xf32, #tpu.memory_space<vmem_shared>>
      tpu.enqueue_indirect_dma source(%dma_start3A_461 : memref<80x128xf32, #tpu.memory_space<vmem>>) target(%dma_start3A_467 : memref<10000x128xf32, #tpu.memory_space<vmem_shared>>) offsets(%dma_start3A_464 : memref<80xi32, #tpu.memory_space<vmem>>) semaphore(%arg16 : memref<!tpu.dma_semaphore, #tpu.memory_space<semaphore_mem>>) {add = true}
      %add3A_468 = arith.constant 4 : i32
      %add3A_469 = arith.addi %add3A_447, %add3A_468 : i32
      %sub3A_470 = arith.constant 1 : i32
      %sub3A_471 = arith.subi %add3A_469, %sub3A_470 : i32
      %ge3A_472 = arith.constant 4 : i32
      %ge3A_473 = arith.cmpi sge, %sub3A_471, %ge3A_472 : i32
      %lt3A_474 = arith.constant 125 : i32
      %lt3A_475 = arith.cmpi slt, %sub3A_471, %lt3A_474 : i32
      %and3A_476 = arith.andi %ge3A_473, %lt3A_475 : i1
      %convert_element_type3A_477 = arith.extui %and3A_476 : i1 to i32
      %cond3A_478 = arith.constant 0 : i32
      %cond3A_479 = arith.cmpi ne, %convert_element_type3A_477, %cond3A_478 : i32
      scf.if %cond3A_479 {
        %dma_wait3A_480 = arith.constant 2 : i32
        %dma_wait3A_481 = arith.constant 160 : i32
        %dma_wait3A_482 = arith.constant 0 : i32
        %dma_wait3A_483 = tpu.memref_slice %arg6[%dma_wait3A_481, %dma_wait3A_482] : memref<320x128xf32, #tpu.memory_space<vmem>> -> memref<80x128xf32, #tpu.memory_space<vmem>>
        %dma_wait3A_484 = arith.constant 0 : i32
        %dma_wait3A_485 = tpu.memref_slice %arg8[%dma_wait3A_480, %dma_wait3A_484] : memref<4x80xi32, #tpu.memory_space<vmem>> -> memref<1x80xi32, #tpu.memory_space<vmem>>
        %dma_wait3A_486 = tpu.memref_squeeze %dma_wait3A_485 : memref<1x80xi32, #tpu.memory_space<vmem>> -> memref<80xi32, #tpu.memory_space<vmem>>
        %dma_wait3A_487 = arith.constant 0 : i32
        %dma_wait3A_488 = arith.constant 0 : i32
        %dma_wait3A_489 = tpu.memref_slice %arg18[%dma_wait3A_487, %dma_wait3A_488] : memref<10000x128xf32, #tpu.memory_space<vmem_shared>> -> memref<10000x128xf32, #tpu.memory_space<vmem_shared>>
        tpu.wait_indirect_dma semaphore(%arg15 : memref<!tpu.dma_semaphore, #tpu.memory_space<semaphore_mem>>) src(%dma_wait3A_483 : memref<80x128xf32, #tpu.memory_space<vmem>>) dst(%dma_wait3A_489 : memref<10000x128xf32, #tpu.memory_space<vmem_shared>>)
        %mul3A_490 = arith.constant 10000 : i32
        %mul3A_491 = arith.muli %add3A, %mul3A_490 : i32
        %mul3A_492 = arith.constant 80 : i32
        %mul3A_493 = arith.muli %sub3A_471, %mul3A_492 : i32
        %add3A_494 = arith.addi %mul3A_491, %mul3A_493 : i32
        %dma_start3A_495 = arith.constant 2 : i32
        %dma_start3A_496 = arith.constant 0 : i32
        %dma_start3A_497 = tpu.memref_slice %arg7[%dma_start3A_495, %dma_start3A_496] : memref<4x80xi32, #tpu.memory_space<vmem>> -> memref<1x80xi32, #tpu.memory_space<vmem>>
        %dma_start3A_498 = tpu.memref_squeeze %dma_start3A_497 : memref<1x80xi32, #tpu.memory_space<vmem>> -> memref<80xi32, #tpu.memory_space<vmem>>
        %dma_start3A_499 = tpu.memref_slice %arg3[%add3A_494] : memref<320000xi32, #tpu.memory_space<hbm>> -> memref<80xi32, #tpu.memory_space<hbm>>
        %dma_start3A_500 = arith.constant 0 : i32
        %dma_start3A_501 = tpu.memref_slice %arg7[%dma_start3A_495, %dma_start3A_500] : memref<4x80xi32, #tpu.memory_space<vmem>> -> memref<1x80xi32, #tpu.memory_space<vmem>>
        %dma_start3A_502 = tpu.memref_squeeze %dma_start3A_501 : memref<1x80xi32, #tpu.memory_space<vmem>> -> memref<80xi32, #tpu.memory_space<vmem>>
        %dma_start3A_503 = tpu.memref_slice %arg3[%add3A_494] : memref<320000xi32, #tpu.memory_space<hbm>> -> memref<80xi32, #tpu.memory_space<hbm>>
        tpu.enqueue_dma source(%dma_start3A_503 : memref<80xi32, #tpu.memory_space<hbm>>) target(%dma_start3A_502 : memref<80xi32, #tpu.memory_space<vmem>>) target_semaphore(%arg17 : memref<!tpu.dma_semaphore, #tpu.memory_space<semaphore_mem>>)
        %dma_start3A_504 = arith.constant 2 : i32
        %dma_start3A_505 = arith.constant 0 : i32
        %dma_start3A_506 = tpu.memref_slice %arg8[%dma_start3A_504, %dma_start3A_505] : memref<4x80xi32, #tpu.memory_space<vmem>> -> memref<1x80xi32, #tpu.memory_space<vmem>>
        %dma_start3A_507 = tpu.memref_squeeze %dma_start3A_506 : memref<1x80xi32, #tpu.memory_space<vmem>> -> memref<80xi32, #tpu.memory_space<vmem>>
        %dma_start3A_508 = tpu.memref_slice %arg4[%add3A_494] : memref<320000xi32, #tpu.memory_space<hbm>> -> memref<80xi32, #tpu.memory_space<hbm>>
        %dma_start3A_509 = arith.constant 0 : i32
        %dma_start3A_510 = tpu.memref_slice %arg8[%dma_start3A_504, %dma_start3A_509] : memref<4x80xi32, #tpu.memory_space<vmem>> -> memref<1x80xi32, #tpu.memory_space<vmem>>
        %dma_start3A_511 = tpu.memref_squeeze %dma_start3A_510 : memref<1x80xi32, #tpu.memory_space<vmem>> -> memref<80xi32, #tpu.memory_space<vmem>>
        %dma_start3A_512 = tpu.memref_slice %arg4[%add3A_494] : memref<320000xi32, #tpu.memory_space<hbm>> -> memref<80xi32, #tpu.memory_space<hbm>>
        tpu.enqueue_dma source(%dma_start3A_512 : memref<80xi32, #tpu.memory_space<hbm>>) target(%dma_start3A_511 : memref<80xi32, #tpu.memory_space<vmem>>) target_semaphore(%arg17 : memref<!tpu.dma_semaphore, #tpu.memory_space<semaphore_mem>>)
        %dma_wait3A_513 = arith.constant 2 : i32
        %dma_wait3A_514 = arith.constant 0 : i32
        %dma_wait3A_515 = tpu.memref_slice %arg7[%dma_wait3A_513, %dma_wait3A_514] : memref<4x80xi32, #tpu.memory_space<vmem>> -> memref<1x80xi32, #tpu.memory_space<vmem>>
        %dma_wait3A_516 = tpu.memref_squeeze %dma_wait3A_515 : memref<1x80xi32, #tpu.memory_space<vmem>> -> memref<80xi32, #tpu.memory_space<vmem>>
        %dma_wait3A_517 = arith.constant 0 : i32
        %dma_wait3A_518 = tpu.memref_slice %arg3[%dma_wait3A_517] : memref<320000xi32, #tpu.memory_space<hbm>> -> memref<80xi32, #tpu.memory_space<hbm>>
        %dma_wait3A_519 = arith.constant 0 : i32
        %dma_wait3A_520 = tpu.memref_slice %arg7[%dma_wait3A_513, %dma_wait3A_519] : memref<4x80xi32, #tpu.memory_space<vmem>> -> memref<1x80xi32, #tpu.memory_space<vmem>>
        %dma_wait3A_521 = tpu.memref_squeeze %dma_wait3A_520 : memref<1x80xi32, #tpu.memory_space<vmem>> -> memref<80xi32, #tpu.memory_space<vmem>>
        %dma_wait3A_522 = arith.constant 0 : i32
        %dma_wait3A_523 = tpu.memref_slice %arg3[%dma_wait3A_522] : memref<320000xi32, #tpu.memory_space<hbm>> -> memref<80xi32, #tpu.memory_space<hbm>>
        tpu.wait_dma2 semaphore(%arg17 : memref<!tpu.dma_semaphore, #tpu.memory_space<semaphore_mem>>) src(%dma_wait3A_523 : memref<80xi32, #tpu.memory_space<hbm>>) dst(%dma_wait3A_521 : memref<80xi32, #tpu.memory_space<vmem>>)
        %dma_wait3A_524 = arith.constant 2 : i32
        %dma_wait3A_525 = arith.constant 0 : i32
        %dma_wait3A_526 = tpu.memref_slice %arg8[%dma_wait3A_524, %dma_wait3A_525] : memref<4x80xi32, #tpu.memory_space<vmem>> -> memref<1x80xi32, #tpu.memory_space<vmem>>
        %dma_wait3A_527 = tpu.memref_squeeze %dma_wait3A_526 : memref<1x80xi32, #tpu.memory_space<vmem>> -> memref<80xi32, #tpu.memory_space<vmem>>
        %dma_wait3A_528 = arith.constant 0 : i32
        %dma_wait3A_529 = tpu.memref_slice %arg4[%dma_wait3A_528] : memref<320000xi32, #tpu.memory_space<hbm>> -> memref<80xi32, #tpu.memory_space<hbm>>
        %dma_wait3A_530 = arith.constant 0 : i32
        %dma_wait3A_531 = tpu.memref_slice %arg8[%dma_wait3A_524, %dma_wait3A_530] : memref<4x80xi32, #tpu.memory_space<vmem>> -> memref<1x80xi32, #tpu.memory_space<vmem>>
        %dma_wait3A_532 = tpu.memref_squeeze %dma_wait3A_531 : memref<1x80xi32, #tpu.memory_space<vmem>> -> memref<80xi32, #tpu.memory_space<vmem>>
        %dma_wait3A_533 = arith.constant 0 : i32
        %dma_wait3A_534 = tpu.memref_slice %arg4[%dma_wait3A_533] : memref<320000xi32, #tpu.memory_space<hbm>> -> memref<80xi32, #tpu.memory_space<hbm>>
        tpu.wait_dma2 semaphore(%arg17 : memref<!tpu.dma_semaphore, #tpu.memory_space<semaphore_mem>>) src(%dma_wait3A_534 : memref<80xi32, #tpu.memory_space<hbm>>) dst(%dma_wait3A_532 : memref<80xi32, #tpu.memory_space<vmem>>)
        %dma_start3A_535 = arith.constant 2 : i32
        %dma_start3A_536 = arith.constant 160 : i32
        %dma_start3A_537 = arith.constant 0 : i32
        %dma_start3A_538 = tpu.memref_slice %arg6[%dma_start3A_536, %dma_start3A_537] : memref<320x128xf32, #tpu.memory_space<vmem>> -> memref<80x128xf32, #tpu.memory_space<vmem>>
        %dma_start3A_539 = arith.constant 0 : i32
        %dma_start3A_540 = tpu.memref_slice %arg7[%dma_start3A_535, %dma_start3A_539] : memref<4x80xi32, #tpu.memory_space<vmem>> -> memref<1x80xi32, #tpu.memory_space<vmem>>
        %dma_start3A_541 = tpu.memref_squeeze %dma_start3A_540 : memref<1x80xi32, #tpu.memory_space<vmem>> -> memref<80xi32, #tpu.memory_space<vmem>>
        %dma_start3A_542 = arith.constant 0 : i32
        %dma_start3A_543 = arith.constant 0 : i32
        %dma_start3A_544 = tpu.memref_slice %arg2[%dma_start3A_542, %dma_start3A_543] : memref<10000x128xf32, #tpu.memory_space<hbm>> -> memref<10000x128xf32, #tpu.memory_space<hbm>>
        tpu.enqueue_indirect_dma source(%dma_start3A_544 : memref<10000x128xf32, #tpu.memory_space<hbm>>) target(%dma_start3A_538 : memref<80x128xf32, #tpu.memory_space<vmem>>) offsets(%dma_start3A_541 : memref<80xi32, #tpu.memory_space<vmem>>) semaphore(%arg11 : memref<!tpu.dma_semaphore, #tpu.memory_space<semaphore_mem>>)
      } else {
      }
    }
    %scan3A_248 = arith.constant 31 : i32
    %dma_wait3A_249 = arith.constant 0 : i32
    %dma_wait3A_250 = arith.constant 0 : i32
    %dma_wait3A_251 = arith.constant 0 : i32
    %dma_wait3A_252 = tpu.memref_slice %arg6[%dma_wait3A_250, %dma_wait3A_251] : memref<320x128xf32, #tpu.memory_space<vmem>> -> memref<80x128xf32, #tpu.memory_space<vmem>>
    %dma_wait3A_253 = arith.constant 0 : i32
    %dma_wait3A_254 = tpu.memref_slice %arg7[%dma_wait3A_249, %dma_wait3A_253] : memref<4x80xi32, #tpu.memory_space<vmem>> -> memref<1x80xi32, #tpu.memory_space<vmem>>
    %dma_wait3A_255 = tpu.memref_squeeze %dma_wait3A_254 : memref<1x80xi32, #tpu.memory_space<vmem>> -> memref<80xi32, #tpu.memory_space<vmem>>
    %dma_wait3A_256 = arith.constant 0 : i32
    %dma_wait3A_257 = arith.constant 0 : i32
    %dma_wait3A_258 = tpu.memref_slice %arg2[%dma_wait3A_256, %dma_wait3A_257] : memref<10000x128xf32, #tpu.memory_space<hbm>> -> memref<10000x128xf32, #tpu.memory_space<hbm>>
    tpu.wait_indirect_dma semaphore(%arg9 : memref<!tpu.dma_semaphore, #tpu.memory_space<semaphore_mem>>) src(%dma_wait3A_258 : memref<10000x128xf32, #tpu.memory_space<hbm>>) dst(%dma_wait3A_252 : memref<80x128xf32, #tpu.memory_space<vmem>>)
    %dma_start3A_259 = arith.constant 0 : i32
    %dma_start3A_260 = arith.constant 0 : i32
    %dma_start3A_261 = arith.constant 0 : i32
    %dma_start3A_262 = tpu.memref_slice %arg6[%dma_start3A_260, %dma_start3A_261] : memref<320x128xf32, #tpu.memory_space<vmem>> -> memref<80x128xf32, #tpu.memory_space<vmem>>
    %dma_start3A_263 = arith.constant 0 : i32
    %dma_start3A_264 = tpu.memref_slice %arg8[%dma_start3A_259, %dma_start3A_263] : memref<4x80xi32, #tpu.memory_space<vmem>> -> memref<1x80xi32, #tpu.memory_space<vmem>>
    %dma_start3A_265 = tpu.memref_squeeze %dma_start3A_264 : memref<1x80xi32, #tpu.memory_space<vmem>> -> memref<80xi32, #tpu.memory_space<vmem>>
    %dma_start3A_266 = arith.constant 0 : i32
    %dma_start3A_267 = arith.constant 0 : i32
    %dma_start3A_268 = tpu.memref_slice %arg18[%dma_start3A_266, %dma_start3A_267] : memref<10000x128xf32, #tpu.memory_space<vmem_shared>> -> memref<10000x128xf32, #tpu.memory_space<vmem_shared>>
    tpu.enqueue_indirect_dma source(%dma_start3A_262 : memref<80x128xf32, #tpu.memory_space<vmem>>) target(%dma_start3A_268 : memref<10000x128xf32, #tpu.memory_space<vmem_shared>>) offsets(%dma_start3A_265 : memref<80xi32, #tpu.memory_space<vmem>>) semaphore(%arg13 : memref<!tpu.dma_semaphore, #tpu.memory_space<semaphore_mem>>) {add = true}
    %dma_wait3A_269 = arith.constant 0 : i32
    %dma_wait3A_270 = arith.constant 0 : i32
    %dma_wait3A_271 = arith.constant 0 : i32
    %dma_wait3A_272 = tpu.memref_slice %arg6[%dma_wait3A_270, %dma_wait3A_271] : memref<320x128xf32, #tpu.memory_space<vmem>> -> memref<80x128xf32, #tpu.memory_space<vmem>>
    %dma_wait3A_273 = arith.constant 0 : i32
    %dma_wait3A_274 = tpu.memref_slice %arg8[%dma_wait3A_269, %dma_wait3A_273] : memref<4x80xi32, #tpu.memory_space<vmem>> -> memref<1x80xi32, #tpu.memory_space<vmem>>
    %dma_wait3A_275 = tpu.memref_squeeze %dma_wait3A_274 : memref<1x80xi32, #tpu.memory_space<vmem>> -> memref<80xi32, #tpu.memory_space<vmem>>
    %dma_wait3A_276 = arith.constant 0 : i32
    %dma_wait3A_277 = arith.constant 0 : i32
    %dma_wait3A_278 = tpu.memref_slice %arg18[%dma_wait3A_276, %dma_wait3A_277] : memref<10000x128xf32, #tpu.memory_space<vmem_shared>> -> memref<10000x128xf32, #tpu.memory_space<vmem_shared>>
    tpu.wait_indirect_dma semaphore(%arg13 : memref<!tpu.dma_semaphore, #tpu.memory_space<semaphore_mem>>) src(%dma_wait3A_272 : memref<80x128xf32, #tpu.memory_space<vmem>>) dst(%dma_wait3A_278 : memref<10000x128xf32, #tpu.memory_space<vmem_shared>>)
    %dma_wait3A_279 = arith.constant 1 : i32
    %dma_wait3A_280 = arith.constant 80 : i32
    %dma_wait3A_281 = arith.constant 0 : i32
    %dma_wait3A_282 = tpu.memref_slice %arg6[%dma_wait3A_280, %dma_wait3A_281] : memref<320x128xf32, #tpu.memory_space<vmem>> -> memref<80x128xf32, #tpu.memory_space<vmem>>
    %dma_wait3A_283 = arith.constant 0 : i32
    %dma_wait3A_284 = tpu.memref_slice %arg8[%dma_wait3A_279, %dma_wait3A_283] : memref<4x80xi32, #tpu.memory_space<vmem>> -> memref<1x80xi32, #tpu.memory_space<vmem>>
    %dma_wait3A_285 = tpu.memref_squeeze %dma_wait3A_284 : memref<1x80xi32, #tpu.memory_space<vmem>> -> memref<80xi32, #tpu.memory_space<vmem>>
    %dma_wait3A_286 = arith.constant 0 : i32
    %dma_wait3A_287 = arith.constant 0 : i32
    %dma_wait3A_288 = tpu.memref_slice %arg18[%dma_wait3A_286, %dma_wait3A_287] : memref<10000x128xf32, #tpu.memory_space<vmem_shared>> -> memref<10000x128xf32, #tpu.memory_space<vmem_shared>>
    tpu.wait_indirect_dma semaphore(%arg14 : memref<!tpu.dma_semaphore, #tpu.memory_space<semaphore_mem>>) src(%dma_wait3A_282 : memref<80x128xf32, #tpu.memory_space<vmem>>) dst(%dma_wait3A_288 : memref<10000x128xf32, #tpu.memory_space<vmem_shared>>)
    %dma_wait3A_289 = arith.constant 2 : i32
    %dma_wait3A_290 = arith.constant 160 : i32
    %dma_wait3A_291 = arith.constant 0 : i32
    %dma_wait3A_292 = tpu.memref_slice %arg6[%dma_wait3A_290, %dma_wait3A_291] : memref<320x128xf32, #tpu.memory_space<vmem>> -> memref<80x128xf32, #tpu.memory_space<vmem>>
    %dma_wait3A_293 = arith.constant 0 : i32
    %dma_wait3A_294 = tpu.memref_slice %arg8[%dma_wait3A_289, %dma_wait3A_293] : memref<4x80xi32, #tpu.memory_space<vmem>> -> memref<1x80xi32, #tpu.memory_space<vmem>>
    %dma_wait3A_295 = tpu.memref_squeeze %dma_wait3A_294 : memref<1x80xi32, #tpu.memory_space<vmem>> -> memref<80xi32, #tpu.memory_space<vmem>>
    %dma_wait3A_296 = arith.constant 0 : i32
    %dma_wait3A_297 = arith.constant 0 : i32
    %dma_wait3A_298 = tpu.memref_slice %arg18[%dma_wait3A_296, %dma_wait3A_297] : memref<10000x128xf32, #tpu.memory_space<vmem_shared>> -> memref<10000x128xf32, #tpu.memory_space<vmem_shared>>
    tpu.wait_indirect_dma semaphore(%arg15 : memref<!tpu.dma_semaphore, #tpu.memory_space<semaphore_mem>>) src(%dma_wait3A_292 : memref<80x128xf32, #tpu.memory_space<vmem>>) dst(%dma_wait3A_298 : memref<10000x128xf32, #tpu.memory_space<vmem_shared>>)
    %dma_wait3A_299 = arith.constant 3 : i32
    %dma_wait3A_300 = arith.constant 240 : i32
    %dma_wait3A_301 = arith.constant 0 : i32
    %dma_wait3A_302 = tpu.memref_slice %arg6[%dma_wait3A_300, %dma_wait3A_301] : memref<320x128xf32, #tpu.memory_space<vmem>> -> memref<80x128xf32, #tpu.memory_space<vmem>>
    %dma_wait3A_303 = arith.constant 0 : i32
    %dma_wait3A_304 = tpu.memref_slice %arg8[%dma_wait3A_299, %dma_wait3A_303] : memref<4x80xi32, #tpu.memory_space<vmem>> -> memref<1x80xi32, #tpu.memory_space<vmem>>
    %dma_wait3A_305 = tpu.memref_squeeze %dma_wait3A_304 : memref<1x80xi32, #tpu.memory_space<vmem>> -> memref<80xi32, #tpu.memory_space<vmem>>
    %dma_wait3A_306 = arith.constant 0 : i32
    %dma_wait3A_307 = arith.constant 0 : i32
    %dma_wait3A_308 = tpu.memref_slice %arg18[%dma_wait3A_306, %dma_wait3A_307] : memref<10000x128xf32, #tpu.memory_space<vmem_shared>> -> memref<10000x128xf32, #tpu.memory_space<vmem_shared>>
    tpu.wait_indirect_dma semaphore(%arg16 : memref<!tpu.dma_semaphore, #tpu.memory_space<semaphore_mem>>) src(%dma_wait3A_302 : memref<80x128xf32, #tpu.memory_space<vmem>>) dst(%dma_wait3A_308 : memref<10000x128xf32, #tpu.memory_space<vmem_shared>>)
    %barrier3A_309 = arith.constant 0 : index
    tpu.barrier barrier_id(%barrier3A_309)
    %add3A_310 = arith.constant 0 : i32
    %add3A_311 = arith.addi %arg1, %add3A_310 : i32
    %lt3A_312 = arith.constant 50 : i32
    %lt3A_313 = arith.cmpi slt, %add3A_311, %lt3A_312 : i32
    %convert_element_type3A_314 = arith.extui %lt3A_313 : i1 to i32
    %cond3A_315 = arith.constant 0 : i32
    %cond3A_316 = arith.cmpi ne, %convert_element_type3A_314, %cond3A_315 : i32
    scf.if %cond3A_316 {
      %mul3A_338 = arith.constant 200 : i32
      %mul3A_339 = arith.muli %add3A_311, %mul3A_338 : i32
      %mul3A_340 = arith.constant 200 : i32
      %mul3A_341 = arith.muli %add3A_311, %mul3A_340 : i32
      "tpu.region"() ({
        %run_scoped3A = tpu.sem_alloc : memref<!tpu.dma_semaphore, #tpu.memory_space<semaphore_mem>>
        %dma_start3A_342 = arith.constant 0 : i32
        %dma_start3A_343 = tpu.memref_slice %arg5[%arg0, %mul3A_341, %dma_start3A_342] : memref<2x10000x128xf32, #tpu.memory_space<hbm>> -> memref<1x200x128xf32, #tpu.memory_space<hbm>>
        %dma_start3A_344 = tpu.memref_squeeze %dma_start3A_343 : memref<1x200x128xf32, #tpu.memory_space<hbm>> -> memref<200x128xf32, #tpu.memory_space<hbm>>
        %dma_start3A_345 = arith.constant 0 : i32
        %dma_start3A_346 = tpu.memref_slice %arg18[%mul3A_339, %dma_start3A_345] : memref<10000x128xf32, #tpu.memory_space<vmem_shared>> -> memref<200x128xf32, #tpu.memory_space<vmem_shared>>
        tpu.enqueue_dma source(%dma_start3A_346 : memref<200x128xf32, #tpu.memory_space<vmem_shared>>) target(%dma_start3A_344 : memref<200x128xf32, #tpu.memory_space<hbm>>) target_semaphore(%run_scoped3A : memref<!tpu.dma_semaphore, #tpu.memory_space<semaphore_mem>>)
        %dma_wait3A_347 = arith.constant 0 : i32
        %dma_wait3A_348 = tpu.memref_slice %arg5[%arg0, %mul3A_341, %dma_wait3A_347] : memref<2x10000x128xf32, #tpu.memory_space<hbm>> -> memref<1x200x128xf32, #tpu.memory_space<hbm>>
        %dma_wait3A_349 = tpu.memref_squeeze %dma_wait3A_348 : memref<1x200x128xf32, #tpu.memory_space<hbm>> -> memref<200x128xf32, #tpu.memory_space<hbm>>
        %dma_wait3A_350 = arith.constant 0 : i32
        %dma_wait3A_351 = tpu.memref_slice %arg18[%mul3A_339, %dma_wait3A_350] : memref<10000x128xf32, #tpu.memory_space<vmem_shared>> -> memref<200x128xf32, #tpu.memory_space<vmem_shared>>
        tpu.wait_dma2 semaphore(%run_scoped3A : memref<!tpu.dma_semaphore, #tpu.memory_space<semaphore_mem>>) src(%dma_wait3A_351 : memref<200x128xf32, #tpu.memory_space<vmem_shared>>) dst(%dma_wait3A_349 : memref<200x128xf32, #tpu.memory_space<hbm>>)
        tpu.yield
      }) : () -> ()
    } else {
    }
    %add3A_317 = arith.constant 16 : i32
    %add3A_318 = arith.addi %arg1, %add3A_317 : i32
    %lt3A_319 = arith.constant 50 : i32
    %lt3A_320 = arith.cmpi slt, %add3A_318, %lt3A_319 : i32
    %convert_element_type3A_321 = arith.extui %lt3A_320 : i1 to i32
    %cond3A_322 = arith.constant 0 : i32
    %cond3A_323 = arith.cmpi ne, %convert_element_type3A_321, %cond3A_322 : i32
    scf.if %cond3A_323 {
      %mul3A_338 = arith.constant 200 : i32
      %mul3A_339 = arith.muli %add3A_318, %mul3A_338 : i32
      %mul3A_340 = arith.constant 200 : i32
      %mul3A_341 = arith.muli %add3A_318, %mul3A_340 : i32
      "tpu.region"() ({
        %run_scoped3A = tpu.sem_alloc : memref<!tpu.dma_semaphore, #tpu.memory_space<semaphore_mem>>
        %dma_start3A_342 = arith.constant 0 : i32
        %dma_start3A_343 = tpu.memref_slice %arg5[%arg0, %mul3A_341, %dma_start3A_342] : memref<2x10000x128xf32, #tpu.memory_space<hbm>> -> memref<1x200x128xf32, #tpu.memory_space<hbm>>
        %dma_start3A_344 = tpu.memref_squeeze %dma_start3A_343 : memref<1x200x128xf32, #tpu.memory_space<hbm>> -> memref<200x128xf32, #tpu.memory_space<hbm>>
        %dma_start3A_345 = arith.constant 0 : i32
        %dma_start3A_346 = tpu.memref_slice %arg18[%mul3A_339, %dma_start3A_345] : memref<10000x128xf32, #tpu.memory_space<vmem_shared>> -> memref<200x128xf32, #tpu.memory_space<vmem_shared>>
        tpu.enqueue_dma source(%dma_start3A_346 : memref<200x128xf32, #tpu.memory_space<vmem_shared>>) target(%dma_start3A_344 : memref<200x128xf32, #tpu.memory_space<hbm>>) target_semaphore(%run_scoped3A : memref<!tpu.dma_semaphore, #tpu.memory_space<semaphore_mem>>)
        %dma_wait3A_347 = arith.constant 0 : i32
        %dma_wait3A_348 = tpu.memref_slice %arg5[%arg0, %mul3A_341, %dma_wait3A_347] : memref<2x10000x128xf32, #tpu.memory_space<hbm>> -> memref<1x200x128xf32, #tpu.memory_space<hbm>>
        %dma_wait3A_349 = tpu.memref_squeeze %dma_wait3A_348 : memref<1x200x128xf32, #tpu.memory_space<hbm>> -> memref<200x128xf32, #tpu.memory_space<hbm>>
        %dma_wait3A_350 = arith.constant 0 : i32
        %dma_wait3A_351 = tpu.memref_slice %arg18[%mul3A_339, %dma_wait3A_350] : memref<10000x128xf32, #tpu.memory_space<vmem_shared>> -> memref<200x128xf32, #tpu.memory_space<vmem_shared>>
        tpu.wait_dma2 semaphore(%run_scoped3A : memref<!tpu.dma_semaphore, #tpu.memory_space<semaphore_mem>>) src(%dma_wait3A_351 : memref<200x128xf32, #tpu.memory_space<vmem_shared>>) dst(%dma_wait3A_349 : memref<200x128xf32, #tpu.memory_space<hbm>>)
        tpu.yield
      }) : () -> ()
    } else {
    }
    %add3A_324 = arith.constant 32 : i32
    %add3A_325 = arith.addi %arg1, %add3A_324 : i32
    %lt3A_326 = arith.constant 50 : i32
    %lt3A_327 = arith.cmpi slt, %add3A_325, %lt3A_326 : i32
    %convert_element_type3A_328 = arith.extui %lt3A_327 : i1 to i32
    %cond3A_329 = arith.constant 0 : i32
    %cond3A_330 = arith.cmpi ne, %convert_element_type3A_328, %cond3A_329 : i32
    scf.if %cond3A_330 {
      %mul3A_338 = arith.constant 200 : i32
      %mul3A_339 = arith.muli %add3A_325, %mul3A_338 : i32
      %mul3A_340 = arith.constant 200 : i32
      %mul3A_341 = arith.muli %add3A_325, %mul3A_340 : i32
      "tpu.region"() ({
        %run_scoped3A = tpu.sem_alloc : memref<!tpu.dma_semaphore, #tpu.memory_space<semaphore_mem>>
        %dma_start3A_342 = arith.constant 0 : i32
        %dma_start3A_343 = tpu.memref_slice %arg5[%arg0, %mul3A_341, %dma_start3A_342] : memref<2x10000x128xf32, #tpu.memory_space<hbm>> -> memref<1x200x128xf32, #tpu.memory_space<hbm>>
        %dma_start3A_344 = tpu.memref_squeeze %dma_start3A_343 : memref<1x200x128xf32, #tpu.memory_space<hbm>> -> memref<200x128xf32, #tpu.memory_space<hbm>>
        %dma_start3A_345 = arith.constant 0 : i32
        %dma_start3A_346 = tpu.memref_slice %arg18[%mul3A_339, %dma_start3A_345] : memref<10000x128xf32, #tpu.memory_space<vmem_shared>> -> memref<200x128xf32, #tpu.memory_space<vmem_shared>>
        tpu.enqueue_dma source(%dma_start3A_346 : memref<200x128xf32, #tpu.memory_space<vmem_shared>>) target(%dma_start3A_344 : memref<200x128xf32, #tpu.memory_space<hbm>>) target_semaphore(%run_scoped3A : memref<!tpu.dma_semaphore, #tpu.memory_space<semaphore_mem>>)
        %dma_wait3A_347 = arith.constant 0 : i32
        %dma_wait3A_348 = tpu.memref_slice %arg5[%arg0, %mul3A_341, %dma_wait3A_347] : memref<2x10000x128xf32, #tpu.memory_space<hbm>> -> memref<1x200x128xf32, #tpu.memory_space<hbm>>
        %dma_wait3A_349 = tpu.memref_squeeze %dma_wait3A_348 : memref<1x200x128xf32, #tpu.memory_space<hbm>> -> memref<200x128xf32, #tpu.memory_space<hbm>>
        %dma_wait3A_350 = arith.constant 0 : i32
        %dma_wait3A_351 = tpu.memref_slice %arg18[%mul3A_339, %dma_wait3A_350] : memref<10000x128xf32, #tpu.memory_space<vmem_shared>> -> memref<200x128xf32, #tpu.memory_space<vmem_shared>>
        tpu.wait_dma2 semaphore(%run_scoped3A : memref<!tpu.dma_semaphore, #tpu.memory_space<semaphore_mem>>) src(%dma_wait3A_351 : memref<200x128xf32, #tpu.memory_space<vmem_shared>>) dst(%dma_wait3A_349 : memref<200x128xf32, #tpu.memory_space<hbm>>)
        tpu.yield
      }) : () -> ()
    } else {
    }
    %add3A_331 = arith.constant 48 : i32
    %add3A_332 = arith.addi %arg1, %add3A_331 : i32
    %lt3A_333 = arith.constant 50 : i32
    %lt3A_334 = arith.cmpi slt, %add3A_332, %lt3A_333 : i32
    %convert_element_type3A_335 = arith.extui %lt3A_334 : i1 to i32
    %cond3A_336 = arith.constant 0 : i32
    %cond3A_337 = arith.cmpi ne, %convert_element_type3A_335, %cond3A_336 : i32
    scf.if %cond3A_337 {
      %mul3A_338 = arith.constant 200 : i32
      %mul3A_339 = arith.muli %add3A_332, %mul3A_338 : i32
      %mul3A_340 = arith.constant 200 : i32
      %mul3A_341 = arith.muli %add3A_332, %mul3A_340 : i32
      "tpu.region"() ({
        %run_scoped3A = tpu.sem_alloc : memref<!tpu.dma_semaphore, #tpu.memory_space<semaphore_mem>>
        %dma_start3A_342 = arith.constant 0 : i32
        %dma_start3A_343 = tpu.memref_slice %arg5[%arg0, %mul3A_341, %dma_start3A_342] : memref<2x10000x128xf32, #tpu.memory_space<hbm>> -> memref<1x200x128xf32, #tpu.memory_space<hbm>>
        %dma_start3A_344 = tpu.memref_squeeze %dma_start3A_343 : memref<1x200x128xf32, #tpu.memory_space<hbm>> -> memref<200x128xf32, #tpu.memory_space<hbm>>
        %dma_start3A_345 = arith.constant 0 : i32
        %dma_start3A_346 = tpu.memref_slice %arg18[%mul3A_339, %dma_start3A_345] : memref<10000x128xf32, #tpu.memory_space<vmem_shared>> -> memref<200x128xf32, #tpu.memory_space<vmem_shared>>
        tpu.enqueue_dma source(%dma_start3A_346 : memref<200x128xf32, #tpu.memory_space<vmem_shared>>) target(%dma_start3A_344 : memref<200x128xf32, #tpu.memory_space<hbm>>) target_semaphore(%run_scoped3A : memref<!tpu.dma_semaphore, #tpu.memory_space<semaphore_mem>>)
        %dma_wait3A_347 = arith.constant 0 : i32
        %dma_wait3A_348 = tpu.memref_slice %arg5[%arg0, %mul3A_341, %dma_wait3A_347] : memref<2x10000x128xf32, #tpu.memory_space<hbm>> -> memref<1x200x128xf32, #tpu.memory_space<hbm>>
        %dma_wait3A_349 = tpu.memref_squeeze %dma_wait3A_348 : memref<1x200x128xf32, #tpu.memory_space<hbm>> -> memref<200x128xf32, #tpu.memory_space<hbm>>
        %dma_wait3A_350 = arith.constant 0 : i32
        %dma_wait3A_351 = tpu.memref_slice %arg18[%mul3A_339, %dma_wait3A_350] : memref<10000x128xf32, #tpu.memory_space<vmem_shared>> -> memref<200x128xf32, #tpu.memory_space<vmem_shared>>
        tpu.wait_dma2 semaphore(%run_scoped3A : memref<!tpu.dma_semaphore, #tpu.memory_space<semaphore_mem>>) src(%dma_wait3A_351 : memref<200x128xf32, #tpu.memory_space<vmem_shared>>) dst(%dma_wait3A_349 : memref<200x128xf32, #tpu.memory_space<hbm>>)
        tpu.yield
      }) : () -> ()
    } else {
    }
    return
  }
}

#map = affine_map<(d0, d1) -> (0, 0)>
#map1 = affine_map<(d0, d1) -> (0)>
#map2 = affine_map<(d0, d1) -> (0, 0, 0)>
module attributes {stable_mosaic.version = 14 : i64} {
  func.func @scat_kernel(%arg0: i32, %arg1: i32, %arg2: memref<10000x128xf32, #tpu.memory_space<hbm>>, %arg3: memref<320000xi32, #tpu.memory_space<hbm>>, %arg4: memref<320000xi32, #tpu.memory_space<hbm>>, %arg5: memref<2x10000x128xf32, #tpu.memory_space<hbm>>, %arg6: memref<320x128xf32, #tpu.memory_space<vmem>>, %arg7: memref<4x80xi32, #tpu.memory_space<vmem>>, %arg8: memref<4x80xi32, #tpu.memory_space<vmem>>, %arg9: memref<!tpu.dma_semaphore, #tpu.memory_space<semaphore_mem>>, %arg10: memref<!tpu.dma_semaphore, #tpu.memory_space<semaphore_mem>>, %arg11: memref<!tpu.dma_semaphore, #tpu.memory_space<semaphore_mem>>, %arg12: memref<!tpu.dma_semaphore, #tpu.memory_space<semaphore_mem>>, %arg13: memref<!tpu.dma_semaphore, #tpu.memory_space<semaphore_mem>>, %arg14: memref<!tpu.dma_semaphore, #tpu.memory_space<semaphore_mem>>, %arg15: memref<!tpu.dma_semaphore, #tpu.memory_space<semaphore_mem>>, %arg16: memref<!tpu.dma_semaphore, #tpu.memory_space<semaphore_mem>>, %arg17: memref<!tpu.dma_semaphore, #tpu.memory_space<semaphore_mem>>, %arg18: memref<10000x128xf32, #tpu.memory_space<vmem_shared>>) attributes {dimension_semantics = [#tpu.dimension_semantics<core_parallel>, #tpu.dimension_semantics<subcore_parallel>], iteration_bounds = array<i64: 2, 16>, scalar_prefetch = 0 : i64, scratch_operands = 13 : i64, tpu.core_type = #tpu.core_type<sc_vector_subcore>, window_params = [{transform_indices = #map}, {transform_indices = #map1}, {transform_indices = #map1}, {transform_indices = #map2}]} {
    %mul3A = arith.constant 16 : i32
    %mul3A_0 = arith.muli %arg0, %mul3A : i32
    %add3A = arith.addi %mul3A_0, %arg1 : i32
    %scan3A = arith.constant 0 : i32
    %scan3A_1 = arith.constant 200 : i32
    %scan3A_2 = arith.addi %scan3A, %scan3A_1 : i32
    %scan3A_3 = arith.constant 1 : i32
    scf.for %scan3A_338 = %scan3A to %scan3A_2 step %scan3A_3  : i32 {
      %broadcast_in_dim3A = arith.constant 0.000000e+00 : f32
      %broadcast_in_dim3A_339 = vector.broadcast %broadcast_in_dim3A : f32 to vector<16xf32>
      %swap3A = arith.index_cast %scan3A_338 : i32 to index
      %swap3A_340 = arith.constant 0 : index
      %swap3A_341 = tpu.vector_load %arg6[%swap3A, %swap3A_340] {strides = array<i32>} : memref<320x128xf32, #tpu.memory_space<vmem>>, vector<1x16xf32>,
      %swap3A_342 = vector.shape_cast %swap3A_341 : vector<1x16xf32> to vector<16xf32>
      %swap3A_343 = vector.shape_cast %broadcast_in_dim3A_339 : vector<16xf32> to vector<1x16xf32>
      tpu.vector_store %arg6[%swap3A, %swap3A_340], %swap3A_343 {strides = array<i32>} : memref<320x128xf32, #tpu.memory_space<vmem>>, vector<1x16xf32>,
      %broadcast_in_dim3A_344 = arith.constant 0.000000e+00 : f32
      %broadcast_in_dim3A_345 = vector.broadcast %broadcast_in_dim3A_344 : f32 to vector<16xf32>
      %swap3A_346 = arith.index_cast %scan3A_338 : i32 to index
      %swap3A_347 = arith.constant 16 : index
      %swap3A_348 = tpu.vector_load %arg6[%swap3A_346, %swap3A_347] {strides = array<i32>} : memref<320x128xf32, #tpu.memory_space<vmem>>, vector<1x16xf32>,
      %swap3A_349 = vector.shape_cast %swap3A_348 : vector<1x16xf32> to vector<16xf32>
      %swap3A_350 = vector.shape_cast %broadcast_in_dim3A_345 : vector<16xf32> to vector<1x16xf32>
      tpu.vector_store %arg6[%swap3A_346, %swap3A_347], %swap3A_350 {strides = array<i32>} : memref<320x128xf32, #tpu.memory_space<vmem>>, vector<1x16xf32>,
      %broadcast_in_dim3A_351 = arith.constant 0.000000e+00 : f32
      %broadcast_in_dim3A_352 = vector.broadcast %broadcast_in_dim3A_351 : f32 to vector<16xf32>
      %swap3A_353 = arith.index_cast %scan3A_338 : i32 to index
      %swap3A_354 = arith.constant 32 : index
      %swap3A_355 = tpu.vector_load %arg6[%swap3A_353, %swap3A_354] {strides = array<i32>} : memref<320x128xf32, #tpu.memory_space<vmem>>, vector<1x16xf32>,
      %swap3A_356 = vector.shape_cast %swap3A_355 : vector<1x16xf32> to vector<16xf32>
      %swap3A_357 = vector.shape_cast %broadcast_in_dim3A_352 : vector<16xf32> to vector<1x16xf32>
      tpu.vector_store %arg6[%swap3A_353, %swap3A_354], %swap3A_357 {strides = array<i32>} : memref<320x128xf32, #tpu.memory_space<vmem>>, vector<1x16xf32>,
      %broadcast_in_dim3A_358 = arith.constant 0.000000e+00 : f32
      %broadcast_in_dim3A_359 = vector.broadcast %broadcast_in_dim3A_358 : f32 to vector<16xf32>
      %swap3A_360 = arith.index_cast %scan3A_338 : i32 to index
      %swap3A_361 = arith.constant 48 : index
      %swap3A_362 = tpu.vector_load %arg6[%swap3A_360, %swap3A_361] {strides = array<i32>} : memref<320x128xf32, #tpu.memory_space<vmem>>, vector<1x16xf32>,
      %swap3A_363 = vector.shape_cast %swap3A_362 : vector<1x16xf32> to vector<16xf32>
      %swap3A_364 = vector.shape_cast %broadcast_in_dim3A_359 : vector<16xf32> to vector<1x16xf32>
      tpu.vector_store %arg6[%swap3A_360, %swap3A_361], %swap3A_364 {strides = array<i32>} : memref<320x128xf32, #tpu.memory_space<vmem>>, vector<1x16xf32>,
      %broadcast_in_dim3A_365 = arith.constant 0.000000e+00 : f32
      %broadcast_in_dim3A_366 = vector.broadcast %broadcast_in_dim3A_365 : f32 to vector<16xf32>
      %swap3A_367 = arith.index_cast %scan3A_338 : i32 to index
      %swap3A_368 = arith.constant 64 : index
      %swap3A_369 = tpu.vector_load %arg6[%swap3A_367, %swap3A_368] {strides = array<i32>} : memref<320x128xf32, #tpu.memory_space<vmem>>, vector<1x16xf32>,
      %swap3A_370 = vector.shape_cast %swap3A_369 : vector<1x16xf32> to vector<16xf32>
      %swap3A_371 = vector.shape_cast %broadcast_in_dim3A_366 : vector<16xf32> to vector<1x16xf32>
      tpu.vector_store %arg6[%swap3A_367, %swap3A_368], %swap3A_371 {strides = array<i32>} : memref<320x128xf32, #tpu.memory_space<vmem>>, vector<1x16xf32>,
      %broadcast_in_dim3A_372 = arith.constant 0.000000e+00 : f32
      %broadcast_in_dim3A_373 = vector.broadcast %broadcast_in_dim3A_372 : f32 to vector<16xf32>
      %swap3A_374 = arith.index_cast %scan3A_338 : i32 to index
      %swap3A_375 = arith.constant 80 : index
      %swap3A_376 = tpu.vector_load %arg6[%swap3A_374, %swap3A_375] {strides = array<i32>} : memref<320x128xf32, #tpu.memory_space<vmem>>, vector<1x16xf32>,
      %swap3A_377 = vector.shape_cast %swap3A_376 : vector<1x16xf32> to vector<16xf32>
      %swap3A_378 = vector.shape_cast %broadcast_in_dim3A_373 : vector<16xf32> to vector<1x16xf32>
      tpu.vector_store %arg6[%swap3A_374, %swap3A_375], %swap3A_378 {strides = array<i32>} : memref<320x128xf32, #tpu.memory_space<vmem>>, vector<1x16xf32>,
      %broadcast_in_dim3A_379 = arith.constant 0.000000e+00 : f32
      %broadcast_in_dim3A_380 = vector.broadcast %broadcast_in_dim3A_379 : f32 to vector<16xf32>
      %swap3A_381 = arith.index_cast %scan3A_338 : i32 to index
      %swap3A_382 = arith.constant 96 : index
      %swap3A_383 = tpu.vector_load %arg6[%swap3A_381, %swap3A_382] {strides = array<i32>} : memref<320x128xf32, #tpu.memory_space<vmem>>, vector<1x16xf32>,
      %swap3A_384 = vector.shape_cast %swap3A_383 : vector<1x16xf32> to vector<16xf32>
      %swap3A_385 = vector.shape_cast %broadcast_in_dim3A_380 : vector<16xf32> to vector<1x16xf32>
      tpu.vector_store %arg6[%swap3A_381, %swap3A_382], %swap3A_385 {strides = array<i32>} : memref<320x128xf32, #tpu.memory_space<vmem>>, vector<1x16xf32>,
      %broadcast_in_dim3A_386 = arith.constant 0.000000e+00 : f32
      %broadcast_in_dim3A_387 = vector.broadcast %broadcast_in_dim3A_386 : f32 to vector<16xf32>
      %swap3A_388 = arith.index_cast %scan3A_338 : i32 to index
      %swap3A_389 = arith.constant 112 : index
      %swap3A_390 = tpu.vector_load %arg6[%swap3A_388, %swap3A_389] {strides = array<i32>} : memref<320x128xf32, #tpu.memory_space<vmem>>, vector<1x16xf32>,
      %swap3A_391 = vector.shape_cast %swap3A_390 : vector<1x16xf32> to vector<16xf32>
      %swap3A_392 = vector.shape_cast %broadcast_in_dim3A_387 : vector<16xf32> to vector<1x16xf32>
      tpu.vector_store %arg6[%swap3A_388, %swap3A_389], %swap3A_392 {strides = array<i32>} : memref<320x128xf32, #tpu.memory_space<vmem>>, vector<1x16xf32>,
    }
    %scan3A_4 = arith.constant 200 : i32
    %add3A_5 = arith.constant 0 : i32
    %add3A_6 = arith.addi %arg1, %add3A_5 : i32
    %lt3A = arith.constant 50 : i32
    %lt3A_7 = arith.cmpi slt, %add3A_6, %lt3A : i32
    %convert_element_type3A = arith.extui %lt3A_7 : i1 to i32
    %cond3A = arith.constant 0 : i32
    %cond3A_8 = arith.cmpi ne, %convert_element_type3A, %cond3A : i32
    scf.if %cond3A_8 {
      %mul3A_338 = arith.constant 200 : i32
      %mul3A_339 = arith.muli %add3A_6, %mul3A_338 : i32
      "tpu.region"() ({
        %run_scoped3A = tpu.sem_alloc : memref<!tpu.dma_semaphore, #tpu.memory_space<semaphore_mem>>
        %dma_start3A_340 = arith.constant 0 : i32
        %dma_start3A_341 = arith.constant 0 : i32
        %dma_start3A_342 = tpu.memref_slice %arg6[%dma_start3A_340, %dma_start3A_341] : memref<320x128xf32, #tpu.memory_space<vmem>> -> memref<200x128xf32, #tpu.memory_space<vmem>>
        %dma_start3A_343 = arith.constant 0 : i32
        %dma_start3A_344 = tpu.memref_slice %arg18[%mul3A_339, %dma_start3A_343] : memref<10000x128xf32, #tpu.memory_space<vmem_shared>> -> memref<200x128xf32, #tpu.memory_space<vmem_shared>>
        %dma_start3A_345 = arith.constant 0 : i32
        %dma_start3A_346 = tpu.memref_slice %arg18[%mul3A_339, %dma_start3A_345] : memref<10000x128xf32, #tpu.memory_space<vmem_shared>> -> memref<200x128xf32, #tpu.memory_space<vmem_shared>>
        %dma_start3A_347 = arith.constant 0 : i32
        %dma_start3A_348 = arith.constant 0 : i32
        %dma_start3A_349 = tpu.memref_slice %arg6[%dma_start3A_347, %dma_start3A_348] : memref<320x128xf32, #tpu.memory_space<vmem>> -> memref<200x128xf32, #tpu.memory_space<vmem>>
        tpu.enqueue_dma source(%dma_start3A_349 : memref<200x128xf32, #tpu.memory_space<vmem>>) target(%dma_start3A_346 : memref<200x128xf32, #tpu.memory_space<vmem_shared>>) target_semaphore(%run_scoped3A : memref<!tpu.dma_semaphore, #tpu.memory_space<semaphore_mem>>)
        %dma_wait3A_350 = arith.constant 0 : i32
        %dma_wait3A_351 = arith.constant 0 : i32
        %dma_wait3A_352 = tpu.memref_slice %arg6[%dma_wait3A_350, %dma_wait3A_351] : memref<320x128xf32, #tpu.memory_space<vmem>> -> memref<200x128xf32, #tpu.memory_space<vmem>>
        %dma_wait3A_353 = arith.constant 0 : i32
        %dma_wait3A_354 = tpu.memref_slice %arg18[%mul3A_339, %dma_wait3A_353] : memref<10000x128xf32, #tpu.memory_space<vmem_shared>> -> memref<200x128xf32, #tpu.memory_space<vmem_shared>>
        %dma_wait3A_355 = arith.constant 0 : i32
        %dma_wait3A_356 = tpu.memref_slice %arg18[%mul3A_339, %dma_wait3A_355] : memref<10000x128xf32, #tpu.memory_space<vmem_shared>> -> memref<200x128xf32, #tpu.memory_space<vmem_shared>>
        %dma_wait3A_357 = arith.constant 0 : i32
        %dma_wait3A_358 = arith.constant 0 : i32
        %dma_wait3A_359 = tpu.memref_slice %arg6[%dma_wait3A_357, %dma_wait3A_358] : memref<320x128xf32, #tpu.memory_space<vmem>> -> memref<200x128xf32, #tpu.memory_space<vmem>>
        tpu.wait_dma2 semaphore(%run_scoped3A : memref<!tpu.dma_semaphore, #tpu.memory_space<semaphore_mem>>) src(%dma_wait3A_359 : memref<200x128xf32, #tpu.memory_space<vmem>>) dst(%dma_wait3A_356 : memref<200x128xf32, #tpu.memory_space<vmem_shared>>)
        tpu.yield
      }) : () -> ()
    } else {
    }
    %add3A_9 = arith.constant 16 : i32
    %add3A_10 = arith.addi %arg1, %add3A_9 : i32
    %lt3A_11 = arith.constant 50 : i32
    %lt3A_12 = arith.cmpi slt, %add3A_10, %lt3A_11 : i32
    %convert_element_type3A_13 = arith.extui %lt3A_12 : i1 to i32
    %cond3A_14 = arith.constant 0 : i32
    %cond3A_15 = arith.cmpi ne, %convert_element_type3A_13, %cond3A_14 : i32
    scf.if %cond3A_15 {
      %mul3A_338 = arith.constant 200 : i32
      %mul3A_339 = arith.muli %add3A_10, %mul3A_338 : i32
      "tpu.region"() ({
        %run_scoped3A = tpu.sem_alloc : memref<!tpu.dma_semaphore, #tpu.memory_space<semaphore_mem>>
        %dma_start3A_340 = arith.constant 0 : i32
        %dma_start3A_341 = arith.constant 0 : i32
        %dma_start3A_342 = tpu.memref_slice %arg6[%dma_start3A_340, %dma_start3A_341] : memref<320x128xf32, #tpu.memory_space<vmem>> -> memref<200x128xf32, #tpu.memory_space<vmem>>
        %dma_start3A_343 = arith.constant 0 : i32
        %dma_start3A_344 = tpu.memref_slice %arg18[%mul3A_339, %dma_start3A_343] : memref<10000x128xf32, #tpu.memory_space<vmem_shared>> -> memref<200x128xf32, #tpu.memory_space<vmem_shared>>
        %dma_start3A_345 = arith.constant 0 : i32
        %dma_start3A_346 = tpu.memref_slice %arg18[%mul3A_339, %dma_start3A_345] : memref<10000x128xf32, #tpu.memory_space<vmem_shared>> -> memref<200x128xf32, #tpu.memory_space<vmem_shared>>
        %dma_start3A_347 = arith.constant 0 : i32
        %dma_start3A_348 = arith.constant 0 : i32
        %dma_start3A_349 = tpu.memref_slice %arg6[%dma_start3A_347, %dma_start3A_348] : memref<320x128xf32, #tpu.memory_space<vmem>> -> memref<200x128xf32, #tpu.memory_space<vmem>>
        tpu.enqueue_dma source(%dma_start3A_349 : memref<200x128xf32, #tpu.memory_space<vmem>>) target(%dma_start3A_346 : memref<200x128xf32, #tpu.memory_space<vmem_shared>>) target_semaphore(%run_scoped3A : memref<!tpu.dma_semaphore, #tpu.memory_space<semaphore_mem>>)
        %dma_wait3A_350 = arith.constant 0 : i32
        %dma_wait3A_351 = arith.constant 0 : i32
        %dma_wait3A_352 = tpu.memref_slice %arg6[%dma_wait3A_350, %dma_wait3A_351] : memref<320x128xf32, #tpu.memory_space<vmem>> -> memref<200x128xf32, #tpu.memory_space<vmem>>
        %dma_wait3A_353 = arith.constant 0 : i32
        %dma_wait3A_354 = tpu.memref_slice %arg18[%mul3A_339, %dma_wait3A_353] : memref<10000x128xf32, #tpu.memory_space<vmem_shared>> -> memref<200x128xf32, #tpu.memory_space<vmem_shared>>
        %dma_wait3A_355 = arith.constant 0 : i32
        %dma_wait3A_356 = tpu.memref_slice %arg18[%mul3A_339, %dma_wait3A_355] : memref<10000x128xf32, #tpu.memory_space<vmem_shared>> -> memref<200x128xf32, #tpu.memory_space<vmem_shared>>
        %dma_wait3A_357 = arith.constant 0 : i32
        %dma_wait3A_358 = arith.constant 0 : i32
        %dma_wait3A_359 = tpu.memref_slice %arg6[%dma_wait3A_357, %dma_wait3A_358] : memref<320x128xf32, #tpu.memory_space<vmem>> -> memref<200x128xf32, #tpu.memory_space<vmem>>
        tpu.wait_dma2 semaphore(%run_scoped3A : memref<!tpu.dma_semaphore, #tpu.memory_space<semaphore_mem>>) src(%dma_wait3A_359 : memref<200x128xf32, #tpu.memory_space<vmem>>) dst(%dma_wait3A_356 : memref<200x128xf32, #tpu.memory_space<vmem_shared>>)
        tpu.yield
      }) : () -> ()
    } else {
    }
    %add3A_16 = arith.constant 32 : i32
    %add3A_17 = arith.addi %arg1, %add3A_16 : i32
    %lt3A_18 = arith.constant 50 : i32
    %lt3A_19 = arith.cmpi slt, %add3A_17, %lt3A_18 : i32
    %convert_element_type3A_20 = arith.extui %lt3A_19 : i1 to i32
    %cond3A_21 = arith.constant 0 : i32
    %cond3A_22 = arith.cmpi ne, %convert_element_type3A_20, %cond3A_21 : i32
    scf.if %cond3A_22 {
      %mul3A_338 = arith.constant 200 : i32
      %mul3A_339 = arith.muli %add3A_17, %mul3A_338 : i32
      "tpu.region"() ({
        %run_scoped3A = tpu.sem_alloc : memref<!tpu.dma_semaphore, #tpu.memory_space<semaphore_mem>>
        %dma_start3A_340 = arith.constant 0 : i32
        %dma_start3A_341 = arith.constant 0 : i32
        %dma_start3A_342 = tpu.memref_slice %arg6[%dma_start3A_340, %dma_start3A_341] : memref<320x128xf32, #tpu.memory_space<vmem>> -> memref<200x128xf32, #tpu.memory_space<vmem>>
        %dma_start3A_343 = arith.constant 0 : i32
        %dma_start3A_344 = tpu.memref_slice %arg18[%mul3A_339, %dma_start3A_343] : memref<10000x128xf32, #tpu.memory_space<vmem_shared>> -> memref<200x128xf32, #tpu.memory_space<vmem_shared>>
        %dma_start3A_345 = arith.constant 0 : i32
        %dma_start3A_346 = tpu.memref_slice %arg18[%mul3A_339, %dma_start3A_345] : memref<10000x128xf32, #tpu.memory_space<vmem_shared>> -> memref<200x128xf32, #tpu.memory_space<vmem_shared>>
        %dma_start3A_347 = arith.constant 0 : i32
        %dma_start3A_348 = arith.constant 0 : i32
        %dma_start3A_349 = tpu.memref_slice %arg6[%dma_start3A_347, %dma_start3A_348] : memref<320x128xf32, #tpu.memory_space<vmem>> -> memref<200x128xf32, #tpu.memory_space<vmem>>
        tpu.enqueue_dma source(%dma_start3A_349 : memref<200x128xf32, #tpu.memory_space<vmem>>) target(%dma_start3A_346 : memref<200x128xf32, #tpu.memory_space<vmem_shared>>) target_semaphore(%run_scoped3A : memref<!tpu.dma_semaphore, #tpu.memory_space<semaphore_mem>>)
        %dma_wait3A_350 = arith.constant 0 : i32
        %dma_wait3A_351 = arith.constant 0 : i32
        %dma_wait3A_352 = tpu.memref_slice %arg6[%dma_wait3A_350, %dma_wait3A_351] : memref<320x128xf32, #tpu.memory_space<vmem>> -> memref<200x128xf32, #tpu.memory_space<vmem>>
        %dma_wait3A_353 = arith.constant 0 : i32
        %dma_wait3A_354 = tpu.memref_slice %arg18[%mul3A_339, %dma_wait3A_353] : memref<10000x128xf32, #tpu.memory_space<vmem_shared>> -> memref<200x128xf32, #tpu.memory_space<vmem_shared>>
        %dma_wait3A_355 = arith.constant 0 : i32
        %dma_wait3A_356 = tpu.memref_slice %arg18[%mul3A_339, %dma_wait3A_355] : memref<10000x128xf32, #tpu.memory_space<vmem_shared>> -> memref<200x128xf32, #tpu.memory_space<vmem_shared>>
        %dma_wait3A_357 = arith.constant 0 : i32
        %dma_wait3A_358 = arith.constant 0 : i32
        %dma_wait3A_359 = tpu.memref_slice %arg6[%dma_wait3A_357, %dma_wait3A_358] : memref<320x128xf32, #tpu.memory_space<vmem>> -> memref<200x128xf32, #tpu.memory_space<vmem>>
        tpu.wait_dma2 semaphore(%run_scoped3A : memref<!tpu.dma_semaphore, #tpu.memory_space<semaphore_mem>>) src(%dma_wait3A_359 : memref<200x128xf32, #tpu.memory_space<vmem>>) dst(%dma_wait3A_356 : memref<200x128xf32, #tpu.memory_space<vmem_shared>>)
        tpu.yield
      }) : () -> ()
    } else {
    }
    %add3A_23 = arith.constant 48 : i32
    %add3A_24 = arith.addi %arg1, %add3A_23 : i32
    %lt3A_25 = arith.constant 50 : i32
    %lt3A_26 = arith.cmpi slt, %add3A_24, %lt3A_25 : i32
    %convert_element_type3A_27 = arith.extui %lt3A_26 : i1 to i32
    %cond3A_28 = arith.constant 0 : i32
    %cond3A_29 = arith.cmpi ne, %convert_element_type3A_27, %cond3A_28 : i32
    scf.if %cond3A_29 {
      %mul3A_338 = arith.constant 200 : i32
      %mul3A_339 = arith.muli %add3A_24, %mul3A_338 : i32
      "tpu.region"() ({
        %run_scoped3A = tpu.sem_alloc : memref<!tpu.dma_semaphore, #tpu.memory_space<semaphore_mem>>
        %dma_start3A_340 = arith.constant 0 : i32
        %dma_start3A_341 = arith.constant 0 : i32
        %dma_start3A_342 = tpu.memref_slice %arg6[%dma_start3A_340, %dma_start3A_341] : memref<320x128xf32, #tpu.memory_space<vmem>> -> memref<200x128xf32, #tpu.memory_space<vmem>>
        %dma_start3A_343 = arith.constant 0 : i32
        %dma_start3A_344 = tpu.memref_slice %arg18[%mul3A_339, %dma_start3A_343] : memref<10000x128xf32, #tpu.memory_space<vmem_shared>> -> memref<200x128xf32, #tpu.memory_space<vmem_shared>>
        %dma_start3A_345 = arith.constant 0 : i32
        %dma_start3A_346 = tpu.memref_slice %arg18[%mul3A_339, %dma_start3A_345] : memref<10000x128xf32, #tpu.memory_space<vmem_shared>> -> memref<200x128xf32, #tpu.memory_space<vmem_shared>>
        %dma_start3A_347 = arith.constant 0 : i32
        %dma_start3A_348 = arith.constant 0 : i32
        %dma_start3A_349 = tpu.memref_slice %arg6[%dma_start3A_347, %dma_start3A_348] : memref<320x128xf32, #tpu.memory_space<vmem>> -> memref<200x128xf32, #tpu.memory_space<vmem>>
        tpu.enqueue_dma source(%dma_start3A_349 : memref<200x128xf32, #tpu.memory_space<vmem>>) target(%dma_start3A_346 : memref<200x128xf32, #tpu.memory_space<vmem_shared>>) target_semaphore(%run_scoped3A : memref<!tpu.dma_semaphore, #tpu.memory_space<semaphore_mem>>)
        %dma_wait3A_350 = arith.constant 0 : i32
        %dma_wait3A_351 = arith.constant 0 : i32
        %dma_wait3A_352 = tpu.memref_slice %arg6[%dma_wait3A_350, %dma_wait3A_351] : memref<320x128xf32, #tpu.memory_space<vmem>> -> memref<200x128xf32, #tpu.memory_space<vmem>>
        %dma_wait3A_353 = arith.constant 0 : i32
        %dma_wait3A_354 = tpu.memref_slice %arg18[%mul3A_339, %dma_wait3A_353] : memref<10000x128xf32, #tpu.memory_space<vmem_shared>> -> memref<200x128xf32, #tpu.memory_space<vmem_shared>>
        %dma_wait3A_355 = arith.constant 0 : i32
        %dma_wait3A_356 = tpu.memref_slice %arg18[%mul3A_339, %dma_wait3A_355] : memref<10000x128xf32, #tpu.memory_space<vmem_shared>> -> memref<200x128xf32, #tpu.memory_space<vmem_shared>>
        %dma_wait3A_357 = arith.constant 0 : i32
        %dma_wait3A_358 = arith.constant 0 : i32
        %dma_wait3A_359 = tpu.memref_slice %arg6[%dma_wait3A_357, %dma_wait3A_358] : memref<320x128xf32, #tpu.memory_space<vmem>> -> memref<200x128xf32, #tpu.memory_space<vmem>>
        tpu.wait_dma2 semaphore(%run_scoped3A : memref<!tpu.dma_semaphore, #tpu.memory_space<semaphore_mem>>) src(%dma_wait3A_359 : memref<200x128xf32, #tpu.memory_space<vmem>>) dst(%dma_wait3A_356 : memref<200x128xf32, #tpu.memory_space<vmem_shared>>)
        tpu.yield
      }) : () -> ()
    } else {
    }
    %barrier3A = arith.constant 0 : index
    tpu.barrier barrier_id(%barrier3A)
    %mul3A_30 = arith.constant 10000 : i32
    %mul3A_31 = arith.muli %add3A, %mul3A_30 : i32
    %add3A_32 = arith.constant 0 : i32
    %add3A_33 = arith.addi %mul3A_31, %add3A_32 : i32
    %dma_start3A = arith.constant 0 : i32
    %dma_start3A_34 = arith.constant 0 : i32
    %dma_start3A_35 = tpu.memref_slice %arg7[%dma_start3A, %dma_start3A_34] : memref<4x80xi32, #tpu.memory_space<vmem>> -> memref<1x80xi32, #tpu.memory_space<vmem>>
    %dma_start3A_36 = tpu.memref_squeeze %dma_start3A_35 : memref<1x80xi32, #tpu.memory_space<vmem>> -> memref<80xi32, #tpu.memory_space<vmem>>
    %dma_start3A_37 = tpu.memref_slice %arg3[%add3A_33] : memref<320000xi32, #tpu.memory_space<hbm>> -> memref<80xi32, #tpu.memory_space<hbm>>
    %dma_start3A_38 = arith.constant 0 : i32
    %dma_start3A_39 = tpu.memref_slice %arg7[%dma_start3A, %dma_start3A_38] : memref<4x80xi32, #tpu.memory_space<vmem>> -> memref<1x80xi32, #tpu.memory_space<vmem>>
    %dma_start3A_40 = tpu.memref_squeeze %dma_start3A_39 : memref<1x80xi32, #tpu.memory_space<vmem>> -> memref<80xi32, #tpu.memory_space<vmem>>
    %dma_start3A_41 = tpu.memref_slice %arg3[%add3A_33] : memref<320000xi32, #tpu.memory_space<hbm>> -> memref<80xi32, #tpu.memory_space<hbm>>
    tpu.enqueue_dma source(%dma_start3A_41 : memref<80xi32, #tpu.memory_space<hbm>>) target(%dma_start3A_40 : memref<80xi32, #tpu.memory_space<vmem>>) target_semaphore(%arg17 : memref<!tpu.dma_semaphore, #tpu.memory_space<semaphore_mem>>)
    %dma_start3A_42 = arith.constant 0 : i32
    %dma_start3A_43 = arith.constant 0 : i32
    %dma_start3A_44 = tpu.memref_slice %arg8[%dma_start3A_42, %dma_start3A_43] : memref<4x80xi32, #tpu.memory_space<vmem>> -> memref<1x80xi32, #tpu.memory_space<vmem>>
    %dma_start3A_45 = tpu.memref_squeeze %dma_start3A_44 : memref<1x80xi32, #tpu.memory_space<vmem>> -> memref<80xi32, #tpu.memory_space<vmem>>
    %dma_start3A_46 = tpu.memref_slice %arg4[%add3A_33] : memref<320000xi32, #tpu.memory_space<hbm>> -> memref<80xi32, #tpu.memory_space<hbm>>
    %dma_start3A_47 = arith.constant 0 : i32
    %dma_start3A_48 = tpu.memref_slice %arg8[%dma_start3A_42, %dma_start3A_47] : memref<4x80xi32, #tpu.memory_space<vmem>> -> memref<1x80xi32, #tpu.memory_space<vmem>>
    %dma_start3A_49 = tpu.memref_squeeze %dma_start3A_48 : memref<1x80xi32, #tpu.memory_space<vmem>> -> memref<80xi32, #tpu.memory_space<vmem>>
    %dma_start3A_50 = tpu.memref_slice %arg4[%add3A_33] : memref<320000xi32, #tpu.memory_space<hbm>> -> memref<80xi32, #tpu.memory_space<hbm>>
    tpu.enqueue_dma source(%dma_start3A_50 : memref<80xi32, #tpu.memory_space<hbm>>) target(%dma_start3A_49 : memref<80xi32, #tpu.memory_space<vmem>>) target_semaphore(%arg17 : memref<!tpu.dma_semaphore, #tpu.memory_space<semaphore_mem>>)
    %dma_wait3A = arith.constant 0 : i32
    %dma_wait3A_51 = arith.constant 0 : i32
    %dma_wait3A_52 = tpu.memref_slice %arg7[%dma_wait3A, %dma_wait3A_51] : memref<4x80xi32, #tpu.memory_space<vmem>> -> memref<1x80xi32, #tpu.memory_space<vmem>>
    %dma_wait3A_53 = tpu.memref_squeeze %dma_wait3A_52 : memref<1x80xi32, #tpu.memory_space<vmem>> -> memref<80xi32, #tpu.memory_space<vmem>>
    %dma_wait3A_54 = arith.constant 0 : i32
    %dma_wait3A_55 = tpu.memref_slice %arg3[%dma_wait3A_54] : memref<320000xi32, #tpu.memory_space<hbm>> -> memref<80xi32, #tpu.memory_space<hbm>>
    %dma_wait3A_56 = arith.constant 0 : i32
    %dma_wait3A_57 = tpu.memref_slice %arg7[%dma_wait3A, %dma_wait3A_56] : memref<4x80xi32, #tpu.memory_space<vmem>> -> memref<1x80xi32, #tpu.memory_space<vmem>>
    %dma_wait3A_58 = tpu.memref_squeeze %dma_wait3A_57 : memref<1x80xi32, #tpu.memory_space<vmem>> -> memref<80xi32, #tpu.memory_space<vmem>>
    %dma_wait3A_59 = arith.constant 0 : i32
    %dma_wait3A_60 = tpu.memref_slice %arg3[%dma_wait3A_59] : memref<320000xi32, #tpu.memory_space<hbm>> -> memref<80xi32, #tpu.memory_space<hbm>>
    tpu.wait_dma2 semaphore(%arg17 : memref<!tpu.dma_semaphore, #tpu.memory_space<semaphore_mem>>) src(%dma_wait3A_60 : memref<80xi32, #tpu.memory_space<hbm>>) dst(%dma_wait3A_58 : memref<80xi32, #tpu.memory_space<vmem>>)
    %dma_wait3A_61 = arith.constant 0 : i32
    %dma_wait3A_62 = arith.constant 0 : i32
    %dma_wait3A_63 = tpu.memref_slice %arg8[%dma_wait3A_61, %dma_wait3A_62] : memref<4x80xi32, #tpu.memory_space<vmem>> -> memref<1x80xi32, #tpu.memory_space<vmem>>
    %dma_wait3A_64 = tpu.memref_squeeze %dma_wait3A_63 : memref<1x80xi32, #tpu.memory_space<vmem>> -> memref<80xi32, #tpu.memory_space<vmem>>
    %dma_wait3A_65 = arith.constant 0 : i32
    %dma_wait3A_66 = tpu.memref_slice %arg4[%dma_wait3A_65] : memref<320000xi32, #tpu.memory_space<hbm>> -> memref<80xi32, #tpu.memory_space<hbm>>
    %dma_wait3A_67 = arith.constant 0 : i32
    %dma_wait3A_68 = tpu.memref_slice %arg8[%dma_wait3A_61, %dma_wait3A_67] : memref<4x80xi32, #tpu.memory_space<vmem>> -> memref<1x80xi32, #tpu.memory_space<vmem>>
    %dma_wait3A_69 = tpu.memref_squeeze %dma_wait3A_68 : memref<1x80xi32, #tpu.memory_space<vmem>> -> memref<80xi32, #tpu.memory_space<vmem>>
    %dma_wait3A_70 = arith.constant 0 : i32
    %dma_wait3A_71 = tpu.memref_slice %arg4[%dma_wait3A_70] : memref<320000xi32, #tpu.memory_space<hbm>> -> memref<80xi32, #tpu.memory_space<hbm>>
    tpu.wait_dma2 semaphore(%arg17 : memref<!tpu.dma_semaphore, #tpu.memory_space<semaphore_mem>>) src(%dma_wait3A_71 : memref<80xi32, #tpu.memory_space<hbm>>) dst(%dma_wait3A_69 : memref<80xi32, #tpu.memory_space<vmem>>)
    %dma_start3A_72 = arith.constant 0 : i32
    %dma_start3A_73 = arith.constant 0 : i32
    %dma_start3A_74 = arith.constant 0 : i32
    %dma_start3A_75 = tpu.memref_slice %arg6[%dma_start3A_73, %dma_start3A_74] : memref<320x128xf32, #tpu.memory_space<vmem>> -> memref<80x128xf32, #tpu.memory_space<vmem>>
    %dma_start3A_76 = arith.constant 0 : i32
    %dma_start3A_77 = tpu.memref_slice %arg7[%dma_start3A_72, %dma_start3A_76] : memref<4x80xi32, #tpu.memory_space<vmem>> -> memref<1x80xi32, #tpu.memory_space<vmem>>
    %dma_start3A_78 = tpu.memref_squeeze %dma_start3A_77 : memref<1x80xi32, #tpu.memory_space<vmem>> -> memref<80xi32, #tpu.memory_space<vmem>>
    %dma_start3A_79 = arith.constant 0 : i32
    %dma_start3A_80 = arith.constant 0 : i32
    %dma_start3A_81 = tpu.memref_slice %arg2[%dma_start3A_79, %dma_start3A_80] : memref<10000x128xf32, #tpu.memory_space<hbm>> -> memref<10000x128xf32, #tpu.memory_space<hbm>>
    tpu.enqueue_indirect_dma source(%dma_start3A_81 : memref<10000x128xf32, #tpu.memory_space<hbm>>) target(%dma_start3A_75 : memref<80x128xf32, #tpu.memory_space<vmem>>) offsets(%dma_start3A_78 : memref<80xi32, #tpu.memory_space<vmem>>) semaphore(%arg9 : memref<!tpu.dma_semaphore, #tpu.memory_space<semaphore_mem>>)
    %mul3A_82 = arith.constant 10000 : i32
    %mul3A_83 = arith.muli %add3A, %mul3A_82 : i32
    %add3A_84 = arith.constant 80 : i32
    %add3A_85 = arith.addi %mul3A_83, %add3A_84 : i32
    %dma_start3A_86 = arith.constant 1 : i32
    %dma_start3A_87 = arith.constant 0 : i32
    %dma_start3A_88 = tpu.memref_slice %arg7[%dma_start3A_86, %dma_start3A_87] : memref<4x80xi32, #tpu.memory_space<vmem>> -> memref<1x80xi32, #tpu.memory_space<vmem>>
    %dma_start3A_89 = tpu.memref_squeeze %dma_start3A_88 : memref<1x80xi32, #tpu.memory_space<vmem>> -> memref<80xi32, #tpu.memory_space<vmem>>
    %dma_start3A_90 = tpu.memref_slice %arg3[%add3A_85] : memref<320000xi32, #tpu.memory_space<hbm>> -> memref<80xi32, #tpu.memory_space<hbm>>
    %dma_start3A_91 = arith.constant 0 : i32
    %dma_start3A_92 = tpu.memref_slice %arg7[%dma_start3A_86, %dma_start3A_91] : memref<4x80xi32, #tpu.memory_space<vmem>> -> memref<1x80xi32, #tpu.memory_space<vmem>>
    %dma_start3A_93 = tpu.memref_squeeze %dma_start3A_92 : memref<1x80xi32, #tpu.memory_space<vmem>> -> memref<80xi32, #tpu.memory_space<vmem>>
    %dma_start3A_94 = tpu.memref_slice %arg3[%add3A_85] : memref<320000xi32, #tpu.memory_space<hbm>> -> memref<80xi32, #tpu.memory_space<hbm>>
    tpu.enqueue_dma source(%dma_start3A_94 : memref<80xi32, #tpu.memory_space<hbm>>) target(%dma_start3A_93 : memref<80xi32, #tpu.memory_space<vmem>>) target_semaphore(%arg17 : memref<!tpu.dma_semaphore, #tpu.memory_space<semaphore_mem>>)
    %dma_start3A_95 = arith.constant 1 : i32
    %dma_start3A_96 = arith.constant 0 : i32
    %dma_start3A_97 = tpu.memref_slice %arg8[%dma_start3A_95, %dma_start3A_96] : memref<4x80xi32, #tpu.memory_space<vmem>> -> memref<1x80xi32, #tpu.memory_space<vmem>>
    %dma_start3A_98 = tpu.memref_squeeze %dma_start3A_97 : memref<1x80xi32, #tpu.memory_space<vmem>> -> memref<80xi32, #tpu.memory_space<vmem>>
    %dma_start3A_99 = tpu.memref_slice %arg4[%add3A_85] : memref<320000xi32, #tpu.memory_space<hbm>> -> memref<80xi32, #tpu.memory_space<hbm>>
    %dma_start3A_100 = arith.constant 0 : i32
    %dma_start3A_101 = tpu.memref_slice %arg8[%dma_start3A_95, %dma_start3A_100] : memref<4x80xi32, #tpu.memory_space<vmem>> -> memref<1x80xi32, #tpu.memory_space<vmem>>
    %dma_start3A_102 = tpu.memref_squeeze %dma_start3A_101 : memref<1x80xi32, #tpu.memory_space<vmem>> -> memref<80xi32, #tpu.memory_space<vmem>>
    %dma_start3A_103 = tpu.memref_slice %arg4[%add3A_85] : memref<320000xi32, #tpu.memory_space<hbm>> -> memref<80xi32, #tpu.memory_space<hbm>>
    tpu.enqueue_dma source(%dma_start3A_103 : memref<80xi32, #tpu.memory_space<hbm>>) target(%dma_start3A_102 : memref<80xi32, #tpu.memory_space<vmem>>) target_semaphore(%arg17 : memref<!tpu.dma_semaphore, #tpu.memory_space<semaphore_mem>>)
    %dma_wait3A_104 = arith.constant 1 : i32
    %dma_wait3A_105 = arith.constant 0 : i32
    %dma_wait3A_106 = tpu.memref_slice %arg7[%dma_wait3A_104, %dma_wait3A_105] : memref<4x80xi32, #tpu.memory_space<vmem>> -> memref<1x80xi32, #tpu.memory_space<vmem>>
    %dma_wait3A_107 = tpu.memref_squeeze %dma_wait3A_106 : memref<1x80xi32, #tpu.memory_space<vmem>> -> memref<80xi32, #tpu.memory_space<vmem>>
    %dma_wait3A_108 = arith.constant 0 : i32
    %dma_wait3A_109 = tpu.memref_slice %arg3[%dma_wait3A_108] : memref<320000xi32, #tpu.memory_space<hbm>> -> memref<80xi32, #tpu.memory_space<hbm>>
    %dma_wait3A_110 = arith.constant 0 : i32
    %dma_wait3A_111 = tpu.memref_slice %arg7[%dma_wait3A_104, %dma_wait3A_110] : memref<4x80xi32, #tpu.memory_space<vmem>> -> memref<1x80xi32, #tpu.memory_space<vmem>>
    %dma_wait3A_112 = tpu.memref_squeeze %dma_wait3A_111 : memref<1x80xi32, #tpu.memory_space<vmem>> -> memref<80xi32, #tpu.memory_space<vmem>>
    %dma_wait3A_113 = arith.constant 0 : i32
    %dma_wait3A_114 = tpu.memref_slice %arg3[%dma_wait3A_113] : memref<320000xi32, #tpu.memory_space<hbm>> -> memref<80xi32, #tpu.memory_space<hbm>>
    tpu.wait_dma2 semaphore(%arg17 : memref<!tpu.dma_semaphore, #tpu.memory_space<semaphore_mem>>) src(%dma_wait3A_114 : memref<80xi32, #tpu.memory_space<hbm>>) dst(%dma_wait3A_112 : memref<80xi32, #tpu.memory_space<vmem>>)
    %dma_wait3A_115 = arith.constant 1 : i32
    %dma_wait3A_116 = arith.constant 0 : i32
    %dma_wait3A_117 = tpu.memref_slice %arg8[%dma_wait3A_115, %dma_wait3A_116] : memref<4x80xi32, #tpu.memory_space<vmem>> -> memref<1x80xi32, #tpu.memory_space<vmem>>
    %dma_wait3A_118 = tpu.memref_squeeze %dma_wait3A_117 : memref<1x80xi32, #tpu.memory_space<vmem>> -> memref<80xi32, #tpu.memory_space<vmem>>
    %dma_wait3A_119 = arith.constant 0 : i32
    %dma_wait3A_120 = tpu.memref_slice %arg4[%dma_wait3A_119] : memref<320000xi32, #tpu.memory_space<hbm>> -> memref<80xi32, #tpu.memory_space<hbm>>
    %dma_wait3A_121 = arith.constant 0 : i32
    %dma_wait3A_122 = tpu.memref_slice %arg8[%dma_wait3A_115, %dma_wait3A_121] : memref<4x80xi32, #tpu.memory_space<vmem>> -> memref<1x80xi32, #tpu.memory_space<vmem>>
    %dma_wait3A_123 = tpu.memref_squeeze %dma_wait3A_122 : memref<1x80xi32, #tpu.memory_space<vmem>> -> memref<80xi32, #tpu.memory_space<vmem>>
    %dma_wait3A_124 = arith.constant 0 : i32
    %dma_wait3A_125 = tpu.memref_slice %arg4[%dma_wait3A_124] : memref<320000xi32, #tpu.memory_space<hbm>> -> memref<80xi32, #tpu.memory_space<hbm>>
    tpu.wait_dma2 semaphore(%arg17 : memref<!tpu.dma_semaphore, #tpu.memory_space<semaphore_mem>>) src(%dma_wait3A_125 : memref<80xi32, #tpu.memory_space<hbm>>) dst(%dma_wait3A_123 : memref<80xi32, #tpu.memory_space<vmem>>)
    %dma_start3A_126 = arith.constant 1 : i32
    %dma_start3A_127 = arith.constant 80 : i32
    %dma_start3A_128 = arith.constant 0 : i32
    %dma_start3A_129 = tpu.memref_slice %arg6[%dma_start3A_127, %dma_start3A_128] : memref<320x128xf32, #tpu.memory_space<vmem>> -> memref<80x128xf32, #tpu.memory_space<vmem>>
    %dma_start3A_130 = arith.constant 0 : i32
    %dma_start3A_131 = tpu.memref_slice %arg7[%dma_start3A_126, %dma_start3A_130] : memref<4x80xi32, #tpu.memory_space<vmem>> -> memref<1x80xi32, #tpu.memory_space<vmem>>
    %dma_start3A_132 = tpu.memref_squeeze %dma_start3A_131 : memref<1x80xi32, #tpu.memory_space<vmem>> -> memref<80xi32, #tpu.memory_space<vmem>>
    %dma_start3A_133 = arith.constant 0 : i32
    %dma_start3A_134 = arith.constant 0 : i32
    %dma_start3A_135 = tpu.memref_slice %arg2[%dma_start3A_133, %dma_start3A_134] : memref<10000x128xf32, #tpu.memory_space<hbm>> -> memref<10000x128xf32, #tpu.memory_space<hbm>>
    tpu.enqueue_indirect_dma source(%dma_start3A_135 : memref<10000x128xf32, #tpu.memory_space<hbm>>) target(%dma_start3A_129 : memref<80x128xf32, #tpu.memory_space<vmem>>) offsets(%dma_start3A_132 : memref<80xi32, #tpu.memory_space<vmem>>) semaphore(%arg10 : memref<!tpu.dma_semaphore, #tpu.memory_space<semaphore_mem>>)
    %mul3A_136 = arith.constant 10000 : i32
    %mul3A_137 = arith.muli %add3A, %mul3A_136 : i32
    %add3A_138 = arith.constant 160 : i32
    %add3A_139 = arith.addi %mul3A_137, %add3A_138 : i32
    %dma_start3A_140 = arith.constant 2 : i32
    %dma_start3A_141 = arith.constant 0 : i32
    %dma_start3A_142 = tpu.memref_slice %arg7[%dma_start3A_140, %dma_start3A_141] : memref<4x80xi32, #tpu.memory_space<vmem>> -> memref<1x80xi32, #tpu.memory_space<vmem>>
    %dma_start3A_143 = tpu.memref_squeeze %dma_start3A_142 : memref<1x80xi32, #tpu.memory_space<vmem>> -> memref<80xi32, #tpu.memory_space<vmem>>
    %dma_start3A_144 = tpu.memref_slice %arg3[%add3A_139] : memref<320000xi32, #tpu.memory_space<hbm>> -> memref<80xi32, #tpu.memory_space<hbm>>
    %dma_start3A_145 = arith.constant 0 : i32
    %dma_start3A_146 = tpu.memref_slice %arg7[%dma_start3A_140, %dma_start3A_145] : memref<4x80xi32, #tpu.memory_space<vmem>> -> memref<1x80xi32, #tpu.memory_space<vmem>>
    %dma_start3A_147 = tpu.memref_squeeze %dma_start3A_146 : memref<1x80xi32, #tpu.memory_space<vmem>> -> memref<80xi32, #tpu.memory_space<vmem>>
    %dma_start3A_148 = tpu.memref_slice %arg3[%add3A_139] : memref<320000xi32, #tpu.memory_space<hbm>> -> memref<80xi32, #tpu.memory_space<hbm>>
    tpu.enqueue_dma source(%dma_start3A_148 : memref<80xi32, #tpu.memory_space<hbm>>) target(%dma_start3A_147 : memref<80xi32, #tpu.memory_space<vmem>>) target_semaphore(%arg17 : memref<!tpu.dma_semaphore, #tpu.memory_space<semaphore_mem>>)
    %dma_start3A_149 = arith.constant 2 : i32
    %dma_start3A_150 = arith.constant 0 : i32
    %dma_start3A_151 = tpu.memref_slice %arg8[%dma_start3A_149, %dma_start3A_150] : memref<4x80xi32, #tpu.memory_space<vmem>> -> memref<1x80xi32, #tpu.memory_space<vmem>>
    %dma_start3A_152 = tpu.memref_squeeze %dma_start3A_151 : memref<1x80xi32, #tpu.memory_space<vmem>> -> memref<80xi32, #tpu.memory_space<vmem>>
    %dma_start3A_153 = tpu.memref_slice %arg4[%add3A_139] : memref<320000xi32, #tpu.memory_space<hbm>> -> memref<80xi32, #tpu.memory_space<hbm>>
    %dma_start3A_154 = arith.constant 0 : i32
    %dma_start3A_155 = tpu.memref_slice %arg8[%dma_start3A_149, %dma_start3A_154] : memref<4x80xi32, #tpu.memory_space<vmem>> -> memref<1x80xi32, #tpu.memory_space<vmem>>
    %dma_start3A_156 = tpu.memref_squeeze %dma_start3A_155 : memref<1x80xi32, #tpu.memory_space<vmem>> -> memref<80xi32, #tpu.memory_space<vmem>>
    %dma_start3A_157 = tpu.memref_slice %arg4[%add3A_139] : memref<320000xi32, #tpu.memory_space<hbm>> -> memref<80xi32, #tpu.memory_space<hbm>>
    tpu.enqueue_dma source(%dma_start3A_157 : memref<80xi32, #tpu.memory_space<hbm>>) target(%dma_start3A_156 : memref<80xi32, #tpu.memory_space<vmem>>) target_semaphore(%arg17 : memref<!tpu.dma_semaphore, #tpu.memory_space<semaphore_mem>>)
    %dma_wait3A_158 = arith.constant 2 : i32
    %dma_wait3A_159 = arith.constant 0 : i32
    %dma_wait3A_160 = tpu.memref_slice %arg7[%dma_wait3A_158, %dma_wait3A_159] : memref<4x80xi32, #tpu.memory_space<vmem>> -> memref<1x80xi32, #tpu.memory_space<vmem>>
    %dma_wait3A_161 = tpu.memref_squeeze %dma_wait3A_160 : memref<1x80xi32, #tpu.memory_space<vmem>> -> memref<80xi32, #tpu.memory_space<vmem>>
    %dma_wait3A_162 = arith.constant 0 : i32
    %dma_wait3A_163 = tpu.memref_slice %arg3[%dma_wait3A_162] : memref<320000xi32, #tpu.memory_space<hbm>> -> memref<80xi32, #tpu.memory_space<hbm>>
    %dma_wait3A_164 = arith.constant 0 : i32
    %dma_wait3A_165 = tpu.memref_slice %arg7[%dma_wait3A_158, %dma_wait3A_164] : memref<4x80xi32, #tpu.memory_space<vmem>> -> memref<1x80xi32, #tpu.memory_space<vmem>>
    %dma_wait3A_166 = tpu.memref_squeeze %dma_wait3A_165 : memref<1x80xi32, #tpu.memory_space<vmem>> -> memref<80xi32, #tpu.memory_space<vmem>>
    %dma_wait3A_167 = arith.constant 0 : i32
    %dma_wait3A_168 = tpu.memref_slice %arg3[%dma_wait3A_167] : memref<320000xi32, #tpu.memory_space<hbm>> -> memref<80xi32, #tpu.memory_space<hbm>>
    tpu.wait_dma2 semaphore(%arg17 : memref<!tpu.dma_semaphore, #tpu.memory_space<semaphore_mem>>) src(%dma_wait3A_168 : memref<80xi32, #tpu.memory_space<hbm>>) dst(%dma_wait3A_166 : memref<80xi32, #tpu.memory_space<vmem>>)
    %dma_wait3A_169 = arith.constant 2 : i32
    %dma_wait3A_170 = arith.constant 0 : i32
    %dma_wait3A_171 = tpu.memref_slice %arg8[%dma_wait3A_169, %dma_wait3A_170] : memref<4x80xi32, #tpu.memory_space<vmem>> -> memref<1x80xi32, #tpu.memory_space<vmem>>
    %dma_wait3A_172 = tpu.memref_squeeze %dma_wait3A_171 : memref<1x80xi32, #tpu.memory_space<vmem>> -> memref<80xi32, #tpu.memory_space<vmem>>
    %dma_wait3A_173 = arith.constant 0 : i32
    %dma_wait3A_174 = tpu.memref_slice %arg4[%dma_wait3A_173] : memref<320000xi32, #tpu.memory_space<hbm>> -> memref<80xi32, #tpu.memory_space<hbm>>
    %dma_wait3A_175 = arith.constant 0 : i32
    %dma_wait3A_176 = tpu.memref_slice %arg8[%dma_wait3A_169, %dma_wait3A_175] : memref<4x80xi32, #tpu.memory_space<vmem>> -> memref<1x80xi32, #tpu.memory_space<vmem>>
    %dma_wait3A_177 = tpu.memref_squeeze %dma_wait3A_176 : memref<1x80xi32, #tpu.memory_space<vmem>> -> memref<80xi32, #tpu.memory_space<vmem>>
    %dma_wait3A_178 = arith.constant 0 : i32
    %dma_wait3A_179 = tpu.memref_slice %arg4[%dma_wait3A_178] : memref<320000xi32, #tpu.memory_space<hbm>> -> memref<80xi32, #tpu.memory_space<hbm>>
    tpu.wait_dma2 semaphore(%arg17 : memref<!tpu.dma_semaphore, #tpu.memory_space<semaphore_mem>>) src(%dma_wait3A_179 : memref<80xi32, #tpu.memory_space<hbm>>) dst(%dma_wait3A_177 : memref<80xi32, #tpu.memory_space<vmem>>)
    %dma_start3A_180 = arith.constant 2 : i32
    %dma_start3A_181 = arith.constant 160 : i32
    %dma_start3A_182 = arith.constant 0 : i32
    %dma_start3A_183 = tpu.memref_slice %arg6[%dma_start3A_181, %dma_start3A_182] : memref<320x128xf32, #tpu.memory_space<vmem>> -> memref<80x128xf32, #tpu.memory_space<vmem>>
    %dma_start3A_184 = arith.constant 0 : i32
    %dma_start3A_185 = tpu.memref_slice %arg7[%dma_start3A_180, %dma_start3A_184] : memref<4x80xi32, #tpu.memory_space<vmem>> -> memref<1x80xi32, #tpu.memory_space<vmem>>
    %dma_start3A_186 = tpu.memref_squeeze %dma_start3A_185 : memref<1x80xi32, #tpu.memory_space<vmem>> -> memref<80xi32, #tpu.memory_space<vmem>>
    %dma_start3A_187 = arith.constant 0 : i32
    %dma_start3A_188 = arith.constant 0 : i32
    %dma_start3A_189 = tpu.memref_slice %arg2[%dma_start3A_187, %dma_start3A_188] : memref<10000x128xf32, #tpu.memory_space<hbm>> -> memref<10000x128xf32, #tpu.memory_space<hbm>>
    tpu.enqueue_indirect_dma source(%dma_start3A_189 : memref<10000x128xf32, #tpu.memory_space<hbm>>) target(%dma_start3A_183 : memref<80x128xf32, #tpu.memory_space<vmem>>) offsets(%dma_start3A_186 : memref<80xi32, #tpu.memory_space<vmem>>) semaphore(%arg11 : memref<!tpu.dma_semaphore, #tpu.memory_space<semaphore_mem>>)
    %mul3A_190 = arith.constant 10000 : i32
    %mul3A_191 = arith.muli %add3A, %mul3A_190 : i32
    %add3A_192 = arith.constant 240 : i32
    %add3A_193 = arith.addi %mul3A_191, %add3A_192 : i32
    %dma_start3A_194 = arith.constant 3 : i32
    %dma_start3A_195 = arith.constant 0 : i32
    %dma_start3A_196 = tpu.memref_slice %arg7[%dma_start3A_194, %dma_start3A_195] : memref<4x80xi32, #tpu.memory_space<vmem>> -> memref<1x80xi32, #tpu.memory_space<vmem>>
    %dma_start3A_197 = tpu.memref_squeeze %dma_start3A_196 : memref<1x80xi32, #tpu.memory_space<vmem>> -> memref<80xi32, #tpu.memory_space<vmem>>
    %dma_start3A_198 = tpu.memref_slice %arg3[%add3A_193] : memref<320000xi32, #tpu.memory_space<hbm>> -> memref<80xi32, #tpu.memory_space<hbm>>
    %dma_start3A_199 = arith.constant 0 : i32
    %dma_start3A_200 = tpu.memref_slice %arg7[%dma_start3A_194, %dma_start3A_199] : memref<4x80xi32, #tpu.memory_space<vmem>> -> memref<1x80xi32, #tpu.memory_space<vmem>>
    %dma_start3A_201 = tpu.memref_squeeze %dma_start3A_200 : memref<1x80xi32, #tpu.memory_space<vmem>> -> memref<80xi32, #tpu.memory_space<vmem>>
    %dma_start3A_202 = tpu.memref_slice %arg3[%add3A_193] : memref<320000xi32, #tpu.memory_space<hbm>> -> memref<80xi32, #tpu.memory_space<hbm>>
    tpu.enqueue_dma source(%dma_start3A_202 : memref<80xi32, #tpu.memory_space<hbm>>) target(%dma_start3A_201 : memref<80xi32, #tpu.memory_space<vmem>>) target_semaphore(%arg17 : memref<!tpu.dma_semaphore, #tpu.memory_space<semaphore_mem>>)
    %dma_start3A_203 = arith.constant 3 : i32
    %dma_start3A_204 = arith.constant 0 : i32
    %dma_start3A_205 = tpu.memref_slice %arg8[%dma_start3A_203, %dma_start3A_204] : memref<4x80xi32, #tpu.memory_space<vmem>> -> memref<1x80xi32, #tpu.memory_space<vmem>>
    %dma_start3A_206 = tpu.memref_squeeze %dma_start3A_205 : memref<1x80xi32, #tpu.memory_space<vmem>> -> memref<80xi32, #tpu.memory_space<vmem>>
    %dma_start3A_207 = tpu.memref_slice %arg4[%add3A_193] : memref<320000xi32, #tpu.memory_space<hbm>> -> memref<80xi32, #tpu.memory_space<hbm>>
    %dma_start3A_208 = arith.constant 0 : i32
    %dma_start3A_209 = tpu.memref_slice %arg8[%dma_start3A_203, %dma_start3A_208] : memref<4x80xi32, #tpu.memory_space<vmem>> -> memref<1x80xi32, #tpu.memory_space<vmem>>
    %dma_start3A_210 = tpu.memref_squeeze %dma_start3A_209 : memref<1x80xi32, #tpu.memory_space<vmem>> -> memref<80xi32, #tpu.memory_space<vmem>>
    %dma_start3A_211 = tpu.memref_slice %arg4[%add3A_193] : memref<320000xi32, #tpu.memory_space<hbm>> -> memref<80xi32, #tpu.memory_space<hbm>>
    tpu.enqueue_dma source(%dma_start3A_211 : memref<80xi32, #tpu.memory_space<hbm>>) target(%dma_start3A_210 : memref<80xi32, #tpu.memory_space<vmem>>) target_semaphore(%arg17 : memref<!tpu.dma_semaphore, #tpu.memory_space<semaphore_mem>>)
    %dma_wait3A_212 = arith.constant 3 : i32
    %dma_wait3A_213 = arith.constant 0 : i32
    %dma_wait3A_214 = tpu.memref_slice %arg7[%dma_wait3A_212, %dma_wait3A_213] : memref<4x80xi32, #tpu.memory_space<vmem>> -> memref<1x80xi32, #tpu.memory_space<vmem>>
    %dma_wait3A_215 = tpu.memref_squeeze %dma_wait3A_214 : memref<1x80xi32, #tpu.memory_space<vmem>> -> memref<80xi32, #tpu.memory_space<vmem>>
    %dma_wait3A_216 = arith.constant 0 : i32
    %dma_wait3A_217 = tpu.memref_slice %arg3[%dma_wait3A_216] : memref<320000xi32, #tpu.memory_space<hbm>> -> memref<80xi32, #tpu.memory_space<hbm>>
    %dma_wait3A_218 = arith.constant 0 : i32
    %dma_wait3A_219 = tpu.memref_slice %arg7[%dma_wait3A_212, %dma_wait3A_218] : memref<4x80xi32, #tpu.memory_space<vmem>> -> memref<1x80xi32, #tpu.memory_space<vmem>>
    %dma_wait3A_220 = tpu.memref_squeeze %dma_wait3A_219 : memref<1x80xi32, #tpu.memory_space<vmem>> -> memref<80xi32, #tpu.memory_space<vmem>>
    %dma_wait3A_221 = arith.constant 0 : i32
    %dma_wait3A_222 = tpu.memref_slice %arg3[%dma_wait3A_221] : memref<320000xi32, #tpu.memory_space<hbm>> -> memref<80xi32, #tpu.memory_space<hbm>>
    tpu.wait_dma2 semaphore(%arg17 : memref<!tpu.dma_semaphore, #tpu.memory_space<semaphore_mem>>) src(%dma_wait3A_222 : memref<80xi32, #tpu.memory_space<hbm>>) dst(%dma_wait3A_220 : memref<80xi32, #tpu.memory_space<vmem>>)
    %dma_wait3A_223 = arith.constant 3 : i32
    %dma_wait3A_224 = arith.constant 0 : i32
    %dma_wait3A_225 = tpu.memref_slice %arg8[%dma_wait3A_223, %dma_wait3A_224] : memref<4x80xi32, #tpu.memory_space<vmem>> -> memref<1x80xi32, #tpu.memory_space<vmem>>
    %dma_wait3A_226 = tpu.memref_squeeze %dma_wait3A_225 : memref<1x80xi32, #tpu.memory_space<vmem>> -> memref<80xi32, #tpu.memory_space<vmem>>
    %dma_wait3A_227 = arith.constant 0 : i32
    %dma_wait3A_228 = tpu.memref_slice %arg4[%dma_wait3A_227] : memref<320000xi32, #tpu.memory_space<hbm>> -> memref<80xi32, #tpu.memory_space<hbm>>
    %dma_wait3A_229 = arith.constant 0 : i32
    %dma_wait3A_230 = tpu.memref_slice %arg8[%dma_wait3A_223, %dma_wait3A_229] : memref<4x80xi32, #tpu.memory_space<vmem>> -> memref<1x80xi32, #tpu.memory_space<vmem>>
    %dma_wait3A_231 = tpu.memref_squeeze %dma_wait3A_230 : memref<1x80xi32, #tpu.memory_space<vmem>> -> memref<80xi32, #tpu.memory_space<vmem>>
    %dma_wait3A_232 = arith.constant 0 : i32
    %dma_wait3A_233 = tpu.memref_slice %arg4[%dma_wait3A_232] : memref<320000xi32, #tpu.memory_space<hbm>> -> memref<80xi32, #tpu.memory_space<hbm>>
    tpu.wait_dma2 semaphore(%arg17 : memref<!tpu.dma_semaphore, #tpu.memory_space<semaphore_mem>>) src(%dma_wait3A_233 : memref<80xi32, #tpu.memory_space<hbm>>) dst(%dma_wait3A_231 : memref<80xi32, #tpu.memory_space<vmem>>)
    %dma_start3A_234 = arith.constant 3 : i32
    %dma_start3A_235 = arith.constant 240 : i32
    %dma_start3A_236 = arith.constant 0 : i32
    %dma_start3A_237 = tpu.memref_slice %arg6[%dma_start3A_235, %dma_start3A_236] : memref<320x128xf32, #tpu.memory_space<vmem>> -> memref<80x128xf32, #tpu.memory_space<vmem>>
    %dma_start3A_238 = arith.constant 0 : i32
    %dma_start3A_239 = tpu.memref_slice %arg7[%dma_start3A_234, %dma_start3A_238] : memref<4x80xi32, #tpu.memory_space<vmem>> -> memref<1x80xi32, #tpu.memory_space<vmem>>
    %dma_start3A_240 = tpu.memref_squeeze %dma_start3A_239 : memref<1x80xi32, #tpu.memory_space<vmem>> -> memref<80xi32, #tpu.memory_space<vmem>>
    %dma_start3A_241 = arith.constant 0 : i32
    %dma_start3A_242 = arith.constant 0 : i32
    %dma_start3A_243 = tpu.memref_slice %arg2[%dma_start3A_241, %dma_start3A_242] : memref<10000x128xf32, #tpu.memory_space<hbm>> -> memref<10000x128xf32, #tpu.memory_space<hbm>>
    tpu.enqueue_indirect_dma source(%dma_start3A_243 : memref<10000x128xf32, #tpu.memory_space<hbm>>) target(%dma_start3A_237 : memref<80x128xf32, #tpu.memory_space<vmem>>) offsets(%dma_start3A_240 : memref<80xi32, #tpu.memory_space<vmem>>) semaphore(%arg12 : memref<!tpu.dma_semaphore, #tpu.memory_space<semaphore_mem>>)
    %scan3A_244 = arith.constant 0 : i32
    %scan3A_245 = arith.constant 31 : i32
    %scan3A_246 = arith.addi %scan3A_244, %scan3A_245 : i32
    %scan3A_247 = arith.constant 1 : i32
    scf.for %scan3A_338 = %scan3A_244 to %scan3A_246 step %scan3A_247  : i32 {
      %mul3A_339 = arith.constant 4 : i32
      %mul3A_340 = arith.muli %mul3A_339, %scan3A_338 : i32
      %add3A_341 = arith.constant 0 : i32
      %add3A_342 = arith.addi %mul3A_340, %add3A_341 : i32
      %dma_wait3A_343 = arith.constant 0 : i32
      %dma_wait3A_344 = arith.constant 0 : i32
      %dma_wait3A_345 = arith.constant 0 : i32
      %dma_wait3A_346 = tpu.memref_slice %arg6[%dma_wait3A_344, %dma_wait3A_345] : memref<320x128xf32, #tpu.memory_space<vmem>> -> memref<80x128xf32, #tpu.memory_space<vmem>>
      %dma_wait3A_347 = arith.constant 0 : i32
      %dma_wait3A_348 = tpu.memref_slice %arg7[%dma_wait3A_343, %dma_wait3A_347] : memref<4x80xi32, #tpu.memory_space<vmem>> -> memref<1x80xi32, #tpu.memory_space<vmem>>
      %dma_wait3A_349 = tpu.memref_squeeze %dma_wait3A_348 : memref<1x80xi32, #tpu.memory_space<vmem>> -> memref<80xi32, #tpu.memory_space<vmem>>
      %dma_wait3A_350 = arith.constant 0 : i32
      %dma_wait3A_351 = arith.constant 0 : i32
      %dma_wait3A_352 = tpu.memref_slice %arg2[%dma_wait3A_350, %dma_wait3A_351] : memref<10000x128xf32, #tpu.memory_space<hbm>> -> memref<10000x128xf32, #tpu.memory_space<hbm>>
      tpu.wait_indirect_dma semaphore(%arg9 : memref<!tpu.dma_semaphore, #tpu.memory_space<semaphore_mem>>) src(%dma_wait3A_352 : memref<10000x128xf32, #tpu.memory_space<hbm>>) dst(%dma_wait3A_346 : memref<80x128xf32, #tpu.memory_space<vmem>>)
      %dma_start3A_353 = arith.constant 0 : i32
      %dma_start3A_354 = arith.constant 0 : i32
      %dma_start3A_355 = arith.constant 0 : i32
      %dma_start3A_356 = tpu.memref_slice %arg6[%dma_start3A_354, %dma_start3A_355] : memref<320x128xf32, #tpu.memory_space<vmem>> -> memref<80x128xf32, #tpu.memory_space<vmem>>
      %dma_start3A_357 = arith.constant 0 : i32
      %dma_start3A_358 = tpu.memref_slice %arg8[%dma_start3A_353, %dma_start3A_357] : memref<4x80xi32, #tpu.memory_space<vmem>> -> memref<1x80xi32, #tpu.memory_space<vmem>>
      %dma_start3A_359 = tpu.memref_squeeze %dma_start3A_358 : memref<1x80xi32, #tpu.memory_space<vmem>> -> memref<80xi32, #tpu.memory_space<vmem>>
      %dma_start3A_360 = arith.constant 0 : i32
      %dma_start3A_361 = arith.constant 0 : i32
      %dma_start3A_362 = tpu.memref_slice %arg18[%dma_start3A_360, %dma_start3A_361] : memref<10000x128xf32, #tpu.memory_space<vmem_shared>> -> memref<10000x128xf32, #tpu.memory_space<vmem_shared>>
      tpu.enqueue_indirect_dma source(%dma_start3A_356 : memref<80x128xf32, #tpu.memory_space<vmem>>) target(%dma_start3A_362 : memref<10000x128xf32, #tpu.memory_space<vmem_shared>>) offsets(%dma_start3A_359 : memref<80xi32, #tpu.memory_space<vmem>>) semaphore(%arg13 : memref<!tpu.dma_semaphore, #tpu.memory_space<semaphore_mem>>) {add = true}
      %add3A_363 = arith.constant 4 : i32
      %add3A_364 = arith.addi %add3A_342, %add3A_363 : i32
      %sub3A = arith.constant 1 : i32
      %sub3A_365 = arith.subi %add3A_364, %sub3A : i32
      %ge3A = arith.constant 4 : i32
      %ge3A_366 = arith.cmpi sge, %sub3A_365, %ge3A : i32
      %lt3A_367 = arith.constant 125 : i32
      %lt3A_368 = arith.cmpi slt, %sub3A_365, %lt3A_367 : i32
      %and3A = arith.andi %ge3A_366, %lt3A_368 : i1
      %convert_element_type3A_369 = arith.extui %and3A : i1 to i32
      %cond3A_370 = arith.constant 0 : i32
      %cond3A_371 = arith.cmpi ne, %convert_element_type3A_369, %cond3A_370 : i32
      scf.if %cond3A_371 {
        %dma_wait3A_480 = arith.constant 3 : i32
        %dma_wait3A_481 = arith.constant 240 : i32
        %dma_wait3A_482 = arith.constant 0 : i32
        %dma_wait3A_483 = tpu.memref_slice %arg6[%dma_wait3A_481, %dma_wait3A_482] : memref<320x128xf32, #tpu.memory_space<vmem>> -> memref<80x128xf32, #tpu.memory_space<vmem>>
        %dma_wait3A_484 = arith.constant 0 : i32
        %dma_wait3A_485 = tpu.memref_slice %arg8[%dma_wait3A_480, %dma_wait3A_484] : memref<4x80xi32, #tpu.memory_space<vmem>> -> memref<1x80xi32, #tpu.memory_space<vmem>>
        %dma_wait3A_486 = tpu.memref_squeeze %dma_wait3A_485 : memref<1x80xi32, #tpu.memory_space<vmem>> -> memref<80xi32, #tpu.memory_space<vmem>>
        %dma_wait3A_487 = arith.constant 0 : i32
        %dma_wait3A_488 = arith.constant 0 : i32
        %dma_wait3A_489 = tpu.memref_slice %arg18[%dma_wait3A_487, %dma_wait3A_488] : memref<10000x128xf32, #tpu.memory_space<vmem_shared>> -> memref<10000x128xf32, #tpu.memory_space<vmem_shared>>
        tpu.wait_indirect_dma semaphore(%arg16 : memref<!tpu.dma_semaphore, #tpu.memory_space<semaphore_mem>>) src(%dma_wait3A_483 : memref<80x128xf32, #tpu.memory_space<vmem>>) dst(%dma_wait3A_489 : memref<10000x128xf32, #tpu.memory_space<vmem_shared>>)
        %mul3A_490 = arith.constant 10000 : i32
        %mul3A_491 = arith.muli %add3A, %mul3A_490 : i32
        %mul3A_492 = arith.constant 80 : i32
        %mul3A_493 = arith.muli %sub3A_365, %mul3A_492 : i32
        %add3A_494 = arith.addi %mul3A_491, %mul3A_493 : i32
        %dma_start3A_495 = arith.constant 3 : i32
        %dma_start3A_496 = arith.constant 0 : i32
        %dma_start3A_497 = tpu.memref_slice %arg7[%dma_start3A_495, %dma_start3A_496] : memref<4x80xi32, #tpu.memory_space<vmem>> -> memref<1x80xi32, #tpu.memory_space<vmem>>
        %dma_start3A_498 = tpu.memref_squeeze %dma_start3A_497 : memref<1x80xi32, #tpu.memory_space<vmem>> -> memref<80xi32, #tpu.memory_space<vmem>>
        %dma_start3A_499 = tpu.memref_slice %arg3[%add3A_494] : memref<320000xi32, #tpu.memory_space<hbm>> -> memref<80xi32, #tpu.memory_space<hbm>>
        %dma_start3A_500 = arith.constant 0 : i32
        %dma_start3A_501 = tpu.memref_slice %arg7[%dma_start3A_495, %dma_start3A_500] : memref<4x80xi32, #tpu.memory_space<vmem>> -> memref<1x80xi32, #tpu.memory_space<vmem>>
        %dma_start3A_502 = tpu.memref_squeeze %dma_start3A_501 : memref<1x80xi32, #tpu.memory_space<vmem>> -> memref<80xi32, #tpu.memory_space<vmem>>
        %dma_start3A_503 = tpu.memref_slice %arg3[%add3A_494] : memref<320000xi32, #tpu.memory_space<hbm>> -> memref<80xi32, #tpu.memory_space<hbm>>
        tpu.enqueue_dma source(%dma_start3A_503 : memref<80xi32, #tpu.memory_space<hbm>>) target(%dma_start3A_502 : memref<80xi32, #tpu.memory_space<vmem>>) target_semaphore(%arg17 : memref<!tpu.dma_semaphore, #tpu.memory_space<semaphore_mem>>)
        %dma_start3A_504 = arith.constant 3 : i32
        %dma_start3A_505 = arith.constant 0 : i32
        %dma_start3A_506 = tpu.memref_slice %arg8[%dma_start3A_504, %dma_start3A_505] : memref<4x80xi32, #tpu.memory_space<vmem>> -> memref<1x80xi32, #tpu.memory_space<vmem>>
        %dma_start3A_507 = tpu.memref_squeeze %dma_start3A_506 : memref<1x80xi32, #tpu.memory_space<vmem>> -> memref<80xi32, #tpu.memory_space<vmem>>
        %dma_start3A_508 = tpu.memref_slice %arg4[%add3A_494] : memref<320000xi32, #tpu.memory_space<hbm>> -> memref<80xi32, #tpu.memory_space<hbm>>
        %dma_start3A_509 = arith.constant 0 : i32
        %dma_start3A_510 = tpu.memref_slice %arg8[%dma_start3A_504, %dma_start3A_509] : memref<4x80xi32, #tpu.memory_space<vmem>> -> memref<1x80xi32, #tpu.memory_space<vmem>>
        %dma_start3A_511 = tpu.memref_squeeze %dma_start3A_510 : memref<1x80xi32, #tpu.memory_space<vmem>> -> memref<80xi32, #tpu.memory_space<vmem>>
        %dma_start3A_512 = tpu.memref_slice %arg4[%add3A_494] : memref<320000xi32, #tpu.memory_space<hbm>> -> memref<80xi32, #tpu.memory_space<hbm>>
        tpu.enqueue_dma source(%dma_start3A_512 : memref<80xi32, #tpu.memory_space<hbm>>) target(%dma_start3A_511 : memref<80xi32, #tpu.memory_space<vmem>>) target_semaphore(%arg17 : memref<!tpu.dma_semaphore, #tpu.memory_space<semaphore_mem>>)
        %dma_wait3A_513 = arith.constant 3 : i32
        %dma_wait3A_514 = arith.constant 0 : i32
        %dma_wait3A_515 = tpu.memref_slice %arg7[%dma_wait3A_513, %dma_wait3A_514] : memref<4x80xi32, #tpu.memory_space<vmem>> -> memref<1x80xi32, #tpu.memory_space<vmem>>
        %dma_wait3A_516 = tpu.memref_squeeze %dma_wait3A_515 : memref<1x80xi32, #tpu.memory_space<vmem>> -> memref<80xi32, #tpu.memory_space<vmem>>
        %dma_wait3A_517 = arith.constant 0 : i32
        %dma_wait3A_518 = tpu.memref_slice %arg3[%dma_wait3A_517] : memref<320000xi32, #tpu.memory_space<hbm>> -> memref<80xi32, #tpu.memory_space<hbm>>
        %dma_wait3A_519 = arith.constant 0 : i32
        %dma_wait3A_520 = tpu.memref_slice %arg7[%dma_wait3A_513, %dma_wait3A_519] : memref<4x80xi32, #tpu.memory_space<vmem>> -> memref<1x80xi32, #tpu.memory_space<vmem>>
        %dma_wait3A_521 = tpu.memref_squeeze %dma_wait3A_520 : memref<1x80xi32, #tpu.memory_space<vmem>> -> memref<80xi32, #tpu.memory_space<vmem>>
        %dma_wait3A_522 = arith.constant 0 : i32
        %dma_wait3A_523 = tpu.memref_slice %arg3[%dma_wait3A_522] : memref<320000xi32, #tpu.memory_space<hbm>> -> memref<80xi32, #tpu.memory_space<hbm>>
        tpu.wait_dma2 semaphore(%arg17 : memref<!tpu.dma_semaphore, #tpu.memory_space<semaphore_mem>>) src(%dma_wait3A_523 : memref<80xi32, #tpu.memory_space<hbm>>) dst(%dma_wait3A_521 : memref<80xi32, #tpu.memory_space<vmem>>)
        %dma_wait3A_524 = arith.constant 3 : i32
        %dma_wait3A_525 = arith.constant 0 : i32
        %dma_wait3A_526 = tpu.memref_slice %arg8[%dma_wait3A_524, %dma_wait3A_525] : memref<4x80xi32, #tpu.memory_space<vmem>> -> memref<1x80xi32, #tpu.memory_space<vmem>>
        %dma_wait3A_527 = tpu.memref_squeeze %dma_wait3A_526 : memref<1x80xi32, #tpu.memory_space<vmem>> -> memref<80xi32, #tpu.memory_space<vmem>>
        %dma_wait3A_528 = arith.constant 0 : i32
        %dma_wait3A_529 = tpu.memref_slice %arg4[%dma_wait3A_528] : memref<320000xi32, #tpu.memory_space<hbm>> -> memref<80xi32, #tpu.memory_space<hbm>>
        %dma_wait3A_530 = arith.constant 0 : i32
        %dma_wait3A_531 = tpu.memref_slice %arg8[%dma_wait3A_524, %dma_wait3A_530] : memref<4x80xi32, #tpu.memory_space<vmem>> -> memref<1x80xi32, #tpu.memory_space<vmem>>
        %dma_wait3A_532 = tpu.memref_squeeze %dma_wait3A_531 : memref<1x80xi32, #tpu.memory_space<vmem>> -> memref<80xi32, #tpu.memory_space<vmem>>
        %dma_wait3A_533 = arith.constant 0 : i32
        %dma_wait3A_534 = tpu.memref_slice %arg4[%dma_wait3A_533] : memref<320000xi32, #tpu.memory_space<hbm>> -> memref<80xi32, #tpu.memory_space<hbm>>
        tpu.wait_dma2 semaphore(%arg17 : memref<!tpu.dma_semaphore, #tpu.memory_space<semaphore_mem>>) src(%dma_wait3A_534 : memref<80xi32, #tpu.memory_space<hbm>>) dst(%dma_wait3A_532 : memref<80xi32, #tpu.memory_space<vmem>>)
        %dma_start3A_535 = arith.constant 3 : i32
        %dma_start3A_536 = arith.constant 240 : i32
        %dma_start3A_537 = arith.constant 0 : i32
        %dma_start3A_538 = tpu.memref_slice %arg6[%dma_start3A_536, %dma_start3A_537] : memref<320x128xf32, #tpu.memory_space<vmem>> -> memref<80x128xf32, #tpu.memory_space<vmem>>
        %dma_start3A_539 = arith.constant 0 : i32
        %dma_start3A_540 = tpu.memref_slice %arg7[%dma_start3A_535, %dma_start3A_539] : memref<4x80xi32, #tpu.memory_space<vmem>> -> memref<1x80xi32, #tpu.memory_space<vmem>>
        %dma_start3A_541 = tpu.memref_squeeze %dma_start3A_540 : memref<1x80xi32, #tpu.memory_space<vmem>> -> memref<80xi32, #tpu.memory_space<vmem>>
        %dma_start3A_542 = arith.constant 0 : i32
        %dma_start3A_543 = arith.constant 0 : i32
        %dma_start3A_544 = tpu.memref_slice %arg2[%dma_start3A_542, %dma_start3A_543] : memref<10000x128xf32, #tpu.memory_space<hbm>> -> memref<10000x128xf32, #tpu.memory_space<hbm>>
        tpu.enqueue_indirect_dma source(%dma_start3A_544 : memref<10000x128xf32, #tpu.memory_space<hbm>>) target(%dma_start3A_538 : memref<80x128xf32, #tpu.memory_space<vmem>>) offsets(%dma_start3A_541 : memref<80xi32, #tpu.memory_space<vmem>>) semaphore(%arg12 : memref<!tpu.dma_semaphore, #tpu.memory_space<semaphore_mem>>)
      } else {
      }
      %mul3A_372 = arith.constant 4 : i32
      %mul3A_373 = arith.muli %mul3A_372, %scan3A_338 : i32
      %add3A_374 = arith.constant 1 : i32
      %add3A_375 = arith.addi %mul3A_373, %add3A_374 : i32
      %dma_wait3A_376 = arith.constant 1 : i32
      %dma_wait3A_377 = arith.constant 80 : i32
      %dma_wait3A_378 = arith.constant 0 : i32
      %dma_wait3A_379 = tpu.memref_slice %arg6[%dma_wait3A_377, %dma_wait3A_378] : memref<320x128xf32, #tpu.memory_space<vmem>> -> memref<80x128xf32, #tpu.memory_space<vmem>>
      %dma_wait3A_380 = arith.constant 0 : i32
      %dma_wait3A_381 = tpu.memref_slice %arg7[%dma_wait3A_376, %dma_wait3A_380] : memref<4x80xi32, #tpu.memory_space<vmem>> -> memref<1x80xi32, #tpu.memory_space<vmem>>
      %dma_wait3A_382 = tpu.memref_squeeze %dma_wait3A_381 : memref<1x80xi32, #tpu.memory_space<vmem>> -> memref<80xi32, #tpu.memory_space<vmem>>
      %dma_wait3A_383 = arith.constant 0 : i32
      %dma_wait3A_384 = arith.constant 0 : i32
      %dma_wait3A_385 = tpu.memref_slice %arg2[%dma_wait3A_383, %dma_wait3A_384] : memref<10000x128xf32, #tpu.memory_space<hbm>> -> memref<10000x128xf32, #tpu.memory_space<hbm>>
      tpu.wait_indirect_dma semaphore(%arg10 : memref<!tpu.dma_semaphore, #tpu.memory_space<semaphore_mem>>) src(%dma_wait3A_385 : memref<10000x128xf32, #tpu.memory_space<hbm>>) dst(%dma_wait3A_379 : memref<80x128xf32, #tpu.memory_space<vmem>>)
      %dma_start3A_386 = arith.constant 1 : i32
      %dma_start3A_387 = arith.constant 80 : i32
      %dma_start3A_388 = arith.constant 0 : i32
      %dma_start3A_389 = tpu.memref_slice %arg6[%dma_start3A_387, %dma_start3A_388] : memref<320x128xf32, #tpu.memory_space<vmem>> -> memref<80x128xf32, #tpu.memory_space<vmem>>
      %dma_start3A_390 = arith.constant 0 : i32
      %dma_start3A_391 = tpu.memref_slice %arg8[%dma_start3A_386, %dma_start3A_390] : memref<4x80xi32, #tpu.memory_space<vmem>> -> memref<1x80xi32, #tpu.memory_space<vmem>>
      %dma_start3A_392 = tpu.memref_squeeze %dma_start3A_391 : memref<1x80xi32, #tpu.memory_space<vmem>> -> memref<80xi32, #tpu.memory_space<vmem>>
      %dma_start3A_393 = arith.constant 0 : i32
      %dma_start3A_394 = arith.constant 0 : i32
      %dma_start3A_395 = tpu.memref_slice %arg18[%dma_start3A_393, %dma_start3A_394] : memref<10000x128xf32, #tpu.memory_space<vmem_shared>> -> memref<10000x128xf32, #tpu.memory_space<vmem_shared>>
      tpu.enqueue_indirect_dma source(%dma_start3A_389 : memref<80x128xf32, #tpu.memory_space<vmem>>) target(%dma_start3A_395 : memref<10000x128xf32, #tpu.memory_space<vmem_shared>>) offsets(%dma_start3A_392 : memref<80xi32, #tpu.memory_space<vmem>>) semaphore(%arg14 : memref<!tpu.dma_semaphore, #tpu.memory_space<semaphore_mem>>) {add = true}
      %add3A_396 = arith.constant 4 : i32
      %add3A_397 = arith.addi %add3A_375, %add3A_396 : i32
      %sub3A_398 = arith.constant 1 : i32
      %sub3A_399 = arith.subi %add3A_397, %sub3A_398 : i32
      %ge3A_400 = arith.constant 4 : i32
      %ge3A_401 = arith.cmpi sge, %sub3A_399, %ge3A_400 : i32
      %lt3A_402 = arith.constant 125 : i32
      %lt3A_403 = arith.cmpi slt, %sub3A_399, %lt3A_402 : i32
      %and3A_404 = arith.andi %ge3A_401, %lt3A_403 : i1
      %convert_element_type3A_405 = arith.extui %and3A_404 : i1 to i32
      %cond3A_406 = arith.constant 0 : i32
      %cond3A_407 = arith.cmpi ne, %convert_element_type3A_405, %cond3A_406 : i32
      scf.if %cond3A_407 {
        %dma_wait3A_480 = arith.constant 0 : i32
        %dma_wait3A_481 = arith.constant 0 : i32
        %dma_wait3A_482 = arith.constant 0 : i32
        %dma_wait3A_483 = tpu.memref_slice %arg6[%dma_wait3A_481, %dma_wait3A_482] : memref<320x128xf32, #tpu.memory_space<vmem>> -> memref<80x128xf32, #tpu.memory_space<vmem>>
        %dma_wait3A_484 = arith.constant 0 : i32
        %dma_wait3A_485 = tpu.memref_slice %arg8[%dma_wait3A_480, %dma_wait3A_484] : memref<4x80xi32, #tpu.memory_space<vmem>> -> memref<1x80xi32, #tpu.memory_space<vmem>>
        %dma_wait3A_486 = tpu.memref_squeeze %dma_wait3A_485 : memref<1x80xi32, #tpu.memory_space<vmem>> -> memref<80xi32, #tpu.memory_space<vmem>>
        %dma_wait3A_487 = arith.constant 0 : i32
        %dma_wait3A_488 = arith.constant 0 : i32
        %dma_wait3A_489 = tpu.memref_slice %arg18[%dma_wait3A_487, %dma_wait3A_488] : memref<10000x128xf32, #tpu.memory_space<vmem_shared>> -> memref<10000x128xf32, #tpu.memory_space<vmem_shared>>
        tpu.wait_indirect_dma semaphore(%arg13 : memref<!tpu.dma_semaphore, #tpu.memory_space<semaphore_mem>>) src(%dma_wait3A_483 : memref<80x128xf32, #tpu.memory_space<vmem>>) dst(%dma_wait3A_489 : memref<10000x128xf32, #tpu.memory_space<vmem_shared>>)
        %mul3A_490 = arith.constant 10000 : i32
        %mul3A_491 = arith.muli %add3A, %mul3A_490 : i32
        %mul3A_492 = arith.constant 80 : i32
        %mul3A_493 = arith.muli %sub3A_399, %mul3A_492 : i32
        %add3A_494 = arith.addi %mul3A_491, %mul3A_493 : i32
        %dma_start3A_495 = arith.constant 0 : i32
        %dma_start3A_496 = arith.constant 0 : i32
        %dma_start3A_497 = tpu.memref_slice %arg7[%dma_start3A_495, %dma_start3A_496] : memref<4x80xi32, #tpu.memory_space<vmem>> -> memref<1x80xi32, #tpu.memory_space<vmem>>
        %dma_start3A_498 = tpu.memref_squeeze %dma_start3A_497 : memref<1x80xi32, #tpu.memory_space<vmem>> -> memref<80xi32, #tpu.memory_space<vmem>>
        %dma_start3A_499 = tpu.memref_slice %arg3[%add3A_494] : memref<320000xi32, #tpu.memory_space<hbm>> -> memref<80xi32, #tpu.memory_space<hbm>>
        %dma_start3A_500 = arith.constant 0 : i32
        %dma_start3A_501 = tpu.memref_slice %arg7[%dma_start3A_495, %dma_start3A_500] : memref<4x80xi32, #tpu.memory_space<vmem>> -> memref<1x80xi32, #tpu.memory_space<vmem>>
        %dma_start3A_502 = tpu.memref_squeeze %dma_start3A_501 : memref<1x80xi32, #tpu.memory_space<vmem>> -> memref<80xi32, #tpu.memory_space<vmem>>
        %dma_start3A_503 = tpu.memref_slice %arg3[%add3A_494] : memref<320000xi32, #tpu.memory_space<hbm>> -> memref<80xi32, #tpu.memory_space<hbm>>
        tpu.enqueue_dma source(%dma_start3A_503 : memref<80xi32, #tpu.memory_space<hbm>>) target(%dma_start3A_502 : memref<80xi32, #tpu.memory_space<vmem>>) target_semaphore(%arg17 : memref<!tpu.dma_semaphore, #tpu.memory_space<semaphore_mem>>)
        %dma_start3A_504 = arith.constant 0 : i32
        %dma_start3A_505 = arith.constant 0 : i32
        %dma_start3A_506 = tpu.memref_slice %arg8[%dma_start3A_504, %dma_start3A_505] : memref<4x80xi32, #tpu.memory_space<vmem>> -> memref<1x80xi32, #tpu.memory_space<vmem>>
        %dma_start3A_507 = tpu.memref_squeeze %dma_start3A_506 : memref<1x80xi32, #tpu.memory_space<vmem>> -> memref<80xi32, #tpu.memory_space<vmem>>
        %dma_start3A_508 = tpu.memref_slice %arg4[%add3A_494] : memref<320000xi32, #tpu.memory_space<hbm>> -> memref<80xi32, #tpu.memory_space<hbm>>
        %dma_start3A_509 = arith.constant 0 : i32
        %dma_start3A_510 = tpu.memref_slice %arg8[%dma_start3A_504, %dma_start3A_509] : memref<4x80xi32, #tpu.memory_space<vmem>> -> memref<1x80xi32, #tpu.memory_space<vmem>>
        %dma_start3A_511 = tpu.memref_squeeze %dma_start3A_510 : memref<1x80xi32, #tpu.memory_space<vmem>> -> memref<80xi32, #tpu.memory_space<vmem>>
        %dma_start3A_512 = tpu.memref_slice %arg4[%add3A_494] : memref<320000xi32, #tpu.memory_space<hbm>> -> memref<80xi32, #tpu.memory_space<hbm>>
        tpu.enqueue_dma source(%dma_start3A_512 : memref<80xi32, #tpu.memory_space<hbm>>) target(%dma_start3A_511 : memref<80xi32, #tpu.memory_space<vmem>>) target_semaphore(%arg17 : memref<!tpu.dma_semaphore, #tpu.memory_space<semaphore_mem>>)
        %dma_wait3A_513 = arith.constant 0 : i32
        %dma_wait3A_514 = arith.constant 0 : i32
        %dma_wait3A_515 = tpu.memref_slice %arg7[%dma_wait3A_513, %dma_wait3A_514] : memref<4x80xi32, #tpu.memory_space<vmem>> -> memref<1x80xi32, #tpu.memory_space<vmem>>
        %dma_wait3A_516 = tpu.memref_squeeze %dma_wait3A_515 : memref<1x80xi32, #tpu.memory_space<vmem>> -> memref<80xi32, #tpu.memory_space<vmem>>
        %dma_wait3A_517 = arith.constant 0 : i32
        %dma_wait3A_518 = tpu.memref_slice %arg3[%dma_wait3A_517] : memref<320000xi32, #tpu.memory_space<hbm>> -> memref<80xi32, #tpu.memory_space<hbm>>
        %dma_wait3A_519 = arith.constant 0 : i32
        %dma_wait3A_520 = tpu.memref_slice %arg7[%dma_wait3A_513, %dma_wait3A_519] : memref<4x80xi32, #tpu.memory_space<vmem>> -> memref<1x80xi32, #tpu.memory_space<vmem>>
        %dma_wait3A_521 = tpu.memref_squeeze %dma_wait3A_520 : memref<1x80xi32, #tpu.memory_space<vmem>> -> memref<80xi32, #tpu.memory_space<vmem>>
        %dma_wait3A_522 = arith.constant 0 : i32
        %dma_wait3A_523 = tpu.memref_slice %arg3[%dma_wait3A_522] : memref<320000xi32, #tpu.memory_space<hbm>> -> memref<80xi32, #tpu.memory_space<hbm>>
        tpu.wait_dma2 semaphore(%arg17 : memref<!tpu.dma_semaphore, #tpu.memory_space<semaphore_mem>>) src(%dma_wait3A_523 : memref<80xi32, #tpu.memory_space<hbm>>) dst(%dma_wait3A_521 : memref<80xi32, #tpu.memory_space<vmem>>)
        %dma_wait3A_524 = arith.constant 0 : i32
        %dma_wait3A_525 = arith.constant 0 : i32
        %dma_wait3A_526 = tpu.memref_slice %arg8[%dma_wait3A_524, %dma_wait3A_525] : memref<4x80xi32, #tpu.memory_space<vmem>> -> memref<1x80xi32, #tpu.memory_space<vmem>>
        %dma_wait3A_527 = tpu.memref_squeeze %dma_wait3A_526 : memref<1x80xi32, #tpu.memory_space<vmem>> -> memref<80xi32, #tpu.memory_space<vmem>>
        %dma_wait3A_528 = arith.constant 0 : i32
        %dma_wait3A_529 = tpu.memref_slice %arg4[%dma_wait3A_528] : memref<320000xi32, #tpu.memory_space<hbm>> -> memref<80xi32, #tpu.memory_space<hbm>>
        %dma_wait3A_530 = arith.constant 0 : i32
        %dma_wait3A_531 = tpu.memref_slice %arg8[%dma_wait3A_524, %dma_wait3A_530] : memref<4x80xi32, #tpu.memory_space<vmem>> -> memref<1x80xi32, #tpu.memory_space<vmem>>
        %dma_wait3A_532 = tpu.memref_squeeze %dma_wait3A_531 : memref<1x80xi32, #tpu.memory_space<vmem>> -> memref<80xi32, #tpu.memory_space<vmem>>
        %dma_wait3A_533 = arith.constant 0 : i32
        %dma_wait3A_534 = tpu.memref_slice %arg4[%dma_wait3A_533] : memref<320000xi32, #tpu.memory_space<hbm>> -> memref<80xi32, #tpu.memory_space<hbm>>
        tpu.wait_dma2 semaphore(%arg17 : memref<!tpu.dma_semaphore, #tpu.memory_space<semaphore_mem>>) src(%dma_wait3A_534 : memref<80xi32, #tpu.memory_space<hbm>>) dst(%dma_wait3A_532 : memref<80xi32, #tpu.memory_space<vmem>>)
        %dma_start3A_535 = arith.constant 0 : i32
        %dma_start3A_536 = arith.constant 0 : i32
        %dma_start3A_537 = arith.constant 0 : i32
        %dma_start3A_538 = tpu.memref_slice %arg6[%dma_start3A_536, %dma_start3A_537] : memref<320x128xf32, #tpu.memory_space<vmem>> -> memref<80x128xf32, #tpu.memory_space<vmem>>
        %dma_start3A_539 = arith.constant 0 : i32
        %dma_start3A_540 = tpu.memref_slice %arg7[%dma_start3A_535, %dma_start3A_539] : memref<4x80xi32, #tpu.memory_space<vmem>> -> memref<1x80xi32, #tpu.memory_space<vmem>>
        %dma_start3A_541 = tpu.memref_squeeze %dma_start3A_540 : memref<1x80xi32, #tpu.memory_space<vmem>> -> memref<80xi32, #tpu.memory_space<vmem>>
        %dma_start3A_542 = arith.constant 0 : i32
        %dma_start3A_543 = arith.constant 0 : i32
        %dma_start3A_544 = tpu.memref_slice %arg2[%dma_start3A_542, %dma_start3A_543] : memref<10000x128xf32, #tpu.memory_space<hbm>> -> memref<10000x128xf32, #tpu.memory_space<hbm>>
        tpu.enqueue_indirect_dma source(%dma_start3A_544 : memref<10000x128xf32, #tpu.memory_space<hbm>>) target(%dma_start3A_538 : memref<80x128xf32, #tpu.memory_space<vmem>>) offsets(%dma_start3A_541 : memref<80xi32, #tpu.memory_space<vmem>>) semaphore(%arg9 : memref<!tpu.dma_semaphore, #tpu.memory_space<semaphore_mem>>)
      } else {
      }
      %mul3A_408 = arith.constant 4 : i32
      %mul3A_409 = arith.muli %mul3A_408, %scan3A_338 : i32
      %add3A_410 = arith.constant 2 : i32
      %add3A_411 = arith.addi %mul3A_409, %add3A_410 : i32
      %dma_wait3A_412 = arith.constant 2 : i32
      %dma_wait3A_413 = arith.constant 160 : i32
      %dma_wait3A_414 = arith.constant 0 : i32
      %dma_wait3A_415 = tpu.memref_slice %arg6[%dma_wait3A_413, %dma_wait3A_414] : memref<320x128xf32, #tpu.memory_space<vmem>> -> memref<80x128xf32, #tpu.memory_space<vmem>>
      %dma_wait3A_416 = arith.constant 0 : i32
      %dma_wait3A_417 = tpu.memref_slice %arg7[%dma_wait3A_412, %dma_wait3A_416] : memref<4x80xi32, #tpu.memory_space<vmem>> -> memref<1x80xi32, #tpu.memory_space<vmem>>
      %dma_wait3A_418 = tpu.memref_squeeze %dma_wait3A_417 : memref<1x80xi32, #tpu.memory_space<vmem>> -> memref<80xi32, #tpu.memory_space<vmem>>
      %dma_wait3A_419 = arith.constant 0 : i32
      %dma_wait3A_420 = arith.constant 0 : i32
      %dma_wait3A_421 = tpu.memref_slice %arg2[%dma_wait3A_419, %dma_wait3A_420] : memref<10000x128xf32, #tpu.memory_space<hbm>> -> memref<10000x128xf32, #tpu.memory_space<hbm>>
      tpu.wait_indirect_dma semaphore(%arg11 : memref<!tpu.dma_semaphore, #tpu.memory_space<semaphore_mem>>) src(%dma_wait3A_421 : memref<10000x128xf32, #tpu.memory_space<hbm>>) dst(%dma_wait3A_415 : memref<80x128xf32, #tpu.memory_space<vmem>>)
      %dma_start3A_422 = arith.constant 2 : i32
      %dma_start3A_423 = arith.constant 160 : i32
      %dma_start3A_424 = arith.constant 0 : i32
      %dma_start3A_425 = tpu.memref_slice %arg6[%dma_start3A_423, %dma_start3A_424] : memref<320x128xf32, #tpu.memory_space<vmem>> -> memref<80x128xf32, #tpu.memory_space<vmem>>
      %dma_start3A_426 = arith.constant 0 : i32
      %dma_start3A_427 = tpu.memref_slice %arg8[%dma_start3A_422, %dma_start3A_426] : memref<4x80xi32, #tpu.memory_space<vmem>> -> memref<1x80xi32, #tpu.memory_space<vmem>>
      %dma_start3A_428 = tpu.memref_squeeze %dma_start3A_427 : memref<1x80xi32, #tpu.memory_space<vmem>> -> memref<80xi32, #tpu.memory_space<vmem>>
      %dma_start3A_429 = arith.constant 0 : i32
      %dma_start3A_430 = arith.constant 0 : i32
      %dma_start3A_431 = tpu.memref_slice %arg18[%dma_start3A_429, %dma_start3A_430] : memref<10000x128xf32, #tpu.memory_space<vmem_shared>> -> memref<10000x128xf32, #tpu.memory_space<vmem_shared>>
      tpu.enqueue_indirect_dma source(%dma_start3A_425 : memref<80x128xf32, #tpu.memory_space<vmem>>) target(%dma_start3A_431 : memref<10000x128xf32, #tpu.memory_space<vmem_shared>>) offsets(%dma_start3A_428 : memref<80xi32, #tpu.memory_space<vmem>>) semaphore(%arg15 : memref<!tpu.dma_semaphore, #tpu.memory_space<semaphore_mem>>) {add = true}
      %add3A_432 = arith.constant 4 : i32
      %add3A_433 = arith.addi %add3A_411, %add3A_432 : i32
      %sub3A_434 = arith.constant 1 : i32
      %sub3A_435 = arith.subi %add3A_433, %sub3A_434 : i32
      %ge3A_436 = arith.constant 4 : i32
      %ge3A_437 = arith.cmpi sge, %sub3A_435, %ge3A_436 : i32
      %lt3A_438 = arith.constant 125 : i32
      %lt3A_439 = arith.cmpi slt, %sub3A_435, %lt3A_438 : i32
      %and3A_440 = arith.andi %ge3A_437, %lt3A_439 : i1
      %convert_element_type3A_441 = arith.extui %and3A_440 : i1 to i32
      %cond3A_442 = arith.constant 0 : i32
      %cond3A_443 = arith.cmpi ne, %convert_element_type3A_441, %cond3A_442 : i32
      scf.if %cond3A_443 {
        %dma_wait3A_480 = arith.constant 1 : i32
        %dma_wait3A_481 = arith.constant 80 : i32
        %dma_wait3A_482 = arith.constant 0 : i32
        %dma_wait3A_483 = tpu.memref_slice %arg6[%dma_wait3A_481, %dma_wait3A_482] : memref<320x128xf32, #tpu.memory_space<vmem>> -> memref<80x128xf32, #tpu.memory_space<vmem>>
        %dma_wait3A_484 = arith.constant 0 : i32
        %dma_wait3A_485 = tpu.memref_slice %arg8[%dma_wait3A_480, %dma_wait3A_484] : memref<4x80xi32, #tpu.memory_space<vmem>> -> memref<1x80xi32, #tpu.memory_space<vmem>>
        %dma_wait3A_486 = tpu.memref_squeeze %dma_wait3A_485 : memref<1x80xi32, #tpu.memory_space<vmem>> -> memref<80xi32, #tpu.memory_space<vmem>>
        %dma_wait3A_487 = arith.constant 0 : i32
        %dma_wait3A_488 = arith.constant 0 : i32
        %dma_wait3A_489 = tpu.memref_slice %arg18[%dma_wait3A_487, %dma_wait3A_488] : memref<10000x128xf32, #tpu.memory_space<vmem_shared>> -> memref<10000x128xf32, #tpu.memory_space<vmem_shared>>
        tpu.wait_indirect_dma semaphore(%arg14 : memref<!tpu.dma_semaphore, #tpu.memory_space<semaphore_mem>>) src(%dma_wait3A_483 : memref<80x128xf32, #tpu.memory_space<vmem>>) dst(%dma_wait3A_489 : memref<10000x128xf32, #tpu.memory_space<vmem_shared>>)
        %mul3A_490 = arith.constant 10000 : i32
        %mul3A_491 = arith.muli %add3A, %mul3A_490 : i32
        %mul3A_492 = arith.constant 80 : i32
        %mul3A_493 = arith.muli %sub3A_435, %mul3A_492 : i32
        %add3A_494 = arith.addi %mul3A_491, %mul3A_493 : i32
        %dma_start3A_495 = arith.constant 1 : i32
        %dma_start3A_496 = arith.constant 0 : i32
        %dma_start3A_497 = tpu.memref_slice %arg7[%dma_start3A_495, %dma_start3A_496] : memref<4x80xi32, #tpu.memory_space<vmem>> -> memref<1x80xi32, #tpu.memory_space<vmem>>
        %dma_start3A_498 = tpu.memref_squeeze %dma_start3A_497 : memref<1x80xi32, #tpu.memory_space<vmem>> -> memref<80xi32, #tpu.memory_space<vmem>>
        %dma_start3A_499 = tpu.memref_slice %arg3[%add3A_494] : memref<320000xi32, #tpu.memory_space<hbm>> -> memref<80xi32, #tpu.memory_space<hbm>>
        %dma_start3A_500 = arith.constant 0 : i32
        %dma_start3A_501 = tpu.memref_slice %arg7[%dma_start3A_495, %dma_start3A_500] : memref<4x80xi32, #tpu.memory_space<vmem>> -> memref<1x80xi32, #tpu.memory_space<vmem>>
        %dma_start3A_502 = tpu.memref_squeeze %dma_start3A_501 : memref<1x80xi32, #tpu.memory_space<vmem>> -> memref<80xi32, #tpu.memory_space<vmem>>
        %dma_start3A_503 = tpu.memref_slice %arg3[%add3A_494] : memref<320000xi32, #tpu.memory_space<hbm>> -> memref<80xi32, #tpu.memory_space<hbm>>
        tpu.enqueue_dma source(%dma_start3A_503 : memref<80xi32, #tpu.memory_space<hbm>>) target(%dma_start3A_502 : memref<80xi32, #tpu.memory_space<vmem>>) target_semaphore(%arg17 : memref<!tpu.dma_semaphore, #tpu.memory_space<semaphore_mem>>)
        %dma_start3A_504 = arith.constant 1 : i32
        %dma_start3A_505 = arith.constant 0 : i32
        %dma_start3A_506 = tpu.memref_slice %arg8[%dma_start3A_504, %dma_start3A_505] : memref<4x80xi32, #tpu.memory_space<vmem>> -> memref<1x80xi32, #tpu.memory_space<vmem>>
        %dma_start3A_507 = tpu.memref_squeeze %dma_start3A_506 : memref<1x80xi32, #tpu.memory_space<vmem>> -> memref<80xi32, #tpu.memory_space<vmem>>
        %dma_start3A_508 = tpu.memref_slice %arg4[%add3A_494] : memref<320000xi32, #tpu.memory_space<hbm>> -> memref<80xi32, #tpu.memory_space<hbm>>
        %dma_start3A_509 = arith.constant 0 : i32
        %dma_start3A_510 = tpu.memref_slice %arg8[%dma_start3A_504, %dma_start3A_509] : memref<4x80xi32, #tpu.memory_space<vmem>> -> memref<1x80xi32, #tpu.memory_space<vmem>>
        %dma_start3A_511 = tpu.memref_squeeze %dma_start3A_510 : memref<1x80xi32, #tpu.memory_space<vmem>> -> memref<80xi32, #tpu.memory_space<vmem>>
        %dma_start3A_512 = tpu.memref_slice %arg4[%add3A_494] : memref<320000xi32, #tpu.memory_space<hbm>> -> memref<80xi32, #tpu.memory_space<hbm>>
        tpu.enqueue_dma source(%dma_start3A_512 : memref<80xi32, #tpu.memory_space<hbm>>) target(%dma_start3A_511 : memref<80xi32, #tpu.memory_space<vmem>>) target_semaphore(%arg17 : memref<!tpu.dma_semaphore, #tpu.memory_space<semaphore_mem>>)
        %dma_wait3A_513 = arith.constant 1 : i32
        %dma_wait3A_514 = arith.constant 0 : i32
        %dma_wait3A_515 = tpu.memref_slice %arg7[%dma_wait3A_513, %dma_wait3A_514] : memref<4x80xi32, #tpu.memory_space<vmem>> -> memref<1x80xi32, #tpu.memory_space<vmem>>
        %dma_wait3A_516 = tpu.memref_squeeze %dma_wait3A_515 : memref<1x80xi32, #tpu.memory_space<vmem>> -> memref<80xi32, #tpu.memory_space<vmem>>
        %dma_wait3A_517 = arith.constant 0 : i32
        %dma_wait3A_518 = tpu.memref_slice %arg3[%dma_wait3A_517] : memref<320000xi32, #tpu.memory_space<hbm>> -> memref<80xi32, #tpu.memory_space<hbm>>
        %dma_wait3A_519 = arith.constant 0 : i32
        %dma_wait3A_520 = tpu.memref_slice %arg7[%dma_wait3A_513, %dma_wait3A_519] : memref<4x80xi32, #tpu.memory_space<vmem>> -> memref<1x80xi32, #tpu.memory_space<vmem>>
        %dma_wait3A_521 = tpu.memref_squeeze %dma_wait3A_520 : memref<1x80xi32, #tpu.memory_space<vmem>> -> memref<80xi32, #tpu.memory_space<vmem>>
        %dma_wait3A_522 = arith.constant 0 : i32
        %dma_wait3A_523 = tpu.memref_slice %arg3[%dma_wait3A_522] : memref<320000xi32, #tpu.memory_space<hbm>> -> memref<80xi32, #tpu.memory_space<hbm>>
        tpu.wait_dma2 semaphore(%arg17 : memref<!tpu.dma_semaphore, #tpu.memory_space<semaphore_mem>>) src(%dma_wait3A_523 : memref<80xi32, #tpu.memory_space<hbm>>) dst(%dma_wait3A_521 : memref<80xi32, #tpu.memory_space<vmem>>)
        %dma_wait3A_524 = arith.constant 1 : i32
        %dma_wait3A_525 = arith.constant 0 : i32
        %dma_wait3A_526 = tpu.memref_slice %arg8[%dma_wait3A_524, %dma_wait3A_525] : memref<4x80xi32, #tpu.memory_space<vmem>> -> memref<1x80xi32, #tpu.memory_space<vmem>>
        %dma_wait3A_527 = tpu.memref_squeeze %dma_wait3A_526 : memref<1x80xi32, #tpu.memory_space<vmem>> -> memref<80xi32, #tpu.memory_space<vmem>>
        %dma_wait3A_528 = arith.constant 0 : i32
        %dma_wait3A_529 = tpu.memref_slice %arg4[%dma_wait3A_528] : memref<320000xi32, #tpu.memory_space<hbm>> -> memref<80xi32, #tpu.memory_space<hbm>>
        %dma_wait3A_530 = arith.constant 0 : i32
        %dma_wait3A_531 = tpu.memref_slice %arg8[%dma_wait3A_524, %dma_wait3A_530] : memref<4x80xi32, #tpu.memory_space<vmem>> -> memref<1x80xi32, #tpu.memory_space<vmem>>
        %dma_wait3A_532 = tpu.memref_squeeze %dma_wait3A_531 : memref<1x80xi32, #tpu.memory_space<vmem>> -> memref<80xi32, #tpu.memory_space<vmem>>
        %dma_wait3A_533 = arith.constant 0 : i32
        %dma_wait3A_534 = tpu.memref_slice %arg4[%dma_wait3A_533] : memref<320000xi32, #tpu.memory_space<hbm>> -> memref<80xi32, #tpu.memory_space<hbm>>
        tpu.wait_dma2 semaphore(%arg17 : memref<!tpu.dma_semaphore, #tpu.memory_space<semaphore_mem>>) src(%dma_wait3A_534 : memref<80xi32, #tpu.memory_space<hbm>>) dst(%dma_wait3A_532 : memref<80xi32, #tpu.memory_space<vmem>>)
        %dma_start3A_535 = arith.constant 1 : i32
        %dma_start3A_536 = arith.constant 80 : i32
        %dma_start3A_537 = arith.constant 0 : i32
        %dma_start3A_538 = tpu.memref_slice %arg6[%dma_start3A_536, %dma_start3A_537] : memref<320x128xf32, #tpu.memory_space<vmem>> -> memref<80x128xf32, #tpu.memory_space<vmem>>
        %dma_start3A_539 = arith.constant 0 : i32
        %dma_start3A_540 = tpu.memref_slice %arg7[%dma_start3A_535, %dma_start3A_539] : memref<4x80xi32, #tpu.memory_space<vmem>> -> memref<1x80xi32, #tpu.memory_space<vmem>>
        %dma_start3A_541 = tpu.memref_squeeze %dma_start3A_540 : memref<1x80xi32, #tpu.memory_space<vmem>> -> memref<80xi32, #tpu.memory_space<vmem>>
        %dma_start3A_542 = arith.constant 0 : i32
        %dma_start3A_543 = arith.constant 0 : i32
        %dma_start3A_544 = tpu.memref_slice %arg2[%dma_start3A_542, %dma_start3A_543] : memref<10000x128xf32, #tpu.memory_space<hbm>> -> memref<10000x128xf32, #tpu.memory_space<hbm>>
        tpu.enqueue_indirect_dma source(%dma_start3A_544 : memref<10000x128xf32, #tpu.memory_space<hbm>>) target(%dma_start3A_538 : memref<80x128xf32, #tpu.memory_space<vmem>>) offsets(%dma_start3A_541 : memref<80xi32, #tpu.memory_space<vmem>>) semaphore(%arg10 : memref<!tpu.dma_semaphore, #tpu.memory_space<semaphore_mem>>)
      } else {
      }
      %mul3A_444 = arith.constant 4 : i32
      %mul3A_445 = arith.muli %mul3A_444, %scan3A_338 : i32
      %add3A_446 = arith.constant 3 : i32
      %add3A_447 = arith.addi %mul3A_445, %add3A_446 : i32
      %dma_wait3A_448 = arith.constant 3 : i32
      %dma_wait3A_449 = arith.constant 240 : i32
      %dma_wait3A_450 = arith.constant 0 : i32
      %dma_wait3A_451 = tpu.memref_slice %arg6[%dma_wait3A_449, %dma_wait3A_450] : memref<320x128xf32, #tpu.memory_space<vmem>> -> memref<80x128xf32, #tpu.memory_space<vmem>>
      %dma_wait3A_452 = arith.constant 0 : i32
      %dma_wait3A_453 = tpu.memref_slice %arg7[%dma_wait3A_448, %dma_wait3A_452] : memref<4x80xi32, #tpu.memory_space<vmem>> -> memref<1x80xi32, #tpu.memory_space<vmem>>
      %dma_wait3A_454 = tpu.memref_squeeze %dma_wait3A_453 : memref<1x80xi32, #tpu.memory_space<vmem>> -> memref<80xi32, #tpu.memory_space<vmem>>
      %dma_wait3A_455 = arith.constant 0 : i32
      %dma_wait3A_456 = arith.constant 0 : i32
      %dma_wait3A_457 = tpu.memref_slice %arg2[%dma_wait3A_455, %dma_wait3A_456] : memref<10000x128xf32, #tpu.memory_space<hbm>> -> memref<10000x128xf32, #tpu.memory_space<hbm>>
      tpu.wait_indirect_dma semaphore(%arg12 : memref<!tpu.dma_semaphore, #tpu.memory_space<semaphore_mem>>) src(%dma_wait3A_457 : memref<10000x128xf32, #tpu.memory_space<hbm>>) dst(%dma_wait3A_451 : memref<80x128xf32, #tpu.memory_space<vmem>>)
      %dma_start3A_458 = arith.constant 3 : i32
      %dma_start3A_459 = arith.constant 240 : i32
      %dma_start3A_460 = arith.constant 0 : i32
      %dma_start3A_461 = tpu.memref_slice %arg6[%dma_start3A_459, %dma_start3A_460] : memref<320x128xf32, #tpu.memory_space<vmem>> -> memref<80x128xf32, #tpu.memory_space<vmem>>
      %dma_start3A_462 = arith.constant 0 : i32
      %dma_start3A_463 = tpu.memref_slice %arg8[%dma_start3A_458, %dma_start3A_462] : memref<4x80xi32, #tpu.memory_space<vmem>> -> memref<1x80xi32, #tpu.memory_space<vmem>>
      %dma_start3A_464 = tpu.memref_squeeze %dma_start3A_463 : memref<1x80xi32, #tpu.memory_space<vmem>> -> memref<80xi32, #tpu.memory_space<vmem>>
      %dma_start3A_465 = arith.constant 0 : i32
      %dma_start3A_466 = arith.constant 0 : i32
      %dma_start3A_467 = tpu.memref_slice %arg18[%dma_start3A_465, %dma_start3A_466] : memref<10000x128xf32, #tpu.memory_space<vmem_shared>> -> memref<10000x128xf32, #tpu.memory_space<vmem_shared>>
      tpu.enqueue_indirect_dma source(%dma_start3A_461 : memref<80x128xf32, #tpu.memory_space<vmem>>) target(%dma_start3A_467 : memref<10000x128xf32, #tpu.memory_space<vmem_shared>>) offsets(%dma_start3A_464 : memref<80xi32, #tpu.memory_space<vmem>>) semaphore(%arg16 : memref<!tpu.dma_semaphore, #tpu.memory_space<semaphore_mem>>) {add = true}
      %add3A_468 = arith.constant 4 : i32
      %add3A_469 = arith.addi %add3A_447, %add3A_468 : i32
      %sub3A_470 = arith.constant 1 : i32
      %sub3A_471 = arith.subi %add3A_469, %sub3A_470 : i32
      %ge3A_472 = arith.constant 4 : i32
      %ge3A_473 = arith.cmpi sge, %sub3A_471, %ge3A_472 : i32
      %lt3A_474 = arith.constant 125 : i32
      %lt3A_475 = arith.cmpi slt, %sub3A_471, %lt3A_474 : i32
      %and3A_476 = arith.andi %ge3A_473, %lt3A_475 : i1
      %convert_element_type3A_477 = arith.extui %and3A_476 : i1 to i32
      %cond3A_478 = arith.constant 0 : i32
      %cond3A_479 = arith.cmpi ne, %convert_element_type3A_477, %cond3A_478 : i32
      scf.if %cond3A_479 {
        %dma_wait3A_480 = arith.constant 2 : i32
        %dma_wait3A_481 = arith.constant 160 : i32
        %dma_wait3A_482 = arith.constant 0 : i32
        %dma_wait3A_483 = tpu.memref_slice %arg6[%dma_wait3A_481, %dma_wait3A_482] : memref<320x128xf32, #tpu.memory_space<vmem>> -> memref<80x128xf32, #tpu.memory_space<vmem>>
        %dma_wait3A_484 = arith.constant 0 : i32
        %dma_wait3A_485 = tpu.memref_slice %arg8[%dma_wait3A_480, %dma_wait3A_484] : memref<4x80xi32, #tpu.memory_space<vmem>> -> memref<1x80xi32, #tpu.memory_space<vmem>>
        %dma_wait3A_486 = tpu.memref_squeeze %dma_wait3A_485 : memref<1x80xi32, #tpu.memory_space<vmem>> -> memref<80xi32, #tpu.memory_space<vmem>>
        %dma_wait3A_487 = arith.constant 0 : i32
        %dma_wait3A_488 = arith.constant 0 : i32
        %dma_wait3A_489 = tpu.memref_slice %arg18[%dma_wait3A_487, %dma_wait3A_488] : memref<10000x128xf32, #tpu.memory_space<vmem_shared>> -> memref<10000x128xf32, #tpu.memory_space<vmem_shared>>
        tpu.wait_indirect_dma semaphore(%arg15 : memref<!tpu.dma_semaphore, #tpu.memory_space<semaphore_mem>>) src(%dma_wait3A_483 : memref<80x128xf32, #tpu.memory_space<vmem>>) dst(%dma_wait3A_489 : memref<10000x128xf32, #tpu.memory_space<vmem_shared>>)
        %mul3A_490 = arith.constant 10000 : i32
        %mul3A_491 = arith.muli %add3A, %mul3A_490 : i32
        %mul3A_492 = arith.constant 80 : i32
        %mul3A_493 = arith.muli %sub3A_471, %mul3A_492 : i32
        %add3A_494 = arith.addi %mul3A_491, %mul3A_493 : i32
        %dma_start3A_495 = arith.constant 2 : i32
        %dma_start3A_496 = arith.constant 0 : i32
        %dma_start3A_497 = tpu.memref_slice %arg7[%dma_start3A_495, %dma_start3A_496] : memref<4x80xi32, #tpu.memory_space<vmem>> -> memref<1x80xi32, #tpu.memory_space<vmem>>
        %dma_start3A_498 = tpu.memref_squeeze %dma_start3A_497 : memref<1x80xi32, #tpu.memory_space<vmem>> -> memref<80xi32, #tpu.memory_space<vmem>>
        %dma_start3A_499 = tpu.memref_slice %arg3[%add3A_494] : memref<320000xi32, #tpu.memory_space<hbm>> -> memref<80xi32, #tpu.memory_space<hbm>>
        %dma_start3A_500 = arith.constant 0 : i32
        %dma_start3A_501 = tpu.memref_slice %arg7[%dma_start3A_495, %dma_start3A_500] : memref<4x80xi32, #tpu.memory_space<vmem>> -> memref<1x80xi32, #tpu.memory_space<vmem>>
        %dma_start3A_502 = tpu.memref_squeeze %dma_start3A_501 : memref<1x80xi32, #tpu.memory_space<vmem>> -> memref<80xi32, #tpu.memory_space<vmem>>
        %dma_start3A_503 = tpu.memref_slice %arg3[%add3A_494] : memref<320000xi32, #tpu.memory_space<hbm>> -> memref<80xi32, #tpu.memory_space<hbm>>
        tpu.enqueue_dma source(%dma_start3A_503 : memref<80xi32, #tpu.memory_space<hbm>>) target(%dma_start3A_502 : memref<80xi32, #tpu.memory_space<vmem>>) target_semaphore(%arg17 : memref<!tpu.dma_semaphore, #tpu.memory_space<semaphore_mem>>)
        %dma_start3A_504 = arith.constant 2 : i32
        %dma_start3A_505 = arith.constant 0 : i32
        %dma_start3A_506 = tpu.memref_slice %arg8[%dma_start3A_504, %dma_start3A_505] : memref<4x80xi32, #tpu.memory_space<vmem>> -> memref<1x80xi32, #tpu.memory_space<vmem>>
        %dma_start3A_507 = tpu.memref_squeeze %dma_start3A_506 : memref<1x80xi32, #tpu.memory_space<vmem>> -> memref<80xi32, #tpu.memory_space<vmem>>
        %dma_start3A_508 = tpu.memref_slice %arg4[%add3A_494] : memref<320000xi32, #tpu.memory_space<hbm>> -> memref<80xi32, #tpu.memory_space<hbm>>
        %dma_start3A_509 = arith.constant 0 : i32
        %dma_start3A_510 = tpu.memref_slice %arg8[%dma_start3A_504, %dma_start3A_509] : memref<4x80xi32, #tpu.memory_space<vmem>> -> memref<1x80xi32, #tpu.memory_space<vmem>>
        %dma_start3A_511 = tpu.memref_squeeze %dma_start3A_510 : memref<1x80xi32, #tpu.memory_space<vmem>> -> memref<80xi32, #tpu.memory_space<vmem>>
        %dma_start3A_512 = tpu.memref_slice %arg4[%add3A_494] : memref<320000xi32, #tpu.memory_space<hbm>> -> memref<80xi32, #tpu.memory_space<hbm>>
        tpu.enqueue_dma source(%dma_start3A_512 : memref<80xi32, #tpu.memory_space<hbm>>) target(%dma_start3A_511 : memref<80xi32, #tpu.memory_space<vmem>>) target_semaphore(%arg17 : memref<!tpu.dma_semaphore, #tpu.memory_space<semaphore_mem>>)
        %dma_wait3A_513 = arith.constant 2 : i32
        %dma_wait3A_514 = arith.constant 0 : i32
        %dma_wait3A_515 = tpu.memref_slice %arg7[%dma_wait3A_513, %dma_wait3A_514] : memref<4x80xi32, #tpu.memory_space<vmem>> -> memref<1x80xi32, #tpu.memory_space<vmem>>
        %dma_wait3A_516 = tpu.memref_squeeze %dma_wait3A_515 : memref<1x80xi32, #tpu.memory_space<vmem>> -> memref<80xi32, #tpu.memory_space<vmem>>
        %dma_wait3A_517 = arith.constant 0 : i32
        %dma_wait3A_518 = tpu.memref_slice %arg3[%dma_wait3A_517] : memref<320000xi32, #tpu.memory_space<hbm>> -> memref<80xi32, #tpu.memory_space<hbm>>
        %dma_wait3A_519 = arith.constant 0 : i32
        %dma_wait3A_520 = tpu.memref_slice %arg7[%dma_wait3A_513, %dma_wait3A_519] : memref<4x80xi32, #tpu.memory_space<vmem>> -> memref<1x80xi32, #tpu.memory_space<vmem>>
        %dma_wait3A_521 = tpu.memref_squeeze %dma_wait3A_520 : memref<1x80xi32, #tpu.memory_space<vmem>> -> memref<80xi32, #tpu.memory_space<vmem>>
        %dma_wait3A_522 = arith.constant 0 : i32
        %dma_wait3A_523 = tpu.memref_slice %arg3[%dma_wait3A_522] : memref<320000xi32, #tpu.memory_space<hbm>> -> memref<80xi32, #tpu.memory_space<hbm>>
        tpu.wait_dma2 semaphore(%arg17 : memref<!tpu.dma_semaphore, #tpu.memory_space<semaphore_mem>>) src(%dma_wait3A_523 : memref<80xi32, #tpu.memory_space<hbm>>) dst(%dma_wait3A_521 : memref<80xi32, #tpu.memory_space<vmem>>)
        %dma_wait3A_524 = arith.constant 2 : i32
        %dma_wait3A_525 = arith.constant 0 : i32
        %dma_wait3A_526 = tpu.memref_slice %arg8[%dma_wait3A_524, %dma_wait3A_525] : memref<4x80xi32, #tpu.memory_space<vmem>> -> memref<1x80xi32, #tpu.memory_space<vmem>>
        %dma_wait3A_527 = tpu.memref_squeeze %dma_wait3A_526 : memref<1x80xi32, #tpu.memory_space<vmem>> -> memref<80xi32, #tpu.memory_space<vmem>>
        %dma_wait3A_528 = arith.constant 0 : i32
        %dma_wait3A_529 = tpu.memref_slice %arg4[%dma_wait3A_528] : memref<320000xi32, #tpu.memory_space<hbm>> -> memref<80xi32, #tpu.memory_space<hbm>>
        %dma_wait3A_530 = arith.constant 0 : i32
        %dma_wait3A_531 = tpu.memref_slice %arg8[%dma_wait3A_524, %dma_wait3A_530] : memref<4x80xi32, #tpu.memory_space<vmem>> -> memref<1x80xi32, #tpu.memory_space<vmem>>
        %dma_wait3A_532 = tpu.memref_squeeze %dma_wait3A_531 : memref<1x80xi32, #tpu.memory_space<vmem>> -> memref<80xi32, #tpu.memory_space<vmem>>
        %dma_wait3A_533 = arith.constant 0 : i32
        %dma_wait3A_534 = tpu.memref_slice %arg4[%dma_wait3A_533] : memref<320000xi32, #tpu.memory_space<hbm>> -> memref<80xi32, #tpu.memory_space<hbm>>
        tpu.wait_dma2 semaphore(%arg17 : memref<!tpu.dma_semaphore, #tpu.memory_space<semaphore_mem>>) src(%dma_wait3A_534 : memref<80xi32, #tpu.memory_space<hbm>>) dst(%dma_wait3A_532 : memref<80xi32, #tpu.memory_space<vmem>>)
        %dma_start3A_535 = arith.constant 2 : i32
        %dma_start3A_536 = arith.constant 160 : i32
        %dma_start3A_537 = arith.constant 0 : i32
        %dma_start3A_538 = tpu.memref_slice %arg6[%dma_start3A_536, %dma_start3A_537] : memref<320x128xf32, #tpu.memory_space<vmem>> -> memref<80x128xf32, #tpu.memory_space<vmem>>
        %dma_start3A_539 = arith.constant 0 : i32
        %dma_start3A_540 = tpu.memref_slice %arg7[%dma_start3A_535, %dma_start3A_539] : memref<4x80xi32, #tpu.memory_space<vmem>> -> memref<1x80xi32, #tpu.memory_space<vmem>>
        %dma_start3A_541 = tpu.memref_squeeze %dma_start3A_540 : memref<1x80xi32, #tpu.memory_space<vmem>> -> memref<80xi32, #tpu.memory_space<vmem>>
        %dma_start3A_542 = arith.constant 0 : i32
        %dma_start3A_543 = arith.constant 0 : i32
        %dma_start3A_544 = tpu.memref_slice %arg2[%dma_start3A_542, %dma_start3A_543] : memref<10000x128xf32, #tpu.memory_space<hbm>> -> memref<10000x128xf32, #tpu.memory_space<hbm>>
        tpu.enqueue_indirect_dma source(%dma_start3A_544 : memref<10000x128xf32, #tpu.memory_space<hbm>>) target(%dma_start3A_538 : memref<80x128xf32, #tpu.memory_space<vmem>>) offsets(%dma_start3A_541 : memref<80xi32, #tpu.memory_space<vmem>>) semaphore(%arg11 : memref<!tpu.dma_semaphore, #tpu.memory_space<semaphore_mem>>)
      } else {
      }
    }
    %scan3A_248 = arith.constant 31 : i32
    %dma_wait3A_249 = arith.constant 0 : i32
    %dma_wait3A_250 = arith.constant 0 : i32
    %dma_wait3A_251 = arith.constant 0 : i32
    %dma_wait3A_252 = tpu.memref_slice %arg6[%dma_wait3A_250, %dma_wait3A_251] : memref<320x128xf32, #tpu.memory_space<vmem>> -> memref<80x128xf32, #tpu.memory_space<vmem>>
    %dma_wait3A_253 = arith.constant 0 : i32
    %dma_wait3A_254 = tpu.memref_slice %arg7[%dma_wait3A_249, %dma_wait3A_253] : memref<4x80xi32, #tpu.memory_space<vmem>> -> memref<1x80xi32, #tpu.memory_space<vmem>>
    %dma_wait3A_255 = tpu.memref_squeeze %dma_wait3A_254 : memref<1x80xi32, #tpu.memory_space<vmem>> -> memref<80xi32, #tpu.memory_space<vmem>>
    %dma_wait3A_256 = arith.constant 0 : i32
    %dma_wait3A_257 = arith.constant 0 : i32
    %dma_wait3A_258 = tpu.memref_slice %arg2[%dma_wait3A_256, %dma_wait3A_257] : memref<10000x128xf32, #tpu.memory_space<hbm>> -> memref<10000x128xf32, #tpu.memory_space<hbm>>
    tpu.wait_indirect_dma semaphore(%arg9 : memref<!tpu.dma_semaphore, #tpu.memory_space<semaphore_mem>>) src(%dma_wait3A_258 : memref<10000x128xf32, #tpu.memory_space<hbm>>) dst(%dma_wait3A_252 : memref<80x128xf32, #tpu.memory_space<vmem>>)
    %dma_start3A_259 = arith.constant 0 : i32
    %dma_start3A_260 = arith.constant 0 : i32
    %dma_start3A_261 = arith.constant 0 : i32
    %dma_start3A_262 = tpu.memref_slice %arg6[%dma_start3A_260, %dma_start3A_261] : memref<320x128xf32, #tpu.memory_space<vmem>> -> memref<80x128xf32, #tpu.memory_space<vmem>>
    %dma_start3A_263 = arith.constant 0 : i32
    %dma_start3A_264 = tpu.memref_slice %arg8[%dma_start3A_259, %dma_start3A_263] : memref<4x80xi32, #tpu.memory_space<vmem>> -> memref<1x80xi32, #tpu.memory_space<vmem>>
    %dma_start3A_265 = tpu.memref_squeeze %dma_start3A_264 : memref<1x80xi32, #tpu.memory_space<vmem>> -> memref<80xi32, #tpu.memory_space<vmem>>
    %dma_start3A_266 = arith.constant 0 : i32
    %dma_start3A_267 = arith.constant 0 : i32
    %dma_start3A_268 = tpu.memref_slice %arg18[%dma_start3A_266, %dma_start3A_267] : memref<10000x128xf32, #tpu.memory_space<vmem_shared>> -> memref<10000x128xf32, #tpu.memory_space<vmem_shared>>
    tpu.enqueue_indirect_dma source(%dma_start3A_262 : memref<80x128xf32, #tpu.memory_space<vmem>>) target(%dma_start3A_268 : memref<10000x128xf32, #tpu.memory_space<vmem_shared>>) offsets(%dma_start3A_265 : memref<80xi32, #tpu.memory_space<vmem>>) semaphore(%arg13 : memref<!tpu.dma_semaphore, #tpu.memory_space<semaphore_mem>>) {add = true}
    %dma_wait3A_269 = arith.constant 0 : i32
    %dma_wait3A_270 = arith.constant 0 : i32
    %dma_wait3A_271 = arith.constant 0 : i32
    %dma_wait3A_272 = tpu.memref_slice %arg6[%dma_wait3A_270, %dma_wait3A_271] : memref<320x128xf32, #tpu.memory_space<vmem>> -> memref<80x128xf32, #tpu.memory_space<vmem>>
    %dma_wait3A_273 = arith.constant 0 : i32
    %dma_wait3A_274 = tpu.memref_slice %arg8[%dma_wait3A_269, %dma_wait3A_273] : memref<4x80xi32, #tpu.memory_space<vmem>> -> memref<1x80xi32, #tpu.memory_space<vmem>>
    %dma_wait3A_275 = tpu.memref_squeeze %dma_wait3A_274 : memref<1x80xi32, #tpu.memory_space<vmem>> -> memref<80xi32, #tpu.memory_space<vmem>>
    %dma_wait3A_276 = arith.constant 0 : i32
    %dma_wait3A_277 = arith.constant 0 : i32
    %dma_wait3A_278 = tpu.memref_slice %arg18[%dma_wait3A_276, %dma_wait3A_277] : memref<10000x128xf32, #tpu.memory_space<vmem_shared>> -> memref<10000x128xf32, #tpu.memory_space<vmem_shared>>
    tpu.wait_indirect_dma semaphore(%arg13 : memref<!tpu.dma_semaphore, #tpu.memory_space<semaphore_mem>>) src(%dma_wait3A_272 : memref<80x128xf32, #tpu.memory_space<vmem>>) dst(%dma_wait3A_278 : memref<10000x128xf32, #tpu.memory_space<vmem_shared>>)
    %dma_wait3A_279 = arith.constant 1 : i32
    %dma_wait3A_280 = arith.constant 80 : i32
    %dma_wait3A_281 = arith.constant 0 : i32
    %dma_wait3A_282 = tpu.memref_slice %arg6[%dma_wait3A_280, %dma_wait3A_281] : memref<320x128xf32, #tpu.memory_space<vmem>> -> memref<80x128xf32, #tpu.memory_space<vmem>>
    %dma_wait3A_283 = arith.constant 0 : i32
    %dma_wait3A_284 = tpu.memref_slice %arg8[%dma_wait3A_279, %dma_wait3A_283] : memref<4x80xi32, #tpu.memory_space<vmem>> -> memref<1x80xi32, #tpu.memory_space<vmem>>
    %dma_wait3A_285 = tpu.memref_squeeze %dma_wait3A_284 : memref<1x80xi32, #tpu.memory_space<vmem>> -> memref<80xi32, #tpu.memory_space<vmem>>
    %dma_wait3A_286 = arith.constant 0 : i32
    %dma_wait3A_287 = arith.constant 0 : i32
    %dma_wait3A_288 = tpu.memref_slice %arg18[%dma_wait3A_286, %dma_wait3A_287] : memref<10000x128xf32, #tpu.memory_space<vmem_shared>> -> memref<10000x128xf32, #tpu.memory_space<vmem_shared>>
    tpu.wait_indirect_dma semaphore(%arg14 : memref<!tpu.dma_semaphore, #tpu.memory_space<semaphore_mem>>) src(%dma_wait3A_282 : memref<80x128xf32, #tpu.memory_space<vmem>>) dst(%dma_wait3A_288 : memref<10000x128xf32, #tpu.memory_space<vmem_shared>>)
    %dma_wait3A_289 = arith.constant 2 : i32
    %dma_wait3A_290 = arith.constant 160 : i32
    %dma_wait3A_291 = arith.constant 0 : i32
    %dma_wait3A_292 = tpu.memref_slice %arg6[%dma_wait3A_290, %dma_wait3A_291] : memref<320x128xf32, #tpu.memory_space<vmem>> -> memref<80x128xf32, #tpu.memory_space<vmem>>
    %dma_wait3A_293 = arith.constant 0 : i32
    %dma_wait3A_294 = tpu.memref_slice %arg8[%dma_wait3A_289, %dma_wait3A_293] : memref<4x80xi32, #tpu.memory_space<vmem>> -> memref<1x80xi32, #tpu.memory_space<vmem>>
    %dma_wait3A_295 = tpu.memref_squeeze %dma_wait3A_294 : memref<1x80xi32, #tpu.memory_space<vmem>> -> memref<80xi32, #tpu.memory_space<vmem>>
    %dma_wait3A_296 = arith.constant 0 : i32
    %dma_wait3A_297 = arith.constant 0 : i32
    %dma_wait3A_298 = tpu.memref_slice %arg18[%dma_wait3A_296, %dma_wait3A_297] : memref<10000x128xf32, #tpu.memory_space<vmem_shared>> -> memref<10000x128xf32, #tpu.memory_space<vmem_shared>>
    tpu.wait_indirect_dma semaphore(%arg15 : memref<!tpu.dma_semaphore, #tpu.memory_space<semaphore_mem>>) src(%dma_wait3A_292 : memref<80x128xf32, #tpu.memory_space<vmem>>) dst(%dma_wait3A_298 : memref<10000x128xf32, #tpu.memory_space<vmem_shared>>)
    %dma_wait3A_299 = arith.constant 3 : i32
    %dma_wait3A_300 = arith.constant 240 : i32
    %dma_wait3A_301 = arith.constant 0 : i32
    %dma_wait3A_302 = tpu.memref_slice %arg6[%dma_wait3A_300, %dma_wait3A_301] : memref<320x128xf32, #tpu.memory_space<vmem>> -> memref<80x128xf32, #tpu.memory_space<vmem>>
    %dma_wait3A_303 = arith.constant 0 : i32
    %dma_wait3A_304 = tpu.memref_slice %arg8[%dma_wait3A_299, %dma_wait3A_303] : memref<4x80xi32, #tpu.memory_space<vmem>> -> memref<1x80xi32, #tpu.memory_space<vmem>>
    %dma_wait3A_305 = tpu.memref_squeeze %dma_wait3A_304 : memref<1x80xi32, #tpu.memory_space<vmem>> -> memref<80xi32, #tpu.memory_space<vmem>>
    %dma_wait3A_306 = arith.constant 0 : i32
    %dma_wait3A_307 = arith.constant 0 : i32
    %dma_wait3A_308 = tpu.memref_slice %arg18[%dma_wait3A_306, %dma_wait3A_307] : memref<10000x128xf32, #tpu.memory_space<vmem_shared>> -> memref<10000x128xf32, #tpu.memory_space<vmem_shared>>
    tpu.wait_indirect_dma semaphore(%arg16 : memref<!tpu.dma_semaphore, #tpu.memory_space<semaphore_mem>>) src(%dma_wait3A_302 : memref<80x128xf32, #tpu.memory_space<vmem>>) dst(%dma_wait3A_308 : memref<10000x128xf32, #tpu.memory_space<vmem_shared>>)
    %barrier3A_309 = arith.constant 0 : index
    tpu.barrier barrier_id(%barrier3A_309)
    %add3A_310 = arith.constant 0 : i32
    %add3A_311 = arith.addi %arg1, %add3A_310 : i32
    %lt3A_312 = arith.constant 50 : i32
    %lt3A_313 = arith.cmpi slt, %add3A_311, %lt3A_312 : i32
    %convert_element_type3A_314 = arith.extui %lt3A_313 : i1 to i32
    %cond3A_315 = arith.constant 0 : i32
    %cond3A_316 = arith.cmpi ne, %convert_element_type3A_314, %cond3A_315 : i32
    scf.if %cond3A_316 {
      %mul3A_338 = arith.constant 200 : i32
      %mul3A_339 = arith.muli %add3A_311, %mul3A_338 : i32
      %mul3A_340 = arith.constant 200 : i32
      %mul3A_341 = arith.muli %add3A_311, %mul3A_340 : i32
      "tpu.region"() ({
        %run_scoped3A = tpu.sem_alloc : memref<!tpu.dma_semaphore, #tpu.memory_space<semaphore_mem>>
        %dma_start3A_342 = arith.constant 0 : i32
        %dma_start3A_343 = tpu.memref_slice %arg5[%arg0, %mul3A_341, %dma_start3A_342] : memref<2x10000x128xf32, #tpu.memory_space<hbm>> -> memref<1x200x128xf32, #tpu.memory_space<hbm>>
        %dma_start3A_344 = tpu.memref_squeeze %dma_start3A_343 : memref<1x200x128xf32, #tpu.memory_space<hbm>> -> memref<200x128xf32, #tpu.memory_space<hbm>>
        %dma_start3A_345 = arith.constant 0 : i32
        %dma_start3A_346 = tpu.memref_slice %arg18[%mul3A_339, %dma_start3A_345] : memref<10000x128xf32, #tpu.memory_space<vmem_shared>> -> memref<200x128xf32, #tpu.memory_space<vmem_shared>>
        tpu.enqueue_dma source(%dma_start3A_346 : memref<200x128xf32, #tpu.memory_space<vmem_shared>>) target(%dma_start3A_344 : memref<200x128xf32, #tpu.memory_space<hbm>>) target_semaphore(%run_scoped3A : memref<!tpu.dma_semaphore, #tpu.memory_space<semaphore_mem>>)
        %dma_wait3A_347 = arith.constant 0 : i32
        %dma_wait3A_348 = tpu.memref_slice %arg5[%arg0, %mul3A_341, %dma_wait3A_347] : memref<2x10000x128xf32, #tpu.memory_space<hbm>> -> memref<1x200x128xf32, #tpu.memory_space<hbm>>
        %dma_wait3A_349 = tpu.memref_squeeze %dma_wait3A_348 : memref<1x200x128xf32, #tpu.memory_space<hbm>> -> memref<200x128xf32, #tpu.memory_space<hbm>>
        %dma_wait3A_350 = arith.constant 0 : i32
        %dma_wait3A_351 = tpu.memref_slice %arg18[%mul3A_339, %dma_wait3A_350] : memref<10000x128xf32, #tpu.memory_space<vmem_shared>> -> memref<200x128xf32, #tpu.memory_space<vmem_shared>>
        tpu.wait_dma2 semaphore(%run_scoped3A : memref<!tpu.dma_semaphore, #tpu.memory_space<semaphore_mem>>) src(%dma_wait3A_351 : memref<200x128xf32, #tpu.memory_space<vmem_shared>>) dst(%dma_wait3A_349 : memref<200x128xf32, #tpu.memory_space<hbm>>)
        tpu.yield
      }) : () -> ()
    } else {
    }
    %add3A_317 = arith.constant 16 : i32
    %add3A_318 = arith.addi %arg1, %add3A_317 : i32
    %lt3A_319 = arith.constant 50 : i32
    %lt3A_320 = arith.cmpi slt, %add3A_318, %lt3A_319 : i32
    %convert_element_type3A_321 = arith.extui %lt3A_320 : i1 to i32
    %cond3A_322 = arith.constant 0 : i32
    %cond3A_323 = arith.cmpi ne, %convert_element_type3A_321, %cond3A_322 : i32
    scf.if %cond3A_323 {
      %mul3A_338 = arith.constant 200 : i32
      %mul3A_339 = arith.muli %add3A_318, %mul3A_338 : i32
      %mul3A_340 = arith.constant 200 : i32
      %mul3A_341 = arith.muli %add3A_318, %mul3A_340 : i32
      "tpu.region"() ({
        %run_scoped3A = tpu.sem_alloc : memref<!tpu.dma_semaphore, #tpu.memory_space<semaphore_mem>>
        %dma_start3A_342 = arith.constant 0 : i32
        %dma_start3A_343 = tpu.memref_slice %arg5[%arg0, %mul3A_341, %dma_start3A_342] : memref<2x10000x128xf32, #tpu.memory_space<hbm>> -> memref<1x200x128xf32, #tpu.memory_space<hbm>>
        %dma_start3A_344 = tpu.memref_squeeze %dma_start3A_343 : memref<1x200x128xf32, #tpu.memory_space<hbm>> -> memref<200x128xf32, #tpu.memory_space<hbm>>
        %dma_start3A_345 = arith.constant 0 : i32
        %dma_start3A_346 = tpu.memref_slice %arg18[%mul3A_339, %dma_start3A_345] : memref<10000x128xf32, #tpu.memory_space<vmem_shared>> -> memref<200x128xf32, #tpu.memory_space<vmem_shared>>
        tpu.enqueue_dma source(%dma_start3A_346 : memref<200x128xf32, #tpu.memory_space<vmem_shared>>) target(%dma_start3A_344 : memref<200x128xf32, #tpu.memory_space<hbm>>) target_semaphore(%run_scoped3A : memref<!tpu.dma_semaphore, #tpu.memory_space<semaphore_mem>>)
        %dma_wait3A_347 = arith.constant 0 : i32
        %dma_wait3A_348 = tpu.memref_slice %arg5[%arg0, %mul3A_341, %dma_wait3A_347] : memref<2x10000x128xf32, #tpu.memory_space<hbm>> -> memref<1x200x128xf32, #tpu.memory_space<hbm>>
        %dma_wait3A_349 = tpu.memref_squeeze %dma_wait3A_348 : memref<1x200x128xf32, #tpu.memory_space<hbm>> -> memref<200x128xf32, #tpu.memory_space<hbm>>
        %dma_wait3A_350 = arith.constant 0 : i32
        %dma_wait3A_351 = tpu.memref_slice %arg18[%mul3A_339, %dma_wait3A_350] : memref<10000x128xf32, #tpu.memory_space<vmem_shared>> -> memref<200x128xf32, #tpu.memory_space<vmem_shared>>
        tpu.wait_dma2 semaphore(%run_scoped3A : memref<!tpu.dma_semaphore, #tpu.memory_space<semaphore_mem>>) src(%dma_wait3A_351 : memref<200x128xf32, #tpu.memory_space<vmem_shared>>) dst(%dma_wait3A_349 : memref<200x128xf32, #tpu.memory_space<hbm>>)
        tpu.yield
      }) : () -> ()
    } else {
    }
    %add3A_324 = arith.constant 32 : i32
    %add3A_325 = arith.addi %arg1, %add3A_324 : i32
    %lt3A_326 = arith.constant 50 : i32
    %lt3A_327 = arith.cmpi slt, %add3A_325, %lt3A_326 : i32
    %convert_element_type3A_328 = arith.extui %lt3A_327 : i1 to i32
    %cond3A_329 = arith.constant 0 : i32
    %cond3A_330 = arith.cmpi ne, %convert_element_type3A_328, %cond3A_329 : i32
    scf.if %cond3A_330 {
      %mul3A_338 = arith.constant 200 : i32
      %mul3A_339 = arith.muli %add3A_325, %mul3A_338 : i32
      %mul3A_340 = arith.constant 200 : i32
      %mul3A_341 = arith.muli %add3A_325, %mul3A_340 : i32
      "tpu.region"() ({
        %run_scoped3A = tpu.sem_alloc : memref<!tpu.dma_semaphore, #tpu.memory_space<semaphore_mem>>
        %dma_start3A_342 = arith.constant 0 : i32
        %dma_start3A_343 = tpu.memref_slice %arg5[%arg0, %mul3A_341, %dma_start3A_342] : memref<2x10000x128xf32, #tpu.memory_space<hbm>> -> memref<1x200x128xf32, #tpu.memory_space<hbm>>
        %dma_start3A_344 = tpu.memref_squeeze %dma_start3A_343 : memref<1x200x128xf32, #tpu.memory_space<hbm>> -> memref<200x128xf32, #tpu.memory_space<hbm>>
        %dma_start3A_345 = arith.constant 0 : i32
        %dma_start3A_346 = tpu.memref_slice %arg18[%mul3A_339, %dma_start3A_345] : memref<10000x128xf32, #tpu.memory_space<vmem_shared>> -> memref<200x128xf32, #tpu.memory_space<vmem_shared>>
        tpu.enqueue_dma source(%dma_start3A_346 : memref<200x128xf32, #tpu.memory_space<vmem_shared>>) target(%dma_start3A_344 : memref<200x128xf32, #tpu.memory_space<hbm>>) target_semaphore(%run_scoped3A : memref<!tpu.dma_semaphore, #tpu.memory_space<semaphore_mem>>)
        %dma_wait3A_347 = arith.constant 0 : i32
        %dma_wait3A_348 = tpu.memref_slice %arg5[%arg0, %mul3A_341, %dma_wait3A_347] : memref<2x10000x128xf32, #tpu.memory_space<hbm>> -> memref<1x200x128xf32, #tpu.memory_space<hbm>>
        %dma_wait3A_349 = tpu.memref_squeeze %dma_wait3A_348 : memref<1x200x128xf32, #tpu.memory_space<hbm>> -> memref<200x128xf32, #tpu.memory_space<hbm>>
        %dma_wait3A_350 = arith.constant 0 : i32
        %dma_wait3A_351 = tpu.memref_slice %arg18[%mul3A_339, %dma_wait3A_350] : memref<10000x128xf32, #tpu.memory_space<vmem_shared>> -> memref<200x128xf32, #tpu.memory_space<vmem_shared>>
        tpu.wait_dma2 semaphore(%run_scoped3A : memref<!tpu.dma_semaphore, #tpu.memory_space<semaphore_mem>>) src(%dma_wait3A_351 : memref<200x128xf32, #tpu.memory_space<vmem_shared>>) dst(%dma_wait3A_349 : memref<200x128xf32, #tpu.memory_space<hbm>>)
        tpu.yield
      }) : () -> ()
    } else {
    }
    %add3A_331 = arith.constant 48 : i32
    %add3A_332 = arith.addi %arg1, %add3A_331 : i32
    %lt3A_333 = arith.constant 50 : i32
    %lt3A_334 = arith.cmpi slt, %add3A_332, %lt3A_333 : i32
    %convert_element_type3A_335 = arith.extui %lt3A_334 : i1 to i32
    %cond3A_336 = arith.constant 0 : i32
    %cond3A_337 = arith.cmpi ne, %convert_element_type3A_335, %cond3A_336 : i32
    scf.if %cond3A_337 {
      %mul3A_338 = arith.constant 200 : i32
      %mul3A_339 = arith.muli %add3A_332, %mul3A_338 : i32
      %mul3A_340 = arith.constant 200 : i32
      %mul3A_341 = arith.muli %add3A_332, %mul3A_340 : i32
      "tpu.region"() ({
        %run_scoped3A = tpu.sem_alloc : memref<!tpu.dma_semaphore, #tpu.memory_space<semaphore_mem>>
        %dma_start3A_342 = arith.constant 0 : i32
        %dma_start3A_343 = tpu.memref_slice %arg5[%arg0, %mul3A_341, %dma_start3A_342] : memref<2x10000x128xf32, #tpu.memory_space<hbm>> -> memref<1x200x128xf32, #tpu.memory_space<hbm>>
        %dma_start3A_344 = tpu.memref_squeeze %dma_start3A_343 : memref<1x200x128xf32, #tpu.memory_space<hbm>> -> memref<200x128xf32, #tpu.memory_space<hbm>>
        %dma_start3A_345 = arith.constant 0 : i32
        %dma_start3A_346 = tpu.memref_slice %arg18[%mul3A_339, %dma_start3A_345] : memref<10000x128xf32, #tpu.memory_space<vmem_shared>> -> memref<200x128xf32, #tpu.memory_space<vmem_shared>>
        tpu.enqueue_dma source(%dma_start3A_346 : memref<200x128xf32, #tpu.memory_space<vmem_shared>>) target(%dma_start3A_344 : memref<200x128xf32, #tpu.memory_space<hbm>>) target_semaphore(%run_scoped3A : memref<!tpu.dma_semaphore, #tpu.memory_space<semaphore_mem>>)
        %dma_wait3A_347 = arith.constant 0 : i32
        %dma_wait3A_348 = tpu.memref_slice %arg5[%arg0, %mul3A_341, %dma_wait3A_347] : memref<2x10000x128xf32, #tpu.memory_space<hbm>> -> memref<1x200x128xf32, #tpu.memory_space<hbm>>
        %dma_wait3A_349 = tpu.memref_squeeze %dma_wait3A_348 : memref<1x200x128xf32, #tpu.memory_space<hbm>> -> memref<200x128xf32, #tpu.memory_space<hbm>>
        %dma_wait3A_350 = arith.constant 0 : i32
        %dma_wait3A_351 = tpu.memref_slice %arg18[%mul3A_339, %dma_wait3A_350] : memref<10000x128xf32, #tpu.memory_space<vmem_shared>> -> memref<200x128xf32, #tpu.memory_space<vmem_shared>>
        tpu.wait_dma2 semaphore(%run_scoped3A : memref<!tpu.dma_semaphore, #tpu.memory_space<semaphore_mem>>) src(%dma_wait3A_351 : memref<200x128xf32, #tpu.memory_space<vmem_shared>>) dst(%dma_wait3A_349 : memref<200x128xf32, #tpu.memory_space<hbm>>)
        tpu.yield
      }) : () -> ()
    } else {
    }
    return
  }
}

module attributes {stable_mosaic.version = 14 : i64} {
  func.func @body(%arg0: i32, %arg1: memref<5000x128xf32, #tpu.memory_space<vmem>>, %arg2: memref<2x5000x128xf32, #tpu.memory_space<vmem>>, %arg3: memref<5000x1xf32, #tpu.memory_space<vmem>>, %arg4: memref<128x128xf32, #tpu.memory_space<vmem>>, %arg5: memref<128x128xf32, #tpu.memory_space<vmem>>, %arg6: memref<5000x128xf32, #tpu.memory_space<vmem>>, %arg7: memref<5000x128xf32, #tpu.memory_space<vmem>>) attributes {dimension_semantics = [#tpu.dimension_semantics<arbitrary>], iteration_bounds = array<i64: 2>, scalar_prefetch = 0 : i64, scratch_operands = 0 : i64, tpu.core_type = #tpu.core_type<tc>, window_params = [{transform_indices = @transform_0, window_bounds = array<i64: 5000, 128>}, {transform_indices = @transform_1, window_bounds = array<i64: 2, 5000, 128>}, {transform_indices = @transform_2, window_bounds = array<i64: 5000, 1>}, {pipeline_mode = #tpu.pipeline_mode<synchronous>, transform_indices = @transform_3, window_bounds = array<i64: 128, 128>}, {pipeline_mode = #tpu.pipeline_mode<synchronous>, transform_indices = @transform_4, window_bounds = array<i64: 128, 128>}, {transform_indices = @transform_5, window_bounds = array<i64: 5000, 128>}, {transform_indices = @transform_6, window_bounds = array<i64: 5000, 128>}]} {
    %get3A = arith.constant 0 : index
    %get3A_0 = arith.constant 0 : index
    %get3A_1 = vector.load %arg3[%get3A, %get3A_0] : memref<5000x1xf32, #tpu.memory_space<vmem>>, vector<5000x1xf32>
    %get3A_2 = arith.constant 0 : index
    %get3A_3 = arith.constant 0 : index
    %get3A_4 = vector.load %arg1[%get3A_2, %get3A_3] : memref<5000x128xf32, #tpu.memory_space<vmem>>, vector<5000x128xf32>
    %get3A_5 = arith.constant 0 : index
    %get3A_6 = arith.constant 0 : index
    %get3A_7 = arith.constant 0 : index
    %get3A_8 = vector.load %arg2[%get3A_5, %get3A_6, %get3A_7] : memref<2x5000x128xf32, #tpu.memory_space<vmem>>, vector<1x5000x128xf32>
    %get3A_9 = vector.shape_cast %get3A_8 : vector<1x5000x128xf32> to vector<5000x128xf32>
    %get3A_10 = arith.constant 1 : index
    %get3A_11 = arith.constant 0 : index
    %get3A_12 = arith.constant 0 : index
    %get3A_13 = vector.load %arg2[%get3A_10, %get3A_11, %get3A_12] : memref<2x5000x128xf32, #tpu.memory_space<vmem>>, vector<1x5000x128xf32>
    %get3A_14 = vector.shape_cast %get3A_13 : vector<1x5000x128xf32> to vector<5000x128xf32>
    %add3A = arith.addf %get3A_9, %get3A_14 : vector<5000x128xf32>
    %mul3A = vector.broadcast %get3A_1 : vector<5000x1xf32> to vector<5000x128xf32>
    %mul3A_15 = arith.mulf %mul3A, %add3A : vector<5000x128xf32>
    %add3A_16 = arith.addf %get3A_4, %mul3A_15 : vector<5000x128xf32>
    %mul3A_17 = arith.constant 0.00999999977 : f32
    %mul3A_18 = vector.broadcast %mul3A_17 : f32 to vector<5000x128xf32>
    %mul3A_19 = arith.mulf %mul3A_18, %add3A_16 : vector<5000x128xf32>
    %max3A = arith.maximumf %add3A_16, %mul3A_19 : vector<5000x128xf32>
    %get3A_20 = arith.constant 0 : index
    %get3A_21 = arith.constant 0 : index
    %get3A_22 = vector.load %arg4[%get3A_20, %get3A_21] : memref<128x128xf32, #tpu.memory_space<vmem>>, vector<128x128xf32>
    %dot_general3A = arith.constant dense<0.000000e+00> : vector<5000x128xf32>
    %dot_general3A_23 = tpu.matmul %max3A, %get3A_22, %dot_general3A {dimension_numbers = #tpu.dot_dimension_numbers<[1], [0], [0], [1], [0, 0, 1, 1], [], []>, transpose_lhs_hint = false} : vector<5000x128xf32>, vector<128x128xf32>, vector<5000x128xf32> -> vector<5000x128xf32>
    %swap3A = arith.constant 0 : index
    %swap3A_24 = arith.constant 0 : index
    %swap3A_25 = vector.load %arg6[%swap3A, %swap3A_24] : memref<5000x128xf32, #tpu.memory_space<vmem>>, vector<5000x128xf32>
    tpu.vector_store %arg6[%swap3A, %swap3A_24], %dot_general3A_23 {strides = array<i32>} : memref<5000x128xf32, #tpu.memory_space<vmem>>, vector<5000x128xf32>,
    %get3A_26 = arith.constant 0 : index
    %get3A_27 = arith.constant 0 : index
    %get3A_28 = vector.load %arg5[%get3A_26, %get3A_27] : memref<128x128xf32, #tpu.memory_space<vmem>>, vector<128x128xf32>
    %dot_general3A_29 = arith.constant dense<0.000000e+00> : vector<5000x128xf32>
    %dot_general3A_30 = tpu.matmul %max3A, %get3A_28, %dot_general3A_29 {dimension_numbers = #tpu.dot_dimension_numbers<[1], [0], [0], [1], [0, 0, 1, 1], [], []>, transpose_lhs_hint = false} : vector<5000x128xf32>, vector<128x128xf32>, vector<5000x128xf32> -> vector<5000x128xf32>
    %mul3A_31 = vector.broadcast %get3A_1 : vector<5000x1xf32> to vector<5000x128xf32>
    %mul3A_32 = arith.mulf %mul3A_31, %dot_general3A_30 : vector<5000x128xf32>
    %swap3A_33 = arith.constant 0 : index
    %swap3A_34 = arith.constant 0 : index
    %swap3A_35 = vector.load %arg7[%swap3A_33, %swap3A_34] : memref<5000x128xf32, #tpu.memory_space<vmem>>, vector<5000x128xf32>
    tpu.vector_store %arg7[%swap3A_33, %swap3A_34], %mul3A_32 {strides = array<i32>} : memref<5000x128xf32, #tpu.memory_space<vmem>>, vector<5000x128xf32>,
    return
  }
  func.func @transform_0(%arg0: i32) -> (i32, i32) {
    %c0_i32 = arith.constant 0 : i32
    %c0_i32_0 = arith.constant 0 : i32
    return %arg0, %c0_i32 : i32, i32
  }
  func.func @transform_1(%arg0: i32) -> (i32, i32, i32) {
    %c0_i32 = arith.constant 0 : i32
    %c0_i32_0 = arith.constant 0 : i32
    %c0_i32_1 = arith.constant 0 : i32
    return %c0_i32, %arg0, %c0_i32_0 : i32, i32, i32
  }
  func.func @transform_2(%arg0: i32) -> (i32, i32) {
    %c0_i32 = arith.constant 0 : i32
    %c0_i32_0 = arith.constant 0 : i32
    return %arg0, %c0_i32 : i32, i32
  }
  func.func @transform_3(%arg0: i32) -> (i32, i32) {
    %c0_i32 = arith.constant 0 : i32
    %c0_i32_0 = arith.constant 0 : i32
    %c0_i32_1 = arith.constant 0 : i32
    return %c0_i32, %c0_i32_0 : i32, i32
  }
  func.func @transform_4(%arg0: i32) -> (i32, i32) {
    %c0_i32 = arith.constant 0 : i32
    %c0_i32_0 = arith.constant 0 : i32
    %c0_i32_1 = arith.constant 0 : i32
    return %c0_i32, %c0_i32_0 : i32, i32
  }
  func.func @transform_5(%arg0: i32) -> (i32, i32) {
    %c0_i32 = arith.constant 0 : i32
    %c0_i32_0 = arith.constant 0 : i32
    return %arg0, %c0_i32 : i32, i32
  }
  func.func @transform_6(%arg0: i32) -> (i32, i32) {
    %c0_i32 = arith.constant 0 : i32
    %c0_i32_0 = arith.constant 0 : i32
    return %arg0, %c0_i32 : i32, i32
  }
}

module attributes {stable_mosaic.version = 14 : i64} {
  func.func @body(%arg0: i32, %arg1: memref<5000x128xf32, #tpu.memory_space<vmem>>, %arg2: memref<128x128xf32, #tpu.memory_space<vmem>>, %arg3: memref<128x128xf32, #tpu.memory_space<vmem>>, %arg4: memref<1x128xf32, #tpu.memory_space<vmem>>, %arg5: memref<2x5000x1xf32, #tpu.memory_space<vmem>>, %arg6: memref<5000x128xf32, #tpu.memory_space<vmem>>, %arg7: memref<5000x128xf32, #tpu.memory_space<vmem>>, %arg8: memref<5000x1xf32, #tpu.memory_space<vmem>>) attributes {dimension_semantics = [#tpu.dimension_semantics<arbitrary>], iteration_bounds = array<i64: 2>, scalar_prefetch = 0 : i64, scratch_operands = 0 : i64, tpu.core_type = #tpu.core_type<tc>, window_params = [{transform_indices = @transform_0, window_bounds = array<i64: 5000, 128>}, {pipeline_mode = #tpu.pipeline_mode<synchronous>, transform_indices = @transform_1, window_bounds = array<i64: 128, 128>}, {pipeline_mode = #tpu.pipeline_mode<synchronous>, transform_indices = @transform_2, window_bounds = array<i64: 128, 128>}, {pipeline_mode = #tpu.pipeline_mode<synchronous>, transform_indices = @transform_3, window_bounds = array<i64: 1, 128>}, {transform_indices = @transform_4, window_bounds = array<i64: 2, 5000, 1>}, {transform_indices = @transform_5, window_bounds = array<i64: 5000, 128>}, {transform_indices = @transform_6, window_bounds = array<i64: 5000, 128>}, {transform_indices = @transform_7, window_bounds = array<i64: 5000, 1>}]} {
    %get3A = arith.constant 0 : index
    %get3A_0 = arith.constant 0 : index
    %get3A_1 = arith.constant 0 : index
    %get3A_2 = vector.load %arg5[%get3A, %get3A_0, %get3A_1] : memref<2x5000x1xf32, #tpu.memory_space<vmem>>, vector<1x5000x1xf32>
    %get3A_3 = vector.shape_cast %get3A_2 : vector<1x5000x1xf32> to vector<5000x1xf32>
    %get3A_4 = arith.constant 1 : index
    %get3A_5 = arith.constant 0 : index
    %get3A_6 = arith.constant 0 : index
    %get3A_7 = vector.load %arg5[%get3A_4, %get3A_5, %get3A_6] : memref<2x5000x1xf32, #tpu.memory_space<vmem>>, vector<1x5000x1xf32>
    %get3A_8 = vector.shape_cast %get3A_7 : vector<1x5000x1xf32> to vector<5000x1xf32>
    %add3A = arith.addf %get3A_3, %get3A_8 : vector<5000x1xf32>
    %gt3A = arith.constant 0.000000e+00 : f32
    %gt3A_9 = vector.broadcast %gt3A : f32 to vector<5000x1xf32>
    %gt3A_10 = arith.cmpf ogt, %add3A, %gt3A_9 : vector<5000x1xf32>
    %max3A = arith.constant 9.99999996E-13 : f32
    %max3A_11 = vector.broadcast %max3A : f32 to vector<5000x1xf32>
    %max3A_12 = arith.maximumf %add3A, %max3A_11 : vector<5000x1xf32>
    %rsqrt3A = math.rsqrt %max3A_12 : vector<5000x1xf32>
    %jit3A = arith.constant 0.000000e+00 : f32
    %broadcast_in_dim3A = vector.broadcast %jit3A : f32 to vector<5000x1xf32>
    %select_n3A = arith.select %gt3A_10, %rsqrt3A, %broadcast_in_dim3A : vector<5000x1xi1>, vector<5000x1xf32>
    %get3A_13 = arith.constant 0 : index
    %get3A_14 = arith.constant 0 : index
    %get3A_15 = vector.load %arg1[%get3A_13, %get3A_14] : memref<5000x128xf32, #tpu.memory_space<vmem>>, vector<5000x128xf32>
    %get3A_16 = arith.constant 0 : index
    %get3A_17 = arith.constant 0 : index
    %get3A_18 = vector.load %arg2[%get3A_16, %get3A_17] : memref<128x128xf32, #tpu.memory_space<vmem>>, vector<128x128xf32>
    %dot_general3A = arith.constant dense<0.000000e+00> : vector<5000x128xf32>
    %dot_general3A_19 = tpu.matmul %get3A_15, %get3A_18, %dot_general3A {dimension_numbers = #tpu.dot_dimension_numbers<[1], [0], [0], [1], [0, 0, 1, 1], [], []>, transpose_lhs_hint = false} : vector<5000x128xf32>, vector<128x128xf32>, vector<5000x128xf32> -> vector<5000x128xf32>
    %get3A_20 = arith.constant 0 : index
    %get3A_21 = arith.constant 0 : index
    %get3A_22 = vector.load %arg4[%get3A_20, %get3A_21] : memref<1x128xf32, #tpu.memory_space<vmem>>, vector<1x128xf32>
    %add3A_23 = vector.broadcast %get3A_22 : vector<1x128xf32> to vector<5000x128xf32>
    %add3A_24 = arith.addf %dot_general3A_19, %add3A_23 : vector<5000x128xf32>
    %swap3A = arith.constant 0 : index
    %swap3A_25 = arith.constant 0 : index
    %swap3A_26 = vector.load %arg6[%swap3A, %swap3A_25] : memref<5000x128xf32, #tpu.memory_space<vmem>>, vector<5000x128xf32>
    tpu.vector_store %arg6[%swap3A, %swap3A_25], %add3A_24 {strides = array<i32>} : memref<5000x128xf32, #tpu.memory_space<vmem>>, vector<5000x128xf32>,
    %get3A_27 = arith.constant 0 : index
    %get3A_28 = arith.constant 0 : index
    %get3A_29 = vector.load %arg3[%get3A_27, %get3A_28] : memref<128x128xf32, #tpu.memory_space<vmem>>, vector<128x128xf32>
    %dot_general3A_30 = arith.constant dense<0.000000e+00> : vector<5000x128xf32>
    %dot_general3A_31 = tpu.matmul %get3A_15, %get3A_29, %dot_general3A_30 {dimension_numbers = #tpu.dot_dimension_numbers<[1], [0], [0], [1], [0, 0, 1, 1], [], []>, transpose_lhs_hint = false} : vector<5000x128xf32>, vector<128x128xf32>, vector<5000x128xf32> -> vector<5000x128xf32>
    %mul3A = vector.broadcast %select_n3A : vector<5000x1xf32> to vector<5000x128xf32>
    %mul3A_32 = arith.mulf %mul3A, %dot_general3A_31 : vector<5000x128xf32>
    %swap3A_33 = arith.constant 0 : index
    %swap3A_34 = arith.constant 0 : index
    %swap3A_35 = vector.load %arg7[%swap3A_33, %swap3A_34] : memref<5000x128xf32, #tpu.memory_space<vmem>>, vector<5000x128xf32>
    tpu.vector_store %arg7[%swap3A_33, %swap3A_34], %mul3A_32 {strides = array<i32>} : memref<5000x128xf32, #tpu.memory_space<vmem>>, vector<5000x128xf32>,
    %swap3A_36 = arith.constant 0 : index
    %swap3A_37 = arith.constant 0 : index
    %swap3A_38 = vector.load %arg8[%swap3A_36, %swap3A_37] : memref<5000x1xf32, #tpu.memory_space<vmem>>, vector<5000x1xf32>
    tpu.vector_store %arg8[%swap3A_36, %swap3A_37], %select_n3A {strides = array<i32>} : memref<5000x1xf32, #tpu.memory_space<vmem>>, vector<5000x1xf32>,
    return
  }
  func.func @transform_0(%arg0: i32) -> (i32, i32) {
    %c0_i32 = arith.constant 0 : i32
    %c0_i32_0 = arith.constant 0 : i32
    return %arg0, %c0_i32 : i32, i32
  }
  func.func @transform_1(%arg0: i32) -> (i32, i32) {
    %c0_i32 = arith.constant 0 : i32
    %c0_i32_0 = arith.constant 0 : i32
    %c0_i32_1 = arith.constant 0 : i32
    return %c0_i32, %c0_i32_0 : i32, i32
  }
  func.func @transform_2(%arg0: i32) -> (i32, i32) {
    %c0_i32 = arith.constant 0 : i32
    %c0_i32_0 = arith.constant 0 : i32
    %c0_i32_1 = arith.constant 0 : i32
    return %c0_i32, %c0_i32_0 : i32, i32
  }
  func.func @transform_3(%arg0: i32) -> (i32, i32) {
    %c0_i32 = arith.constant 0 : i32
    %c0_i32_0 = arith.constant 0 : i32
    %c0_i32_1 = arith.constant 0 : i32
    return %c0_i32, %c0_i32_0 : i32, i32
  }
  func.func @transform_4(%arg0: i32) -> (i32, i32, i32) {
    %c0_i32 = arith.constant 0 : i32
    %c0_i32_0 = arith.constant 0 : i32
    %c0_i32_1 = arith.constant 0 : i32
    return %c0_i32, %arg0, %c0_i32_0 : i32, i32, i32
  }
  func.func @transform_5(%arg0: i32) -> (i32, i32) {
    %c0_i32 = arith.constant 0 : i32
    %c0_i32_0 = arith.constant 0 : i32
    return %arg0, %c0_i32 : i32, i32
  }
  func.func @transform_6(%arg0: i32) -> (i32, i32) {
    %c0_i32 = arith.constant 0 : i32
    %c0_i32_0 = arith.constant 0 : i32
    return %arg0, %c0_i32 : i32, i32
  }
  func.func @transform_7(%arg0: i32) -> (i32, i32) {
    %c0_i32 = arith.constant 0 : i32
    %c0_i32_0 = arith.constant 0 : i32
    return %arg0, %c0_i32 : i32, i32
  }
}

module attributes {stable_mosaic.version = 14 : i64} {
  func.func @body(%arg0: i32, %arg1: memref<5000x128xf32, #tpu.memory_space<vmem>>, %arg2: memref<2x5000x128xf32, #tpu.memory_space<vmem>>, %arg3: memref<5000x1xf32, #tpu.memory_space<vmem>>, %arg4: memref<5000x128xf32, #tpu.memory_space<vmem>>) attributes {dimension_semantics = [#tpu.dimension_semantics<arbitrary>], iteration_bounds = array<i64: 2>, scalar_prefetch = 0 : i64, scratch_operands = 0 : i64, tpu.core_type = #tpu.core_type<tc>, window_params = [{transform_indices = @transform_0, window_bounds = array<i64: 5000, 128>}, {transform_indices = @transform_1, window_bounds = array<i64: 2, 5000, 128>}, {transform_indices = @transform_2, window_bounds = array<i64: 5000, 1>}, {transform_indices = @transform_3, window_bounds = array<i64: 5000, 128>}]} {
    %get3A = arith.constant 0 : index
    %get3A_0 = arith.constant 0 : index
    %get3A_1 = vector.load %arg1[%get3A, %get3A_0] : memref<5000x128xf32, #tpu.memory_space<vmem>>, vector<5000x128xf32>
    %get3A_2 = arith.constant 0 : index
    %get3A_3 = arith.constant 0 : index
    %get3A_4 = vector.load %arg3[%get3A_2, %get3A_3] : memref<5000x1xf32, #tpu.memory_space<vmem>>, vector<5000x1xf32>
    %get3A_5 = arith.constant 0 : index
    %get3A_6 = arith.constant 0 : index
    %get3A_7 = arith.constant 0 : index
    %get3A_8 = vector.load %arg2[%get3A_5, %get3A_6, %get3A_7] : memref<2x5000x128xf32, #tpu.memory_space<vmem>>, vector<1x5000x128xf32>
    %get3A_9 = vector.shape_cast %get3A_8 : vector<1x5000x128xf32> to vector<5000x128xf32>
    %get3A_10 = arith.constant 1 : index
    %get3A_11 = arith.constant 0 : index
    %get3A_12 = arith.constant 0 : index
    %get3A_13 = vector.load %arg2[%get3A_10, %get3A_11, %get3A_12] : memref<2x5000x128xf32, #tpu.memory_space<vmem>>, vector<1x5000x128xf32>
    %get3A_14 = vector.shape_cast %get3A_13 : vector<1x5000x128xf32> to vector<5000x128xf32>
    %add3A = arith.addf %get3A_9, %get3A_14 : vector<5000x128xf32>
    %mul3A = vector.broadcast %get3A_4 : vector<5000x1xf32> to vector<5000x128xf32>
    %mul3A_15 = arith.mulf %mul3A, %add3A : vector<5000x128xf32>
    %add3A_16 = arith.addf %get3A_1, %mul3A_15 : vector<5000x128xf32>
    %mul3A_17 = arith.constant 0.00999999977 : f32
    %mul3A_18 = vector.broadcast %mul3A_17 : f32 to vector<5000x128xf32>
    %mul3A_19 = arith.mulf %mul3A_18, %add3A_16 : vector<5000x128xf32>
    %max3A = arith.maximumf %add3A_16, %mul3A_19 : vector<5000x128xf32>
    %swap3A = arith.constant 0 : index
    %swap3A_20 = arith.constant 0 : index
    %swap3A_21 = vector.load %arg4[%swap3A, %swap3A_20] : memref<5000x128xf32, #tpu.memory_space<vmem>>, vector<5000x128xf32>
    tpu.vector_store %arg4[%swap3A, %swap3A_20], %max3A {strides = array<i32>} : memref<5000x128xf32, #tpu.memory_space<vmem>>, vector<5000x128xf32>,
    return
  }
  func.func @transform_0(%arg0: i32) -> (i32, i32) {
    %c0_i32 = arith.constant 0 : i32
    %c0_i32_0 = arith.constant 0 : i32
    return %arg0, %c0_i32 : i32, i32
  }
  func.func @transform_1(%arg0: i32) -> (i32, i32, i32) {
    %c0_i32 = arith.constant 0 : i32
    %c0_i32_0 = arith.constant 0 : i32
    %c0_i32_1 = arith.constant 0 : i32
    return %c0_i32, %arg0, %c0_i32_0 : i32, i32, i32
  }
  func.func @transform_2(%arg0: i32) -> (i32, i32) {
    %c0_i32 = arith.constant 0 : i32
    %c0_i32_0 = arith.constant 0 : i32
    return %arg0, %c0_i32 : i32, i32
  }
  func.func @transform_3(%arg0: i32) -> (i32, i32) {
    %c0_i32 = arith.constant 0 : i32
    %c0_i32_0 = arith.constant 0 : i32
    return %arg0, %c0_i32 : i32, i32
  }
}

</mosaic_0001>

<sc_bundles>
// kernel: kernel.11.cloned.1.call-start
scs
__scs_entry_jumppad:
0x0: {  	(pc) =	sbr.rel $0x88, $3  }
0x1: {  	(tag) =	ssettag $0x0;
	lr =	simm.s32 $0x1  }
0x2: {  	[smem:$0x3F9A] =	sst lr;
	_ =	strace $0xD0000000  }
0x3: {  	_ = 	snop  }
0x4: {  	_ = 	snop  }
0x5: {  	_ = 	snop  }
0x6: {  	_ = 	snop  }
0x7: {  	_ = 	snop  }
__scs_overlays_trampoline_lowered:
0x8: {  	[smem:$0x3FA9] =	sst s0  }
0x9: {  	[smem:$0x3FAA] =	sst s1  }
0xa: {  	[smem:$0x3FAB] =	sst s2  }
0xb: {  	[smem:$0x3FAC] =	sst s3  }
0xc: {  	[smem:$0x3FAD] =	sst s4  }
0xd: {  	[smem:$0x3FAE] =	sst s5  }
0xe: {  	[smem:$0x3FAF] =	sst s6  }
0xf: {  	[smem:$0x3FB0] =	sst s7  }
0x10: {  	[smem:$0x3FB1] =	sst s8  }
0x11: {  	[smem:$0x3FB2] =	sst s9;
	s0 =	simm.s32 @!p0 $0x0  }
0x12: {  	s1 =	sld [smem:$0x3F98];
	s0 =	simm.s32 @p0 $0x1  }
0x13: {  	[smem:$0x3FB3] =	sst s0;
	s0 =	simm.s32 @!p1 $0x0  }
0x14: {  	s2 =	sld [smem:$0x3F97];
	s0 =	simm.s32 @p1 $0x1  }
0x15: {  	[smem:$0x3FB4] =	sst s0;
	s0 =	simm.s32 @!p2 $0x0  }
0x16: {  	s3 =	sld [smem:$0x3FDB];
	s0 =	simm.s32 @p2 $0x1  }
0x17: {  	s4 =	simm.s32 $0x1BF5;
	[smem:$0x3FB6] =	sst s0  }
0x18: {  	s0 =	sld [smem:$0x3F99];
	_ =	swait.ge [sflag:s4], $0x0  }
0x19: {  	s7 =	sld [smem:$0x3F9A]  }
0x1a: {  	s8 =	sadd.s32 $0xFFFFE003, lr  }
0x1b: {  	s9 =	sadd.s32 $0xFFFFFEF7, lr;
	s5 =	simm.s32 $0xFFFFFFFF;
	p2 =	slt.u32 s8, $0xFFFFF086  }
0x1c: {  	p1 =	slt.u32 s9, $0xF7A;
	s5 =	simm.s32 @!p2 $0x0  }
0x1d: {  	s5 =	simm.s32 @p1 $0x1;
	p0 =	seq.s32 s7, s2  }
0x1e: {  	s7 =	smul.u32 @!p0 $0xF7A, s2;
	p2 =	seq.s32 @!p0 s5, $0x0  }
0x1f: {  	s9 =	smul.u32 $0xF7A, s1;
	s8 =	simm.s32 @!p0 $0x1BF5;
	p2 =	por !p2, p0  }
0x20: {  	[sflag:s8] =	ssyncset.s32 @!p0 $0xFFFFF086;
	s6 =	sadd.s32 @!p0 s3, s7;
	s7 =	simm.s32 @!p0 $0x108  }
0x21: {  	s3 =	sadd.s32 s3, s9;
	s6 =	sadd.s32 @!p0 $0x88, s6;
	s7 =	simm.s32 @p2 $0x1082  }
0x22: {  	[simem:s7], [sflag:s8] =	dma.local @!p0 [hbm:s6], $0xF7A  }
0x23: {  	s9 =	sor.u32 $0xD0000000, s2;
	s6 =	simm.s32 $0x108;
	_ =	swait.ge @!p0 [sflag:s8], $0x0  }
0x24: {  	s3 =	sadd.s32 $0x88, s3;
	s6 =	simm.s32 @!p1 $0x1082;
	[sflag:s4] =	ssyncset.s32 $0xFFFFF086  }
0x25: {  	[simem:s6], [sflag:s4] =	dma.local [hbm:s3], $0xF7A  }
0x26: {  	[smem:$0x3F9A] =	sst s1;
	(tag) =	ssettag s2;
	_ =	strace s9  }
0x27: {  	s1 =	sld [smem:$0x3FAA]  }
0x28: {  	s2 =	sld [smem:$0x3FAB]  }
0x29: {  	s4 =	sld [smem:$0x3FAD]  }
0x2a: {  	p0 =	seq.s32 s5, $0x0;
	s5 =	sld [smem:$0x3FAE]  }
0x2b: {  	s6 =	sld [smem:$0x3FAF]  }
0x2c: {  	s7 =	sld [smem:$0x3FB0]  }
0x2d: {  	s3 =	simm.s32 $0x108;
	s8 =	sld [smem:$0x3FB1]  }
0x2e: {  	s3 =	simm.s32 @!p0 $0x1082;
	s9 =	sld [smem:$0x3FB2]  }
0x2f: {  	lr =	sadd.s32 s0, s3;
	s0 =	sld [smem:$0x3FA9]  }
0x30: {  	s3 =	sld [smem:$0x3FAC]  }
0x31: {  	[smem:$0x3FB5] =	sst s10  }
0x32: {  	s10 =	sld [smem:$0x3FB3];
	_ =	sdelay $0x3  }
0x33: {  	p0 =	seq.s32 s10, $0x1;
	s10 =	sld [smem:$0x3FB5];
	_ =	sdelay $0x3  }
0x34: {  	[smem:$0x3FB5] =	sst s10  }
0x35: {  	s10 =	sld [smem:$0x3FB4];
	_ =	sdelay $0x3  }
0x36: {  	p1 =	seq.s32 s10, $0x1;
	s10 =	sld [smem:$0x3FB5];
	_ =	sdelay $0x3  }
0x37: {  	[smem:$0x3FB5] =	sst s10  }
0x38: {  	s10 =	sld [smem:$0x3FB6]  }
0x39: {  	_ = 	snop;
	(pc) =	sbr.ind lr, $3  }
0x3a: {  	_ = 	snop  }
0x3b: {  	_ = 	snop  }
0x3c: {  	p2 =	seq.s32 s10, $0x1;
	s10 =	sld [smem:$0x3FB5]  }
0x3d: {  	_ =	shalt  }
0x3e: {  	_ =	shalt  }
0x3f: {  	_ =	shalt  }
0x40: {  	_ =	shalt  }
0x41: {  	_ =	shalt  }
0x42: {  	_ =	shalt  }
0x43: {  	_ =	shalt  }
0x44: {  	_ =	shalt  }
0x45: {  	_ =	shalt  }
0x46: {  	_ =	shalt  }
0x47: {  	_ =	shalt  }
0x48: {  	_ =	shalt  }
0x49: {  	_ =	shalt  }
0x4a: {  	_ =	shalt  }
0x4b: {  	_ =	shalt  }
0x4c: {  	_ =	shalt  }
0x4d: {  	_ =	shalt  }
0x4e: {  	_ =	shalt  }
0x4f: {  	_ =	shalt  }
0x50: {  	_ =	shalt  }
0x51: {  	_ =	shalt  }
0x52: {  	_ =	shalt  }
0x53: {  	_ =	shalt  }
0x54: {  	_ =	shalt  }
0x55: {  	_ =	shalt  }
0x56: {  	_ =	shalt  }
0x57: {  	_ =	shalt  }
0x58: {  	_ =	shalt  }
0x59: {  	_ =	shalt  }
0x5a: {  	_ =	shalt  }
0x5b: {  	_ =	shalt  }
0x5c: {  	_ =	shalt  }
0x5d: {  	_ =	shalt  }
0x5e: {  	_ =	shalt  }
0x5f: {  	_ =	shalt  }
0x60: {  	_ =	shalt  }
0x61: {  	_ =	shalt  }
0x62: {  	_ =	shalt  }
0x63: {  	_ =	shalt  }
0x64: {  	_ =	shalt  }
0x65: {  	_ =	shalt  }
0x66: {  	_ =	shalt  }
0x67: {  	_ =	shalt  }
0x68: {  	_ =	shalt  }
0x69: {  	_ =	shalt  }
0x6a: {  	_ =	shalt  }
0x6b: {  	_ =	shalt  }
0x6c: {  	_ =	shalt  }
0x6d: {  	_ =	shalt  }
0x6e: {  	_ =	shalt  }
0x6f: {  	_ =	shalt  }
0x70: {  	_ =	shalt  }
0x71: {  	_ =	shalt  }
0x72: {  	_ =	shalt  }
0x73: {  	_ =	shalt  }
0x74: {  	_ =	shalt  }
0x75: {  	_ =	shalt  }
0x76: {  	_ =	shalt  }
0x77: {  	_ =	shalt  }
0x78: {  	_ =	shalt  }
0x79: {  	_ =	shalt  }
0x7a: {  	_ =	shalt  }
0x7b: {  	_ =	shalt  }
0x7c: {  	_ =	shalt  }
0x7d: {  	_ =	shalt  }
0x7e: {  	_ =	shalt  }
0x7f: {  	_ =	shalt  }
0x80: {  	_ =	shalt  }
0x81: {  	_ =	shalt  }
0x82: {  	_ =	shalt  }
0x83: {  	_ =	shalt  }
0x84: {  	_ =	shalt  }
0x85: {  	_ =	shalt  }
0x86: {  	_ =	shalt  }
0x87: {  	_ =	shalt  }
.Lfunc_end0:
.L_simem_size_0:
called_computation.1_lowered:
.L_overlay_start_0:
0x88: {  	s2 =	sld [smem:$0x3FD9]  }
0x89: {  	s3 =	sld [smem:$0x3FFE];
	_ =	sdelay $0x1  }
0x8a: {  	s1 =	srdreg.scid  }
0x8b: {  	s0 =	sand.u32 $0x1, s1  }
0x8c: {  	s17 =	sshll.u32 s0, $0xA;
	s2 =	sadd.s32 s3, s2  }
0x8d: {  	s2 =	sadd.s32 s2, s17  }
0x8e: {  	[smem:$0x3FC1] =	sst s2  }
0x8f: {  	_ = 	snop  }
0x90: {  	s2 =	sld [smem:$0x3FD0];
	(tm) =	ssettm $0x1  }
0x91: {  	s18 =	sld [smem:$0x3FFB];
	_ =	sdelay $0x3  }
0x92: {  	_ =	strace s18  }
0x93: {  	s3 =	sld [smem:$0x3FFC];
	_ =	sdelay $0x3  }
0x94: {  	_ =	strace s3  }
0x95: {  	s3 =	sld [smem:$0x3FFD];
	_ =	sdelay $0x3  }
0x96: {  	_ =	strace s3  }
0x97: {  	_ =	strace $0x8FFFFFFF  }
0x98: {  	s19 =	sld [smem:$0x3FDB];
	_ =	sdelay $0x1  }
0x99: {  	s4 =	simm.s32 $_scs_section_size  }
0x9a: {  	s5 =	simm.s32 $_size__tile_overlayer_lowered;
	s6 =	simm.s32 $_tile_overlayer_lowered  }
0x9b: {  	s22 =	simm.s32 $0x1BFF;
	s21 =	sshll.u32 s6, $0x1;
	s3 =	sadd.s32 s4, s19  }
0x9c: {  	s7 =	simm.s32 $0x0;
	s20 =	sshll.u32 s5, $0x1;
	s5 =	sadd.s32 s21, s3  }
0x9d: {  	[timem:s7], [sflag:s22] =	dma.local [hbm:s5], s20  }
0x9e: {  	_ =	swait.ge [sflag:s22], s20  }
0x9f: {  	s4 =	ssub.s32 $0x0, s20;
	[sflag:s22] =	ssyncset.done $0x0  }
0xa0: {  	[sflag:s22] =	ssyncadd.s32 s4;
	_ =	sdelay $0x1  }
0xa1: {  	s23 =	simm.s32 $0x1B8B  }
0xa2: {  	_ =	swait.ge [sflag:s23], $0x1  }
0xa3: {  	[sflag:s23] =	ssyncset.done $0x0  }
0xa4: {  	s25 =	simm.s32 $0x1B8E;
	s24 =	sld [smem:$0x3FFE];
	[sflag:s23] =	ssyncadd.s32 $0xFFFFFFFF  }
0xa5: {  	s26 =	simm.s32 $execute0_lowered;
	[smem:$0x3FD2] =	sst s25  }
0xa6: {  	s5 =	sshll.u32 s26, $0x1;
	_ =	strace $0x80000049;
	[dreg:$0x1] =	wrdreg $0xFFFFFFFF  }
0xa7: {  	s28 =	simm.s32 $_size_execute0_lowered;
	s3 =	sadd.s32 s3, s5;
	[dreg:$0x0] =	wrdreg $0x0  }
0xa8: {  	s5 =	sshll.u32 s28, $0x1;
	[dreg:$0x2] =	wrdreg s3  }
0xa9: {  	[dreg:$0x3] =	wrdreg s5  }
0xaa: {  	[dreg:$0x4] =	wrdreg $0xC0  }
0xab: {  	_ =	task [dreg:s7], $0x5FFFF  }
0xac: {  	[dreg:$0x1] =	wrdreg $0xFFFFFFFF  }
0xad: {  	[dreg:$0x0] =	wrdreg $0x60  }
0xae: {  	[dreg:$0x2] =	wrdreg s2  }
0xaf: {  	[dreg:$0x3] =	wrdreg s24  }
0xb0: {  	[dreg:$0x4] =	wrdreg $0xA4000  }
0xb1: {  	[dreg:$0x5] =	wrdreg $0x9  }
0xb2: {  	_ =	task.clear_ibuf [dreg:s7], $0x6FFFF;
	_ =	strace $0x90000049  }
0xb3: {  	s29 =	simm.s32 $0x9;
	_ =	strace $0x8000004B  }
0xb4: {  	_ =	swait.ge [sflag:s29], $0x1  }
0xb5: {  	[sflag:s29] =	ssyncadd.s32 $0xFFFFFFFF  }
0xb6: {  	_ =	strace $0x9000004B  }
0xb7: {  	_ =	sfence  }
0xb8: {  	s30 =	sld [smem:$0x0];
	_ =	sdelay $0x2  }
0xb9: {  	s31 =	sshll.u32 s1, $0xD;
	s1 =	sshrl.u32 s1, $0x2  }
0xba: {  	s3 =	sand.u32 $0x4000, s31;
	s1 =	sadd.s32 s1, s30  }
0xbb: {  	s0 =	sor.u32 s3, s0;
	s1 =	sshll.u32 s1, $0x11  }
0xbc: {  	s0 =	sor.u32 s1, s0  }
0xbd: {  	s0 =	sadd.s32 $0x8F2B, s0  }
0xbe: {  	[sflag:s0] =	ssyncadd.remote.s32 $0x1  }
0xbf: {  	_ =	sfence.sel $0xFFFF  }
0xc0: {  	[dreg:$0x0] =	wrdreg $0xFFFFFFFF;
	(pc) =	sbr.abs _section_cstart, $3  }
0xc1: {  	[dreg:$0x1] =	wrdreg $0xFFFFFFFF  }
0xc2: {  	_ =	task.clear_ibuf [dreg:s7], $0x2FFFF;
	_ =	strace $0x9FFFFFFF  }
0xc3: {  	(tm) =	ssettm $0x7FFFFFFF  }
tec
execute0_lowered:
.L_overlay_start_1:
0x0: {  	(tag) =	ssettag $0x1  }
0x1: {  	s1 =	rddreg [dreg:$0x0];
	s16 =	stileid.u32  }
0x2: {  	s0 =	rddreg [dreg:$0x1];
	s9 =	smul.u32 $0x19000, s16  }
0x3: {  	s2 =	rddreg [dreg:$0x2];
	s10 =	sor.u32 $0x10, s16;
	s19 =	smul.u32 $0x6400, s16  }
0x4: {  	s3 =	simm.s32 $0x0;
	s11 =	sor.u32 $0x20, s16;
	s24 =	smul.u32 $0x19000, s10  }
0x5: {  	s4 =	srdreg.scid;
	s14 =	sor.u32 $0x30, s16;
	s13 =	smul.u32 $0x19000, s11  }
0x6: {  	s31 =	simm.s32 $0xA000;
	s4 =	sand.u32 $0x1, s4;
	s15 =	smul.u32 $0x19000, s14  }
0x7: {  	s28 =	simm.s32 $0x3;
	s29 =	simm.s32 $0x4;
	s26 =	smul.u32 $0x138800, s4  }
0x8: {  	[smem:$0x7FF] =	sst s3;
	s5 =	sadd.s32 $0x2000, s0;
	s10 =	smul.u32 $0x6400, s10  }
0x9: {  	s6 =	sadd.s32 $0xBE00, s0;
	s0 =	sadd.s32 $0x15C00, s0;
	s11 =	smul.u32 $0x6400, s11  }
0xa: {  	p0 =	sgt.u32 s16, $0x1;
	_ =	strace $0x8000004A;
	s14 =	smul.u32 $0x6400, s14  }
0xb: {  	s7 =	ssub.s32 $0x2, s4;
	s12 =	sshll.u32 s4, $0x4;
	s4 =	smul.u32 $0x27100, s4  }
0xc: {  	s8 =	sshrl.u32 s7, $0x1;
	s12 =	sor.u32 s16, s12;
	s9 =	sshrl.u32 s9, $0x2  }
0xd: {  	s7 =	ssub.s32 s7, s8;
	s8 =	sshrl.u32 s24, $0x2;
	s13 =	sshrl.u32 s13, $0x2  }
0xe: {  	s12 =	smul.u32 $0x2710, s12;
	s9 =	sadd.s32 s9, s2;
	s25 =	sshrl.u32 s15, $0x2  }
0xf: {  	s10 =	sadd.s32 s26, s10;
	[dreg:$0x4] =	wrdreg s9;
	s20 =	sadd.s32 s8, s2  }
0x10: {  	s30 =	sadd.s32 s13, s2;
	s8 =	sadd.s32 s25, s2;
	s10 =	sshrl.u32 s10, $0x3  }
0x11: {  	s25 =	sadd.s32 s26, s11;
	s13 =	smul.u32 $0x2710, s16;
	s16 =	simm.s32 $0xA300  }
0x12: {  	s9 =	sshrl.u32 s12, $0x3;
	[dreg:$0x7] =	wrdreg s8;
	s8 =	sadd.s32 s19, s26  }
0x13: {  	s24 =	sadd.s32 s0, s10;
	s26 =	sadd.s32 s26, s14;
	[dreg:$0x5] =	wrdreg s20  }
0x14: {  	s10 =	simm.s32 $0x0;
	[dreg:$0x6] =	wrdreg s30;
	s18 =	sadd.s32 s5, s9  }
0x15: {  	s21 =	sadd.s32 s6, s9;
	s22 =	sadd.s32 $0xA, s9;
	s23 =	sadd.s32 $0x14, s9  }
0x16: {  	s8 =	sshrl.u32 s8, $0x3;
	[dreg:$0xd] =	wrdreg s24;
	s11 =	sshrl.u32 s26, $0x3  }
0x17: {  	s4 =	sadd.s32 s13, s4;
	s24 =	sadd.s32 $0x190, s12;
	[dreg:$0x8] =	wrdreg s18  }
0x18: {  	s13 =	simm.s32 $0xA280;
	[dreg:$0x9] =	wrdreg s21;
	s17 =	sadd.s32 s5, s22  }
0x19: {  	s15 =	sadd.s32 s6, s22;
	s8 =	sadd.s32 s0, s8;
	[dreg:$0xa] =	wrdreg s17  }
0x1a: {  	s14 =	sadd.s32 s5, s23;
	s18 =	sadd.s32 s6, s23;
	[dreg:$0xb] =	wrdreg s15  }
0x1b: {  	s21 =	sadd.s32 $0xF0, s4;
	s23 =	sadd.s32 $0x140, s12;
	[dreg:$0xc] =	wrdreg s8  }
0x1c: {  	s22 =	smax.u32 s7, $0x1;
	s4 =	simm.s32 $0x9;
	[dreg:$0x10] =	wrdreg s14  }
0x1d: {  	s7 =	simm.s32 $0x7;
	s8 =	sshrl.u32 s25, $0x3;
	[dreg:$0x11] =	wrdreg s18  }
0x1e: {  	s17 =	sadd.s32 $0x1E, s9;
	s25 =	sadd.s32 $0x1E0, s12;
	[dreg:$0x14] =	wrdreg s22  }
0x1f: {  	s12 =	simm.s32 $0xA080;
	s14 =	simm.s32 $0x2800;
	s15 =	simm.s32 $0xA100  }
0x20: {  	s22 =	simm.s32 $0x2;
	s18 =	simm.s32 $0x6;
	s8 =	sadd.s32 s0, s8  }
0x21: {  	s0 =	sadd.s32 s0, s11;
	s19 =	sadd.s32 s5, s17;
	[dreg:$0xe] =	wrdreg s8  }
.Ltmp0:
0x22: {  	[dreg:$0xf] =	wrdreg s0;
	s0 =	sadd.s32 s6, s17;
	(pc) =	sbr.rel .LBB2_1-.Ltmp0, $4  }
0x23: {  	s11 =	simm.s32 $0x50;
	[dreg:$0x13] =	wrdreg s0;
	s0 =	sshrl.u32 s21, $0x3  }
0x24: {  	[dreg:$0x12] =	wrdreg s19;
	s17 =	simm.s32 $0x5000;
	s26 =	sadd.s32 s0, s6  }
0x25: {  	s21 =	simm.s32 $0x1;
	s0 =	sadd.s32 s0, s5;
	[dreg:$0x15] =	wrdreg s26  }
0x26: {  	v0 =	vimm.f32 $0.0e+00;
	[dreg:$0x16] =	wrdreg s0;
	s0 =	simm.s32 $0xA200;
	s26 =	simm.s32 $0x5  }
.LBB2_6:
0x27: {  	_ =	swait.ge [sflag:s29], $0x2800  }
0x28: {  	[sflag:s29] =	ssyncset.done $0x0  }
0x29: {  	s8 =	simm.s32 $0xA380;
	s9 =	simm.s32 $0x7800;
	[sflag:s29] =	ssyncadd.s32 $0xFFFFD800  }
0x2a: {  	[spmem:s2] =	stream.indirect.scatter.add.f32 [tilespmem:s9], [sflag:$0x8], $0x80, s8, s11, $0xb8;
	[tilespmem:$0x1DC80] =	vst v63  }
0x2b: {  	_ =	swait.ge [sflag:s21], $0x2800  }
0x2c: {  	[sflag:s21] =	ssyncset.done $0x0  }
0x2d: {  	[sflag:s21] =	ssyncadd.s32 $0xFFFFD800  }
0x2e: {  	[spmem:s2] =	stream.indirect.scatter.add.f32 [tilespmem:s3], [sflag:$0x5], $0x80, s0, s11, $0xb8;
	[tilespmem:$0x1DC80] =	vst v63  }
0x2f: {  	_ =	swait.ge [sflag:s26], $0x2800  }
0x30: {  	[sflag:s26] =	ssyncset.done $0x0  }
0x31: {  	[sflag:s26] =	ssyncadd.s32 $0xFFFFD800  }
0x32: {  	_ =	swait.ge [sflag:s18], $0x2800  }
0x33: {  	[sflag:s18] =	ssyncset.done $0x0  }
0x34: {  	[sflag:s18] =	ssyncadd.s32 $0xFFFFD800  }
0x35: {  	_ =	swait.ge [sflag:s7], $0x2800  }
0x36: {  	[sflag:s7] =	ssyncset.done $0x0  }
0x37: {  	s10 =	simm.s32 $0x8;
	[sflag:s7] =	ssyncadd.s32 $0xFFFFD800  }
0x38: {  	_ =	swait.ge [sflag:s10], $0x2800  }
0x39: {  	[sflag:s10] =	ssyncset.done $0x0  }
0x3a: {  	[sflag:s10] =	ssyncadd.s32 $0xFFFFD800  }
0x3b: {  	s19 =	stileid.u32;
	[bflag:$0x0] =	sbarrier.arrive $0xFFFF  }
0x3c: {  	s8 =	sshll.u32 s19, $0x6;
	s19 =	simm.s32 $0xA;
	s20 =	rddreg [dreg:$0x4]  }
0x3d: {  	s8 =	sor.u32 $0x1C0A, s8;
	s10 =	rddreg [dreg:$0xc];
	s9 =	sshrl.u32 s20, $0x3  }
0x3e: {  	[hbm:s10], [sflag:s8] =	dma.local [spmem:s9], $0xC80  }
0x3f: {  	_ =	swait.ge [sflag:s19], $0xC80  }
0x40: {  	[sflag:s19] =	ssyncset.done $0x0;
	s20 =	rddreg [dreg:$0x5]  }
0x41: {  	s10 =	rddreg [dreg:$0xd];
	[sflag:s19] =	ssyncadd.s32 $0xFFFFF380;
	s9 =	sshrl.u32 s20, $0x3  }
0x42: {  	[hbm:s10], [sflag:s8] =	dma.local [spmem:s9], $0xC80  }
0x43: {  	_ =	swait.ge [sflag:s19], $0xC80  }
0x44: {  	[sflag:s19] =	ssyncset.done $0x0;
	s30 =	rddreg [dreg:$0x6]  }
0x45: {  	s10 =	rddreg [dreg:$0xe];
	[sflag:s19] =	ssyncadd.s32 $0xFFFFF380;
	s9 =	sshrl.u32 s30, $0x3  }
0x46: {  	[hbm:s10], [sflag:s8] =	dma.local [spmem:s9], $0xC80  }
0x47: {  	_ =	swait.ge [sflag:s19], $0xC80  }
0x48: {  	[sflag:s19] =	ssyncset.done $0x0;
	s9 =	rddreg [dreg:$0x7]  }
0x49: {  	s10 =	rddreg [dreg:$0xf];
	[sflag:s19] =	ssyncadd.s32 $0xFFFFF380;
	s9 =	sshrl.u32 @!p0 s9, $0x3  }
0x4a: {  	[hbm:s10], [sflag:s8] =	dma.local @!p0 [spmem:s9], $0xC80  }
0x4b: {  	s8 =	simm.s32 @!p0 $0xA  }
0x4c: {  	_ =	swait.ge @!p0 [sflag:s8], $0xC80  }
0x4d: {  	s9 =	rddreg [dreg:$0x17]  }
0x4e: {  	s19 =	rddreg [dreg:$0x14];
	s10 =	sadd.s32 $0x1, s9  }
0x4f: {  	p1 =	sne.s32 s10, s19  }
.Ltmp1:
0x50: {  	_ = 	snop;
	(pc) =	sbr.rel @!p1 .LBB2_7-.Ltmp1, $3  }
0x51: {  	_ =	sdelay $0x1  }
0x52: {  	[sflag:s8] =	ssyncset.done @!p0 $0x0  }
0x53: {  	[sflag:s8] =	ssyncadd.s32 @!p0 $0xFFFFF380  }
.LBB2_1:
0x54: {  	[dreg:$0x17] =	wrdreg s10;
	s8 =	simm.s32 $0x0;
	s9 =	simm.s32 $0x200  }
.LBB2_2:
0x55: {  	p1 =	sne.s32 s9, $0x18E00;
	[tilespmem:s8+$0x70] =	vst v0  }
0x56: {  	[tilespmem:s8+$0x0] =	vst v0  }
0x57: {  	[tilespmem:s8+$0x10] =	vst v0  }
.Ltmp2:
0x58: {  	[tilespmem:s8+$0x20] =	vst v0;
	(pc) =	sbr.rel @p1 .LBB2_2-.Ltmp2, $4  }
0x59: {  	[tilespmem:s8+$0x30] =	vst v0  }
0x5a: {  	[tilespmem:s8+$0x40] =	vst v0  }
0x5b: {  	[tilespmem:s8+$0x50] =	vst v0  }
0x5c: {  	[tilespmem:s8+$0x60] =	vst v0;
	s8 =	sshra.s32 s9, $0x2;
	s9 =	sadd.s32 $0x200, s9  }
0x5d: {  	[tilespmem:s8+$0x70] =	vst v0  }
0x5e: {  	[tilespmem:s8+$0x0] =	vst v0  }
0x5f: {  	[tilespmem:s8+$0x10] =	vst v0  }
0x60: {  	[tilespmem:s8+$0x20] =	vst v0  }
0x61: {  	[tilespmem:s8+$0x30] =	vst v0  }
0x62: {  	[tilespmem:s8+$0x40] =	vst v0  }
0x63: {  	[tilespmem:s8+$0x50] =	vst v0  }
0x64: {  	[tilespmem:s8+$0x60] =	vst v0;
	s10 =	rddreg [dreg:$0x4];
	s19 =	simm.s32 $0xA  }
0x65: {  	[spmem:s10] =	stream.linear.scatter [tilespmem:s3], [sflag:$0xA], $0x6400, $0x38;
	[tilespmem:$0x1DC80] =	vst v63  }
0x66: {  	_ =	swait.ge [sflag:s19], $0x6400  }
0x67: {  	[sflag:s19] =	ssyncset.done $0x0  }
0x68: {  	[sflag:s19] =	ssyncadd.s32 $0xFFFF9C00  }
0x69: {  	[spmem:s20] =	stream.linear.scatter [tilespmem:s3], [sflag:$0xA], $0x6400, $0x38;
	[tilespmem:$0x1DC80] =	vst v63  }
0x6a: {  	_ =	swait.ge [sflag:s19], $0x6400  }
0x6b: {  	[sflag:s19] =	ssyncset.done $0x0  }
0x6c: {  	[sflag:s19] =	ssyncadd.s32 $0xFFFF9C00  }
0x6d: {  	[spmem:s30] =	stream.linear.scatter [tilespmem:s3], [sflag:$0xA], $0x6400, $0x38;
	[tilespmem:$0x1DC80] =	vst v63  }
0x6e: {  	_ =	swait.ge [sflag:s19], $0x6400  }
0x6f: {  	[sflag:s19] =	ssyncset.done $0x0  }
0x70: {  	s8 =	simm.s32 @!p0 $0x0;
	s9 =	rddreg [dreg:$0x7];
	[sflag:s19] =	ssyncadd.s32 $0xFFFF9C00  }
0x71: {  	[spmem:s9] =	stream.linear.scatter @!p0 [tilespmem:s8], [sflag:$0xA], $0x6400, $0x38;
	[tilespmem:$0x1DC80] =	vst v63  }
0x72: {  	s8 =	simm.s32 @!p0 $0xA  }
0x73: {  	_ =	swait.ge @!p0 [sflag:s8], $0x6400  }
0x74: {  	[sflag:s8] =	ssyncset.done @!p0 $0x0  }
0x75: {  	[sflag:s8] =	ssyncadd.s32 @!p0 $0xFFFF9C00  }
0x76: {  	[bflag:$0x0] =	sbarrier.arrive $0xFFFF  }
0x77: {  	s30 =	simm.s32 $0x0;
	s20 =	rddreg [dreg:$0x8]  }
0x78: {  	[tilespmem:s31], [sflag:$0x9] =	stream.linear.gather [hbm4b:s20+s30], $0x50, $0x38;
	[tilespmem:$0x1DC80] =	vst v63  }
0x79: {  	s9 =	rddreg [dreg:$0x9]  }
0x7a: {  	[tilespmem:s0], [sflag:$0x9] =	stream.linear.gather [hbm4b:s9+s30], $0x50, $0x38;
	[tilespmem:$0x1DC80] =	vst v63  }
0x7b: {  	_ =	swait.ge [sflag:s4], $0x50  }
0x7c: {  	[sflag:s4] =	ssyncset.done $0x0  }
0x7d: {  	[sflag:s4] =	ssyncadd.s32 $0xFFFFFFB0  }
0x7e: {  	_ =	swait.ge [sflag:s4], $0x50  }
0x7f: {  	[sflag:s4] =	ssyncset.done $0x0  }
0x80: {  	[sflag:s4] =	ssyncadd.s32 $0xFFFFFFB0  }
0x81: {  	[tilespmem:s30], [sflag:$0x1] =	stream.indirect.gather [hbm4b:s1+s11], $0x80, s31, s11, $0xb8;
	[tilespmem:$0x1DC80] =	vst v63  }
0x82: {  	s10 =	rddreg [dreg:$0xa]  }
0x83: {  	[tilespmem:s12], [sflag:$0x9] =	stream.linear.gather [hbm4b:s10+s30], $0x50, $0x38;
	[tilespmem:$0x1DC80] =	vst v63  }
0x84: {  	s19 =	rddreg [dreg:$0xb]  }
0x85: {  	[tilespmem:s13], [sflag:$0x9] =	stream.linear.gather [hbm4b:s19+s30], $0x50, $0x38;
	[tilespmem:$0x1DC80] =	vst v63  }
0x86: {  	_ =	swait.ge [sflag:s4], $0x50  }
0x87: {  	[sflag:s4] =	ssyncset.done $0x0  }
0x88: {  	[sflag:s4] =	ssyncadd.s32 $0xFFFFFFB0  }
0x89: {  	_ =	swait.ge [sflag:s4], $0x50  }
0x8a: {  	[sflag:s4] =	ssyncset.done $0x0  }
0x8b: {  	[sflag:s4] =	ssyncadd.s32 $0xFFFFFFB0  }
0x8c: {  	[tilespmem:s14], [sflag:$0x2] =	stream.indirect.gather [hbm4b:s1+s11], $0x80, s12, s11, $0xb8;
	[tilespmem:$0x1DC80] =	vst v63  }
0x8d: {  	s20 =	rddreg [dreg:$0x10]  }
0x8e: {  	[tilespmem:s15], [sflag:$0x9] =	stream.linear.gather [hbm4b:s20+s30], $0x50, $0x38;
	[tilespmem:$0x1DC80] =	vst v63  }
0x8f: {  	s9 =	rddreg [dreg:$0x11]  }
0x90: {  	[tilespmem:s16], [sflag:$0x9] =	stream.linear.gather [hbm4b:s9+s30], $0x50, $0x38;
	[tilespmem:$0x1DC80] =	vst v63  }
0x91: {  	_ =	swait.ge [sflag:s4], $0x50  }
0x92: {  	[sflag:s4] =	ssyncset.done $0x0  }
0x93: {  	[sflag:s4] =	ssyncadd.s32 $0xFFFFFFB0  }
0x94: {  	_ =	swait.ge [sflag:s4], $0x50  }
0x95: {  	[sflag:s4] =	ssyncset.done $0x0  }
0x96: {  	[sflag:s4] =	ssyncadd.s32 $0xFFFFFFB0  }
0x97: {  	[tilespmem:s17], [sflag:$0x3] =	stream.indirect.gather [hbm4b:s1+s11], $0x80, s15, s11, $0xb8;
	[tilespmem:$0x1DC80] =	vst v63  }
0x98: {  	s9 =	simm.s32 $0xA180;
	s10 =	rddreg [dreg:$0x12]  }
0x99: {  	[tilespmem:s9], [sflag:$0x9] =	stream.linear.gather [hbm4b:s10+s30], $0x50, $0x38;
	[tilespmem:$0x1DC80] =	vst v63  }
0x9a: {  	s19 =	rddreg [dreg:$0x13];
	s10 =	simm.s32 $0xA380  }
0x9b: {  	[tilespmem:s10], [sflag:$0x9] =	stream.linear.gather [hbm4b:s19+s30], $0x50, $0x38;
	[tilespmem:$0x1DC80] =	vst v63  }
0x9c: {  	_ =	swait.ge [sflag:s4], $0x50  }
0x9d: {  	[sflag:s4] =	ssyncset.done $0x0  }
0x9e: {  	[sflag:s4] =	ssyncadd.s32 $0xFFFFFFB0  }
0x9f: {  	_ =	swait.ge [sflag:s4], $0x50  }
0xa0: {  	[sflag:s4] =	ssyncset.done $0x0;
	s10 =	rddreg [dreg:$0x16]  }
0xa1: {  	s20 =	simm.s32 $0x7800;
	s8 =	rddreg [dreg:$0x15];
	[sflag:s4] =	ssyncadd.s32 $0xFFFFFFB0  }
0xa2: {  	[tilespmem:s20], [sflag:$0x4] =	stream.indirect.gather [hbm4b:s1+s11], $0x80, s9, s11, $0xb8;
	[tilespmem:$0x1DC80] =	vst v63  }
.LBB2_4:
0xa3: {  	_ =	swait.ge [sflag:s21], $0x2800  }
0xa4: {  	p1 =	seq.s32 s30, $0x0;
	[sflag:s21] =	ssyncset.done $0x0  }
0xa5: {  	s9 =	simm.s32 @!p1 $0x8;
	[sflag:s21] =	ssyncadd.s32 $0xFFFFD800  }
0xa6: {  	[spmem:s2] =	stream.indirect.scatter.add.f32 [tilespmem:s3], [sflag:$0x5], $0x80, s0, s11, $0xb8;
	[tilespmem:$0x1DC80] =	vst v63  }
0xa7: {  	_ =	swait.ge @!p1 [sflag:s9], $0x2800  }
0xa8: {  	[sflag:s9] =	ssyncset.done @!p1 $0x0  }
0xa9: {  	s19 =	simm.s32 @!p1 $0xA180;
	[sflag:s9] =	ssyncadd.s32 @!p1 $0xFFFFD800;
	s9 =	simm.s32 @!p1 $0x0  }
0xaa: {  	[tilespmem:s19], [sflag:$0x9] =	stream.linear.gather @!p1 [hbm4b:s10+s9], $0x50, $0x38;
	[tilespmem:$0x1DC80] =	vst v63  }
0xab: {  	s20 =	simm.s32 @!p1 $0xA380  }
0xac: {  	[tilespmem:s20], [sflag:$0x9] =	stream.linear.gather @!p1 [hbm4b:s8+s9], $0x50, $0x38;
	[tilespmem:$0x1DC80] =	vst v63  }
0xad: {  	s9 =	simm.s32 @!p1 $0x9  }
0xae: {  	_ =	swait.ge @!p1 [sflag:s9], $0x50  }
0xaf: {  	[sflag:s9] =	ssyncset.done @!p1 $0x0  }
0xb0: {  	[sflag:s9] =	ssyncadd.s32 @!p1 $0xFFFFFFB0  }
0xb1: {  	_ =	swait.ge @!p1 [sflag:s9], $0x50  }
0xb2: {  	[sflag:s9] =	ssyncset.done @!p1 $0x0  }
0xb3: {  	s20 =	simm.s32 @!p1 $0x7800;
	[sflag:s9] =	ssyncadd.s32 @!p1 $0xFFFFFFB0;
	s9 =	simm.s32 @!p1 $0x50  }
0xb4: {  	[tilespmem:s20], [sflag:$0x4] =	stream.indirect.gather @!p1 [hbm4b:s1+s9], $0x80, s19, s9, $0xb8;
	[tilespmem:$0x1DC80] =	vst v63  }
0xb5: {  	_ =	swait.ge [sflag:s22], $0x2800  }
0xb6: {  	s9 =	smov.u32 s30;
	[sflag:s22] =	ssyncset.done $0x0  }
0xb7: {  	s9 =	simm.s32 @p1 $0x0;
	[sflag:s22] =	ssyncadd.s32 $0xFFFFD800  }
0xb8: {  	[spmem:s2] =	stream.indirect.scatter.add.f32 [tilespmem:s14], [sflag:$0x6], $0x80, s13, s11, $0xb8;
	[tilespmem:$0x1DC80] =	vst v63  }
0xb9: {  	s20 =	sadd.s32 s9, s23;
	_ =	swait.ge [sflag:s26], $0x2800  }
0xba: {  	s19 =	sshrl.u32 s20, $0x3;
	[sflag:s26] =	ssyncset.done $0x0  }
0xbb: {  	s20 =	sadd.s32 s5, s19;
	[sflag:s26] =	ssyncadd.s32 $0xFFFFD800  }
0xbc: {  	[tilespmem:s31], [sflag:$0x9] =	stream.linear.gather [hbm4b:s20+s3], $0x50, $0x38;
	[tilespmem:$0x1DC80] =	vst v63  }
0xbd: {  	s19 =	sadd.s32 s6, s19  }
0xbe: {  	[tilespmem:s0], [sflag:$0x9] =	stream.linear.gather [hbm4b:s19+s3], $0x50, $0x38;
	[tilespmem:$0x1DC80] =	vst v63  }
0xbf: {  	_ =	swait.ge [sflag:s4], $0x50  }
0xc0: {  	[sflag:s4] =	ssyncset.done $0x0  }
0xc1: {  	[sflag:s4] =	ssyncadd.s32 $0xFFFFFFB0  }
0xc2: {  	_ =	swait.ge [sflag:s4], $0x50  }
0xc3: {  	[sflag:s4] =	ssyncset.done $0x0  }
0xc4: {  	p1 =	seq.s32 s30, $0x2580;
	[sflag:s4] =	ssyncadd.s32 $0xFFFFFFB0  }
0xc5: {  	[tilespmem:s3], [sflag:$0x1] =	stream.indirect.gather [hbm4b:s1+s11], $0x80, s31, s11, $0xb8;
	[tilespmem:$0x1DC80] =	vst v63  }
.Ltmp3:
0xc6: {  	_ = 	snop;
	(pc) =	sbr.rel @p1 .LBB2_6-.Ltmp3, $4  }
0xc7: {  	_ =	swait.ge [sflag:s28], $0x2800  }
0xc8: {  	[sflag:s28] =	ssyncset.done $0x0  }
0xc9: {  	[sflag:s28] =	ssyncadd.s32 $0xFFFFD800  }
0xca: {  	[spmem:s2] =	stream.indirect.scatter.add.f32 [tilespmem:s17], [sflag:$0x7], $0x80, s16, s11, $0xb8;
	[tilespmem:$0x1DC80] =	vst v63  }
0xcb: {  	_ =	swait.ge [sflag:s18], $0x2800;
	s19 =	sadd.s32 s9, s24  }
0xcc: {  	[sflag:s18] =	ssyncset.done $0x0;
	s19 =	sshrl.u32 s19, $0x3  }
0xcd: {  	[sflag:s18] =	ssyncadd.s32 $0xFFFFD800;
	s20 =	sadd.s32 s5, s19  }
0xce: {  	[tilespmem:s12], [sflag:$0x9] =	stream.linear.gather [hbm4b:s20+s3], $0x50, $0x38;
	[tilespmem:$0x1DC80] =	vst v63  }
0xcf: {  	s19 =	sadd.s32 s6, s19  }
0xd0: {  	[tilespmem:s13], [sflag:$0x9] =	stream.linear.gather [hbm4b:s19+s3], $0x50, $0x38;
	[tilespmem:$0x1DC80] =	vst v63  }
0xd1: {  	_ =	swait.ge [sflag:s4], $0x50  }
0xd2: {  	[sflag:s4] =	ssyncset.done $0x0  }
0xd3: {  	[sflag:s4] =	ssyncadd.s32 $0xFFFFFFB0  }
0xd4: {  	_ =	swait.ge [sflag:s4], $0x50  }
0xd5: {  	[sflag:s4] =	ssyncset.done $0x0  }
0xd6: {  	[sflag:s4] =	ssyncadd.s32 $0xFFFFFFB0  }
0xd7: {  	[tilespmem:s14], [sflag:$0x2] =	stream.indirect.gather [hbm4b:s1+s11], $0x80, s12, s11, $0xb8;
	[tilespmem:$0x1DC80] =	vst v63  }
0xd8: {  	_ =	swait.ge [sflag:s29], $0x2800  }
0xd9: {  	[sflag:s29] =	ssyncset.done $0x0  }
0xda: {  	s20 =	simm.s32 $0x7800;
	s19 =	simm.s32 $0xA380;
	[sflag:s29] =	ssyncadd.s32 $0xFFFFD800  }
0xdb: {  	[spmem:s2] =	stream.indirect.scatter.add.f32 [tilespmem:s20], [sflag:$0x8], $0x80, s19, s11, $0xb8;
	[tilespmem:$0x1DC80] =	vst v63  }
0xdc: {  	s19 =	sadd.s32 s9, s25;
	_ =	swait.ge [sflag:s7], $0x2800  }
0xdd: {  	s9 =	sshrl.u32 s19, $0x3;
	[sflag:s7] =	ssyncset.done $0x0  }
0xde: {  	s20 =	sadd.s32 s5, s9;
	[sflag:s7] =	ssyncadd.s32 $0xFFFFD800  }
0xdf: {  	[tilespmem:s15], [sflag:$0x9] =	stream.linear.gather [hbm4b:s20+s3], $0x50, $0x38;
	[tilespmem:$0x1DC80] =	vst v63  }
0xe0: {  	s9 =	sadd.s32 s6, s9  }
0xe1: {  	[tilespmem:s16], [sflag:$0x9] =	stream.linear.gather [hbm4b:s9+s3], $0x50, $0x38;
	[tilespmem:$0x1DC80] =	vst v63  }
0xe2: {  	_ =	swait.ge [sflag:s4], $0x50  }
0xe3: {  	[sflag:s4] =	ssyncset.done $0x0  }
.Ltmp4:
0xe4: {  	[sflag:s4] =	ssyncadd.s32 $0xFFFFFFB0;
	(pc) =	sbr.rel .LBB2_4-.Ltmp4, $4  }
0xe5: {  	_ =	swait.ge [sflag:s4], $0x50  }
0xe6: {  	s30 =	sadd.s32 $0x140, s30;
	[sflag:s4] =	ssyncset.done $0x0  }
0xe7: {  	s8 =	sadd.s32 $0x28, s8;
	s10 =	sadd.s32 $0x28, s10;
	[sflag:s4] =	ssyncadd.s32 $0xFFFFFFB0  }
0xe8: {  	[tilespmem:s17], [sflag:$0x3] =	stream.indirect.gather [hbm4b:s1+s11], $0x80, s15, s11, $0xb8;
	[tilespmem:$0x1DC80] =	vst v63  }
.LBB2_7:
0xe9: {  	_ =	sfence.sel $0x180000  }
0xea: {  	[bflag:$0x0] =	sbarrier.arrive $0xFFFF  }
0xeb: {  	_ =	strace $0x9000004A  }
0xec: {  	s0 =	stileid.u32;
	[bflag:$0x2] =	sbarrier.arrive $0xFFFF  }
0xed: {  	p0 =	sne.s32 s0, $0x0;
	s0 =	rddreg [dreg:$0x3]  }
0xee: {  	s0 =	sadd.s32 @!p0 $0x100000, s0  }
0xef: {  	[sflag:s0] =	ssyncadd.tile.s32 @!p0 $0x1;
	_ =	shalt  }
.Lfunc_end2:
_tile_overlayer_lowered:
.L_overlay_start_2:
0xf0: {  	(tag) =	ssettag $0x2  }
0xf1: {  	s0 =	rddreg [dreg:$0x0];
	s2 =	stileid.u32  }
0xf2: {  	s1 =	rddreg [dreg:$0x1];
	p0 =	sne.s32 s2, $0x0  }
0xf3: {  	s3 =	rddreg [dreg:$0x2];
	[bflag:$0x3] =	sbarrier.arrive $0xFFFF;
	s2 =	simm.s32 @!p0 $0x1C0A  }
0xf4: {  	[timem:s3], [sflag:s2] =	dma.local @!p0 [hbm:s0], s1  }
0xf5: {  	s0 =	simm.s32 @!p0 $0xA  }
0xf6: {  	_ =	swait.ge @!p0 [sflag:s0], s1  }
0xf7: {  	s1 =	ssub.s32 @!p0 $0x0, s1;
	[sflag:s0] =	ssyncset.done @!p0 $0x0  }
0xf8: {  	[sflag:s0] =	ssyncadd.s32 @!p0 s1  }
0xf9: {  	[bflag:$0x3] =	sbarrier.arrive $0xFFFF  }
0xfa: {  	_ =	shalt  }

// kernel: kernel.14.cloned.1.call-start
scs
__scs_entry_jumppad:
0x0: {  	(pc) =	sbr.rel $0x88, $3  }
0x1: {  	(tag) =	ssettag $0x0;
	lr =	simm.s32 $0x1  }
0x2: {  	[smem:$0x3F9A] =	sst lr;
	_ =	strace $0xD0000000  }
0x3: {  	_ = 	snop  }
0x4: {  	_ = 	snop  }
0x5: {  	_ = 	snop  }
0x6: {  	_ = 	snop  }
0x7: {  	_ = 	snop  }
__scs_overlays_trampoline_lowered:
0x8: {  	[smem:$0x3FA9] =	sst s0  }
0x9: {  	[smem:$0x3FAA] =	sst s1  }
0xa: {  	[smem:$0x3FAB] =	sst s2  }
0xb: {  	[smem:$0x3FAC] =	sst s3  }
0xc: {  	[smem:$0x3FAD] =	sst s4  }
0xd: {  	[smem:$0x3FAE] =	sst s5  }
0xe: {  	[smem:$0x3FAF] =	sst s6  }
0xf: {  	[smem:$0x3FB0] =	sst s7  }
0x10: {  	[smem:$0x3FB1] =	sst s8  }
0x11: {  	[smem:$0x3FB2] =	sst s9;
	s0 =	simm.s32 @!p0 $0x0  }
0x12: {  	s1 =	sld [smem:$0x3F98];
	s0 =	simm.s32 @p0 $0x1  }
0x13: {  	[smem:$0x3FB3] =	sst s0;
	s0 =	simm.s32 @!p1 $0x0  }
0x14: {  	s2 =	sld [smem:$0x3F97];
	s0 =	simm.s32 @p1 $0x1  }
0x15: {  	[smem:$0x3FB4] =	sst s0;
	s0 =	simm.s32 @!p2 $0x0  }
0x16: {  	s3 =	sld [smem:$0x3FDB];
	s0 =	simm.s32 @p2 $0x1  }
0x17: {  	s4 =	simm.s32 $0x1BF5;
	[smem:$0x3FB6] =	sst s0  }
0x18: {  	s0 =	sld [smem:$0x3F99];
	_ =	swait.ge [sflag:s4], $0x0  }
0x19: {  	s7 =	sld [smem:$0x3F9A]  }
0x1a: {  	s8 =	sadd.s32 $0xFFFFE003, lr  }
0x1b: {  	s9 =	sadd.s32 $0xFFFFFEF7, lr;
	s5 =	simm.s32 $0xFFFFFFFF;
	p2 =	slt.u32 s8, $0xFFFFF086  }
0x1c: {  	p1 =	slt.u32 s9, $0xF7A;
	s5 =	simm.s32 @!p2 $0x0  }
0x1d: {  	s5 =	simm.s32 @p1 $0x1;
	p0 =	seq.s32 s7, s2  }
0x1e: {  	s7 =	smul.u32 @!p0 $0xF7A, s2;
	p2 =	seq.s32 @!p0 s5, $0x0  }
0x1f: {  	s9 =	smul.u32 $0xF7A, s1;
	s8 =	simm.s32 @!p0 $0x1BF5;
	p2 =	por !p2, p0  }
0x20: {  	[sflag:s8] =	ssyncset.s32 @!p0 $0xFFFFF086;
	s6 =	sadd.s32 @!p0 s3, s7;
	s7 =	simm.s32 @!p0 $0x108  }
0x21: {  	s3 =	sadd.s32 s3, s9;
	s6 =	sadd.s32 @!p0 $0x88, s6;
	s7 =	simm.s32 @p2 $0x1082  }
0x22: {  	[simem:s7], [sflag:s8] =	dma.local @!p0 [hbm:s6], $0xF7A  }
0x23: {  	s9 =	sor.u32 $0xD0000000, s2;
	s6 =	simm.s32 $0x108;
	_ =	swait.ge @!p0 [sflag:s8], $0x0  }
0x24: {  	s3 =	sadd.s32 $0x88, s3;
	s6 =	simm.s32 @!p1 $0x1082;
	[sflag:s4] =	ssyncset.s32 $0xFFFFF086  }
0x25: {  	[simem:s6], [sflag:s4] =	dma.local [hbm:s3], $0xF7A  }
0x26: {  	[smem:$0x3F9A] =	sst s1;
	(tag) =	ssettag s2;
	_ =	strace s9  }
0x27: {  	s1 =	sld [smem:$0x3FAA]  }
0x28: {  	s2 =	sld [smem:$0x3FAB]  }
0x29: {  	s4 =	sld [smem:$0x3FAD]  }
0x2a: {  	p0 =	seq.s32 s5, $0x0;
	s5 =	sld [smem:$0x3FAE]  }
0x2b: {  	s6 =	sld [smem:$0x3FAF]  }
0x2c: {  	s7 =	sld [smem:$0x3FB0]  }
0x2d: {  	s3 =	simm.s32 $0x108;
	s8 =	sld [smem:$0x3FB1]  }
0x2e: {  	s3 =	simm.s32 @!p0 $0x1082;
	s9 =	sld [smem:$0x3FB2]  }
0x2f: {  	lr =	sadd.s32 s0, s3;
	s0 =	sld [smem:$0x3FA9]  }
0x30: {  	s3 =	sld [smem:$0x3FAC]  }
0x31: {  	[smem:$0x3FB5] =	sst s10  }
0x32: {  	s10 =	sld [smem:$0x3FB3];
	_ =	sdelay $0x3  }
0x33: {  	p0 =	seq.s32 s10, $0x1;
	s10 =	sld [smem:$0x3FB5];
	_ =	sdelay $0x3  }
0x34: {  	[smem:$0x3FB5] =	sst s10  }
0x35: {  	s10 =	sld [smem:$0x3FB4];
	_ =	sdelay $0x3  }
0x36: {  	p1 =	seq.s32 s10, $0x1;
	s10 =	sld [smem:$0x3FB5];
	_ =	sdelay $0x3  }
0x37: {  	[smem:$0x3FB5] =	sst s10  }
0x38: {  	s10 =	sld [smem:$0x3FB6]  }
0x39: {  	_ = 	snop;
	(pc) =	sbr.ind lr, $3  }
0x3a: {  	_ = 	snop  }
0x3b: {  	_ = 	snop  }
0x3c: {  	p2 =	seq.s32 s10, $0x1;
	s10 =	sld [smem:$0x3FB5]  }
0x3d: {  	_ =	shalt  }
0x3e: {  	_ =	shalt  }
0x3f: {  	_ =	shalt  }
0x40: {  	_ =	shalt  }
0x41: {  	_ =	shalt  }
0x42: {  	_ =	shalt  }
0x43: {  	_ =	shalt  }
0x44: {  	_ =	shalt  }
0x45: {  	_ =	shalt  }
0x46: {  	_ =	shalt  }
0x47: {  	_ =	shalt  }
0x48: {  	_ =	shalt  }
0x49: {  	_ =	shalt  }
0x4a: {  	_ =	shalt  }
0x4b: {  	_ =	shalt  }
0x4c: {  	_ =	shalt  }
0x4d: {  	_ =	shalt  }
0x4e: {  	_ =	shalt  }
0x4f: {  	_ =	shalt  }
0x50: {  	_ =	shalt  }
0x51: {  	_ =	shalt  }
0x52: {  	_ =	shalt  }
0x53: {  	_ =	shalt  }
0x54: {  	_ =	shalt  }
0x55: {  	_ =	shalt  }
0x56: {  	_ =	shalt  }
0x57: {  	_ =	shalt  }
0x58: {  	_ =	shalt  }
0x59: {  	_ =	shalt  }
0x5a: {  	_ =	shalt  }
0x5b: {  	_ =	shalt  }
0x5c: {  	_ =	shalt  }
0x5d: {  	_ =	shalt  }
0x5e: {  	_ =	shalt  }
0x5f: {  	_ =	shalt  }
0x60: {  	_ =	shalt  }
0x61: {  	_ =	shalt  }
0x62: {  	_ =	shalt  }
0x63: {  	_ =	shalt  }
0x64: {  	_ =	shalt  }
0x65: {  	_ =	shalt  }
0x66: {  	_ =	shalt  }
0x67: {  	_ =	shalt  }
0x68: {  	_ =	shalt  }
0x69: {  	_ =	shalt  }
0x6a: {  	_ =	shalt  }
0x6b: {  	_ =	shalt  }
0x6c: {  	_ =	shalt  }
0x6d: {  	_ =	shalt  }
0x6e: {  	_ =	shalt  }
0x6f: {  	_ =	shalt  }
0x70: {  	_ =	shalt  }
0x71: {  	_ =	shalt  }
0x72: {  	_ =	shalt  }
0x73: {  	_ =	shalt  }
0x74: {  	_ =	shalt  }
0x75: {  	_ =	shalt  }
0x76: {  	_ =	shalt  }
0x77: {  	_ =	shalt  }
0x78: {  	_ =	shalt  }
0x79: {  	_ =	shalt  }
0x7a: {  	_ =	shalt  }
0x7b: {  	_ =	shalt  }
0x7c: {  	_ =	shalt  }
0x7d: {  	_ =	shalt  }
0x7e: {  	_ =	shalt  }
0x7f: {  	_ =	shalt  }
0x80: {  	_ =	shalt  }
0x81: {  	_ =	shalt  }
0x82: {  	_ =	shalt  }
0x83: {  	_ =	shalt  }
0x84: {  	_ =	shalt  }
0x85: {  	_ =	shalt  }
0x86: {  	_ =	shalt  }
0x87: {  	_ =	shalt  }
.Lfunc_end0:
.L_simem_size_0:
called_computation.2_lowered:
.L_overlay_start_0:
0x88: {  	s2 =	sld [smem:$0x3FD9]  }
0x89: {  	s3 =	sld [smem:$0x3FFE];
	_ =	sdelay $0x1  }
0x8a: {  	s1 =	srdreg.scid  }
0x8b: {  	s0 =	sand.u32 $0x1, s1  }
0x8c: {  	s17 =	sshll.u32 s0, $0xA;
	s2 =	sadd.s32 s3, s2  }
0x8d: {  	s2 =	sadd.s32 s2, s17  }
0x8e: {  	[smem:$0x3FC1] =	sst s2  }
0x8f: {  	_ = 	snop  }
0x90: {  	s2 =	sld [smem:$0x3FD0];
	(tm) =	ssettm $0x1  }
0x91: {  	s18 =	sld [smem:$0x3FFB];
	_ =	sdelay $0x3  }
0x92: {  	_ =	strace s18  }
0x93: {  	s3 =	sld [smem:$0x3FFC];
	_ =	sdelay $0x3  }
0x94: {  	_ =	strace s3  }
0x95: {  	s3 =	sld [smem:$0x3FFD];
	_ =	sdelay $0x3  }
0x96: {  	_ =	strace s3  }
0x97: {  	_ =	strace $0x8FFFFFFF  }
0x98: {  	s19 =	sld [smem:$0x3FDB];
	_ =	sdelay $0x1  }
0x99: {  	s4 =	simm.s32 $_scs_section_size  }
0x9a: {  	s5 =	simm.s32 $_size__tile_overlayer_lowered;
	s6 =	simm.s32 $_tile_overlayer_lowered  }
0x9b: {  	s22 =	simm.s32 $0x1BFF;
	s21 =	sshll.u32 s6, $0x1;
	s3 =	sadd.s32 s4, s19  }
0x9c: {  	s7 =	simm.s32 $0x0;
	s20 =	sshll.u32 s5, $0x1;
	s5 =	sadd.s32 s21, s3  }
0x9d: {  	[timem:s7], [sflag:s22] =	dma.local [hbm:s5], s20  }
0x9e: {  	_ =	swait.ge [sflag:s22], s20  }
0x9f: {  	s4 =	ssub.s32 $0x0, s20;
	[sflag:s22] =	ssyncset.done $0x0  }
0xa0: {  	[sflag:s22] =	ssyncadd.s32 s4;
	_ =	sdelay $0x1  }
0xa1: {  	s23 =	simm.s32 $0x1B8B  }
0xa2: {  	_ =	swait.ge [sflag:s23], $0x1  }
0xa3: {  	[sflag:s23] =	ssyncset.done $0x0  }
0xa4: {  	s25 =	simm.s32 $0x1B8E;
	s24 =	sld [smem:$0x3FFE];
	[sflag:s23] =	ssyncadd.s32 $0xFFFFFFFF  }
0xa5: {  	s26 =	simm.s32 $execute0_lowered;
	[smem:$0x3FD2] =	sst s25  }
0xa6: {  	s5 =	sshll.u32 s26, $0x1;
	_ =	strace $0x8000004C;
	[dreg:$0x1] =	wrdreg $0xFFFFFFFF  }
0xa7: {  	s28 =	simm.s32 $_size_execute0_lowered;
	s3 =	sadd.s32 s3, s5;
	[dreg:$0x0] =	wrdreg $0x0  }
0xa8: {  	s5 =	sshll.u32 s28, $0x1;
	[dreg:$0x2] =	wrdreg s3  }
0xa9: {  	[dreg:$0x3] =	wrdreg s5  }
0xaa: {  	[dreg:$0x4] =	wrdreg $0xC0  }
0xab: {  	_ =	task [dreg:s7], $0x5FFFF  }
0xac: {  	[dreg:$0x1] =	wrdreg $0xFFFFFFFF  }
0xad: {  	[dreg:$0x0] =	wrdreg $0x60  }
0xae: {  	[dreg:$0x2] =	wrdreg s2  }
0xaf: {  	[dreg:$0x3] =	wrdreg s24  }
0xb0: {  	[dreg:$0x4] =	wrdreg $0xA4000  }
0xb1: {  	[dreg:$0x5] =	wrdreg $0x9  }
0xb2: {  	_ =	task.clear_ibuf [dreg:s7], $0x6FFFF;
	_ =	strace $0x9000004C  }
0xb3: {  	s29 =	simm.s32 $0x9;
	_ =	strace $0x8000004E  }
0xb4: {  	_ =	swait.ge [sflag:s29], $0x1  }
0xb5: {  	[sflag:s29] =	ssyncadd.s32 $0xFFFFFFFF  }
0xb6: {  	_ =	strace $0x9000004E  }
0xb7: {  	_ =	sfence  }
0xb8: {  	s30 =	sld [smem:$0x0];
	_ =	sdelay $0x2  }
0xb9: {  	s31 =	sshll.u32 s1, $0xD;
	s1 =	sshrl.u32 s1, $0x2  }
0xba: {  	s3 =	sand.u32 $0x4000, s31;
	s1 =	sadd.s32 s1, s30  }
0xbb: {  	s0 =	sor.u32 s3, s0;
	s1 =	sshll.u32 s1, $0x11  }
0xbc: {  	s0 =	sor.u32 s1, s0  }
0xbd: {  	s0 =	sadd.s32 $0x8F2B, s0  }
0xbe: {  	[sflag:s0] =	ssyncadd.remote.s32 $0x1  }
0xbf: {  	_ =	sfence.sel $0xFFFF  }
0xc0: {  	[dreg:$0x0] =	wrdreg $0xFFFFFFFF;
	(pc) =	sbr.abs _section_cstart, $3  }
0xc1: {  	[dreg:$0x1] =	wrdreg $0xFFFFFFFF  }
0xc2: {  	_ =	task.clear_ibuf [dreg:s7], $0x2FFFF;
	_ =	strace $0x9FFFFFFF  }
0xc3: {  	(tm) =	ssettm $0x7FFFFFFF  }
tec
execute0_lowered:
.L_overlay_start_1:
0x0: {  	(tag) =	ssettag $0x1  }
0x1: {  	s1 =	rddreg [dreg:$0x0];
	s16 =	stileid.u32  }
0x2: {  	s0 =	rddreg [dreg:$0x1];
	s9 =	smul.u32 $0x19000, s16  }
0x3: {  	s2 =	rddreg [dreg:$0x2];
	s10 =	sor.u32 $0x10, s16;
	s19 =	smul.u32 $0x6400, s16  }
0x4: {  	s3 =	simm.s32 $0x0;
	s11 =	sor.u32 $0x20, s16;
	s24 =	smul.u32 $0x19000, s10  }
0x5: {  	s4 =	srdreg.scid;
	s14 =	sor.u32 $0x30, s16;
	s13 =	smul.u32 $0x19000, s11  }
0x6: {  	s31 =	simm.s32 $0xA000;
	s4 =	sand.u32 $0x1, s4;
	s15 =	smul.u32 $0x19000, s14  }
0x7: {  	s28 =	simm.s32 $0x3;
	s29 =	simm.s32 $0x4;
	s26 =	smul.u32 $0x138800, s4  }
0x8: {  	[smem:$0x7FF] =	sst s3;
	s5 =	sadd.s32 $0x2000, s0;
	s10 =	smul.u32 $0x6400, s10  }
0x9: {  	s6 =	sadd.s32 $0xBE00, s0;
	s0 =	sadd.s32 $0x15C00, s0;
	s11 =	smul.u32 $0x6400, s11  }
0xa: {  	p0 =	sgt.u32 s16, $0x1;
	_ =	strace $0x8000004D;
	s14 =	smul.u32 $0x6400, s14  }
0xb: {  	s7 =	ssub.s32 $0x2, s4;
	s12 =	sshll.u32 s4, $0x4;
	s4 =	smul.u32 $0x27100, s4  }
0xc: {  	s8 =	sshrl.u32 s7, $0x1;
	s12 =	sor.u32 s16, s12;
	s9 =	sshrl.u32 s9, $0x2  }
0xd: {  	s7 =	ssub.s32 s7, s8;
	s8 =	sshrl.u32 s24, $0x2;
	s13 =	sshrl.u32 s13, $0x2  }
0xe: {  	s12 =	smul.u32 $0x2710, s12;
	s9 =	sadd.s32 s9, s2;
	s25 =	sshrl.u32 s15, $0x2  }
0xf: {  	s10 =	sadd.s32 s26, s10;
	[dreg:$0x4] =	wrdreg s9;
	s20 =	sadd.s32 s8, s2  }
0x10: {  	s30 =	sadd.s32 s13, s2;
	s8 =	sadd.s32 s25, s2;
	s10 =	sshrl.u32 s10, $0x3  }
0x11: {  	s25 =	sadd.s32 s26, s11;
	s13 =	smul.u32 $0x2710, s16;
	s16 =	simm.s32 $0xA300  }
0x12: {  	s9 =	sshrl.u32 s12, $0x3;
	[dreg:$0x7] =	wrdreg s8;
	s8 =	sadd.s32 s19, s26  }
0x13: {  	s24 =	sadd.s32 s0, s10;
	s26 =	sadd.s32 s26, s14;
	[dreg:$0x5] =	wrdreg s20  }
0x14: {  	s10 =	simm.s32 $0x0;
	[dreg:$0x6] =	wrdreg s30;
	s18 =	sadd.s32 s5, s9  }
0x15: {  	s21 =	sadd.s32 s6, s9;
	s22 =	sadd.s32 $0xA, s9;
	s23 =	sadd.s32 $0x14, s9  }
0x16: {  	s8 =	sshrl.u32 s8, $0x3;
	[dreg:$0xd] =	wrdreg s24;
	s11 =	sshrl.u32 s26, $0x3  }
0x17: {  	s4 =	sadd.s32 s13, s4;
	s24 =	sadd.s32 $0x190, s12;
	[dreg:$0x8] =	wrdreg s18  }
0x18: {  	s13 =	simm.s32 $0xA280;
	[dreg:$0x9] =	wrdreg s21;
	s17 =	sadd.s32 s5, s22  }
0x19: {  	s15 =	sadd.s32 s6, s22;
	s8 =	sadd.s32 s0, s8;
	[dreg:$0xa] =	wrdreg s17  }
0x1a: {  	s14 =	sadd.s32 s5, s23;
	s18 =	sadd.s32 s6, s23;
	[dreg:$0xb] =	wrdreg s15  }
0x1b: {  	s21 =	sadd.s32 $0xF0, s4;
	s23 =	sadd.s32 $0x140, s12;
	[dreg:$0xc] =	wrdreg s8  }
0x1c: {  	s22 =	smax.u32 s7, $0x1;
	s4 =	simm.s32 $0x9;
	[dreg:$0x10] =	wrdreg s14  }
0x1d: {  	s7 =	simm.s32 $0x7;
	s8 =	sshrl.u32 s25, $0x3;
	[dreg:$0x11] =	wrdreg s18  }
0x1e: {  	s17 =	sadd.s32 $0x1E, s9;
	s25 =	sadd.s32 $0x1E0, s12;
	[dreg:$0x14] =	wrdreg s22  }
0x1f: {  	s12 =	simm.s32 $0xA080;
	s14 =	simm.s32 $0x2800;
	s15 =	simm.s32 $0xA100  }
0x20: {  	s22 =	simm.s32 $0x2;
	s18 =	simm.s32 $0x6;
	s8 =	sadd.s32 s0, s8  }
0x21: {  	s0 =	sadd.s32 s0, s11;
	s19 =	sadd.s32 s5, s17;
	[dreg:$0xe] =	wrdreg s8  }
.Ltmp0:
0x22: {  	[dreg:$0xf] =	wrdreg s0;
	s0 =	sadd.s32 s6, s17;
	(pc) =	sbr.rel .LBB2_1-.Ltmp0, $4  }
0x23: {  	s11 =	simm.s32 $0x50;
	[dreg:$0x13] =	wrdreg s0;
	s0 =	sshrl.u32 s21, $0x3  }
0x24: {  	[dreg:$0x12] =	wrdreg s19;
	s17 =	simm.s32 $0x5000;
	s26 =	sadd.s32 s0, s6  }
0x25: {  	s21 =	simm.s32 $0x1;
	s0 =	sadd.s32 s0, s5;
	[dreg:$0x15] =	wrdreg s26  }
0x26: {  	v0 =	vimm.f32 $0.0e+00;
	[dreg:$0x16] =	wrdreg s0;
	s0 =	simm.s32 $0xA200;
	s26 =	simm.s32 $0x5  }
.LBB2_6:
0x27: {  	_ =	swait.ge [sflag:s29], $0x2800  }
0x28: {  	[sflag:s29] =	ssyncset.done $0x0  }
0x29: {  	s8 =	simm.s32 $0xA380;
	s9 =	simm.s32 $0x7800;
	[sflag:s29] =	ssyncadd.s32 $0xFFFFD800  }
0x2a: {  	[spmem:s2] =	stream.indirect.scatter.add.f32 [tilespmem:s9], [sflag:$0x8], $0x80, s8, s11, $0xb8;
	[tilespmem:$0x1DC80] =	vst v63  }
0x2b: {  	_ =	swait.ge [sflag:s21], $0x2800  }
0x2c: {  	[sflag:s21] =	ssyncset.done $0x0  }
0x2d: {  	[sflag:s21] =	ssyncadd.s32 $0xFFFFD800  }
0x2e: {  	[spmem:s2] =	stream.indirect.scatter.add.f32 [tilespmem:s3], [sflag:$0x5], $0x80, s0, s11, $0xb8;
	[tilespmem:$0x1DC80] =	vst v63  }
0x2f: {  	_ =	swait.ge [sflag:s26], $0x2800  }
0x30: {  	[sflag:s26] =	ssyncset.done $0x0  }
0x31: {  	[sflag:s26] =	ssyncadd.s32 $0xFFFFD800  }
0x32: {  	_ =	swait.ge [sflag:s18], $0x2800  }
0x33: {  	[sflag:s18] =	ssyncset.done $0x0  }
0x34: {  	[sflag:s18] =	ssyncadd.s32 $0xFFFFD800  }
0x35: {  	_ =	swait.ge [sflag:s7], $0x2800  }
0x36: {  	[sflag:s7] =	ssyncset.done $0x0  }
0x37: {  	s10 =	simm.s32 $0x8;
	[sflag:s7] =	ssyncadd.s32 $0xFFFFD800  }
0x38: {  	_ =	swait.ge [sflag:s10], $0x2800  }
0x39: {  	[sflag:s10] =	ssyncset.done $0x0  }
0x3a: {  	[sflag:s10] =	ssyncadd.s32 $0xFFFFD800  }
0x3b: {  	s19 =	stileid.u32;
	[bflag:$0x0] =	sbarrier.arrive $0xFFFF  }
0x3c: {  	s8 =	sshll.u32 s19, $0x6;
	s19 =	simm.s32 $0xA;
	s20 =	rddreg [dreg:$0x4]  }
0x3d: {  	s8 =	sor.u32 $0x1C0A, s8;
	s10 =	rddreg [dreg:$0xc];
	s9 =	sshrl.u32 s20, $0x3  }
0x3e: {  	[hbm:s10], [sflag:s8] =	dma.local [spmem:s9], $0xC80  }
0x3f: {  	_ =	swait.ge [sflag:s19], $0xC80  }
0x40: {  	[sflag:s19] =	ssyncset.done $0x0;
	s20 =	rddreg [dreg:$0x5]  }
0x41: {  	s10 =	rddreg [dreg:$0xd];
	[sflag:s19] =	ssyncadd.s32 $0xFFFFF380;
	s9 =	sshrl.u32 s20, $0x3  }
0x42: {  	[hbm:s10], [sflag:s8] =	dma.local [spmem:s9], $0xC80  }
0x43: {  	_ =	swait.ge [sflag:s19], $0xC80  }
0x44: {  	[sflag:s19] =	ssyncset.done $0x0;
	s30 =	rddreg [dreg:$0x6]  }
0x45: {  	s10 =	rddreg [dreg:$0xe];
	[sflag:s19] =	ssyncadd.s32 $0xFFFFF380;
	s9 =	sshrl.u32 s30, $0x3  }
0x46: {  	[hbm:s10], [sflag:s8] =	dma.local [spmem:s9], $0xC80  }
0x47: {  	_ =	swait.ge [sflag:s19], $0xC80  }
0x48: {  	[sflag:s19] =	ssyncset.done $0x0;
	s9 =	rddreg [dreg:$0x7]  }
0x49: {  	s10 =	rddreg [dreg:$0xf];
	[sflag:s19] =	ssyncadd.s32 $0xFFFFF380;
	s9 =	sshrl.u32 @!p0 s9, $0x3  }
0x4a: {  	[hbm:s10], [sflag:s8] =	dma.local @!p0 [spmem:s9], $0xC80  }
0x4b: {  	s8 =	simm.s32 @!p0 $0xA  }
0x4c: {  	_ =	swait.ge @!p0 [sflag:s8], $0xC80  }
0x4d: {  	s9 =	rddreg [dreg:$0x17]  }
0x4e: {  	s19 =	rddreg [dreg:$0x14];
	s10 =	sadd.s32 $0x1, s9  }
0x4f: {  	p1 =	sne.s32 s10, s19  }
.Ltmp1:
0x50: {  	_ = 	snop;
	(pc) =	sbr.rel @!p1 .LBB2_7-.Ltmp1, $3  }
0x51: {  	_ =	sdelay $0x1  }
0x52: {  	[sflag:s8] =	ssyncset.done @!p0 $0x0  }
0x53: {  	[sflag:s8] =	ssyncadd.s32 @!p0 $0xFFFFF380  }
.LBB2_1:
0x54: {  	[dreg:$0x17] =	wrdreg s10;
	s8 =	simm.s32 $0x0;
	s9 =	simm.s32 $0x200  }
.LBB2_2:
0x55: {  	p1 =	sne.s32 s9, $0x18E00;
	[tilespmem:s8+$0x70] =	vst v0  }
0x56: {  	[tilespmem:s8+$0x0] =	vst v0  }
0x57: {  	[tilespmem:s8+$0x10] =	vst v0  }
.Ltmp2:
0x58: {  	[tilespmem:s8+$0x20] =	vst v0;
	(pc) =	sbr.rel @p1 .LBB2_2-.Ltmp2, $4  }
0x59: {  	[tilespmem:s8+$0x30] =	vst v0  }
0x5a: {  	[tilespmem:s8+$0x40] =	vst v0  }
0x5b: {  	[tilespmem:s8+$0x50] =	vst v0  }
0x5c: {  	[tilespmem:s8+$0x60] =	vst v0;
	s8 =	sshra.s32 s9, $0x2;
	s9 =	sadd.s32 $0x200, s9  }
0x5d: {  	[tilespmem:s8+$0x70] =	vst v0  }
0x5e: {  	[tilespmem:s8+$0x0] =	vst v0  }
0x5f: {  	[tilespmem:s8+$0x10] =	vst v0  }
0x60: {  	[tilespmem:s8+$0x20] =	vst v0  }
0x61: {  	[tilespmem:s8+$0x30] =	vst v0  }
0x62: {  	[tilespmem:s8+$0x40] =	vst v0  }
0x63: {  	[tilespmem:s8+$0x50] =	vst v0  }
0x64: {  	[tilespmem:s8+$0x60] =	vst v0;
	s10 =	rddreg [dreg:$0x4];
	s19 =	simm.s32 $0xA  }
0x65: {  	[spmem:s10] =	stream.linear.scatter [tilespmem:s3], [sflag:$0xA], $0x6400, $0x38;
	[tilespmem:$0x1DC80] =	vst v63  }
0x66: {  	_ =	swait.ge [sflag:s19], $0x6400  }
0x67: {  	[sflag:s19] =	ssyncset.done $0x0  }
0x68: {  	[sflag:s19] =	ssyncadd.s32 $0xFFFF9C00  }
0x69: {  	[spmem:s20] =	stream.linear.scatter [tilespmem:s3], [sflag:$0xA], $0x6400, $0x38;
	[tilespmem:$0x1DC80] =	vst v63  }
0x6a: {  	_ =	swait.ge [sflag:s19], $0x6400  }
0x6b: {  	[sflag:s19] =	ssyncset.done $0x0  }
0x6c: {  	[sflag:s19] =	ssyncadd.s32 $0xFFFF9C00  }
0x6d: {  	[spmem:s30] =	stream.linear.scatter [tilespmem:s3], [sflag:$0xA], $0x6400, $0x38;
	[tilespmem:$0x1DC80] =	vst v63  }
0x6e: {  	_ =	swait.ge [sflag:s19], $0x6400  }
0x6f: {  	[sflag:s19] =	ssyncset.done $0x0  }
0x70: {  	s8 =	simm.s32 @!p0 $0x0;
	s9 =	rddreg [dreg:$0x7];
	[sflag:s19] =	ssyncadd.s32 $0xFFFF9C00  }
0x71: {  	[spmem:s9] =	stream.linear.scatter @!p0 [tilespmem:s8], [sflag:$0xA], $0x6400, $0x38;
	[tilespmem:$0x1DC80] =	vst v63  }
0x72: {  	s8 =	simm.s32 @!p0 $0xA  }
0x73: {  	_ =	swait.ge @!p0 [sflag:s8], $0x6400  }
0x74: {  	[sflag:s8] =	ssyncset.done @!p0 $0x0  }
0x75: {  	[sflag:s8] =	ssyncadd.s32 @!p0 $0xFFFF9C00  }
0x76: {  	[bflag:$0x0] =	sbarrier.arrive $0xFFFF  }
0x77: {  	s30 =	simm.s32 $0x0;
	s20 =	rddreg [dreg:$0x8]  }
0x78: {  	[tilespmem:s31], [sflag:$0x9] =	stream.linear.gather [hbm4b:s20+s30], $0x50, $0x38;
	[tilespmem:$0x1DC80] =	vst v63  }
0x79: {  	s9 =	rddreg [dreg:$0x9]  }
0x7a: {  	[tilespmem:s0], [sflag:$0x9] =	stream.linear.gather [hbm4b:s9+s30], $0x50, $0x38;
	[tilespmem:$0x1DC80] =	vst v63  }
0x7b: {  	_ =	swait.ge [sflag:s4], $0x50  }
0x7c: {  	[sflag:s4] =	ssyncset.done $0x0  }
0x7d: {  	[sflag:s4] =	ssyncadd.s32 $0xFFFFFFB0  }
0x7e: {  	_ =	swait.ge [sflag:s4], $0x50  }
0x7f: {  	[sflag:s4] =	ssyncset.done $0x0  }
0x80: {  	[sflag:s4] =	ssyncadd.s32 $0xFFFFFFB0  }
0x81: {  	[tilespmem:s30], [sflag:$0x1] =	stream.indirect.gather [hbm4b:s1+s11], $0x80, s31, s11, $0xb8;
	[tilespmem:$0x1DC80] =	vst v63  }
0x82: {  	s10 =	rddreg [dreg:$0xa]  }
0x83: {  	[tilespmem:s12], [sflag:$0x9] =	stream.linear.gather [hbm4b:s10+s30], $0x50, $0x38;
	[tilespmem:$0x1DC80] =	vst v63  }
0x84: {  	s19 =	rddreg [dreg:$0xb]  }
0x85: {  	[tilespmem:s13], [sflag:$0x9] =	stream.linear.gather [hbm4b:s19+s30], $0x50, $0x38;
	[tilespmem:$0x1DC80] =	vst v63  }
0x86: {  	_ =	swait.ge [sflag:s4], $0x50  }
0x87: {  	[sflag:s4] =	ssyncset.done $0x0  }
0x88: {  	[sflag:s4] =	ssyncadd.s32 $0xFFFFFFB0  }
0x89: {  	_ =	swait.ge [sflag:s4], $0x50  }
0x8a: {  	[sflag:s4] =	ssyncset.done $0x0  }
0x8b: {  	[sflag:s4] =	ssyncadd.s32 $0xFFFFFFB0  }
0x8c: {  	[tilespmem:s14], [sflag:$0x2] =	stream.indirect.gather [hbm4b:s1+s11], $0x80, s12, s11, $0xb8;
	[tilespmem:$0x1DC80] =	vst v63  }
0x8d: {  	s20 =	rddreg [dreg:$0x10]  }
0x8e: {  	[tilespmem:s15], [sflag:$0x9] =	stream.linear.gather [hbm4b:s20+s30], $0x50, $0x38;
	[tilespmem:$0x1DC80] =	vst v63  }
0x8f: {  	s9 =	rddreg [dreg:$0x11]  }
0x90: {  	[tilespmem:s16], [sflag:$0x9] =	stream.linear.gather [hbm4b:s9+s30], $0x50, $0x38;
	[tilespmem:$0x1DC80] =	vst v63  }
0x91: {  	_ =	swait.ge [sflag:s4], $0x50  }
0x92: {  	[sflag:s4] =	ssyncset.done $0x0  }
0x93: {  	[sflag:s4] =	ssyncadd.s32 $0xFFFFFFB0  }
0x94: {  	_ =	swait.ge [sflag:s4], $0x50  }
0x95: {  	[sflag:s4] =	ssyncset.done $0x0  }
0x96: {  	[sflag:s4] =	ssyncadd.s32 $0xFFFFFFB0  }
0x97: {  	[tilespmem:s17], [sflag:$0x3] =	stream.indirect.gather [hbm4b:s1+s11], $0x80, s15, s11, $0xb8;
	[tilespmem:$0x1DC80] =	vst v63  }
0x98: {  	s9 =	simm.s32 $0xA180;
	s10 =	rddreg [dreg:$0x12]  }
0x99: {  	[tilespmem:s9], [sflag:$0x9] =	stream.linear.gather [hbm4b:s10+s30], $0x50, $0x38;
	[tilespmem:$0x1DC80] =	vst v63  }
0x9a: {  	s19 =	rddreg [dreg:$0x13];
	s10 =	simm.s32 $0xA380  }
0x9b: {  	[tilespmem:s10], [sflag:$0x9] =	stream.linear.gather [hbm4b:s19+s30], $0x50, $0x38;
	[tilespmem:$0x1DC80] =	vst v63  }
0x9c: {  	_ =	swait.ge [sflag:s4], $0x50  }
0x9d: {  	[sflag:s4] =	ssyncset.done $0x0  }
0x9e: {  	[sflag:s4] =	ssyncadd.s32 $0xFFFFFFB0  }
0x9f: {  	_ =	swait.ge [sflag:s4], $0x50  }
0xa0: {  	[sflag:s4] =	ssyncset.done $0x0;
	s10 =	rddreg [dreg:$0x16]  }
0xa1: {  	s20 =	simm.s32 $0x7800;
	s8 =	rddreg [dreg:$0x15];
	[sflag:s4] =	ssyncadd.s32 $0xFFFFFFB0  }
0xa2: {  	[tilespmem:s20], [sflag:$0x4] =	stream.indirect.gather [hbm4b:s1+s11], $0x80, s9, s11, $0xb8;
	[tilespmem:$0x1DC80] =	vst v63  }
.LBB2_4:
0xa3: {  	_ =	swait.ge [sflag:s21], $0x2800  }
0xa4: {  	p1 =	seq.s32 s30, $0x0;
	[sflag:s21] =	ssyncset.done $0x0  }
0xa5: {  	s9 =	simm.s32 @!p1 $0x8;
	[sflag:s21] =	ssyncadd.s32 $0xFFFFD800  }
0xa6: {  	[spmem:s2] =	stream.indirect.scatter.add.f32 [tilespmem:s3], [sflag:$0x5], $0x80, s0, s11, $0xb8;
	[tilespmem:$0x1DC80] =	vst v63  }
0xa7: {  	_ =	swait.ge @!p1 [sflag:s9], $0x2800  }
0xa8: {  	[sflag:s9] =	ssyncset.done @!p1 $0x0  }
0xa9: {  	s19 =	simm.s32 @!p1 $0xA180;
	[sflag:s9] =	ssyncadd.s32 @!p1 $0xFFFFD800;
	s9 =	simm.s32 @!p1 $0x0  }
0xaa: {  	[tilespmem:s19], [sflag:$0x9] =	stream.linear.gather @!p1 [hbm4b:s10+s9], $0x50, $0x38;
	[tilespmem:$0x1DC80] =	vst v63  }
0xab: {  	s20 =	simm.s32 @!p1 $0xA380  }
0xac: {  	[tilespmem:s20], [sflag:$0x9] =	stream.linear.gather @!p1 [hbm4b:s8+s9], $0x50, $0x38;
	[tilespmem:$0x1DC80] =	vst v63  }
0xad: {  	s9 =	simm.s32 @!p1 $0x9  }
0xae: {  	_ =	swait.ge @!p1 [sflag:s9], $0x50  }
0xaf: {  	[sflag:s9] =	ssyncset.done @!p1 $0x0  }
0xb0: {  	[sflag:s9] =	ssyncadd.s32 @!p1 $0xFFFFFFB0  }
0xb1: {  	_ =	swait.ge @!p1 [sflag:s9], $0x50  }
0xb2: {  	[sflag:s9] =	ssyncset.done @!p1 $0x0  }
0xb3: {  	s20 =	simm.s32 @!p1 $0x7800;
	[sflag:s9] =	ssyncadd.s32 @!p1 $0xFFFFFFB0;
	s9 =	simm.s32 @!p1 $0x50  }
0xb4: {  	[tilespmem:s20], [sflag:$0x4] =	stream.indirect.gather @!p1 [hbm4b:s1+s9], $0x80, s19, s9, $0xb8;
	[tilespmem:$0x1DC80] =	vst v63  }
0xb5: {  	_ =	swait.ge [sflag:s22], $0x2800  }
0xb6: {  	s9 =	smov.u32 s30;
	[sflag:s22] =	ssyncset.done $0x0  }
0xb7: {  	s9 =	simm.s32 @p1 $0x0;
	[sflag:s22] =	ssyncadd.s32 $0xFFFFD800  }
0xb8: {  	[spmem:s2] =	stream.indirect.scatter.add.f32 [tilespmem:s14], [sflag:$0x6], $0x80, s13, s11, $0xb8;
	[tilespmem:$0x1DC80] =	vst v63  }
0xb9: {  	s20 =	sadd.s32 s9, s23;
	_ =	swait.ge [sflag:s26], $0x2800  }
0xba: {  	s19 =	sshrl.u32 s20, $0x3;
	[sflag:s26] =	ssyncset.done $0x0  }
0xbb: {  	s20 =	sadd.s32 s5, s19;
	[sflag:s26] =	ssyncadd.s32 $0xFFFFD800  }
0xbc: {  	[tilespmem:s31], [sflag:$0x9] =	stream.linear.gather [hbm4b:s20+s3], $0x50, $0x38;
	[tilespmem:$0x1DC80] =	vst v63  }
0xbd: {  	s19 =	sadd.s32 s6, s19  }
0xbe: {  	[tilespmem:s0], [sflag:$0x9] =	stream.linear.gather [hbm4b:s19+s3], $0x50, $0x38;
	[tilespmem:$0x1DC80] =	vst v63  }
0xbf: {  	_ =	swait.ge [sflag:s4], $0x50  }
0xc0: {  	[sflag:s4] =	ssyncset.done $0x0  }
0xc1: {  	[sflag:s4] =	ssyncadd.s32 $0xFFFFFFB0  }
0xc2: {  	_ =	swait.ge [sflag:s4], $0x50  }
0xc3: {  	[sflag:s4] =	ssyncset.done $0x0  }
0xc4: {  	p1 =	seq.s32 s30, $0x2580;
	[sflag:s4] =	ssyncadd.s32 $0xFFFFFFB0  }
0xc5: {  	[tilespmem:s3], [sflag:$0x1] =	stream.indirect.gather [hbm4b:s1+s11], $0x80, s31, s11, $0xb8;
	[tilespmem:$0x1DC80] =	vst v63  }
.Ltmp3:
0xc6: {  	_ = 	snop;
	(pc) =	sbr.rel @p1 .LBB2_6-.Ltmp3, $4  }
0xc7: {  	_ =	swait.ge [sflag:s28], $0x2800  }
0xc8: {  	[sflag:s28] =	ssyncset.done $0x0  }
0xc9: {  	[sflag:s28] =	ssyncadd.s32 $0xFFFFD800  }
0xca: {  	[spmem:s2] =	stream.indirect.scatter.add.f32 [tilespmem:s17], [sflag:$0x7], $0x80, s16, s11, $0xb8;
	[tilespmem:$0x1DC80] =	vst v63  }
0xcb: {  	_ =	swait.ge [sflag:s18], $0x2800;
	s19 =	sadd.s32 s9, s24  }
0xcc: {  	[sflag:s18] =	ssyncset.done $0x0;
	s19 =	sshrl.u32 s19, $0x3  }
0xcd: {  	[sflag:s18] =	ssyncadd.s32 $0xFFFFD800;
	s20 =	sadd.s32 s5, s19  }
0xce: {  	[tilespmem:s12], [sflag:$0x9] =	stream.linear.gather [hbm4b:s20+s3], $0x50, $0x38;
	[tilespmem:$0x1DC80] =	vst v63  }
0xcf: {  	s19 =	sadd.s32 s6, s19  }
0xd0: {  	[tilespmem:s13], [sflag:$0x9] =	stream.linear.gather [hbm4b:s19+s3], $0x50, $0x38;
	[tilespmem:$0x1DC80] =	vst v63  }
0xd1: {  	_ =	swait.ge [sflag:s4], $0x50  }
0xd2: {  	[sflag:s4] =	ssyncset.done $0x0  }
0xd3: {  	[sflag:s4] =	ssyncadd.s32 $0xFFFFFFB0  }
0xd4: {  	_ =	swait.ge [sflag:s4], $0x50  }
0xd5: {  	[sflag:s4] =	ssyncset.done $0x0  }
0xd6: {  	[sflag:s4] =	ssyncadd.s32 $0xFFFFFFB0  }
0xd7: {  	[tilespmem:s14], [sflag:$0x2] =	stream.indirect.gather [hbm4b:s1+s11], $0x80, s12, s11, $0xb8;
	[tilespmem:$0x1DC80] =	vst v63  }
0xd8: {  	_ =	swait.ge [sflag:s29], $0x2800  }
0xd9: {  	[sflag:s29] =	ssyncset.done $0x0  }
0xda: {  	s20 =	simm.s32 $0x7800;
	s19 =	simm.s32 $0xA380;
	[sflag:s29] =	ssyncadd.s32 $0xFFFFD800  }
0xdb: {  	[spmem:s2] =	stream.indirect.scatter.add.f32 [tilespmem:s20], [sflag:$0x8], $0x80, s19, s11, $0xb8;
	[tilespmem:$0x1DC80] =	vst v63  }
0xdc: {  	s19 =	sadd.s32 s9, s25;
	_ =	swait.ge [sflag:s7], $0x2800  }
0xdd: {  	s9 =	sshrl.u32 s19, $0x3;
	[sflag:s7] =	ssyncset.done $0x0  }
0xde: {  	s20 =	sadd.s32 s5, s9;
	[sflag:s7] =	ssyncadd.s32 $0xFFFFD800  }
0xdf: {  	[tilespmem:s15], [sflag:$0x9] =	stream.linear.gather [hbm4b:s20+s3], $0x50, $0x38;
	[tilespmem:$0x1DC80] =	vst v63  }
0xe0: {  	s9 =	sadd.s32 s6, s9  }
0xe1: {  	[tilespmem:s16], [sflag:$0x9] =	stream.linear.gather [hbm4b:s9+s3], $0x50, $0x38;
	[tilespmem:$0x1DC80] =	vst v63  }
0xe2: {  	_ =	swait.ge [sflag:s4], $0x50  }
0xe3: {  	[sflag:s4] =	ssyncset.done $0x0  }
.Ltmp4:
0xe4: {  	[sflag:s4] =	ssyncadd.s32 $0xFFFFFFB0;
	(pc) =	sbr.rel .LBB2_4-.Ltmp4, $4  }
0xe5: {  	_ =	swait.ge [sflag:s4], $0x50  }
0xe6: {  	s30 =	sadd.s32 $0x140, s30;
	[sflag:s4] =	ssyncset.done $0x0  }
0xe7: {  	s8 =	sadd.s32 $0x28, s8;
	s10 =	sadd.s32 $0x28, s10;
	[sflag:s4] =	ssyncadd.s32 $0xFFFFFFB0  }
0xe8: {  	[tilespmem:s17], [sflag:$0x3] =	stream.indirect.gather [hbm4b:s1+s11], $0x80, s15, s11, $0xb8;
	[tilespmem:$0x1DC80] =	vst v63  }
.LBB2_7:
0xe9: {  	_ =	sfence.sel $0x180000  }
0xea: {  	[bflag:$0x0] =	sbarrier.arrive $0xFFFF  }
0xeb: {  	_ =	strace $0x9000004D  }
0xec: {  	s0 =	stileid.u32;
	[bflag:$0x2] =	sbarrier.arrive $0xFFFF  }
0xed: {  	p0 =	sne.s32 s0, $0x0;
	s0 =	rddreg [dreg:$0x3]  }
0xee: {  	s0 =	sadd.s32 @!p0 $0x100000, s0  }
0xef: {  	[sflag:s0] =	ssyncadd.tile.s32 @!p0 $0x1;
	_ =	shalt  }
.Lfunc_end2:
_tile_overlayer_lowered:
.L_overlay_start_2:
0xf0: {  	(tag) =	ssettag $0x2  }
0xf1: {  	s0 =	rddreg [dreg:$0x0];
	s2 =	stileid.u32  }
0xf2: {  	s1 =	rddreg [dreg:$0x1];
	p0 =	sne.s32 s2, $0x0  }
0xf3: {  	s3 =	rddreg [dreg:$0x2];
	[bflag:$0x3] =	sbarrier.arrive $0xFFFF;
	s2 =	simm.s32 @!p0 $0x1C0A  }
0xf4: {  	[timem:s3], [sflag:s2] =	dma.local @!p0 [hbm:s0], s1  }
0xf5: {  	s0 =	simm.s32 @!p0 $0xA  }
0xf6: {  	_ =	swait.ge @!p0 [sflag:s0], s1  }
0xf7: {  	s1 =	ssub.s32 @!p0 $0x0, s1;
	[sflag:s0] =	ssyncset.done @!p0 $0x0  }
0xf8: {  	[sflag:s0] =	ssyncadd.s32 @!p0 s1  }
0xf9: {  	[bflag:$0x3] =	sbarrier.arrive $0xFFFF  }
0xfa: {  	_ =	shalt  }

// kernel: kernel.8.cloned.1.call-start
scs
__scs_entry_jumppad:
0x0: {  	(pc) =	sbr.rel $0x88, $3  }
0x1: {  	(tag) =	ssettag $0x0;
	lr =	simm.s32 $0x1  }
0x2: {  	[smem:$0x3F9A] =	sst lr;
	_ =	strace $0xD0000000  }
0x3: {  	_ = 	snop  }
0x4: {  	_ = 	snop  }
0x5: {  	_ = 	snop  }
0x6: {  	_ = 	snop  }
0x7: {  	_ = 	snop  }
__scs_overlays_trampoline_lowered:
0x8: {  	[smem:$0x3FA9] =	sst s0  }
0x9: {  	[smem:$0x3FAA] =	sst s1  }
0xa: {  	[smem:$0x3FAB] =	sst s2  }
0xb: {  	[smem:$0x3FAC] =	sst s3  }
0xc: {  	[smem:$0x3FAD] =	sst s4  }
0xd: {  	[smem:$0x3FAE] =	sst s5  }
0xe: {  	[smem:$0x3FAF] =	sst s6  }
0xf: {  	[smem:$0x3FB0] =	sst s7  }
0x10: {  	[smem:$0x3FB1] =	sst s8  }
0x11: {  	[smem:$0x3FB2] =	sst s9;
	s0 =	simm.s32 @!p0 $0x0  }
0x12: {  	s1 =	sld [smem:$0x3F98];
	s0 =	simm.s32 @p0 $0x1  }
0x13: {  	[smem:$0x3FB3] =	sst s0;
	s0 =	simm.s32 @!p1 $0x0  }
0x14: {  	s2 =	sld [smem:$0x3F97];
	s0 =	simm.s32 @p1 $0x1  }
0x15: {  	[smem:$0x3FB4] =	sst s0;
	s0 =	simm.s32 @!p2 $0x0  }
0x16: {  	s3 =	sld [smem:$0x3FDB];
	s0 =	simm.s32 @p2 $0x1  }
0x17: {  	s4 =	simm.s32 $0x1BF5;
	[smem:$0x3FB6] =	sst s0  }
0x18: {  	s0 =	sld [smem:$0x3F99];
	_ =	swait.ge [sflag:s4], $0x0  }
0x19: {  	s7 =	sld [smem:$0x3F9A]  }
0x1a: {  	s8 =	sadd.s32 $0xFFFFE003, lr  }
0x1b: {  	s9 =	sadd.s32 $0xFFFFFEF7, lr;
	s5 =	simm.s32 $0xFFFFFFFF;
	p2 =	slt.u32 s8, $0xFFFFF086  }
0x1c: {  	p1 =	slt.u32 s9, $0xF7A;
	s5 =	simm.s32 @!p2 $0x0  }
0x1d: {  	s5 =	simm.s32 @p1 $0x1;
	p0 =	seq.s32 s7, s2  }
0x1e: {  	s7 =	smul.u32 @!p0 $0xF7A, s2;
	p2 =	seq.s32 @!p0 s5, $0x0  }
0x1f: {  	s9 =	smul.u32 $0xF7A, s1;
	s8 =	simm.s32 @!p0 $0x1BF5;
	p2 =	por !p2, p0  }
0x20: {  	[sflag:s8] =	ssyncset.s32 @!p0 $0xFFFFF086;
	s6 =	sadd.s32 @!p0 s3, s7;
	s7 =	simm.s32 @!p0 $0x108  }
0x21: {  	s3 =	sadd.s32 s3, s9;
	s6 =	sadd.s32 @!p0 $0x88, s6;
	s7 =	simm.s32 @p2 $0x1082  }
0x22: {  	[simem:s7], [sflag:s8] =	dma.local @!p0 [hbm:s6], $0xF7A  }
0x23: {  	s9 =	sor.u32 $0xD0000000, s2;
	s6 =	simm.s32 $0x108;
	_ =	swait.ge @!p0 [sflag:s8], $0x0  }
0x24: {  	s3 =	sadd.s32 $0x88, s3;
	s6 =	simm.s32 @!p1 $0x1082;
	[sflag:s4] =	ssyncset.s32 $0xFFFFF086  }
0x25: {  	[simem:s6], [sflag:s4] =	dma.local [hbm:s3], $0xF7A  }
0x26: {  	[smem:$0x3F9A] =	sst s1;
	(tag) =	ssettag s2;
	_ =	strace s9  }
0x27: {  	s1 =	sld [smem:$0x3FAA]  }
0x28: {  	s2 =	sld [smem:$0x3FAB]  }
0x29: {  	s4 =	sld [smem:$0x3FAD]  }
0x2a: {  	p0 =	seq.s32 s5, $0x0;
	s5 =	sld [smem:$0x3FAE]  }
0x2b: {  	s6 =	sld [smem:$0x3FAF]  }
0x2c: {  	s7 =	sld [smem:$0x3FB0]  }
0x2d: {  	s3 =	simm.s32 $0x108;
	s8 =	sld [smem:$0x3FB1]  }
0x2e: {  	s3 =	simm.s32 @!p0 $0x1082;
	s9 =	sld [smem:$0x3FB2]  }
0x2f: {  	lr =	sadd.s32 s0, s3;
	s0 =	sld [smem:$0x3FA9]  }
0x30: {  	s3 =	sld [smem:$0x3FAC]  }
0x31: {  	[smem:$0x3FB5] =	sst s10  }
0x32: {  	s10 =	sld [smem:$0x3FB3];
	_ =	sdelay $0x3  }
0x33: {  	p0 =	seq.s32 s10, $0x1;
	s10 =	sld [smem:$0x3FB5];
	_ =	sdelay $0x3  }
0x34: {  	[smem:$0x3FB5] =	sst s10  }
0x35: {  	s10 =	sld [smem:$0x3FB4];
	_ =	sdelay $0x3  }
0x36: {  	p1 =	seq.s32 s10, $0x1;
	s10 =	sld [smem:$0x3FB5];
	_ =	sdelay $0x3  }
0x37: {  	[smem:$0x3FB5] =	sst s10  }
0x38: {  	s10 =	sld [smem:$0x3FB6]  }
0x39: {  	_ = 	snop;
	(pc) =	sbr.ind lr, $3  }
0x3a: {  	_ = 	snop  }
0x3b: {  	_ = 	snop  }
0x3c: {  	p2 =	seq.s32 s10, $0x1;
	s10 =	sld [smem:$0x3FB5]  }
0x3d: {  	_ =	shalt  }
0x3e: {  	_ =	shalt  }
0x3f: {  	_ =	shalt  }
0x40: {  	_ =	shalt  }
0x41: {  	_ =	shalt  }
0x42: {  	_ =	shalt  }
0x43: {  	_ =	shalt  }
0x44: {  	_ =	shalt  }
0x45: {  	_ =	shalt  }
0x46: {  	_ =	shalt  }
0x47: {  	_ =	shalt  }
0x48: {  	_ =	shalt  }
0x49: {  	_ =	shalt  }
0x4a: {  	_ =	shalt  }
0x4b: {  	_ =	shalt  }
0x4c: {  	_ =	shalt  }
0x4d: {  	_ =	shalt  }
0x4e: {  	_ =	shalt  }
0x4f: {  	_ =	shalt  }
0x50: {  	_ =	shalt  }
0x51: {  	_ =	shalt  }
0x52: {  	_ =	shalt  }
0x53: {  	_ =	shalt  }
0x54: {  	_ =	shalt  }
0x55: {  	_ =	shalt  }
0x56: {  	_ =	shalt  }
0x57: {  	_ =	shalt  }
0x58: {  	_ =	shalt  }
0x59: {  	_ =	shalt  }
0x5a: {  	_ =	shalt  }
0x5b: {  	_ =	shalt  }
0x5c: {  	_ =	shalt  }
0x5d: {  	_ =	shalt  }
0x5e: {  	_ =	shalt  }
0x5f: {  	_ =	shalt  }
0x60: {  	_ =	shalt  }
0x61: {  	_ =	shalt  }
0x62: {  	_ =	shalt  }
0x63: {  	_ =	shalt  }
0x64: {  	_ =	shalt  }
0x65: {  	_ =	shalt  }
0x66: {  	_ =	shalt  }
0x67: {  	_ =	shalt  }
0x68: {  	_ =	shalt  }
0x69: {  	_ =	shalt  }
0x6a: {  	_ =	shalt  }
0x6b: {  	_ =	shalt  }
0x6c: {  	_ =	shalt  }
0x6d: {  	_ =	shalt  }
0x6e: {  	_ =	shalt  }
0x6f: {  	_ =	shalt  }
0x70: {  	_ =	shalt  }
0x71: {  	_ =	shalt  }
0x72: {  	_ =	shalt  }
0x73: {  	_ =	shalt  }
0x74: {  	_ =	shalt  }
0x75: {  	_ =	shalt  }
0x76: {  	_ =	shalt  }
0x77: {  	_ =	shalt  }
0x78: {  	_ =	shalt  }
0x79: {  	_ =	shalt  }
0x7a: {  	_ =	shalt  }
0x7b: {  	_ =	shalt  }
0x7c: {  	_ =	shalt  }
0x7d: {  	_ =	shalt  }
0x7e: {  	_ =	shalt  }
0x7f: {  	_ =	shalt  }
0x80: {  	_ =	shalt  }
0x81: {  	_ =	shalt  }
0x82: {  	_ =	shalt  }
0x83: {  	_ =	shalt  }
0x84: {  	_ =	shalt  }
0x85: {  	_ =	shalt  }
0x86: {  	_ =	shalt  }
0x87: {  	_ =	shalt  }
.Lfunc_end0:
.L_simem_size_0:
called_computation_lowered:
.L_overlay_start_0:
0x88: {  	s2 =	sld [smem:$0x3FD9]  }
0x89: {  	s3 =	sld [smem:$0x3FFE];
	_ =	sdelay $0x1  }
0x8a: {  	s1 =	srdreg.scid  }
0x8b: {  	s0 =	sand.u32 $0x1, s1  }
0x8c: {  	s17 =	sshll.u32 s0, $0xA;
	s2 =	sadd.s32 s3, s2  }
0x8d: {  	s2 =	sadd.s32 s2, s17  }
0x8e: {  	[smem:$0x3FC1] =	sst s2  }
0x8f: {  	_ = 	snop  }
0x90: {  	s2 =	sld [smem:$0x3FD0];
	(tm) =	ssettm $0x1  }
0x91: {  	s18 =	sld [smem:$0x3FFB];
	_ =	sdelay $0x3  }
0x92: {  	_ =	strace s18  }
0x93: {  	s3 =	sld [smem:$0x3FFC];
	_ =	sdelay $0x3  }
0x94: {  	_ =	strace s3  }
0x95: {  	s3 =	sld [smem:$0x3FFD];
	_ =	sdelay $0x3  }
0x96: {  	_ =	strace s3  }
0x97: {  	_ =	strace $0x8FFFFFFF  }
0x98: {  	s19 =	sld [smem:$0x3FDB];
	_ =	sdelay $0x1  }
0x99: {  	s4 =	simm.s32 $_scs_section_size  }
0x9a: {  	s5 =	simm.s32 $_size__tile_overlayer_lowered;
	s6 =	simm.s32 $_tile_overlayer_lowered  }
0x9b: {  	s22 =	simm.s32 $0x1BFF;
	s21 =	sshll.u32 s6, $0x1;
	s3 =	sadd.s32 s4, s19  }
0x9c: {  	s7 =	simm.s32 $0x0;
	s20 =	sshll.u32 s5, $0x1;
	s5 =	sadd.s32 s21, s3  }
0x9d: {  	[timem:s7], [sflag:s22] =	dma.local [hbm:s5], s20  }
0x9e: {  	_ =	swait.ge [sflag:s22], s20  }
0x9f: {  	s4 =	ssub.s32 $0x0, s20;
	[sflag:s22] =	ssyncset.done $0x0  }
0xa0: {  	[sflag:s22] =	ssyncadd.s32 s4;
	_ =	sdelay $0x1  }
0xa1: {  	s23 =	simm.s32 $0x1B8B  }
0xa2: {  	_ =	swait.ge [sflag:s23], $0x1  }
0xa3: {  	[sflag:s23] =	ssyncset.done $0x0  }
0xa4: {  	s25 =	simm.s32 $0x1B8E;
	s24 =	sld [smem:$0x3FFE];
	[sflag:s23] =	ssyncadd.s32 $0xFFFFFFFF  }
0xa5: {  	s26 =	simm.s32 $execute0_lowered;
	[smem:$0x3FD2] =	sst s25  }
0xa6: {  	s5 =	sshll.u32 s26, $0x1;
	_ =	strace $0x80000046;
	[dreg:$0x1] =	wrdreg $0xFFFFFFFF  }
0xa7: {  	s28 =	simm.s32 $_size_execute0_lowered;
	s3 =	sadd.s32 s3, s5;
	[dreg:$0x0] =	wrdreg $0x0  }
0xa8: {  	s5 =	sshll.u32 s28, $0x1;
	[dreg:$0x2] =	wrdreg s3  }
0xa9: {  	[dreg:$0x3] =	wrdreg s5  }
0xaa: {  	[dreg:$0x4] =	wrdreg $0xC0  }
0xab: {  	_ =	task [dreg:s7], $0x5FFFF  }
0xac: {  	[dreg:$0x1] =	wrdreg $0xFFFFFFFF  }
0xad: {  	[dreg:$0x0] =	wrdreg $0x60  }
0xae: {  	[dreg:$0x2] =	wrdreg s24  }
0xaf: {  	[dreg:$0x3] =	wrdreg s2  }
0xb0: {  	[dreg:$0x4] =	wrdreg $0x32000  }
0xb1: {  	[dreg:$0x5] =	wrdreg $0x9  }
0xb2: {  	_ =	task.clear_ibuf [dreg:s7], $0x6FFFF;
	_ =	strace $0x90000046  }
0xb3: {  	s29 =	simm.s32 $0x9;
	_ =	strace $0x80000048  }
0xb4: {  	_ =	swait.ge [sflag:s29], $0x1  }
0xb5: {  	[sflag:s29] =	ssyncadd.s32 $0xFFFFFFFF  }
0xb6: {  	_ =	strace $0x90000048  }
0xb7: {  	_ =	sfence  }
0xb8: {  	s30 =	sld [smem:$0x0];
	_ =	sdelay $0x2  }
0xb9: {  	s31 =	sshll.u32 s1, $0xD;
	s1 =	sshrl.u32 s1, $0x2  }
0xba: {  	s3 =	sand.u32 $0x4000, s31;
	s1 =	sadd.s32 s1, s30  }
0xbb: {  	s0 =	sor.u32 s3, s0;
	s1 =	sshll.u32 s1, $0x11  }
0xbc: {  	s0 =	sor.u32 s1, s0  }
0xbd: {  	s0 =	sadd.s32 $0x8F2B, s0  }
0xbe: {  	[sflag:s0] =	ssyncadd.remote.s32 $0x1  }
0xbf: {  	_ =	sfence.sel $0xFFFF  }
0xc0: {  	[dreg:$0x0] =	wrdreg $0xFFFFFFFF;
	(pc) =	sbr.abs _section_cstart, $3  }
0xc1: {  	[dreg:$0x1] =	wrdreg $0xFFFFFFFF  }
0xc2: {  	_ =	task.clear_ibuf [dreg:s7], $0x2FFFF;
	_ =	strace $0x9FFFFFFF  }
0xc3: {  	(tm) =	ssettm $0x7FFFFFFF  }
tec
execute0_lowered:
.L_overlay_start_1:
0x0: {  	(tag) =	ssettag $0x1  }
0x1: {  	s3 =	rddreg [dreg:$0x0]  }
0x2: {  	s12 =	rddreg [dreg:$0x1]  }
0x3: {  	s1 =	rddreg [dreg:$0x2];
	s2 =	simm.s32 $0x0  }
0x4: {  	s4 =	srdreg.scid;
	s19 =	stileid.u32;
	s20 =	simm.s32 $0x880  }
0x5: {  	s21 =	simm.s32 $0x900;
	s22 =	simm.s32 $0x980;
	s23 =	simm.s32 $0xA00  }
0x6: {  	s24 =	simm.s32 $0x1;
	s25 =	simm.s32 $0x50;
	s26 =	simm.s32 $0x800  }
0x7: {  	s28 =	simm.s32 $0x0;
	[smem:$0x7FF] =	sst s2;
	s7 =	sand.u32 $0x1, s4  }
0x8: {  	s3 =	sadd.s32 $0xBE00, s3;
	s16 =	smul.u32 $0x2710, s19;
	p0 =	sne.s32 s19, $0x0  }
0x9: {  	s4 =	ssub.s32 $0x2, s7;
	s5 =	sshll.u32 s7, $0x4;
	s14 =	smul.u32 $0x4E2, s7  }
0xa: {  	_ =	strace $0x80000047;
	s15 =	smul.u32 $0x27100, s7;
	s7 =	sadd.s32 $0x1F40, s1  }
0xb: {  	s6 =	sshrl.u32 s4, $0x1;
	s5 =	sor.u32 s19, s5;
	s19 =	simm.s32 $0x2  }
0xc: {  	s13 =	ssub.s32 s4, s6;
	s8 =	smul.u32 $0x2710, s5;
	s4 =	sadd.s32 $0x7D0, s1  }
0xd: {  	s5 =	sadd.s32 $0xFA0, s1;
	s6 =	sadd.s32 $0x1770, s1;
	s18 =	sadd.s32 s16, s15  }
0xe: {  	s12 =	sadd.s32 s12, s14;
	s13 =	smax.u32 s13, $0x1;
	s15 =	sadd.s32 $0x230, s18  }
0xf: {  	s16 =	sadd.s32 $0x1E0, s18;
	s17 =	sadd.s32 $0x190, s18;
	s18 =	sadd.s32 $0x140, s18  }
0x10: {  	s8 =	sshrl.u32 s8, $0x3;
	s15 =	sshrl.u32 s15, $0x3;
	s16 =	sshrl.u32 s16, $0x3  }
0x11: {  	s17 =	sshrl.u32 s17, $0x3;
	s8 =	sadd.s32 s3, s8;
	s15 =	sadd.s32 s15, s3  }
0x12: {  	s16 =	sadd.s32 s16, s3;
	s17 =	sadd.s32 s17, s3;
	s9 =	sadd.s32 $0xA, s8  }
0x13: {  	v0 =	vimm.f32 $1.000000000e+00;
	v1 =	vimm.f32 $0.0e+00;
	s10 =	sadd.s32 $0x14, s8;
	s11 =	sadd.s32 $0x1E, s8;
	s14 =	sadd.s32 $0x4D8, s8  }
.LBB2_1:
0x14: {  	[tilespmem:$0x800] =	vst v0  }
0x15: {  	[tilespmem:$0x810] =	vst v0  }
0x16: {  	[tilespmem:$0x820] =	vst v0  }
.Ltmp0:
0x17: {  	[tilespmem:$0x830] =	vst v0;
	(pc) =	sbr.rel @p0 .LBB2_5-.Ltmp0, $4  }
0x18: {  	[tilespmem:$0x840] =	vst v0  }
0x19: {  	[tilespmem:$0x850] =	vst v0  }
0x1a: {  	[tilespmem:$0x860] =	vst v0  }
0x1b: {  	[tilespmem:$0x870] =	vst v0  }
0x1c: {  	s29 =	simm.s32 $0x40;
	s30 =	simm.s32 $0x0  }
.LBB2_3:
0x1d: {  	p1 =	sne.s32 s29, $0x1F00;
	[tilespmem:s30+$0x0] =	vst v1;
	s30 =	smov.u32 s29;
	s29 =	sadd.s32 $0x40, s29  }
.Ltmp1:
0x1e: {  	(pc) =	sbr.rel @p1 .LBB2_3-.Ltmp1, $2  }
0x1f: {  	_ =	sdelay $0x2  }
0x20: {  	s30 =	sshra.s32 s30, $0x2  }
0x21: {  	[tilespmem:s30+$0x0] =	vst v1  }
0x22: {  	[spmem:s1] =	stream.linear.scatter [tilespmem:s2], [sflag:$0x2], $0x7D0, $0x38;
	[tilespmem:$0x3478] =	vst v63  }
0x23: {  	_ =	swait.ge [sflag:s19], $0x7D0  }
0x24: {  	[sflag:s19] =	ssyncset.done $0x0  }
0x25: {  	[sflag:s19] =	ssyncadd.s32 $0xFFFFF830  }
0x26: {  	[spmem:s4] =	stream.linear.scatter [tilespmem:s2], [sflag:$0x2], $0x7D0, $0x38;
	[tilespmem:$0x3478] =	vst v63  }
0x27: {  	_ =	swait.ge [sflag:s19], $0x7D0  }
0x28: {  	[sflag:s19] =	ssyncset.done $0x0  }
0x29: {  	[sflag:s19] =	ssyncadd.s32 $0xFFFFF830  }
0x2a: {  	[spmem:s5] =	stream.linear.scatter [tilespmem:s2], [sflag:$0x2], $0x7D0, $0x38;
	[tilespmem:$0x3478] =	vst v63  }
0x2b: {  	_ =	swait.ge [sflag:s19], $0x7D0  }
0x2c: {  	[sflag:s19] =	ssyncset.done $0x0  }
0x2d: {  	[sflag:s19] =	ssyncadd.s32 $0xFFFFF830  }
0x2e: {  	[spmem:s6] =	stream.linear.scatter [tilespmem:s2], [sflag:$0x2], $0x7D0, $0x38;
	[tilespmem:$0x3478] =	vst v63  }
0x2f: {  	_ =	swait.ge [sflag:s19], $0x7D0  }
0x30: {  	[sflag:s19] =	ssyncset.done $0x0  }
0x31: {  	[sflag:s19] =	ssyncadd.s32 $0xFFFFF830  }
0x32: {  	[spmem:s7] =	stream.linear.scatter [tilespmem:s2], [sflag:$0x2], $0x7D0, $0x38;
	[tilespmem:$0x3478] =	vst v63  }
0x33: {  	_ =	swait.ge [sflag:s19], $0x7D0  }
0x34: {  	[sflag:s19] =	ssyncset.done $0x0  }
0x35: {  	[sflag:s19] =	ssyncadd.s32 $0xFFFFF830  }
.LBB2_5:
0x36: {  	[bflag:$0x0] =	sbarrier.arrive $0xFFFF;
	s29 =	simm.s32 $0x0  }
0x37: {  	[tilespmem:s20], [sflag:$0x1] =	stream.linear.gather [hbm4b:s8+s29], $0x50, $0x38;
	[tilespmem:$0x3478] =	vst v63  }
0x38: {  	_ = 	snop  }
0x39: {  	[tilespmem:s21], [sflag:$0x1] =	stream.linear.gather [hbm4b:s9+s29], $0x50, $0x38;
	[tilespmem:$0x3478] =	vst v63  }
0x3a: {  	_ = 	snop  }
0x3b: {  	[tilespmem:s22], [sflag:$0x1] =	stream.linear.gather [hbm4b:s10+s29], $0x50, $0x38;
	[tilespmem:$0x3478] =	vst v63  }
0x3c: {  	_ = 	snop  }
0x3d: {  	[tilespmem:s23], [sflag:$0x1] =	stream.linear.gather [hbm4b:s11+s29], $0x50, $0x38;
	[tilespmem:$0x3478] =	vst v63  }
0x3e: {  	_ =	swait.ge [sflag:s24], $0x50  }
0x3f: {  	[sflag:s24] =	ssyncset.done $0x0  }
0x40: {  	[sflag:s24] =	ssyncadd.s32 $0xFFFFFFB0  }
0x41: {  	[spmem:s1] =	stream.indirect.scatter.add.f32 [tilespmem:s26], [sflag:$0x2], $0x1, s20, s25, $0xb8;
	[tilespmem:$0x3478] =	vst v63  }
0x42: {  	_ =	swait.ge [sflag:s19], $0x50  }
0x43: {  	s29 =	sshrl.u32 s18, $0x3;
	[sflag:s19] =	ssyncset.done $0x0  }
0x44: {  	s29 =	sadd.s32 s3, s29;
	[sflag:s19] =	ssyncadd.s32 $0xFFFFFFB0  }
0x45: {  	[tilespmem:s20], [sflag:$0x1] =	stream.linear.gather [hbm4b:s29+s2], $0x50, $0x38;
	[tilespmem:$0x3478] =	vst v63  }
0x46: {  	_ =	swait.ge [sflag:s24], $0x50  }
0x47: {  	[sflag:s24] =	ssyncset.done $0x0  }
0x48: {  	[sflag:s24] =	ssyncadd.s32 $0xFFFFFFB0  }
0x49: {  	[spmem:s1] =	stream.indirect.scatter.add.f32 [tilespmem:s26], [sflag:$0x2], $0x1, s21, s25, $0xb8;
	[tilespmem:$0x3478] =	vst v63  }
0x4a: {  	_ =	swait.ge [sflag:s19], $0x50  }
0x4b: {  	[sflag:s19] =	ssyncset.done $0x0  }
0x4c: {  	s29 =	sadd.s32 $0x0, s17;
	[sflag:s19] =	ssyncadd.s32 $0xFFFFFFB0  }
0x4d: {  	[tilespmem:s21], [sflag:$0x1] =	stream.linear.gather [hbm4b:s29+s2], $0x50, $0x38;
	[tilespmem:$0x3478] =	vst v63  }
0x4e: {  	_ =	swait.ge [sflag:s24], $0x50  }
0x4f: {  	[sflag:s24] =	ssyncset.done $0x0  }
0x50: {  	[sflag:s24] =	ssyncadd.s32 $0xFFFFFFB0  }
0x51: {  	[spmem:s1] =	stream.indirect.scatter.add.f32 [tilespmem:s26], [sflag:$0x2], $0x1, s22, s25, $0xb8;
	[tilespmem:$0x3478] =	vst v63  }
0x52: {  	_ =	swait.ge [sflag:s19], $0x50  }
0x53: {  	[sflag:s19] =	ssyncset.done $0x0  }
0x54: {  	s29 =	sadd.s32 $0x0, s16;
	[sflag:s19] =	ssyncadd.s32 $0xFFFFFFB0  }
0x55: {  	[tilespmem:s22], [sflag:$0x1] =	stream.linear.gather [hbm4b:s29+s2], $0x50, $0x38;
	[tilespmem:$0x3478] =	vst v63  }
0x56: {  	_ =	swait.ge [sflag:s24], $0x50  }
0x57: {  	[sflag:s24] =	ssyncset.done $0x0  }
0x58: {  	[sflag:s24] =	ssyncadd.s32 $0xFFFFFFB0  }
0x59: {  	[spmem:s1] =	stream.indirect.scatter.add.f32 [tilespmem:s26], [sflag:$0x2], $0x1, s23, s25, $0xb8;
	[tilespmem:$0x3478] =	vst v63  }
0x5a: {  	_ =	swait.ge [sflag:s19], $0x50  }
0x5b: {  	s31 =	sadd.s32 $0x0, s15;
	[sflag:s19] =	ssyncset.done $0x0  }
0x5c: {  	s30 =	sadd.s32 $0x140, s18;
	s29 =	simm.s32 $0x28;
	[sflag:s19] =	ssyncadd.s32 $0xFFFFFFB0  }
.LBB2_6:
0x5d: {  	[tilespmem:s23], [sflag:$0x1] =	stream.linear.gather [hbm4b:s31+s2], $0x50, $0x38;
	[tilespmem:$0x3478] =	vst v63  }
0x5e: {  	s31 =	smov.u32 s29  }
0x5f: {  	p1 =	sne.s32 s29, $0x488;
	s29 =	sadd.s32 $0x28, s29;
	_ =	swait.ge [sflag:s24], $0x50  }
0x60: {  	[sflag:s24] =	ssyncset.done $0x0  }
0x61: {  	[sflag:s24] =	ssyncadd.s32 $0xFFFFFFB0  }
0x62: {  	[spmem:s1] =	stream.indirect.scatter.add.f32 [tilespmem:s26], [sflag:$0x2], $0x1, s20, s25, $0xb8;
	[tilespmem:$0x3478] =	vst v63  }
0x63: {  	_ =	swait.ge [sflag:s19], $0x50  }
0x64: {  	s0 =	sshrl.u32 s30, $0x3;
	[sflag:s19] =	ssyncset.done $0x0  }
0x65: {  	s0 =	sadd.s32 s3, s0;
	[sflag:s19] =	ssyncadd.s32 $0xFFFFFFB0  }
0x66: {  	[tilespmem:s20], [sflag:$0x1] =	stream.linear.gather [hbm4b:s0+s2], $0x50, $0x38;
	[tilespmem:$0x3478] =	vst v63  }
0x67: {  	_ =	swait.ge [sflag:s24], $0x50  }
0x68: {  	[sflag:s24] =	ssyncset.done $0x0  }
0x69: {  	[sflag:s24] =	ssyncadd.s32 $0xFFFFFFB0  }
0x6a: {  	[spmem:s1] =	stream.indirect.scatter.add.f32 [tilespmem:s26], [sflag:$0x2], $0x1, s21, s25, $0xb8;
	[tilespmem:$0x3478] =	vst v63  }
0x6b: {  	_ =	swait.ge [sflag:s19], $0x50  }
0x6c: {  	[sflag:s19] =	ssyncset.done $0x0  }
0x6d: {  	s0 =	sadd.s32 s31, s17;
	[sflag:s19] =	ssyncadd.s32 $0xFFFFFFB0  }
0x6e: {  	[tilespmem:s21], [sflag:$0x1] =	stream.linear.gather [hbm4b:s0+s2], $0x50, $0x38;
	[tilespmem:$0x3478] =	vst v63  }
0x6f: {  	_ =	swait.ge [sflag:s24], $0x50  }
0x70: {  	[sflag:s24] =	ssyncset.done $0x0  }
0x71: {  	[sflag:s24] =	ssyncadd.s32 $0xFFFFFFB0  }
0x72: {  	[spmem:s1] =	stream.indirect.scatter.add.f32 [tilespmem:s26], [sflag:$0x2], $0x1, s22, s25, $0xb8;
	[tilespmem:$0x3478] =	vst v63  }
0x73: {  	_ =	swait.ge [sflag:s19], $0x50  }
0x74: {  	[sflag:s19] =	ssyncset.done $0x0  }
0x75: {  	s0 =	sadd.s32 s31, s16;
	[sflag:s19] =	ssyncadd.s32 $0xFFFFFFB0  }
0x76: {  	[tilespmem:s22], [sflag:$0x1] =	stream.linear.gather [hbm4b:s0+s2], $0x50, $0x38;
	[tilespmem:$0x3478] =	vst v63  }
0x77: {  	_ =	swait.ge [sflag:s24], $0x50  }
0x78: {  	[sflag:s24] =	ssyncset.done $0x0  }
.Ltmp2:
0x79: {  	[sflag:s24] =	ssyncadd.s32 $0xFFFFFFB0;
	(pc) =	sbr.rel @p1 .LBB2_6-.Ltmp2, $4  }
0x7a: {  	[spmem:s1] =	stream.indirect.scatter.add.f32 [tilespmem:s26], [sflag:$0x2], $0x1, s23, s25, $0xb8;
	[tilespmem:$0x3478] =	vst v63  }
0x7b: {  	_ =	swait.ge [sflag:s19], $0x50  }
0x7c: {  	[sflag:s19] =	ssyncset.done $0x0  }
0x7d: {  	s30 =	sadd.s32 $0x140, s30;
	s31 =	sadd.s32 s31, s15;
	[sflag:s19] =	ssyncadd.s32 $0xFFFFFFB0  }
0x7e: {  	[tilespmem:s23], [sflag:$0x1] =	stream.linear.gather [hbm4b:s31+s2], $0x50, $0x38;
	[tilespmem:$0x3478] =	vst v63  }
0x7f: {  	_ =	swait.ge [sflag:s24], $0x50  }
0x80: {  	[sflag:s24] =	ssyncset.done $0x0  }
0x81: {  	[sflag:s24] =	ssyncadd.s32 $0xFFFFFFB0  }
0x82: {  	[spmem:s1] =	stream.indirect.scatter.add.f32 [tilespmem:s26], [sflag:$0x2], $0x1, s20, s25, $0xb8;
	[tilespmem:$0x3478] =	vst v63  }
0x83: {  	_ =	swait.ge [sflag:s19], $0x50  }
0x84: {  	[sflag:s19] =	ssyncset.done $0x0  }
0x85: {  	[sflag:s19] =	ssyncadd.s32 $0xFFFFFFB0  }
0x86: {  	[tilespmem:s20], [sflag:$0x1] =	stream.linear.gather [hbm4b:s14+s2], $0x50, $0x38;
	[tilespmem:$0x3478] =	vst v63  }
0x87: {  	_ =	swait.ge [sflag:s24], $0x50  }
0x88: {  	[sflag:s24] =	ssyncset.done $0x0  }
0x89: {  	[sflag:s24] =	ssyncadd.s32 $0xFFFFFFB0  }
0x8a: {  	[spmem:s1] =	stream.indirect.scatter.add.f32 [tilespmem:s26], [sflag:$0x2], $0x1, s21, s25, $0xb8;
	[tilespmem:$0x3478] =	vst v63  }
0x8b: {  	_ =	swait.ge [sflag:s19], $0x50  }
0x8c: {  	[sflag:s19] =	ssyncset.done $0x0  }
0x8d: {  	[sflag:s19] =	ssyncadd.s32 $0xFFFFFFB0  }
0x8e: {  	_ =	swait.ge [sflag:s24], $0x50  }
0x8f: {  	[sflag:s24] =	ssyncset.done $0x0  }
0x90: {  	[sflag:s24] =	ssyncadd.s32 $0xFFFFFFB0  }
0x91: {  	[spmem:s1] =	stream.indirect.scatter.add.f32 [tilespmem:s26], [sflag:$0x2], $0x1, s22, s25, $0xb8;
	[tilespmem:$0x3478] =	vst v63  }
0x92: {  	_ =	swait.ge [sflag:s19], $0x50  }
0x93: {  	[sflag:s19] =	ssyncset.done $0x0  }
0x94: {  	[sflag:s19] =	ssyncadd.s32 $0xFFFFFFB0  }
0x95: {  	_ =	swait.ge [sflag:s24], $0x50  }
0x96: {  	[sflag:s24] =	ssyncset.done $0x0  }
0x97: {  	[sflag:s24] =	ssyncadd.s32 $0xFFFFFFB0  }
0x98: {  	[spmem:s1] =	stream.indirect.scatter.add.f32 [tilespmem:s26], [sflag:$0x2], $0x1, s23, s25, $0xb8;
	[tilespmem:$0x3478] =	vst v63  }
0x99: {  	_ =	swait.ge [sflag:s19], $0x50  }
0x9a: {  	[sflag:s19] =	ssyncset.done $0x0  }
0x9b: {  	[sflag:s19] =	ssyncadd.s32 $0xFFFFFFB0  }
0x9c: {  	_ =	swait.ge [sflag:s24], $0x50  }
0x9d: {  	[sflag:s24] =	ssyncset.done $0x0  }
0x9e: {  	[sflag:s24] =	ssyncadd.s32 $0xFFFFFFB0  }
0x9f: {  	[spmem:s1] =	stream.indirect.scatter.add.f32 [tilespmem:s26], [sflag:$0x2], $0x1, s20, s25, $0xb8;
	[tilespmem:$0x3478] =	vst v63  }
0xa0: {  	_ =	swait.ge [sflag:s19], $0x50  }
0xa1: {  	[sflag:s19] =	ssyncset.done $0x0  }
0xa2: {  	[sflag:s19] =	ssyncadd.s32 $0xFFFFFFB0  }
0xa3: {  	s0 =	simm.s32 @!p0 $0xA80;
	s29 =	simm.s32 @!p0 $0x2;
	[bflag:$0x0] =	sbarrier.arrive $0xFFFF  }
0xa4: {  	[tilespmem:s0], [sflag:$0x2] =	stream.linear.gather @!p0 [spmem:s1], $0x2780, $0x38;
	[tilespmem:$0x3478] =	vst v63  }
0xa5: {  	s28 =	sadd.s32 $0x1, s28;
	_ =	swait.ge @!p0 [sflag:s29], $0x2780  }
0xa6: {  	p1 =	sne.s32 s28, s13;
	[sflag:s29] =	ssyncset.done @!p0 $0x0  }
.Ltmp3:
0xa7: {  	s30 =	simm.s32 @!p0 $0x0;
	[sflag:s29] =	ssyncadd.s32 @!p0 $0xFFFFD880;
	(pc) =	sbr.rel @p1 .LBB2_1-.Ltmp3, $4  }
0xa8: {  	[hbm4b:s12+s30] =	stream.linear.scatter @!p0 [tilespmem:s0], [sflag:$0x2], $0x2710, $0x38;
	[tilespmem:$0x3478] =	vst v63  }
0xa9: {  	_ =	swait.ge @!p0 [sflag:s29], $0x2710  }
0xaa: {  	[sflag:s29] =	ssyncset.done @!p0 $0x0  }
0xab: {  	[sflag:s29] =	ssyncadd.s32 @!p0 $0xFFFFD8F0  }
0xac: {  	_ =	sfence.sel $0x180000  }
0xad: {  	[bflag:$0x0] =	sbarrier.arrive $0xFFFF  }
0xae: {  	_ =	strace $0x90000047  }
0xaf: {  	[bflag:$0x2] =	sbarrier.arrive $0xFFFF  }
0xb0: {  	s0 =	rddreg [dreg:$0x3]  }
0xb1: {  	s0 =	sadd.s32 @!p0 $0x100000, s0  }
0xb2: {  	[sflag:s0] =	ssyncadd.tile.s32 @!p0 $0x1;
	_ =	shalt  }
.Lfunc_end2:
_tile_overlayer_lowered:
.L_overlay_start_2:
0xb3: {  	(tag) =	ssettag $0x2  }
0xb4: {  	s0 =	rddreg [dreg:$0x0];
	s2 =	stileid.u32  }
0xb5: {  	s1 =	rddreg [dreg:$0x1];
	p0 =	sne.s32 s2, $0x0  }
0xb6: {  	s3 =	rddreg [dreg:$0x2];
	[bflag:$0x3] =	sbarrier.arrive $0xFFFF;
	s2 =	simm.s32 @!p0 $0x1C02  }
0xb7: {  	[timem:s3], [sflag:s2] =	dma.local @!p0 [hbm:s0], s1  }
0xb8: {  	s0 =	simm.s32 @!p0 $0x2  }
0xb9: {  	_ =	swait.ge @!p0 [sflag:s0], s1  }
0xba: {  	s1 =	ssub.s32 @!p0 $0x0, s1;
	[sflag:s0] =	ssyncset.done @!p0 $0x0  }
0xbb: {  	[sflag:s0] =	ssyncadd.s32 @!p0 s1  }
0xbc: {  	[bflag:$0x3] =	sbarrier.arrive $0xFFFF  }
0xbd: {  	_ =	shalt  }

</sc_bundles>
